<compile_context>
chip_gen: v7x
topology: tpu7x:2x2x1
jax: 0.10.2.dev20260603
libtpu: 0.0.44.dev20260713+nightly
codegen_flags: <defaults>
</compile_context>

<pallas_src>
import functools

import numpy as np
import jax
import jax.numpy as jnp
from jax import lax
from jax.experimental import pallas as pl
from jax.experimental.pallas import tpu as pltpu
from jax.experimental.pallas import tpu_sc as plsc

H = 14
W_ = 14
P = H * W_
PR = 200
WIN_HALF = 3
KK = 9
C = 384
OUT = 384
EPS = 1e-6
NEG = -1e30
NCAND = 64
BPG = 8


def _build_cidx():
    t = np.full((P, NCAND), -1, dtype=np.int32)
    for ki in range(H):
        for kj in range(W_):
            idx = [i * W_ + j
                   for i in range(H) for j in range(W_)
                   if abs(i - ki) <= WIN_HALF and abs(j - kj) <= WIN_HALF]
            t[ki * W_ + kj, :len(idx)] = np.array(idx, dtype=np.int32)
    return t


_CIDX = _build_cidx()



def _sims_body(x_ref, lo_ref, hi_ref):
    for i in range(BPG):
        X = x_ref[i]
        n = jnp.sqrt(jnp.sum(X * X, axis=0))
        S = lax.dot_general(X, X, (((0,), (0,)), ((), ())),
                            preferred_element_type=jnp.float32,
                            precision=lax.Precision.HIGHEST)
        sim = S / jnp.maximum(n[:, None] * n[None, :], EPS)
        lo_ref[pl.ds(i * PR, P)] = sim[:, :128]
        hi_ref[pl.ds(i * PR, P)] = jnp.concatenate(
            [sim[:, 128:], jnp.full((P, 256 - P), NEG, jnp.float32)], axis=1)



def _merge_desc(ak, av, bk, bv):
    brk = lax.rev(bk, (0,))
    brv = lax.rev(bv, (0,))
    m = ak >= brk
    hk = jnp.where(m, ak, brk)
    hv = jnp.where(m, av, brv)
    return plsc.sort_key_val(hk, hv, descending=True)


def _sc_topk_body(lo_hbm, hi_hbm, cidx_hbm, out_hbm,
                  lo_v, hi_v, cidx_v, out_v):
    wid = lax.axis_index("s") * 2 + lax.axis_index("c")
    b = wid // 2
    half = wid % 2
    off = half * 96
    pltpu.sync_copy(lo_hbm.at[pl.ds(b * PR + off, 104)], lo_v)
    pltpu.sync_copy(hi_hbm.at[pl.ds(b * PR + off, 104)], hi_v)
    pltpu.sync_copy(cidx_hbm, cidx_v)
    lane = lax.broadcasted_iota(jnp.int32, (16,), 0)

    def one_pixel(lp):
        p = off + lp
        psplat = lane * 0 + lp
        parts = []
        for k in range(4):
            ci = cidx_v[pl.ds(p * NCAND + 16 * k, 16)]
            valid = ci >= 0
            safe = jnp.where(valid, ci, 0)
            in_lo = safe < 128
            g_lo = plsc.load_gather(lo_v, [psplat, jnp.where(in_lo, safe, 0)])
            g_hi = plsc.load_gather(hi_v, [psplat,
                                           jnp.where(in_lo, 0, safe - 128)])
            g = jnp.where(in_lo, g_lo, g_hi)
            key = jnp.where(valid, g, NEG)
            if k < 3:
                parts.append(plsc.sort_key_val(key, ci, descending=True))
            else:
                parts.append((key, ci))
        k01, v01 = _merge_desc(*parts[0], *parts[1])
        k23, v23 = _merge_desc(*parts[2], *parts[3])
        _, topv = _merge_desc(k01, v01, k23, v23)
        idx9 = jnp.where(lane < KK, topv, jnp.int32(2 ** 30))
        sidx, _ = plsc.sort_key_val(idx9, idx9)
        out_v[pl.ds(lp * 128, 16)] = sidx

    def body(j, carry):
        one_pixel(2 * j)
        one_pixel(2 * j + 1)
        return carry

    npix = jnp.where(half == 0, 96, 100)
    lax.fori_loop(0, npix // 2, body, 0)
    @pl.when(half == 0)
    def _():
        pltpu.sync_copy(out_v.at[pl.ds(0, 96 * 128)],
                        out_hbm.at[pl.ds(b * PR * 128, 96 * 128)])
    @pl.when(half == 1)
    def _():
        pltpu.sync_copy(out_v.at[pl.ds(0, 100 * 128)],
                        out_hbm.at[pl.ds((b * PR + 96) * 128, 100 * 128)])


def _sc_topk(lo, hi, cidx):
    mesh = plsc.VectorSubcoreMesh(core_axis_name="c", subcore_axis_name="s")
    f = pl.kernel(
        _sc_topk_body,
        compiler_params=pltpu.CompilerParams(needs_layout_passes=False),
        out_type=jax.ShapeDtypeStruct((16 * PR * 128,), jnp.int32),
        mesh=mesh,
        scratch_types=[
            pltpu.VMEM((104, 128), jnp.float32),
            pltpu.VMEM((104, 128), jnp.float32),
            pltpu.VMEM((P * NCAND,), jnp.int32),
            pltpu.VMEM((104 * 128,), jnp.int32),
        ],
    )
    return f(lo, hi, cidx)



def _conv_body(x_ref, idx_ref, w_ref, o_ref):
    q_i = lax.broadcasted_iota(jnp.int32, (P, P), 1)
    for i in range(BPG):
        X = x_ref[i]
        acc = jnp.zeros((OUT, P), jnp.float32)
        for m in range(KK):
            im = idx_ref[i, :P, m][:, None]
            pm = (q_i == im).astype(jnp.float32)
            gm = lax.dot_general(pm, X, (((1,), (1,)), ((), ())),
                                 preferred_element_type=jnp.float32)
            acc = acc + lax.dot_general(
                w_ref[m], gm, (((0,), (1,)), ((), ())),
                preferred_element_type=jnp.float32)
        o_ref[i] = acc


def _sims_half(xh, Bh):
    return pl.pallas_call(
        _sims_body,
        grid=(Bh // BPG,),
        in_specs=[pl.BlockSpec((BPG, C, P), lambda b: (b, 0, 0))],
        out_specs=[
            pl.BlockSpec((BPG * PR, 128), lambda b: (b, 0)),
            pl.BlockSpec((BPG * PR, 128), lambda b: (b, 0)),
        ],
        out_shape=[
            jax.ShapeDtypeStruct((Bh * PR, 128), jnp.float32),
            jax.ShapeDtypeStruct((Bh * PR, 128), jnp.float32),
        ],
    )(xh)


def _conv_half(xh, idx, Wr, Bh):
    return pl.pallas_call(
        _conv_body,
        grid=(Bh // BPG,),
        in_specs=[
            pl.BlockSpec((BPG, C, P), lambda b: (b, 0, 0)),
            pl.BlockSpec((BPG, PR, 128), lambda b: (b, 0, 0)),
            pl.BlockSpec((KK, C, OUT), lambda b: (0, 0, 0)),
        ],
        out_specs=pl.BlockSpec((BPG, OUT, P), lambda b: (b, 0, 0)),
        out_shape=jax.ShapeDtypeStruct((Bh, OUT, P), jnp.float32),
    )(xh, idx, Wr)


def kernel(x, W):
    Bn = x.shape[0]
    Bh = Bn // 2
    x_flat = x.reshape(Bn, C, P)
    Wr = jnp.transpose(W.reshape(OUT, C, KK), (2, 1, 0))
    cidx = jnp.asarray(_CIDX.reshape(-1))

    outs = []
    halves = [x_flat[:Bh], x_flat[Bh:]]
    idxs = []
    los = []
    for xh in halves:
        los.append(_sims_half(xh, Bh))
    for lo, hi in los:
        idxs.append(_sc_topk(lo, hi, cidx).reshape(Bh, PR, 128))
    for xh, idx in zip(halves, idxs):
        outs.append(_conv_half(xh, idx, Wr, Bh))
    out = jnp.concatenate(outs, axis=0)
    return out.reshape(Bn, OUT, H, W_)

# --- scband reference (transcript-rebuilt; emitter-appended) ---
"""Pipeline reference for scband-dconv-cos-21827023798971 (READ-ONLY COPY).

The authoritative reference and input builder live on the scoring server;
editing this copy changes nothing except your own understanding.
"""

import jax, jax.numpy as jnp
import numpy as np

H = 14
W_ = 14
WIN = 7
K = 3
B = 32
C = 384
OUT = 384


def _build_offsets():
    offsets = {}
    half = (WIN - 1) // 2
    for ki in range(H):
        for kj in range(W_):
            idx = []
            for i in range(H):
                for j in range(W_):
                    if abs(i - ki) <= half and abs(j - kj) <= half:
                        idx.append(i * W_ + j)
            offsets[(ki, kj)] = np.array(idx, dtype=np.int32)
    return offsets


def setup_inputs(seed: int = 0):
    key = jax.random.key(seed)
    k1, k2 = jax.random.split(key)
    x = jax.random.normal(k1, (B, C, H, W_), dtype=jnp.float32)
    Wc = jax.random.normal(k2, (OUT, C, K, K), dtype=jnp.float32) * 0.02
    return {"x": x, "W": Wc}


def reference(x, W):
    offsets = _build_offsets()
    Bn, Cn, Hn, Wn = x.shape
    x_flat = x.reshape(Bn, Cn, Hn * Wn)
    eps = 1e-6
    rows = []
    for ki in range(Hn):
        row = []
        for kj in range(Wn):
            idx = jnp.asarray(offsets[(ki, kj)])
            center = x_flat[:, :, ki * Wn + kj]
            cand = x_flat[:, :, idx]
            num = jnp.sum(center[:, :, None] * cand, axis=1)
            n1 = jnp.sqrt(jnp.sum(center * center, axis=1))
            n2 = jnp.sqrt(jnp.sum(cand * cand, axis=1))
            sim = num / jnp.maximum(n1[:, None] * n2, eps)
            orders = jnp.argsort(-sim, axis=1)
            sorted_idx = jnp.take(idx, orders)
            sorted_idx = sorted_idx[:, : K * K]
            sorted_idx = jnp.sort(sorted_idx, axis=1)
            vals = jnp.take_along_axis(x_flat, sorted_idx[:, None, :].astype(jnp.int32), axis=2)
            block = vals.reshape(Bn, Cn, K, K)
            row.append(block)
        rows.append(jnp.stack(row, axis=0))
    blocks = jnp.stack(rows, axis=0)
    x_offset = jnp.transpose(blocks, (2, 3, 0, 4, 1, 5)).reshape(Bn, Cn, Hn * K, Wn * K)
    out = jax.lax.conv_general_dilated(
        x_offset, W, window_strides=(K, K), padding="VALID",
        dimension_numbers=("NCHW", "OIHW", "NCHW"))
    return out

if __name__ == "__main__":
    import jax
    _d = setup_inputs()
    print(jax.jit(kernel)(*tuple(_d.values())))

</pallas_src>

<mosaic_0001>
#map = affine_map<(d0, d1) -> (0, 0)>
#map1 = affine_map<(d0, d1) -> (0)>
module attributes {stable_mosaic.version = 14 : i64} {
  func.func @_sc_topk_body(%arg0: i32, %arg1: i32, %arg2: memref<3200x128xf32, #tpu.memory_space<hbm>>, %arg3: memref<3200x128xf32, #tpu.memory_space<hbm>>, %arg4: memref<12544xi32, #tpu.memory_space<hbm>>, %arg5: memref<409600xi32, #tpu.memory_space<hbm>>, %arg6: memref<104x128xf32, #tpu.memory_space<vmem>>, %arg7: memref<104x128xf32, #tpu.memory_space<vmem>>, %arg8: memref<12544xi32, #tpu.memory_space<vmem>>, %arg9: memref<13312xi32, #tpu.memory_space<vmem>>) attributes {dimension_semantics = [#tpu.dimension_semantics<core_parallel>, #tpu.dimension_semantics<subcore_parallel>], iteration_bounds = array<i64: 2, 16>, scalar_prefetch = 0 : i64, scratch_operands = 4 : i64, tpu.core_type = #tpu.core_type<sc_vector_subcore>, window_params = [{transform_indices = #map}, {transform_indices = #map}, {transform_indices = #map1}, {transform_indices = #map1}]} {
    %mul3A = arith.constant 2 : i32
    %mul3A_0 = arith.muli %arg1, %mul3A : i32
    %add3A = arith.addi %mul3A_0, %arg0 : i32
    %jit3A = arith.constant 2 : i32
    %div3A = arith.divsi %add3A, %jit3A : i32
    %sign3A = arith.constant 0 : i32
    %sign3A_1 = arith.cmpi sgt, %add3A, %sign3A : i32
    %sign3A_2 = arith.extui %sign3A_1 : i1 to i32
    %sign3A_3 = arith.constant 0 : i32
    %sign3A_4 = arith.cmpi slt, %add3A, %sign3A_3 : i32
    %sign3A_5 = arith.extui %sign3A_4 : i1 to i32
    %sign3A_6 = arith.subi %sign3A_2, %sign3A_5 : i32
    %sign3A_7 = arith.constant 0 : i32
    %sign3A_8 = arith.cmpi sgt, %jit3A, %sign3A_7 : i32
    %sign3A_9 = arith.extui %sign3A_8 : i1 to i32
    %sign3A_10 = arith.constant 0 : i32
    %sign3A_11 = arith.cmpi slt, %jit3A, %sign3A_10 : i32
    %sign3A_12 = arith.extui %sign3A_11 : i1 to i32
    %sign3A_13 = arith.subi %sign3A_9, %sign3A_12 : i32
    %ne3A = arith.cmpi ne, %sign3A_6, %sign3A_13 : i32
    %rem3A = arith.remsi %add3A, %jit3A : i32
    %ne3A_14 = arith.constant 0 : i32
    %ne3A_15 = arith.cmpi ne, %rem3A, %ne3A_14 : i32
    %and3A = arith.andi %ne3A, %ne3A_15 : i1
    %sub3A = arith.constant 1 : i32
    %sub3A_16 = arith.subi %div3A, %sub3A : i32
    %select_n3A = arith.select %and3A, %sub3A_16, %div3A : i32
    %jit3A_17 = arith.constant 2 : i32
    %eq3A = arith.constant 0 : i32
    %eq3A_18 = arith.cmpi eq, %jit3A_17, %eq3A : i32
    %jit3A_19 = arith.constant 1 : i32
    %select_n3A_20 = arith.select %eq3A_18, %jit3A_19, %jit3A_17 : i32
    %rem3A_21 = arith.remsi %add3A, %select_n3A_20 : i32
    %ne3A_22 = arith.constant 0 : i32
    %ne3A_23 = arith.cmpi ne, %rem3A_21, %ne3A_22 : i32
    %lt3A = arith.constant 0 : i32
    %lt3A_24 = arith.cmpi slt, %rem3A_21, %lt3A : i32
    %lt3A_25 = arith.constant 0 : i32
    %lt3A_26 = arith.cmpi slt, %select_n3A_20, %lt3A_25 : i32
    %ne3A_27 = arith.xori %lt3A_24, %lt3A_26 : i1
    %and3A_28 = arith.andi %ne3A_27, %ne3A_23 : i1
    %add3A_29 = arith.addi %rem3A_21, %select_n3A_20 : i32
    %select_n3A_30 = arith.select %and3A_28, %add3A_29, %rem3A_21 : i32
    %mul3A_31 = arith.constant 96 : i32
    %mul3A_32 = arith.muli %select_n3A_30, %mul3A_31 : i32
    %mul3A_33 = arith.constant 200 : i32
    %mul3A_34 = arith.muli %select_n3A, %mul3A_33 : i32
    %add3A_35 = arith.addi %mul3A_34, %mul3A_32 : i32
    "tpu.region"() ({
      %run_scoped3A = tpu.sem_alloc : memref<!tpu.dma_semaphore, #tpu.memory_space<semaphore_mem>>
      %dma_start3A = arith.constant 0 : i32
      %dma_start3A_85 = tpu.memref_slice %arg2[%add3A_35, %dma_start3A] : memref<3200x128xf32, #tpu.memory_space<hbm>> -> memref<104x128xf32, #tpu.memory_space<hbm>>
      %dma_start3A_86 = arith.constant 0 : i32
      %dma_start3A_87 = tpu.memref_slice %arg2[%add3A_35, %dma_start3A_86] : memref<3200x128xf32, #tpu.memory_space<hbm>> -> memref<104x128xf32, #tpu.memory_space<hbm>>
      tpu.enqueue_dma source(%dma_start3A_87 : memref<104x128xf32, #tpu.memory_space<hbm>>) target(%arg6 : memref<104x128xf32, #tpu.memory_space<vmem>>) target_semaphore(%run_scoped3A : memref<!tpu.dma_semaphore, #tpu.memory_space<semaphore_mem>>)
      %dma_wait3A = arith.constant 0 : i32
      %dma_wait3A_88 = tpu.memref_slice %arg2[%add3A_35, %dma_wait3A] : memref<3200x128xf32, #tpu.memory_space<hbm>> -> memref<104x128xf32, #tpu.memory_space<hbm>>
      %dma_wait3A_89 = arith.constant 0 : i32
      %dma_wait3A_90 = tpu.memref_slice %arg2[%add3A_35, %dma_wait3A_89] : memref<3200x128xf32, #tpu.memory_space<hbm>> -> memref<104x128xf32, #tpu.memory_space<hbm>>
      tpu.wait_dma2 semaphore(%run_scoped3A : memref<!tpu.dma_semaphore, #tpu.memory_space<semaphore_mem>>) src(%dma_wait3A_90 : memref<104x128xf32, #tpu.memory_space<hbm>>) dst(%arg6 : memref<104x128xf32, #tpu.memory_space<vmem>>)
      tpu.yield
    }) : () -> ()
    %mul3A_36 = arith.constant 200 : i32
    %mul3A_37 = arith.muli %select_n3A, %mul3A_36 : i32
    %add3A_38 = arith.addi %mul3A_37, %mul3A_32 : i32
    "tpu.region"() ({
      %run_scoped3A = tpu.sem_alloc : memref<!tpu.dma_semaphore, #tpu.memory_space<semaphore_mem>>
      %dma_start3A = arith.constant 0 : i32
      %dma_start3A_85 = tpu.memref_slice %arg3[%add3A_38, %dma_start3A] : memref<3200x128xf32, #tpu.memory_space<hbm>> -> memref<104x128xf32, #tpu.memory_space<hbm>>
      %dma_start3A_86 = arith.constant 0 : i32
      %dma_start3A_87 = tpu.memref_slice %arg3[%add3A_38, %dma_start3A_86] : memref<3200x128xf32, #tpu.memory_space<hbm>> -> memref<104x128xf32, #tpu.memory_space<hbm>>
      tpu.enqueue_dma source(%dma_start3A_87 : memref<104x128xf32, #tpu.memory_space<hbm>>) target(%arg7 : memref<104x128xf32, #tpu.memory_space<vmem>>) target_semaphore(%run_scoped3A : memref<!tpu.dma_semaphore, #tpu.memory_space<semaphore_mem>>)
      %dma_wait3A = arith.constant 0 : i32
      %dma_wait3A_88 = tpu.memref_slice %arg3[%add3A_38, %dma_wait3A] : memref<3200x128xf32, #tpu.memory_space<hbm>> -> memref<104x128xf32, #tpu.memory_space<hbm>>
      %dma_wait3A_89 = arith.constant 0 : i32
      %dma_wait3A_90 = tpu.memref_slice %arg3[%add3A_38, %dma_wait3A_89] : memref<3200x128xf32, #tpu.memory_space<hbm>> -> memref<104x128xf32, #tpu.memory_space<hbm>>
      tpu.wait_dma2 semaphore(%run_scoped3A : memref<!tpu.dma_semaphore, #tpu.memory_space<semaphore_mem>>) src(%dma_wait3A_90 : memref<104x128xf32, #tpu.memory_space<hbm>>) dst(%arg7 : memref<104x128xf32, #tpu.memory_space<vmem>>)
      tpu.yield
    }) : () -> ()
    "tpu.region"() ({
      %run_scoped3A = tpu.sem_alloc : memref<!tpu.dma_semaphore, #tpu.memory_space<semaphore_mem>>
      tpu.enqueue_dma source(%arg4 : memref<12544xi32, #tpu.memory_space<hbm>>) target(%arg8 : memref<12544xi32, #tpu.memory_space<vmem>>) target_semaphore(%run_scoped3A : memref<!tpu.dma_semaphore, #tpu.memory_space<semaphore_mem>>)
      tpu.wait_dma2 semaphore(%run_scoped3A : memref<!tpu.dma_semaphore, #tpu.memory_space<semaphore_mem>>) src(%arg4 : memref<12544xi32, #tpu.memory_space<hbm>>) dst(%arg8 : memref<12544xi32, #tpu.memory_space<vmem>>)
      tpu.yield
    }) : () -> ()
    %iota3A = tpu.iota {dimensions = array<i32: 0>} : vector<16xi32>
    %eq3A_39 = arith.constant 0 : i32
    %eq3A_40 = arith.cmpi eq, %select_n3A_30, %eq3A_39 : i32
    %jit3A_41 = arith.constant 96 : i32
    %jit3A_42 = arith.constant 100 : i32
    %select_n3A_43 = arith.select %eq3A_40, %jit3A_41, %jit3A_42 : i32
    %jit3A_44 = arith.constant 2 : i32
    %div3A_45 = arith.divsi %select_n3A_43, %jit3A_44 : i32
    %sign3A_46 = arith.constant 0 : i32
    %sign3A_47 = arith.cmpi sgt, %select_n3A_43, %sign3A_46 : i32
    %sign3A_48 = arith.extui %sign3A_47 : i1 to i32
    %sign3A_49 = arith.constant 0 : i32
    %sign3A_50 = arith.cmpi slt, %select_n3A_43, %sign3A_49 : i32
    %sign3A_51 = arith.extui %sign3A_50 : i1 to i32
    %sign3A_52 = arith.subi %sign3A_48, %sign3A_51 : i32
    %sign3A_53 = arith.constant 0 : i32
    %sign3A_54 = arith.cmpi sgt, %jit3A_44, %sign3A_53 : i32
    %sign3A_55 = arith.extui %sign3A_54 : i1 to i32
    %sign3A_56 = arith.constant 0 : i32
    %sign3A_57 = arith.cmpi slt, %jit3A_44, %sign3A_56 : i32
    %sign3A_58 = arith.extui %sign3A_57 : i1 to i32
    %sign3A_59 = arith.subi %sign3A_55, %sign3A_58 : i32
    %ne3A_60 = arith.cmpi ne, %sign3A_52, %sign3A_59 : i32
    %rem3A_61 = arith.remsi %select_n3A_43, %jit3A_44 : i32
    %ne3A_62 = arith.constant 0 : i32
    %ne3A_63 = arith.cmpi ne, %rem3A_61, %ne3A_62 : i32
    %and3A_64 = arith.andi %ne3A_60, %ne3A_63 : i1
    %sub3A_65 = arith.constant 1 : i32
    %sub3A_66 = arith.subi %div3A_45, %sub3A_65 : i32
    %select_n3A_67 = arith.select %and3A_64, %sub3A_66, %div3A_45 : i32
    %while3A = arith.constant 0 : i32
    %while3A_68 = arith.constant 0 : i32
    %while3A_69 = arith.subi %select_n3A_67, %while3A_68 : i32
    %while3A_70 = arith.addi %while3A_68, %while3A_69 : i32
    %while3A_71 = arith.constant 1 : i32
    %while3A_72 = arith.divsi %while3A_69, %while3A_71 : i32
    %while3A_73 = arith.muli %while3A_72, %while3A_71 : i32
    %while3A_74 = arith.addi %while3A_68, %while3A_73 : i32
    %while3A_75 = arith.constant 1 : i32
    scf.for %while3A_85 = %while3A_68 to %while3A_74 step %while3A_75  : i32 {
      %mul3A_86 = arith.constant 2 : i32
      %mul3A_87 = arith.muli %mul3A_86, %while3A_85 : i32
      %add3A_88 = arith.addi %mul3A_32, %mul3A_87 : i32
      %mul3A_89 = arith.constant 0 : i32
      %mul3A_90 = vector.broadcast %mul3A_89 : i32 to vector<16xi32>
      %mul3A_91 = arith.muli %iota3A, %mul3A_90 : vector<16xi32>
      %add3A_92 = vector.broadcast %mul3A_87 : i32 to vector<16xi32>
      %add3A_93 = arith.addi %mul3A_91, %add3A_92 : vector<16xi32>
      %mul3A_94 = arith.constant 64 : i32
      %mul3A_95 = arith.muli %add3A_88, %mul3A_94 : i32
      %add3A_96 = arith.constant 0 : i32
      %add3A_97 = arith.addi %mul3A_95, %add3A_96 : i32
      %get3A = arith.index_cast %add3A_97 : i32 to index
      %get3A_98 = tpu.vector_load %arg8[%get3A] {strides = array<i32>} : memref<12544xi32, #tpu.memory_space<vmem>>, vector<16xi32>,
      %ge3A = arith.constant 0 : i32
      %ge3A_99 = vector.broadcast %ge3A : i32 to vector<16xi32>
      %ge3A_100 = arith.cmpi sge, %get3A_98, %ge3A_99 : vector<16xi32>
      %jit3A_101 = arith.constant 0 : i32
      %broadcast_in_dim3A = vector.broadcast %jit3A_101 : i32 to vector<16xi32>
      %select_n3A_102 = arith.select %ge3A_100, %get3A_98, %broadcast_in_dim3A : vector<16xi1>, vector<16xi32>
      %lt3A_103 = arith.constant 128 : i32
      %lt3A_104 = vector.broadcast %lt3A_103 : i32 to vector<16xi32>
      %lt3A_105 = arith.cmpi slt, %select_n3A_102, %lt3A_104 : vector<16xi32>
      %jit3A_106 = arith.constant 0 : i32
      %broadcast_in_dim3A_107 = vector.broadcast %jit3A_106 : i32 to vector<16xi32>
      %select_n3A_108 = arith.select %lt3A_105, %select_n3A_102, %broadcast_in_dim3A_107 : vector<16xi1>, vector<16xi32>
      %gather3A = tpu.vector_load_idx %arg6[%add3A_93, %select_n3A_108] : memref<104x128xf32, #tpu.memory_space<vmem>>[vector<16xi32>, vector<16xi32>], vector<16xf32>,
      %sub3A_109 = arith.constant 128 : i32
      %sub3A_110 = vector.broadcast %sub3A_109 : i32 to vector<16xi32>
      %sub3A_111 = arith.subi %select_n3A_102, %sub3A_110 : vector<16xi32>
      %jit3A_112 = arith.constant 0 : i32
      %broadcast_in_dim3A_113 = vector.broadcast %jit3A_112 : i32 to vector<16xi32>
      %select_n3A_114 = arith.select %lt3A_105, %broadcast_in_dim3A_113, %sub3A_111 : vector<16xi1>, vector<16xi32>
      %gather3A_115 = tpu.vector_load_idx %arg7[%add3A_93, %select_n3A_114] : memref<104x128xf32, #tpu.memory_space<vmem>>[vector<16xi32>, vector<16xi32>], vector<16xf32>,
      %select_n3A_116 = arith.select %lt3A_105, %gather3A, %gather3A_115 : vector<16xi1>, vector<16xf32>
      %jit3A_117 = arith.constant -1.000000e+30 : f32
      %broadcast_in_dim3A_118 = vector.broadcast %jit3A_117 : f32 to vector<16xf32>
      %select_n3A_119 = arith.select %ge3A_100, %select_n3A_116, %broadcast_in_dim3A_118 : vector<16xi1>, vector<16xf32>
      %masked_sort3A = arith.constant dense<true> : vector<16xi1>
      %masked_sort3A_120, %masked_sort3A_121, %masked_sort3A_122 = tpu.sort %select_n3A_119, %get3A_98 masked %masked_sort3A {descending = true} : (vector<16xf32>, vector<16xi32>, vector<16xi1>) -> (vector<16xi1>, vector<16xf32>, vector<16xi32>)
      %mul3A_123 = arith.constant 64 : i32
      %mul3A_124 = arith.muli %add3A_88, %mul3A_123 : i32
      %add3A_125 = arith.constant 16 : i32
      %add3A_126 = arith.addi %mul3A_124, %add3A_125 : i32
      %get3A_127 = arith.index_cast %add3A_126 : i32 to index
      %get3A_128 = tpu.vector_load %arg8[%get3A_127] {strides = array<i32>} : memref<12544xi32, #tpu.memory_space<vmem>>, vector<16xi32>,
      %ge3A_129 = arith.constant 0 : i32
      %ge3A_130 = vector.broadcast %ge3A_129 : i32 to vector<16xi32>
      %ge3A_131 = arith.cmpi sge, %get3A_128, %ge3A_130 : vector<16xi32>
      %jit3A_132 = arith.constant 0 : i32
      %broadcast_in_dim3A_133 = vector.broadcast %jit3A_132 : i32 to vector<16xi32>
      %select_n3A_134 = arith.select %ge3A_131, %get3A_128, %broadcast_in_dim3A_133 : vector<16xi1>, vector<16xi32>
      %lt3A_135 = arith.constant 128 : i32
      %lt3A_136 = vector.broadcast %lt3A_135 : i32 to vector<16xi32>
      %lt3A_137 = arith.cmpi slt, %select_n3A_134, %lt3A_136 : vector<16xi32>
      %jit3A_138 = arith.constant 0 : i32
      %broadcast_in_dim3A_139 = vector.broadcast %jit3A_138 : i32 to vector<16xi32>
      %select_n3A_140 = arith.select %lt3A_137, %select_n3A_134, %broadcast_in_dim3A_139 : vector<16xi1>, vector<16xi32>
      %gather3A_141 = tpu.vector_load_idx %arg6[%add3A_93, %select_n3A_140] : memref<104x128xf32, #tpu.memory_space<vmem>>[vector<16xi32>, vector<16xi32>], vector<16xf32>,
      %sub3A_142 = arith.constant 128 : i32
      %sub3A_143 = vector.broadcast %sub3A_142 : i32 to vector<16xi32>
      %sub3A_144 = arith.subi %select_n3A_134, %sub3A_143 : vector<16xi32>
      %jit3A_145 = arith.constant 0 : i32
      %broadcast_in_dim3A_146 = vector.broadcast %jit3A_145 : i32 to vector<16xi32>
      %select_n3A_147 = arith.select %lt3A_137, %broadcast_in_dim3A_146, %sub3A_144 : vector<16xi1>, vector<16xi32>
      %gather3A_148 = tpu.vector_load_idx %arg7[%add3A_93, %select_n3A_147] : memref<104x128xf32, #tpu.memory_space<vmem>>[vector<16xi32>, vector<16xi32>], vector<16xf32>,
      %select_n3A_149 = arith.select %lt3A_137, %gather3A_141, %gather3A_148 : vector<16xi1>, vector<16xf32>
      %jit3A_150 = arith.constant -1.000000e+30 : f32
      %broadcast_in_dim3A_151 = vector.broadcast %jit3A_150 : f32 to vector<16xf32>
      %select_n3A_152 = arith.select %ge3A_131, %select_n3A_149, %broadcast_in_dim3A_151 : vector<16xi1>, vector<16xf32>
      %masked_sort3A_153 = arith.constant dense<true> : vector<16xi1>
      %masked_sort3A_154, %masked_sort3A_155, %masked_sort3A_156 = tpu.sort %select_n3A_152, %get3A_128 masked %masked_sort3A_153 {descending = true} : (vector<16xf32>, vector<16xi32>, vector<16xi1>) -> (vector<16xi1>, vector<16xf32>, vector<16xi32>)
      %mul3A_157 = arith.constant 64 : i32
      %mul3A_158 = arith.muli %add3A_88, %mul3A_157 : i32
      %add3A_159 = arith.constant 32 : i32
      %add3A_160 = arith.addi %mul3A_158, %add3A_159 : i32
      %get3A_161 = arith.index_cast %add3A_160 : i32 to index
      %get3A_162 = tpu.vector_load %arg8[%get3A_161] {strides = array<i32>} : memref<12544xi32, #tpu.memory_space<vmem>>, vector<16xi32>,
      %ge3A_163 = arith.constant 0 : i32
      %ge3A_164 = vector.broadcast %ge3A_163 : i32 to vector<16xi32>
      %ge3A_165 = arith.cmpi sge, %get3A_162, %ge3A_164 : vector<16xi32>
      %jit3A_166 = arith.constant 0 : i32
      %broadcast_in_dim3A_167 = vector.broadcast %jit3A_166 : i32 to vector<16xi32>
      %select_n3A_168 = arith.select %ge3A_165, %get3A_162, %broadcast_in_dim3A_167 : vector<16xi1>, vector<16xi32>
      %lt3A_169 = arith.constant 128 : i32
      %lt3A_170 = vector.broadcast %lt3A_169 : i32 to vector<16xi32>
      %lt3A_171 = arith.cmpi slt, %select_n3A_168, %lt3A_170 : vector<16xi32>
      %jit3A_172 = arith.constant 0 : i32
      %broadcast_in_dim3A_173 = vector.broadcast %jit3A_172 : i32 to vector<16xi32>
      %select_n3A_174 = arith.select %lt3A_171, %select_n3A_168, %broadcast_in_dim3A_173 : vector<16xi1>, vector<16xi32>
      %gather3A_175 = tpu.vector_load_idx %arg6[%add3A_93, %select_n3A_174] : memref<104x128xf32, #tpu.memory_space<vmem>>[vector<16xi32>, vector<16xi32>], vector<16xf32>,
      %sub3A_176 = arith.constant 128 : i32
      %sub3A_177 = vector.broadcast %sub3A_176 : i32 to vector<16xi32>
      %sub3A_178 = arith.subi %select_n3A_168, %sub3A_177 : vector<16xi32>
      %jit3A_179 = arith.constant 0 : i32
      %broadcast_in_dim3A_180 = vector.broadcast %jit3A_179 : i32 to vector<16xi32>
      %select_n3A_181 = arith.select %lt3A_171, %broadcast_in_dim3A_180, %sub3A_178 : vector<16xi1>, vector<16xi32>
      %gather3A_182 = tpu.vector_load_idx %arg7[%add3A_93, %select_n3A_181] : memref<104x128xf32, #tpu.memory_space<vmem>>[vector<16xi32>, vector<16xi32>], vector<16xf32>,
      %select_n3A_183 = arith.select %lt3A_171, %gather3A_175, %gather3A_182 : vector<16xi1>, vector<16xf32>
      %jit3A_184 = arith.constant -1.000000e+30 : f32
      %broadcast_in_dim3A_185 = vector.broadcast %jit3A_184 : f32 to vector<16xf32>
      %select_n3A_186 = arith.select %ge3A_165, %select_n3A_183, %broadcast_in_dim3A_185 : vector<16xi1>, vector<16xf32>
      %masked_sort3A_187 = arith.constant dense<true> : vector<16xi1>
      %masked_sort3A_188, %masked_sort3A_189, %masked_sort3A_190 = tpu.sort %select_n3A_186, %get3A_162 masked %masked_sort3A_187 {descending = true} : (vector<16xf32>, vector<16xi32>, vector<16xi1>) -> (vector<16xi1>, vector<16xf32>, vector<16xi32>)
      %mul3A_191 = arith.constant 64 : i32
      %mul3A_192 = arith.muli %add3A_88, %mul3A_191 : i32
      %add3A_193 = arith.constant 48 : i32
      %add3A_194 = arith.addi %mul3A_192, %add3A_193 : i32
      %get3A_195 = arith.index_cast %add3A_194 : i32 to index
      %get3A_196 = tpu.vector_load %arg8[%get3A_195] {strides = array<i32>} : memref<12544xi32, #tpu.memory_space<vmem>>, vector<16xi32>,
      %ge3A_197 = arith.constant 0 : i32
      %ge3A_198 = vector.broadcast %ge3A_197 : i32 to vector<16xi32>
      %ge3A_199 = arith.cmpi sge, %get3A_196, %ge3A_198 : vector<16xi32>
      %jit3A_200 = arith.constant 0 : i32
      %broadcast_in_dim3A_201 = vector.broadcast %jit3A_200 : i32 to vector<16xi32>
      %select_n3A_202 = arith.select %ge3A_199, %get3A_196, %broadcast_in_dim3A_201 : vector<16xi1>, vector<16xi32>
      %lt3A_203 = arith.constant 128 : i32
      %lt3A_204 = vector.broadcast %lt3A_203 : i32 to vector<16xi32>
      %lt3A_205 = arith.cmpi slt, %select_n3A_202, %lt3A_204 : vector<16xi32>
      %jit3A_206 = arith.constant 0 : i32
      %broadcast_in_dim3A_207 = vector.broadcast %jit3A_206 : i32 to vector<16xi32>
      %select_n3A_208 = arith.select %lt3A_205, %select_n3A_202, %broadcast_in_dim3A_207 : vector<16xi1>, vector<16xi32>
      %gather3A_209 = tpu.vector_load_idx %arg6[%add3A_93, %select_n3A_208] : memref<104x128xf32, #tpu.memory_space<vmem>>[vector<16xi32>, vector<16xi32>], vector<16xf32>,
      %sub3A_210 = arith.constant 128 : i32
      %sub3A_211 = vector.broadcast %sub3A_210 : i32 to vector<16xi32>
      %sub3A_212 = arith.subi %select_n3A_202, %sub3A_211 : vector<16xi32>
      %jit3A_213 = arith.constant 0 : i32
      %broadcast_in_dim3A_214 = vector.broadcast %jit3A_213 : i32 to vector<16xi32>
      %select_n3A_215 = arith.select %lt3A_205, %broadcast_in_dim3A_214, %sub3A_212 : vector<16xi1>, vector<16xi32>
      %gather3A_216 = tpu.vector_load_idx %arg7[%add3A_93, %select_n3A_215] : memref<104x128xf32, #tpu.memory_space<vmem>>[vector<16xi32>, vector<16xi32>], vector<16xf32>,
      %select_n3A_217 = arith.select %lt3A_205, %gather3A_209, %gather3A_216 : vector<16xi1>, vector<16xf32>
      %jit3A_218 = arith.constant -1.000000e+30 : f32
      %broadcast_in_dim3A_219 = vector.broadcast %jit3A_218 : f32 to vector<16xf32>
      %select_n3A_220 = arith.select %ge3A_199, %select_n3A_217, %broadcast_in_dim3A_219 : vector<16xi1>, vector<16xf32>
      %rev3A = arith.constant 15 : i32
      %rev3A_221 = vector.broadcast %rev3A : i32 to vector<16xi32>
      %rev3A_222 = tpu.iota {dimensions = array<i32: 0>} : vector<16xi32>
      %rev3A_223 = arith.subi %rev3A_221, %rev3A_222 : vector<16xi32>
      %rev3A_224 = tpu.dynamic_gather %masked_sort3A_155[%rev3A_223] in [0] : vector<16xf32>, vector<16xi32> -> vector<16xf32>
      %rev3A_225 = arith.constant 15 : i32
      %rev3A_226 = vector.broadcast %rev3A_225 : i32 to vector<16xi32>
      %rev3A_227 = tpu.iota {dimensions = array<i32: 0>} : vector<16xi32>
      %rev3A_228 = arith.subi %rev3A_226, %rev3A_227 : vector<16xi32>
      %rev3A_229 = tpu.dynamic_gather %masked_sort3A_156[%rev3A_228] in [0] : vector<16xi32>, vector<16xi32> -> vector<16xi32>
      %ge3A_230 = arith.cmpf oge, %masked_sort3A_121, %rev3A_224 : vector<16xf32>
      %select_n3A_231 = arith.select %ge3A_230, %masked_sort3A_121, %rev3A_224 : vector<16xi1>, vector<16xf32>
      %select_n3A_232 = arith.select %ge3A_230, %masked_sort3A_122, %rev3A_229 : vector<16xi1>, vector<16xi32>
      %masked_sort3A_233 = arith.constant dense<true> : vector<16xi1>
      %masked_sort3A_234, %masked_sort3A_235, %masked_sort3A_236 = tpu.sort %select_n3A_231, %select_n3A_232 masked %masked_sort3A_233 {descending = true} : (vector<16xf32>, vector<16xi32>, vector<16xi1>) -> (vector<16xi1>, vector<16xf32>, vector<16xi32>)
      %rev3A_237 = arith.constant 15 : i32
      %rev3A_238 = vector.broadcast %rev3A_237 : i32 to vector<16xi32>
      %rev3A_239 = tpu.iota {dimensions = array<i32: 0>} : vector<16xi32>
      %rev3A_240 = arith.subi %rev3A_238, %rev3A_239 : vector<16xi32>
      %rev3A_241 = tpu.dynamic_gather %select_n3A_220[%rev3A_240] in [0] : vector<16xf32>, vector<16xi32> -> vector<16xf32>
      %rev3A_242 = arith.constant 15 : i32
      %rev3A_243 = vector.broadcast %rev3A_242 : i32 to vector<16xi32>
      %rev3A_244 = tpu.iota {dimensions = array<i32: 0>} : vector<16xi32>
      %rev3A_245 = arith.subi %rev3A_243, %rev3A_244 : vector<16xi32>
      %rev3A_246 = tpu.dynamic_gather %get3A_196[%rev3A_245] in [0] : vector<16xi32>, vector<16xi32> -> vector<16xi32>
      %ge3A_247 = arith.cmpf oge, %masked_sort3A_189, %rev3A_241 : vector<16xf32>
      %select_n3A_248 = arith.select %ge3A_247, %masked_sort3A_189, %rev3A_241 : vector<16xi1>, vector<16xf32>
      %select_n3A_249 = arith.select %ge3A_247, %masked_sort3A_190, %rev3A_246 : vector<16xi1>, vector<16xi32>
      %masked_sort3A_250 = arith.constant dense<true> : vector<16xi1>
      %masked_sort3A_251, %masked_sort3A_252, %masked_sort3A_253 = tpu.sort %select_n3A_248, %select_n3A_249 masked %masked_sort3A_250 {descending = true} : (vector<16xf32>, vector<16xi32>, vector<16xi1>) -> (vector<16xi1>, vector<16xf32>, vector<16xi32>)
      %rev3A_254 = arith.constant 15 : i32
      %rev3A_255 = vector.broadcast %rev3A_254 : i32 to vector<16xi32>
      %rev3A_256 = tpu.iota {dimensions = array<i32: 0>} : vector<16xi32>
      %rev3A_257 = arith.subi %rev3A_255, %rev3A_256 : vector<16xi32>
      %rev3A_258 = tpu.dynamic_gather %masked_sort3A_252[%rev3A_257] in [0] : vector<16xf32>, vector<16xi32> -> vector<16xf32>
      %rev3A_259 = arith.constant 15 : i32
      %rev3A_260 = vector.broadcast %rev3A_259 : i32 to vector<16xi32>
      %rev3A_261 = tpu.iota {dimensions = array<i32: 0>} : vector<16xi32>
      %rev3A_262 = arith.subi %rev3A_260, %rev3A_261 : vector<16xi32>
      %rev3A_263 = tpu.dynamic_gather %masked_sort3A_253[%rev3A_262] in [0] : vector<16xi32>, vector<16xi32> -> vector<16xi32>
      %ge3A_264 = arith.cmpf oge, %masked_sort3A_235, %rev3A_258 : vector<16xf32>
      %select_n3A_265 = arith.select %ge3A_264, %masked_sort3A_235, %rev3A_258 : vector<16xi1>, vector<16xf32>
      %select_n3A_266 = arith.select %ge3A_264, %masked_sort3A_236, %rev3A_263 : vector<16xi1>, vector<16xi32>
      %masked_sort3A_267 = arith.constant dense<true> : vector<16xi1>
      %masked_sort3A_268, %masked_sort3A_269, %masked_sort3A_270 = tpu.sort %select_n3A_265, %select_n3A_266 masked %masked_sort3A_267 {descending = true} : (vector<16xf32>, vector<16xi32>, vector<16xi1>) -> (vector<16xi1>, vector<16xf32>, vector<16xi32>)
      %lt3A_271 = arith.constant 9 : i32
      %lt3A_272 = vector.broadcast %lt3A_271 : i32 to vector<16xi32>
      %lt3A_273 = arith.cmpi slt, %iota3A, %lt3A_272 : vector<16xi32>
      %jit3A_274 = arith.constant 1073741824 : i32
      %broadcast_in_dim3A_275 = vector.broadcast %jit3A_274 : i32 to vector<16xi32>
      %select_n3A_276 = arith.select %lt3A_273, %masked_sort3A_270, %broadcast_in_dim3A_275 : vector<16xi1>, vector<16xi32>
      %masked_sort3A_277 = arith.constant dense<true> : vector<16xi1>
      %masked_sort3A_278 = arith.constant -2147483648 : i32
      %masked_sort3A_279 = vector.broadcast %masked_sort3A_278 : i32 to vector<16xi32>
      %masked_sort3A_280 = arith.xori %select_n3A_276, %masked_sort3A_279 : vector<16xi32>
      %masked_sort3A_281, %masked_sort3A_282, %masked_sort3A_283 = tpu.sort %masked_sort3A_280, %select_n3A_276 masked %masked_sort3A_277 : (vector<16xi32>, vector<16xi32>, vector<16xi1>) -> (vector<16xi1>, vector<16xi32>, vector<16xi32>)
      %masked_sort3A_284 = arith.xori %masked_sort3A_282, %masked_sort3A_279 : vector<16xi32>
      %mul3A_285 = arith.constant 128 : i32
      %mul3A_286 = arith.muli %mul3A_87, %mul3A_285 : i32
      %swap3A = arith.index_cast %mul3A_286 : i32 to index
      %swap3A_287 = tpu.vector_load %arg9[%swap3A] {strides = array<i32>} : memref<13312xi32, #tpu.memory_space<vmem>>, vector<16xi32>,
      tpu.vector_store %arg9[%swap3A], %masked_sort3A_284 {strides = array<i32>} : memref<13312xi32, #tpu.memory_space<vmem>>, vector<16xi32>,
      %mul3A_288 = arith.constant 2 : i32
      %mul3A_289 = arith.muli %mul3A_288, %while3A_85 : i32
      %add3A_290 = arith.constant 1 : i32
      %add3A_291 = arith.addi %mul3A_289, %add3A_290 : i32
      %add3A_292 = arith.addi %mul3A_32, %add3A_291 : i32
      %mul3A_293 = arith.constant 0 : i32
      %mul3A_294 = vector.broadcast %mul3A_293 : i32 to vector<16xi32>
      %mul3A_295 = arith.muli %iota3A, %mul3A_294 : vector<16xi32>
      %add3A_296 = vector.broadcast %add3A_291 : i32 to vector<16xi32>
      %add3A_297 = arith.addi %mul3A_295, %add3A_296 : vector<16xi32>
      %mul3A_298 = arith.constant 64 : i32
      %mul3A_299 = arith.muli %add3A_292, %mul3A_298 : i32
      %add3A_300 = arith.constant 0 : i32
      %add3A_301 = arith.addi %mul3A_299, %add3A_300 : i32
      %get3A_302 = arith.index_cast %add3A_301 : i32 to index
      %get3A_303 = tpu.vector_load %arg8[%get3A_302] {strides = array<i32>} : memref<12544xi32, #tpu.memory_space<vmem>>, vector<16xi32>,
      %ge3A_304 = arith.constant 0 : i32
      %ge3A_305 = vector.broadcast %ge3A_304 : i32 to vector<16xi32>
      %ge3A_306 = arith.cmpi sge, %get3A_303, %ge3A_305 : vector<16xi32>
      %jit3A_307 = arith.constant 0 : i32
      %broadcast_in_dim3A_308 = vector.broadcast %jit3A_307 : i32 to vector<16xi32>
      %select_n3A_309 = arith.select %ge3A_306, %get3A_303, %broadcast_in_dim3A_308 : vector<16xi1>, vector<16xi32>
      %lt3A_310 = arith.constant 128 : i32
      %lt3A_311 = vector.broadcast %lt3A_310 : i32 to vector<16xi32>
      %lt3A_312 = arith.cmpi slt, %select_n3A_309, %lt3A_311 : vector<16xi32>
      %jit3A_313 = arith.constant 0 : i32
      %broadcast_in_dim3A_314 = vector.broadcast %jit3A_313 : i32 to vector<16xi32>
      %select_n3A_315 = arith.select %lt3A_312, %select_n3A_309, %broadcast_in_dim3A_314 : vector<16xi1>, vector<16xi32>
      %gather3A_316 = tpu.vector_load_idx %arg6[%add3A_297, %select_n3A_315] : memref<104x128xf32, #tpu.memory_space<vmem>>[vector<16xi32>, vector<16xi32>], vector<16xf32>,
      %sub3A_317 = arith.constant 128 : i32
      %sub3A_318 = vector.broadcast %sub3A_317 : i32 to vector<16xi32>
      %sub3A_319 = arith.subi %select_n3A_309, %sub3A_318 : vector<16xi32>
      %jit3A_320 = arith.constant 0 : i32
      %broadcast_in_dim3A_321 = vector.broadcast %jit3A_320 : i32 to vector<16xi32>
      %select_n3A_322 = arith.select %lt3A_312, %broadcast_in_dim3A_321, %sub3A_319 : vector<16xi1>, vector<16xi32>
      %gather3A_323 = tpu.vector_load_idx %arg7[%add3A_297, %select_n3A_322] : memref<104x128xf32, #tpu.memory_space<vmem>>[vector<16xi32>, vector<16xi32>], vector<16xf32>,
      %select_n3A_324 = arith.select %lt3A_312, %gather3A_316, %gather3A_323 : vector<16xi1>, vector<16xf32>
      %jit3A_325 = arith.constant -1.000000e+30 : f32
      %broadcast_in_dim3A_326 = vector.broadcast %jit3A_325 : f32 to vector<16xf32>
      %select_n3A_327 = arith.select %ge3A_306, %select_n3A_324, %broadcast_in_dim3A_326 : vector<16xi1>, vector<16xf32>
      %masked_sort3A_328 = arith.constant dense<true> : vector<16xi1>
      %masked_sort3A_329, %masked_sort3A_330, %masked_sort3A_331 = tpu.sort %select_n3A_327, %get3A_303 masked %masked_sort3A_328 {descending = true} : (vector<16xf32>, vector<16xi32>, vector<16xi1>) -> (vector<16xi1>, vector<16xf32>, vector<16xi32>)
      %mul3A_332 = arith.constant 64 : i32
      %mul3A_333 = arith.muli %add3A_292, %mul3A_332 : i32
      %add3A_334 = arith.constant 16 : i32
      %add3A_335 = arith.addi %mul3A_333, %add3A_334 : i32
      %get3A_336 = arith.index_cast %add3A_335 : i32 to index
      %get3A_337 = tpu.vector_load %arg8[%get3A_336] {strides = array<i32>} : memref<12544xi32, #tpu.memory_space<vmem>>, vector<16xi32>,
      %ge3A_338 = arith.constant 0 : i32
      %ge3A_339 = vector.broadcast %ge3A_338 : i32 to vector<16xi32>
      %ge3A_340 = arith.cmpi sge, %get3A_337, %ge3A_339 : vector<16xi32>
      %jit3A_341 = arith.constant 0 : i32
      %broadcast_in_dim3A_342 = vector.broadcast %jit3A_341 : i32 to vector<16xi32>
      %select_n3A_343 = arith.select %ge3A_340, %get3A_337, %broadcast_in_dim3A_342 : vector<16xi1>, vector<16xi32>
      %lt3A_344 = arith.constant 128 : i32
      %lt3A_345 = vector.broadcast %lt3A_344 : i32 to vector<16xi32>
      %lt3A_346 = arith.cmpi slt, %select_n3A_343, %lt3A_345 : vector<16xi32>
      %jit3A_347 = arith.constant 0 : i32
      %broadcast_in_dim3A_348 = vector.broadcast %jit3A_347 : i32 to vector<16xi32>
      %select_n3A_349 = arith.select %lt3A_346, %select_n3A_343, %broadcast_in_dim3A_348 : vector<16xi1>, vector<16xi32>
      %gather3A_350 = tpu.vector_load_idx %arg6[%add3A_297, %select_n3A_349] : memref<104x128xf32, #tpu.memory_space<vmem>>[vector<16xi32>, vector<16xi32>], vector<16xf32>,
      %sub3A_351 = arith.constant 128 : i32
      %sub3A_352 = vector.broadcast %sub3A_351 : i32 to vector<16xi32>
      %sub3A_353 = arith.subi %select_n3A_343, %sub3A_352 : vector<16xi32>
      %jit3A_354 = arith.constant 0 : i32
      %broadcast_in_dim3A_355 = vector.broadcast %jit3A_354 : i32 to vector<16xi32>
      %select_n3A_356 = arith.select %lt3A_346, %broadcast_in_dim3A_355, %sub3A_353 : vector<16xi1>, vector<16xi32>
      %gather3A_357 = tpu.vector_load_idx %arg7[%add3A_297, %select_n3A_356] : memref<104x128xf32, #tpu.memory_space<vmem>>[vector<16xi32>, vector<16xi32>], vector<16xf32>,
      %select_n3A_358 = arith.select %lt3A_346, %gather3A_350, %gather3A_357 : vector<16xi1>, vector<16xf32>
      %jit3A_359 = arith.constant -1.000000e+30 : f32
      %broadcast_in_dim3A_360 = vector.broadcast %jit3A_359 : f32 to vector<16xf32>
      %select_n3A_361 = arith.select %ge3A_340, %select_n3A_358, %broadcast_in_dim3A_360 : vector<16xi1>, vector<16xf32>
      %masked_sort3A_362 = arith.constant dense<true> : vector<16xi1>
      %masked_sort3A_363, %masked_sort3A_364, %masked_sort3A_365 = tpu.sort %select_n3A_361, %get3A_337 masked %masked_sort3A_362 {descending = true} : (vector<16xf32>, vector<16xi32>, vector<16xi1>) -> (vector<16xi1>, vector<16xf32>, vector<16xi32>)
      %mul3A_366 = arith.constant 64 : i32
      %mul3A_367 = arith.muli %add3A_292, %mul3A_366 : i32
      %add3A_368 = arith.constant 32 : i32
      %add3A_369 = arith.addi %mul3A_367, %add3A_368 : i32
      %get3A_370 = arith.index_cast %add3A_369 : i32 to index
      %get3A_371 = tpu.vector_load %arg8[%get3A_370] {strides = array<i32>} : memref<12544xi32, #tpu.memory_space<vmem>>, vector<16xi32>,
      %ge3A_372 = arith.constant 0 : i32
      %ge3A_373 = vector.broadcast %ge3A_372 : i32 to vector<16xi32>
      %ge3A_374 = arith.cmpi sge, %get3A_371, %ge3A_373 : vector<16xi32>
      %jit3A_375 = arith.constant 0 : i32
      %broadcast_in_dim3A_376 = vector.broadcast %jit3A_375 : i32 to vector<16xi32>
      %select_n3A_377 = arith.select %ge3A_374, %get3A_371, %broadcast_in_dim3A_376 : vector<16xi1>, vector<16xi32>
      %lt3A_378 = arith.constant 128 : i32
      %lt3A_379 = vector.broadcast %lt3A_378 : i32 to vector<16xi32>
      %lt3A_380 = arith.cmpi slt, %select_n3A_377, %lt3A_379 : vector<16xi32>
      %jit3A_381 = arith.constant 0 : i32
      %broadcast_in_dim3A_382 = vector.broadcast %jit3A_381 : i32 to vector<16xi32>
      %select_n3A_383 = arith.select %lt3A_380, %select_n3A_377, %broadcast_in_dim3A_382 : vector<16xi1>, vector<16xi32>
      %gather3A_384 = tpu.vector_load_idx %arg6[%add3A_297, %select_n3A_383] : memref<104x128xf32, #tpu.memory_space<vmem>>[vector<16xi32>, vector<16xi32>], vector<16xf32>,
      %sub3A_385 = arith.constant 128 : i32
      %sub3A_386 = vector.broadcast %sub3A_385 : i32 to vector<16xi32>
      %sub3A_387 = arith.subi %select_n3A_377, %sub3A_386 : vector<16xi32>
      %jit3A_388 = arith.constant 0 : i32
      %broadcast_in_dim3A_389 = vector.broadcast %jit3A_388 : i32 to vector<16xi32>
      %select_n3A_390 = arith.select %lt3A_380, %broadcast_in_dim3A_389, %sub3A_387 : vector<16xi1>, vector<16xi32>
      %gather3A_391 = tpu.vector_load_idx %arg7[%add3A_297, %select_n3A_390] : memref<104x128xf32, #tpu.memory_space<vmem>>[vector<16xi32>, vector<16xi32>], vector<16xf32>,
      %select_n3A_392 = arith.select %lt3A_380, %gather3A_384, %gather3A_391 : vector<16xi1>, vector<16xf32>
      %jit3A_393 = arith.constant -1.000000e+30 : f32
      %broadcast_in_dim3A_394 = vector.broadcast %jit3A_393 : f32 to vector<16xf32>
      %select_n3A_395 = arith.select %ge3A_374, %select_n3A_392, %broadcast_in_dim3A_394 : vector<16xi1>, vector<16xf32>
      %masked_sort3A_396 = arith.constant dense<true> : vector<16xi1>
      %masked_sort3A_397, %masked_sort3A_398, %masked_sort3A_399 = tpu.sort %select_n3A_395, %get3A_371 masked %masked_sort3A_396 {descending = true} : (vector<16xf32>, vector<16xi32>, vector<16xi1>) -> (vector<16xi1>, vector<16xf32>, vector<16xi32>)
      %mul3A_400 = arith.constant 64 : i32
      %mul3A_401 = arith.muli %add3A_292, %mul3A_400 : i32
      %add3A_402 = arith.constant 48 : i32
      %add3A_403 = arith.addi %mul3A_401, %add3A_402 : i32
      %get3A_404 = arith.index_cast %add3A_403 : i32 to index
      %get3A_405 = tpu.vector_load %arg8[%get3A_404] {strides = array<i32>} : memref<12544xi32, #tpu.memory_space<vmem>>, vector<16xi32>,
      %ge3A_406 = arith.constant 0 : i32
      %ge3A_407 = vector.broadcast %ge3A_406 : i32 to vector<16xi32>
      %ge3A_408 = arith.cmpi sge, %get3A_405, %ge3A_407 : vector<16xi32>
      %jit3A_409 = arith.constant 0 : i32
      %broadcast_in_dim3A_410 = vector.broadcast %jit3A_409 : i32 to vector<16xi32>
      %select_n3A_411 = arith.select %ge3A_408, %get3A_405, %broadcast_in_dim3A_410 : vector<16xi1>, vector<16xi32>
      %lt3A_412 = arith.constant 128 : i32
      %lt3A_413 = vector.broadcast %lt3A_412 : i32 to vector<16xi32>
      %lt3A_414 = arith.cmpi slt, %select_n3A_411, %lt3A_413 : vector<16xi32>
      %jit3A_415 = arith.constant 0 : i32
      %broadcast_in_dim3A_416 = vector.broadcast %jit3A_415 : i32 to vector<16xi32>
      %select_n3A_417 = arith.select %lt3A_414, %select_n3A_411, %broadcast_in_dim3A_416 : vector<16xi1>, vector<16xi32>
      %gather3A_418 = tpu.vector_load_idx %arg6[%add3A_297, %select_n3A_417] : memref<104x128xf32, #tpu.memory_space<vmem>>[vector<16xi32>, vector<16xi32>], vector<16xf32>,
      %sub3A_419 = arith.constant 128 : i32
      %sub3A_420 = vector.broadcast %sub3A_419 : i32 to vector<16xi32>
      %sub3A_421 = arith.subi %select_n3A_411, %sub3A_420 : vector<16xi32>
      %jit3A_422 = arith.constant 0 : i32
      %broadcast_in_dim3A_423 = vector.broadcast %jit3A_422 : i32 to vector<16xi32>
      %select_n3A_424 = arith.select %lt3A_414, %broadcast_in_dim3A_423, %sub3A_421 : vector<16xi1>, vector<16xi32>
      %gather3A_425 = tpu.vector_load_idx %arg7[%add3A_297, %select_n3A_424] : memref<104x128xf32, #tpu.memory_space<vmem>>[vector<16xi32>, vector<16xi32>], vector<16xf32>,
      %select_n3A_426 = arith.select %lt3A_414, %gather3A_418, %gather3A_425 : vector<16xi1>, vector<16xf32>
      %jit3A_427 = arith.constant -1.000000e+30 : f32
      %broadcast_in_dim3A_428 = vector.broadcast %jit3A_427 : f32 to vector<16xf32>
      %select_n3A_429 = arith.select %ge3A_408, %select_n3A_426, %broadcast_in_dim3A_428 : vector<16xi1>, vector<16xf32>
      %rev3A_430 = arith.constant 15 : i32
      %rev3A_431 = vector.broadcast %rev3A_430 : i32 to vector<16xi32>
      %rev3A_432 = tpu.iota {dimensions = array<i32: 0>} : vector<16xi32>
      %rev3A_433 = arith.subi %rev3A_431, %rev3A_432 : vector<16xi32>
      %rev3A_434 = tpu.dynamic_gather %masked_sort3A_364[%rev3A_433] in [0] : vector<16xf32>, vector<16xi32> -> vector<16xf32>
      %rev3A_435 = arith.constant 15 : i32
      %rev3A_436 = vector.broadcast %rev3A_435 : i32 to vector<16xi32>
      %rev3A_437 = tpu.iota {dimensions = array<i32: 0>} : vector<16xi32>
      %rev3A_438 = arith.subi %rev3A_436, %rev3A_437 : vector<16xi32>
      %rev3A_439 = tpu.dynamic_gather %masked_sort3A_365[%rev3A_438] in [0] : vector<16xi32>, vector<16xi32> -> vector<16xi32>
      %ge3A_440 = arith.cmpf oge, %masked_sort3A_330, %rev3A_434 : vector<16xf32>
      %select_n3A_441 = arith.select %ge3A_440, %masked_sort3A_330, %rev3A_434 : vector<16xi1>, vector<16xf32>
      %select_n3A_442 = arith.select %ge3A_440, %masked_sort3A_331, %rev3A_439 : vector<16xi1>, vector<16xi32>
      %masked_sort3A_443 = arith.constant dense<true> : vector<16xi1>
      %masked_sort3A_444, %masked_sort3A_445, %masked_sort3A_446 = tpu.sort %select_n3A_441, %select_n3A_442 masked %masked_sort3A_443 {descending = true} : (vector<16xf32>, vector<16xi32>, vector<16xi1>) -> (vector<16xi1>, vector<16xf32>, vector<16xi32>)
      %rev3A_447 = arith.constant 15 : i32
      %rev3A_448 = vector.broadcast %rev3A_447 : i32 to vector<16xi32>
      %rev3A_449 = tpu.iota {dimensions = array<i32: 0>} : vector<16xi32>
      %rev3A_450 = arith.subi %rev3A_448, %rev3A_449 : vector<16xi32>
      %rev3A_451 = tpu.dynamic_gather %select_n3A_429[%rev3A_450] in [0] : vector<16xf32>, vector<16xi32> -> vector<16xf32>
      %rev3A_452 = arith.constant 15 : i32
      %rev3A_453 = vector.broadcast %rev3A_452 : i32 to vector<16xi32>
      %rev3A_454 = tpu.iota {dimensions = array<i32: 0>} : vector<16xi32>
      %rev3A_455 = arith.subi %rev3A_453, %rev3A_454 : vector<16xi32>
      %rev3A_456 = tpu.dynamic_gather %get3A_405[%rev3A_455] in [0] : vector<16xi32>, vector<16xi32> -> vector<16xi32>
      %ge3A_457 = arith.cmpf oge, %masked_sort3A_398, %rev3A_451 : vector<16xf32>
      %select_n3A_458 = arith.select %ge3A_457, %masked_sort3A_398, %rev3A_451 : vector<16xi1>, vector<16xf32>
      %select_n3A_459 = arith.select %ge3A_457, %masked_sort3A_399, %rev3A_456 : vector<16xi1>, vector<16xi32>
      %masked_sort3A_460 = arith.constant dense<true> : vector<16xi1>
      %masked_sort3A_461, %masked_sort3A_462, %masked_sort3A_463 = tpu.sort %select_n3A_458, %select_n3A_459 masked %masked_sort3A_460 {descending = true} : (vector<16xf32>, vector<16xi32>, vector<16xi1>) -> (vector<16xi1>, vector<16xf32>, vector<16xi32>)
      %rev3A_464 = arith.constant 15 : i32
      %rev3A_465 = vector.broadcast %rev3A_464 : i32 to vector<16xi32>
      %rev3A_466 = tpu.iota {dimensions = array<i32: 0>} : vector<16xi32>
      %rev3A_467 = arith.subi %rev3A_465, %rev3A_466 : vector<16xi32>
      %rev3A_468 = tpu.dynamic_gather %masked_sort3A_462[%rev3A_467] in [0] : vector<16xf32>, vector<16xi32> -> vector<16xf32>
      %rev3A_469 = arith.constant 15 : i32
      %rev3A_470 = vector.broadcast %rev3A_469 : i32 to vector<16xi32>
      %rev3A_471 = tpu.iota {dimensions = array<i32: 0>} : vector<16xi32>
      %rev3A_472 = arith.subi %rev3A_470, %rev3A_471 : vector<16xi32>
      %rev3A_473 = tpu.dynamic_gather %masked_sort3A_463[%rev3A_472] in [0] : vector<16xi32>, vector<16xi32> -> vector<16xi32>
      %ge3A_474 = arith.cmpf oge, %masked_sort3A_445, %rev3A_468 : vector<16xf32>
      %select_n3A_475 = arith.select %ge3A_474, %masked_sort3A_445, %rev3A_468 : vector<16xi1>, vector<16xf32>
      %select_n3A_476 = arith.select %ge3A_474, %masked_sort3A_446, %rev3A_473 : vector<16xi1>, vector<16xi32>
      %masked_sort3A_477 = arith.constant dense<true> : vector<16xi1>
      %masked_sort3A_478, %masked_sort3A_479, %masked_sort3A_480 = tpu.sort %select_n3A_475, %select_n3A_476 masked %masked_sort3A_477 {descending = true} : (vector<16xf32>, vector<16xi32>, vector<16xi1>) -> (vector<16xi1>, vector<16xf32>, vector<16xi32>)
      %lt3A_481 = arith.constant 9 : i32
      %lt3A_482 = vector.broadcast %lt3A_481 : i32 to vector<16xi32>
      %lt3A_483 = arith.cmpi slt, %iota3A, %lt3A_482 : vector<16xi32>
      %jit3A_484 = arith.constant 1073741824 : i32
      %broadcast_in_dim3A_485 = vector.broadcast %jit3A_484 : i32 to vector<16xi32>
      %select_n3A_486 = arith.select %lt3A_483, %masked_sort3A_480, %broadcast_in_dim3A_485 : vector<16xi1>, vector<16xi32>
      %masked_sort3A_487 = arith.constant dense<true> : vector<16xi1>
      %masked_sort3A_488 = arith.constant -2147483648 : i32
      %masked_sort3A_489 = vector.broadcast %masked_sort3A_488 : i32 to vector<16xi32>
      %masked_sort3A_490 = arith.xori %select_n3A_486, %masked_sort3A_489 : vector<16xi32>
      %masked_sort3A_491, %masked_sort3A_492, %masked_sort3A_493 = tpu.sort %masked_sort3A_490, %select_n3A_486 masked %masked_sort3A_487 : (vector<16xi32>, vector<16xi32>, vector<16xi1>) -> (vector<16xi1>, vector<16xi32>, vector<16xi32>)
      %masked_sort3A_494 = arith.xori %masked_sort3A_492, %masked_sort3A_489 : vector<16xi32>
      %mul3A_495 = arith.constant 128 : i32
      %mul3A_496 = arith.muli %add3A_291, %mul3A_495 : i32
      %swap3A_497 = arith.index_cast %mul3A_496 : i32 to index
      %swap3A_498 = tpu.vector_load %arg9[%swap3A_497] {strides = array<i32>} : memref<13312xi32, #tpu.memory_space<vmem>>, vector<16xi32>,
      tpu.vector_store %arg9[%swap3A_497], %masked_sort3A_494 {strides = array<i32>} : memref<13312xi32, #tpu.memory_space<vmem>>, vector<16xi32>,
    }
    %while3A_76 = arith.constant 1 : i32
    scf.for %while3A_85 = %while3A_74 to %while3A_70 step %while3A_76  : i32 {
      %mul3A_86 = arith.constant 2 : i32
      %mul3A_87 = arith.muli %mul3A_86, %while3A_85 : i32
      %add3A_88 = arith.addi %mul3A_32, %mul3A_87 : i32
      %mul3A_89 = arith.constant 0 : i32
      %mul3A_90 = vector.broadcast %mul3A_89 : i32 to vector<16xi32>
      %mul3A_91 = arith.muli %iota3A, %mul3A_90 : vector<16xi32>
      %add3A_92 = vector.broadcast %mul3A_87 : i32 to vector<16xi32>
      %add3A_93 = arith.addi %mul3A_91, %add3A_92 : vector<16xi32>
      %mul3A_94 = arith.constant 64 : i32
      %mul3A_95 = arith.muli %add3A_88, %mul3A_94 : i32
      %add3A_96 = arith.constant 0 : i32
      %add3A_97 = arith.addi %mul3A_95, %add3A_96 : i32
      %get3A = arith.index_cast %add3A_97 : i32 to index
      %get3A_98 = tpu.vector_load %arg8[%get3A] {strides = array<i32>} : memref<12544xi32, #tpu.memory_space<vmem>>, vector<16xi32>,
      %ge3A = arith.constant 0 : i32
      %ge3A_99 = vector.broadcast %ge3A : i32 to vector<16xi32>
      %ge3A_100 = arith.cmpi sge, %get3A_98, %ge3A_99 : vector<16xi32>
      %jit3A_101 = arith.constant 0 : i32
      %broadcast_in_dim3A = vector.broadcast %jit3A_101 : i32 to vector<16xi32>
      %select_n3A_102 = arith.select %ge3A_100, %get3A_98, %broadcast_in_dim3A : vector<16xi1>, vector<16xi32>
      %lt3A_103 = arith.constant 128 : i32
      %lt3A_104 = vector.broadcast %lt3A_103 : i32 to vector<16xi32>
      %lt3A_105 = arith.cmpi slt, %select_n3A_102, %lt3A_104 : vector<16xi32>
      %jit3A_106 = arith.constant 0 : i32
      %broadcast_in_dim3A_107 = vector.broadcast %jit3A_106 : i32 to vector<16xi32>
      %select_n3A_108 = arith.select %lt3A_105, %select_n3A_102, %broadcast_in_dim3A_107 : vector<16xi1>, vector<16xi32>
      %gather3A = tpu.vector_load_idx %arg6[%add3A_93, %select_n3A_108] : memref<104x128xf32, #tpu.memory_space<vmem>>[vector<16xi32>, vector<16xi32>], vector<16xf32>,
      %sub3A_109 = arith.constant 128 : i32
      %sub3A_110 = vector.broadcast %sub3A_109 : i32 to vector<16xi32>
      %sub3A_111 = arith.subi %select_n3A_102, %sub3A_110 : vector<16xi32>
      %jit3A_112 = arith.constant 0 : i32
      %broadcast_in_dim3A_113 = vector.broadcast %jit3A_112 : i32 to vector<16xi32>
      %select_n3A_114 = arith.select %lt3A_105, %broadcast_in_dim3A_113, %sub3A_111 : vector<16xi1>, vector<16xi32>
      %gather3A_115 = tpu.vector_load_idx %arg7[%add3A_93, %select_n3A_114] : memref<104x128xf32, #tpu.memory_space<vmem>>[vector<16xi32>, vector<16xi32>], vector<16xf32>,
      %select_n3A_116 = arith.select %lt3A_105, %gather3A, %gather3A_115 : vector<16xi1>, vector<16xf32>
      %jit3A_117 = arith.constant -1.000000e+30 : f32
      %broadcast_in_dim3A_118 = vector.broadcast %jit3A_117 : f32 to vector<16xf32>
      %select_n3A_119 = arith.select %ge3A_100, %select_n3A_116, %broadcast_in_dim3A_118 : vector<16xi1>, vector<16xf32>
      %masked_sort3A = arith.constant dense<true> : vector<16xi1>
      %masked_sort3A_120, %masked_sort3A_121, %masked_sort3A_122 = tpu.sort %select_n3A_119, %get3A_98 masked %masked_sort3A {descending = true} : (vector<16xf32>, vector<16xi32>, vector<16xi1>) -> (vector<16xi1>, vector<16xf32>, vector<16xi32>)
      %mul3A_123 = arith.constant 64 : i32
      %mul3A_124 = arith.muli %add3A_88, %mul3A_123 : i32
      %add3A_125 = arith.constant 16 : i32
      %add3A_126 = arith.addi %mul3A_124, %add3A_125 : i32
      %get3A_127 = arith.index_cast %add3A_126 : i32 to index
      %get3A_128 = tpu.vector_load %arg8[%get3A_127] {strides = array<i32>} : memref<12544xi32, #tpu.memory_space<vmem>>, vector<16xi32>,
      %ge3A_129 = arith.constant 0 : i32
      %ge3A_130 = vector.broadcast %ge3A_129 : i32 to vector<16xi32>
      %ge3A_131 = arith.cmpi sge, %get3A_128, %ge3A_130 : vector<16xi32>
      %jit3A_132 = arith.constant 0 : i32
      %broadcast_in_dim3A_133 = vector.broadcast %jit3A_132 : i32 to vector<16xi32>
      %select_n3A_134 = arith.select %ge3A_131, %get3A_128, %broadcast_in_dim3A_133 : vector<16xi1>, vector<16xi32>
      %lt3A_135 = arith.constant 128 : i32
      %lt3A_136 = vector.broadcast %lt3A_135 : i32 to vector<16xi32>
      %lt3A_137 = arith.cmpi slt, %select_n3A_134, %lt3A_136 : vector<16xi32>
      %jit3A_138 = arith.constant 0 : i32
      %broadcast_in_dim3A_139 = vector.broadcast %jit3A_138 : i32 to vector<16xi32>
      %select_n3A_140 = arith.select %lt3A_137, %select_n3A_134, %broadcast_in_dim3A_139 : vector<16xi1>, vector<16xi32>
      %gather3A_141 = tpu.vector_load_idx %arg6[%add3A_93, %select_n3A_140] : memref<104x128xf32, #tpu.memory_space<vmem>>[vector<16xi32>, vector<16xi32>], vector<16xf32>,
      %sub3A_142 = arith.constant 128 : i32
      %sub3A_143 = vector.broadcast %sub3A_142 : i32 to vector<16xi32>
      %sub3A_144 = arith.subi %select_n3A_134, %sub3A_143 : vector<16xi32>
      %jit3A_145 = arith.constant 0 : i32
      %broadcast_in_dim3A_146 = vector.broadcast %jit3A_145 : i32 to vector<16xi32>
      %select_n3A_147 = arith.select %lt3A_137, %broadcast_in_dim3A_146, %sub3A_144 : vector<16xi1>, vector<16xi32>
      %gather3A_148 = tpu.vector_load_idx %arg7[%add3A_93, %select_n3A_147] : memref<104x128xf32, #tpu.memory_space<vmem>>[vector<16xi32>, vector<16xi32>], vector<16xf32>,
      %select_n3A_149 = arith.select %lt3A_137, %gather3A_141, %gather3A_148 : vector<16xi1>, vector<16xf32>
      %jit3A_150 = arith.constant -1.000000e+30 : f32
      %broadcast_in_dim3A_151 = vector.broadcast %jit3A_150 : f32 to vector<16xf32>
      %select_n3A_152 = arith.select %ge3A_131, %select_n3A_149, %broadcast_in_dim3A_151 : vector<16xi1>, vector<16xf32>
      %masked_sort3A_153 = arith.constant dense<true> : vector<16xi1>
      %masked_sort3A_154, %masked_sort3A_155, %masked_sort3A_156 = tpu.sort %select_n3A_152, %get3A_128 masked %masked_sort3A_153 {descending = true} : (vector<16xf32>, vector<16xi32>, vector<16xi1>) -> (vector<16xi1>, vector<16xf32>, vector<16xi32>)
      %mul3A_157 = arith.constant 64 : i32
      %mul3A_158 = arith.muli %add3A_88, %mul3A_157 : i32
      %add3A_159 = arith.constant 32 : i32
      %add3A_160 = arith.addi %mul3A_158, %add3A_159 : i32
      %get3A_161 = arith.index_cast %add3A_160 : i32 to index
      %get3A_162 = tpu.vector_load %arg8[%get3A_161] {strides = array<i32>} : memref<12544xi32, #tpu.memory_space<vmem>>, vector<16xi32>,
      %ge3A_163 = arith.constant 0 : i32
      %ge3A_164 = vector.broadcast %ge3A_163 : i32 to vector<16xi32>
      %ge3A_165 = arith.cmpi sge, %get3A_162, %ge3A_164 : vector<16xi32>
      %jit3A_166 = arith.constant 0 : i32
      %broadcast_in_dim3A_167 = vector.broadcast %jit3A_166 : i32 to vector<16xi32>
      %select_n3A_168 = arith.select %ge3A_165, %get3A_162, %broadcast_in_dim3A_167 : vector<16xi1>, vector<16xi32>
      %lt3A_169 = arith.constant 128 : i32
      %lt3A_170 = vector.broadcast %lt3A_169 : i32 to vector<16xi32>
      %lt3A_171 = arith.cmpi slt, %select_n3A_168, %lt3A_170 : vector<16xi32>
      %jit3A_172 = arith.constant 0 : i32
      %broadcast_in_dim3A_173 = vector.broadcast %jit3A_172 : i32 to vector<16xi32>
      %select_n3A_174 = arith.select %lt3A_171, %select_n3A_168, %broadcast_in_dim3A_173 : vector<16xi1>, vector<16xi32>
      %gather3A_175 = tpu.vector_load_idx %arg6[%add3A_93, %select_n3A_174] : memref<104x128xf32, #tpu.memory_space<vmem>>[vector<16xi32>, vector<16xi32>], vector<16xf32>,
      %sub3A_176 = arith.constant 128 : i32
      %sub3A_177 = vector.broadcast %sub3A_176 : i32 to vector<16xi32>
      %sub3A_178 = arith.subi %select_n3A_168, %sub3A_177 : vector<16xi32>
      %jit3A_179 = arith.constant 0 : i32
      %broadcast_in_dim3A_180 = vector.broadcast %jit3A_179 : i32 to vector<16xi32>
      %select_n3A_181 = arith.select %lt3A_171, %broadcast_in_dim3A_180, %sub3A_178 : vector<16xi1>, vector<16xi32>
      %gather3A_182 = tpu.vector_load_idx %arg7[%add3A_93, %select_n3A_181] : memref<104x128xf32, #tpu.memory_space<vmem>>[vector<16xi32>, vector<16xi32>], vector<16xf32>,
      %select_n3A_183 = arith.select %lt3A_171, %gather3A_175, %gather3A_182 : vector<16xi1>, vector<16xf32>
      %jit3A_184 = arith.constant -1.000000e+30 : f32
      %broadcast_in_dim3A_185 = vector.broadcast %jit3A_184 : f32 to vector<16xf32>
      %select_n3A_186 = arith.select %ge3A_165, %select_n3A_183, %broadcast_in_dim3A_185 : vector<16xi1>, vector<16xf32>
      %masked_sort3A_187 = arith.constant dense<true> : vector<16xi1>
      %masked_sort3A_188, %masked_sort3A_189, %masked_sort3A_190 = tpu.sort %select_n3A_186, %get3A_162 masked %masked_sort3A_187 {descending = true} : (vector<16xf32>, vector<16xi32>, vector<16xi1>) -> (vector<16xi1>, vector<16xf32>, vector<16xi32>)
      %mul3A_191 = arith.constant 64 : i32
      %mul3A_192 = arith.muli %add3A_88, %mul3A_191 : i32
      %add3A_193 = arith.constant 48 : i32
      %add3A_194 = arith.addi %mul3A_192, %add3A_193 : i32
      %get3A_195 = arith.index_cast %add3A_194 : i32 to index
      %get3A_196 = tpu.vector_load %arg8[%get3A_195] {strides = array<i32>} : memref<12544xi32, #tpu.memory_space<vmem>>, vector<16xi32>,
      %ge3A_197 = arith.constant 0 : i32
      %ge3A_198 = vector.broadcast %ge3A_197 : i32 to vector<16xi32>
      %ge3A_199 = arith.cmpi sge, %get3A_196, %ge3A_198 : vector<16xi32>
      %jit3A_200 = arith.constant 0 : i32
      %broadcast_in_dim3A_201 = vector.broadcast %jit3A_200 : i32 to vector<16xi32>
      %select_n3A_202 = arith.select %ge3A_199, %get3A_196, %broadcast_in_dim3A_201 : vector<16xi1>, vector<16xi32>
      %lt3A_203 = arith.constant 128 : i32
      %lt3A_204 = vector.broadcast %lt3A_203 : i32 to vector<16xi32>
      %lt3A_205 = arith.cmpi slt, %select_n3A_202, %lt3A_204 : vector<16xi32>
      %jit3A_206 = arith.constant 0 : i32
      %broadcast_in_dim3A_207 = vector.broadcast %jit3A_206 : i32 to vector<16xi32>
      %select_n3A_208 = arith.select %lt3A_205, %select_n3A_202, %broadcast_in_dim3A_207 : vector<16xi1>, vector<16xi32>
      %gather3A_209 = tpu.vector_load_idx %arg6[%add3A_93, %select_n3A_208] : memref<104x128xf32, #tpu.memory_space<vmem>>[vector<16xi32>, vector<16xi32>], vector<16xf32>,
      %sub3A_210 = arith.constant 128 : i32
      %sub3A_211 = vector.broadcast %sub3A_210 : i32 to vector<16xi32>
      %sub3A_212 = arith.subi %select_n3A_202, %sub3A_211 : vector<16xi32>
      %jit3A_213 = arith.constant 0 : i32
      %broadcast_in_dim3A_214 = vector.broadcast %jit3A_213 : i32 to vector<16xi32>
      %select_n3A_215 = arith.select %lt3A_205, %broadcast_in_dim3A_214, %sub3A_212 : vector<16xi1>, vector<16xi32>
      %gather3A_216 = tpu.vector_load_idx %arg7[%add3A_93, %select_n3A_215] : memref<104x128xf32, #tpu.memory_space<vmem>>[vector<16xi32>, vector<16xi32>], vector<16xf32>,
      %select_n3A_217 = arith.select %lt3A_205, %gather3A_209, %gather3A_216 : vector<16xi1>, vector<16xf32>
      %jit3A_218 = arith.constant -1.000000e+30 : f32
      %broadcast_in_dim3A_219 = vector.broadcast %jit3A_218 : f32 to vector<16xf32>
      %select_n3A_220 = arith.select %ge3A_199, %select_n3A_217, %broadcast_in_dim3A_219 : vector<16xi1>, vector<16xf32>
      %rev3A = arith.constant 15 : i32
      %rev3A_221 = vector.broadcast %rev3A : i32 to vector<16xi32>
      %rev3A_222 = tpu.iota {dimensions = array<i32: 0>} : vector<16xi32>
      %rev3A_223 = arith.subi %rev3A_221, %rev3A_222 : vector<16xi32>
      %rev3A_224 = tpu.dynamic_gather %masked_sort3A_155[%rev3A_223] in [0] : vector<16xf32>, vector<16xi32> -> vector<16xf32>
      %rev3A_225 = arith.constant 15 : i32
      %rev3A_226 = vector.broadcast %rev3A_225 : i32 to vector<16xi32>
      %rev3A_227 = tpu.iota {dimensions = array<i32: 0>} : vector<16xi32>
      %rev3A_228 = arith.subi %rev3A_226, %rev3A_227 : vector<16xi32>
      %rev3A_229 = tpu.dynamic_gather %masked_sort3A_156[%rev3A_228] in [0] : vector<16xi32>, vector<16xi32> -> vector<16xi32>
      %ge3A_230 = arith.cmpf oge, %masked_sort3A_121, %rev3A_224 : vector<16xf32>
      %select_n3A_231 = arith.select %ge3A_230, %masked_sort3A_121, %rev3A_224 : vector<16xi1>, vector<16xf32>
      %select_n3A_232 = arith.select %ge3A_230, %masked_sort3A_122, %rev3A_229 : vector<16xi1>, vector<16xi32>
      %masked_sort3A_233 = arith.constant dense<true> : vector<16xi1>
      %masked_sort3A_234, %masked_sort3A_235, %masked_sort3A_236 = tpu.sort %select_n3A_231, %select_n3A_232 masked %masked_sort3A_233 {descending = true} : (vector<16xf32>, vector<16xi32>, vector<16xi1>) -> (vector<16xi1>, vector<16xf32>, vector<16xi32>)
      %rev3A_237 = arith.constant 15 : i32
      %rev3A_238 = vector.broadcast %rev3A_237 : i32 to vector<16xi32>
      %rev3A_239 = tpu.iota {dimensions = array<i32: 0>} : vector<16xi32>
      %rev3A_240 = arith.subi %rev3A_238, %rev3A_239 : vector<16xi32>
      %rev3A_241 = tpu.dynamic_gather %select_n3A_220[%rev3A_240] in [0] : vector<16xf32>, vector<16xi32> -> vector<16xf32>
      %rev3A_242 = arith.constant 15 : i32
      %rev3A_243 = vector.broadcast %rev3A_242 : i32 to vector<16xi32>
      %rev3A_244 = tpu.iota {dimensions = array<i32: 0>} : vector<16xi32>
      %rev3A_245 = arith.subi %rev3A_243, %rev3A_244 : vector<16xi32>
      %rev3A_246 = tpu.dynamic_gather %get3A_196[%rev3A_245] in [0] : vector<16xi32>, vector<16xi32> -> vector<16xi32>
      %ge3A_247 = arith.cmpf oge, %masked_sort3A_189, %rev3A_241 : vector<16xf32>
      %select_n3A_248 = arith.select %ge3A_247, %masked_sort3A_189, %rev3A_241 : vector<16xi1>, vector<16xf32>
      %select_n3A_249 = arith.select %ge3A_247, %masked_sort3A_190, %rev3A_246 : vector<16xi1>, vector<16xi32>
      %masked_sort3A_250 = arith.constant dense<true> : vector<16xi1>
      %masked_sort3A_251, %masked_sort3A_252, %masked_sort3A_253 = tpu.sort %select_n3A_248, %select_n3A_249 masked %masked_sort3A_250 {descending = true} : (vector<16xf32>, vector<16xi32>, vector<16xi1>) -> (vector<16xi1>, vector<16xf32>, vector<16xi32>)
      %rev3A_254 = arith.constant 15 : i32
      %rev3A_255 = vector.broadcast %rev3A_254 : i32 to vector<16xi32>
      %rev3A_256 = tpu.iota {dimensions = array<i32: 0>} : vector<16xi32>
      %rev3A_257 = arith.subi %rev3A_255, %rev3A_256 : vector<16xi32>
      %rev3A_258 = tpu.dynamic_gather %masked_sort3A_252[%rev3A_257] in [0] : vector<16xf32>, vector<16xi32> -> vector<16xf32>
      %rev3A_259 = arith.constant 15 : i32
      %rev3A_260 = vector.broadcast %rev3A_259 : i32 to vector<16xi32>
      %rev3A_261 = tpu.iota {dimensions = array<i32: 0>} : vector<16xi32>
      %rev3A_262 = arith.subi %rev3A_260, %rev3A_261 : vector<16xi32>
      %rev3A_263 = tpu.dynamic_gather %masked_sort3A_253[%rev3A_262] in [0] : vector<16xi32>, vector<16xi32> -> vector<16xi32>
      %ge3A_264 = arith.cmpf oge, %masked_sort3A_235, %rev3A_258 : vector<16xf32>
      %select_n3A_265 = arith.select %ge3A_264, %masked_sort3A_235, %rev3A_258 : vector<16xi1>, vector<16xf32>
      %select_n3A_266 = arith.select %ge3A_264, %masked_sort3A_236, %rev3A_263 : vector<16xi1>, vector<16xi32>
      %masked_sort3A_267 = arith.constant dense<true> : vector<16xi1>
      %masked_sort3A_268, %masked_sort3A_269, %masked_sort3A_270 = tpu.sort %select_n3A_265, %select_n3A_266 masked %masked_sort3A_267 {descending = true} : (vector<16xf32>, vector<16xi32>, vector<16xi1>) -> (vector<16xi1>, vector<16xf32>, vector<16xi32>)
      %lt3A_271 = arith.constant 9 : i32
      %lt3A_272 = vector.broadcast %lt3A_271 : i32 to vector<16xi32>
      %lt3A_273 = arith.cmpi slt, %iota3A, %lt3A_272 : vector<16xi32>
      %jit3A_274 = arith.constant 1073741824 : i32
      %broadcast_in_dim3A_275 = vector.broadcast %jit3A_274 : i32 to vector<16xi32>
      %select_n3A_276 = arith.select %lt3A_273, %masked_sort3A_270, %broadcast_in_dim3A_275 : vector<16xi1>, vector<16xi32>
      %masked_sort3A_277 = arith.constant dense<true> : vector<16xi1>
      %masked_sort3A_278 = arith.constant -2147483648 : i32
      %masked_sort3A_279 = vector.broadcast %masked_sort3A_278 : i32 to vector<16xi32>
      %masked_sort3A_280 = arith.xori %select_n3A_276, %masked_sort3A_279 : vector<16xi32>
      %masked_sort3A_281, %masked_sort3A_282, %masked_sort3A_283 = tpu.sort %masked_sort3A_280, %select_n3A_276 masked %masked_sort3A_277 : (vector<16xi32>, vector<16xi32>, vector<16xi1>) -> (vector<16xi1>, vector<16xi32>, vector<16xi32>)
      %masked_sort3A_284 = arith.xori %masked_sort3A_282, %masked_sort3A_279 : vector<16xi32>
      %mul3A_285 = arith.constant 128 : i32
      %mul3A_286 = arith.muli %mul3A_87, %mul3A_285 : i32
      %swap3A = arith.index_cast %mul3A_286 : i32 to index
      %swap3A_287 = tpu.vector_load %arg9[%swap3A] {strides = array<i32>} : memref<13312xi32, #tpu.memory_space<vmem>>, vector<16xi32>,
      tpu.vector_store %arg9[%swap3A], %masked_sort3A_284 {strides = array<i32>} : memref<13312xi32, #tpu.memory_space<vmem>>, vector<16xi32>,
      %mul3A_288 = arith.constant 2 : i32
      %mul3A_289 = arith.muli %mul3A_288, %while3A_85 : i32
      %add3A_290 = arith.constant 1 : i32
      %add3A_291 = arith.addi %mul3A_289, %add3A_290 : i32
      %add3A_292 = arith.addi %mul3A_32, %add3A_291 : i32
      %mul3A_293 = arith.constant 0 : i32
      %mul3A_294 = vector.broadcast %mul3A_293 : i32 to vector<16xi32>
      %mul3A_295 = arith.muli %iota3A, %mul3A_294 : vector<16xi32>
      %add3A_296 = vector.broadcast %add3A_291 : i32 to vector<16xi32>
      %add3A_297 = arith.addi %mul3A_295, %add3A_296 : vector<16xi32>
      %mul3A_298 = arith.constant 64 : i32
      %mul3A_299 = arith.muli %add3A_292, %mul3A_298 : i32
      %add3A_300 = arith.constant 0 : i32
      %add3A_301 = arith.addi %mul3A_299, %add3A_300 : i32
      %get3A_302 = arith.index_cast %add3A_301 : i32 to index
      %get3A_303 = tpu.vector_load %arg8[%get3A_302] {strides = array<i32>} : memref<12544xi32, #tpu.memory_space<vmem>>, vector<16xi32>,
      %ge3A_304 = arith.constant 0 : i32
      %ge3A_305 = vector.broadcast %ge3A_304 : i32 to vector<16xi32>
      %ge3A_306 = arith.cmpi sge, %get3A_303, %ge3A_305 : vector<16xi32>
      %jit3A_307 = arith.constant 0 : i32
      %broadcast_in_dim3A_308 = vector.broadcast %jit3A_307 : i32 to vector<16xi32>
      %select_n3A_309 = arith.select %ge3A_306, %get3A_303, %broadcast_in_dim3A_308 : vector<16xi1>, vector<16xi32>
      %lt3A_310 = arith.constant 128 : i32
      %lt3A_311 = vector.broadcast %lt3A_310 : i32 to vector<16xi32>
      %lt3A_312 = arith.cmpi slt, %select_n3A_309, %lt3A_311 : vector<16xi32>
      %jit3A_313 = arith.constant 0 : i32
      %broadcast_in_dim3A_314 = vector.broadcast %jit3A_313 : i32 to vector<16xi32>
      %select_n3A_315 = arith.select %lt3A_312, %select_n3A_309, %broadcast_in_dim3A_314 : vector<16xi1>, vector<16xi32>
      %gather3A_316 = tpu.vector_load_idx %arg6[%add3A_297, %select_n3A_315] : memref<104x128xf32, #tpu.memory_space<vmem>>[vector<16xi32>, vector<16xi32>], vector<16xf32>,
      %sub3A_317 = arith.constant 128 : i32
      %sub3A_318 = vector.broadcast %sub3A_317 : i32 to vector<16xi32>
      %sub3A_319 = arith.subi %select_n3A_309, %sub3A_318 : vector<16xi32>
      %jit3A_320 = arith.constant 0 : i32
      %broadcast_in_dim3A_321 = vector.broadcast %jit3A_320 : i32 to vector<16xi32>
      %select_n3A_322 = arith.select %lt3A_312, %broadcast_in_dim3A_321, %sub3A_319 : vector<16xi1>, vector<16xi32>
      %gather3A_323 = tpu.vector_load_idx %arg7[%add3A_297, %select_n3A_322] : memref<104x128xf32, #tpu.memory_space<vmem>>[vector<16xi32>, vector<16xi32>], vector<16xf32>,
      %select_n3A_324 = arith.select %lt3A_312, %gather3A_316, %gather3A_323 : vector<16xi1>, vector<16xf32>
      %jit3A_325 = arith.constant -1.000000e+30 : f32
      %broadcast_in_dim3A_326 = vector.broadcast %jit3A_325 : f32 to vector<16xf32>
      %select_n3A_327 = arith.select %ge3A_306, %select_n3A_324, %broadcast_in_dim3A_326 : vector<16xi1>, vector<16xf32>
      %masked_sort3A_328 = arith.constant dense<true> : vector<16xi1>
      %masked_sort3A_329, %masked_sort3A_330, %masked_sort3A_331 = tpu.sort %select_n3A_327, %get3A_303 masked %masked_sort3A_328 {descending = true} : (vector<16xf32>, vector<16xi32>, vector<16xi1>) -> (vector<16xi1>, vector<16xf32>, vector<16xi32>)
      %mul3A_332 = arith.constant 64 : i32
      %mul3A_333 = arith.muli %add3A_292, %mul3A_332 : i32
      %add3A_334 = arith.constant 16 : i32
      %add3A_335 = arith.addi %mul3A_333, %add3A_334 : i32
      %get3A_336 = arith.index_cast %add3A_335 : i32 to index
      %get3A_337 = tpu.vector_load %arg8[%get3A_336] {strides = array<i32>} : memref<12544xi32, #tpu.memory_space<vmem>>, vector<16xi32>,
      %ge3A_338 = arith.constant 0 : i32
      %ge3A_339 = vector.broadcast %ge3A_338 : i32 to vector<16xi32>
      %ge3A_340 = arith.cmpi sge, %get3A_337, %ge3A_339 : vector<16xi32>
      %jit3A_341 = arith.constant 0 : i32
      %broadcast_in_dim3A_342 = vector.broadcast %jit3A_341 : i32 to vector<16xi32>
      %select_n3A_343 = arith.select %ge3A_340, %get3A_337, %broadcast_in_dim3A_342 : vector<16xi1>, vector<16xi32>
      %lt3A_344 = arith.constant 128 : i32
      %lt3A_345 = vector.broadcast %lt3A_344 : i32 to vector<16xi32>
      %lt3A_346 = arith.cmpi slt, %select_n3A_343, %lt3A_345 : vector<16xi32>
      %jit3A_347 = arith.constant 0 : i32
      %broadcast_in_dim3A_348 = vector.broadcast %jit3A_347 : i32 to vector<16xi32>
      %select_n3A_349 = arith.select %lt3A_346, %select_n3A_343, %broadcast_in_dim3A_348 : vector<16xi1>, vector<16xi32>
      %gather3A_350 = tpu.vector_load_idx %arg6[%add3A_297, %select_n3A_349] : memref<104x128xf32, #tpu.memory_space<vmem>>[vector<16xi32>, vector<16xi32>], vector<16xf32>,
      %sub3A_351 = arith.constant 128 : i32
      %sub3A_352 = vector.broadcast %sub3A_351 : i32 to vector<16xi32>
      %sub3A_353 = arith.subi %select_n3A_343, %sub3A_352 : vector<16xi32>
      %jit3A_354 = arith.constant 0 : i32
      %broadcast_in_dim3A_355 = vector.broadcast %jit3A_354 : i32 to vector<16xi32>
      %select_n3A_356 = arith.select %lt3A_346, %broadcast_in_dim3A_355, %sub3A_353 : vector<16xi1>, vector<16xi32>
      %gather3A_357 = tpu.vector_load_idx %arg7[%add3A_297, %select_n3A_356] : memref<104x128xf32, #tpu.memory_space<vmem>>[vector<16xi32>, vector<16xi32>], vector<16xf32>,
      %select_n3A_358 = arith.select %lt3A_346, %gather3A_350, %gather3A_357 : vector<16xi1>, vector<16xf32>
      %jit3A_359 = arith.constant -1.000000e+30 : f32
      %broadcast_in_dim3A_360 = vector.broadcast %jit3A_359 : f32 to vector<16xf32>
      %select_n3A_361 = arith.select %ge3A_340, %select_n3A_358, %broadcast_in_dim3A_360 : vector<16xi1>, vector<16xf32>
      %masked_sort3A_362 = arith.constant dense<true> : vector<16xi1>
      %masked_sort3A_363, %masked_sort3A_364, %masked_sort3A_365 = tpu.sort %select_n3A_361, %get3A_337 masked %masked_sort3A_362 {descending = true} : (vector<16xf32>, vector<16xi32>, vector<16xi1>) -> (vector<16xi1>, vector<16xf32>, vector<16xi32>)
      %mul3A_366 = arith.constant 64 : i32
      %mul3A_367 = arith.muli %add3A_292, %mul3A_366 : i32
      %add3A_368 = arith.constant 32 : i32
      %add3A_369 = arith.addi %mul3A_367, %add3A_368 : i32
      %get3A_370 = arith.index_cast %add3A_369 : i32 to index
      %get3A_371 = tpu.vector_load %arg8[%get3A_370] {strides = array<i32>} : memref<12544xi32, #tpu.memory_space<vmem>>, vector<16xi32>,
      %ge3A_372 = arith.constant 0 : i32
      %ge3A_373 = vector.broadcast %ge3A_372 : i32 to vector<16xi32>
      %ge3A_374 = arith.cmpi sge, %get3A_371, %ge3A_373 : vector<16xi32>
      %jit3A_375 = arith.constant 0 : i32
      %broadcast_in_dim3A_376 = vector.broadcast %jit3A_375 : i32 to vector<16xi32>
      %select_n3A_377 = arith.select %ge3A_374, %get3A_371, %broadcast_in_dim3A_376 : vector<16xi1>, vector<16xi32>
      %lt3A_378 = arith.constant 128 : i32
      %lt3A_379 = vector.broadcast %lt3A_378 : i32 to vector<16xi32>
      %lt3A_380 = arith.cmpi slt, %select_n3A_377, %lt3A_379 : vector<16xi32>
      %jit3A_381 = arith.constant 0 : i32
      %broadcast_in_dim3A_382 = vector.broadcast %jit3A_381 : i32 to vector<16xi32>
      %select_n3A_383 = arith.select %lt3A_380, %select_n3A_377, %broadcast_in_dim3A_382 : vector<16xi1>, vector<16xi32>
      %gather3A_384 = tpu.vector_load_idx %arg6[%add3A_297, %select_n3A_383] : memref<104x128xf32, #tpu.memory_space<vmem>>[vector<16xi32>, vector<16xi32>], vector<16xf32>,
      %sub3A_385 = arith.constant 128 : i32
      %sub3A_386 = vector.broadcast %sub3A_385 : i32 to vector<16xi32>
      %sub3A_387 = arith.subi %select_n3A_377, %sub3A_386 : vector<16xi32>
      %jit3A_388 = arith.constant 0 : i32
      %broadcast_in_dim3A_389 = vector.broadcast %jit3A_388 : i32 to vector<16xi32>
      %select_n3A_390 = arith.select %lt3A_380, %broadcast_in_dim3A_389, %sub3A_387 : vector<16xi1>, vector<16xi32>
      %gather3A_391 = tpu.vector_load_idx %arg7[%add3A_297, %select_n3A_390] : memref<104x128xf32, #tpu.memory_space<vmem>>[vector<16xi32>, vector<16xi32>], vector<16xf32>,
      %select_n3A_392 = arith.select %lt3A_380, %gather3A_384, %gather3A_391 : vector<16xi1>, vector<16xf32>
      %jit3A_393 = arith.constant -1.000000e+30 : f32
      %broadcast_in_dim3A_394 = vector.broadcast %jit3A_393 : f32 to vector<16xf32>
      %select_n3A_395 = arith.select %ge3A_374, %select_n3A_392, %broadcast_in_dim3A_394 : vector<16xi1>, vector<16xf32>
      %masked_sort3A_396 = arith.constant dense<true> : vector<16xi1>
      %masked_sort3A_397, %masked_sort3A_398, %masked_sort3A_399 = tpu.sort %select_n3A_395, %get3A_371 masked %masked_sort3A_396 {descending = true} : (vector<16xf32>, vector<16xi32>, vector<16xi1>) -> (vector<16xi1>, vector<16xf32>, vector<16xi32>)
      %mul3A_400 = arith.constant 64 : i32
      %mul3A_401 = arith.muli %add3A_292, %mul3A_400 : i32
      %add3A_402 = arith.constant 48 : i32
      %add3A_403 = arith.addi %mul3A_401, %add3A_402 : i32
      %get3A_404 = arith.index_cast %add3A_403 : i32 to index
      %get3A_405 = tpu.vector_load %arg8[%get3A_404] {strides = array<i32>} : memref<12544xi32, #tpu.memory_space<vmem>>, vector<16xi32>,
      %ge3A_406 = arith.constant 0 : i32
      %ge3A_407 = vector.broadcast %ge3A_406 : i32 to vector<16xi32>
      %ge3A_408 = arith.cmpi sge, %get3A_405, %ge3A_407 : vector<16xi32>
      %jit3A_409 = arith.constant 0 : i32
      %broadcast_in_dim3A_410 = vector.broadcast %jit3A_409 : i32 to vector<16xi32>
      %select_n3A_411 = arith.select %ge3A_408, %get3A_405, %broadcast_in_dim3A_410 : vector<16xi1>, vector<16xi32>
      %lt3A_412 = arith.constant 128 : i32
      %lt3A_413 = vector.broadcast %lt3A_412 : i32 to vector<16xi32>
      %lt3A_414 = arith.cmpi slt, %select_n3A_411, %lt3A_413 : vector<16xi32>
      %jit3A_415 = arith.constant 0 : i32
      %broadcast_in_dim3A_416 = vector.broadcast %jit3A_415 : i32 to vector<16xi32>
      %select_n3A_417 = arith.select %lt3A_414, %select_n3A_411, %broadcast_in_dim3A_416 : vector<16xi1>, vector<16xi32>
      %gather3A_418 = tpu.vector_load_idx %arg6[%add3A_297, %select_n3A_417] : memref<104x128xf32, #tpu.memory_space<vmem>>[vector<16xi32>, vector<16xi32>], vector<16xf32>,
      %sub3A_419 = arith.constant 128 : i32
      %sub3A_420 = vector.broadcast %sub3A_419 : i32 to vector<16xi32>
      %sub3A_421 = arith.subi %select_n3A_411, %sub3A_420 : vector<16xi32>
      %jit3A_422 = arith.constant 0 : i32
      %broadcast_in_dim3A_423 = vector.broadcast %jit3A_422 : i32 to vector<16xi32>
      %select_n3A_424 = arith.select %lt3A_414, %broadcast_in_dim3A_423, %sub3A_421 : vector<16xi1>, vector<16xi32>
      %gather3A_425 = tpu.vector_load_idx %arg7[%add3A_297, %select_n3A_424] : memref<104x128xf32, #tpu.memory_space<vmem>>[vector<16xi32>, vector<16xi32>], vector<16xf32>,
      %select_n3A_426 = arith.select %lt3A_414, %gather3A_418, %gather3A_425 : vector<16xi1>, vector<16xf32>
      %jit3A_427 = arith.constant -1.000000e+30 : f32
      %broadcast_in_dim3A_428 = vector.broadcast %jit3A_427 : f32 to vector<16xf32>
      %select_n3A_429 = arith.select %ge3A_408, %select_n3A_426, %broadcast_in_dim3A_428 : vector<16xi1>, vector<16xf32>
      %rev3A_430 = arith.constant 15 : i32
      %rev3A_431 = vector.broadcast %rev3A_430 : i32 to vector<16xi32>
      %rev3A_432 = tpu.iota {dimensions = array<i32: 0>} : vector<16xi32>
      %rev3A_433 = arith.subi %rev3A_431, %rev3A_432 : vector<16xi32>
      %rev3A_434 = tpu.dynamic_gather %masked_sort3A_364[%rev3A_433] in [0] : vector<16xf32>, vector<16xi32> -> vector<16xf32>
      %rev3A_435 = arith.constant 15 : i32
      %rev3A_436 = vector.broadcast %rev3A_435 : i32 to vector<16xi32>
      %rev3A_437 = tpu.iota {dimensions = array<i32: 0>} : vector<16xi32>
      %rev3A_438 = arith.subi %rev3A_436, %rev3A_437 : vector<16xi32>
      %rev3A_439 = tpu.dynamic_gather %masked_sort3A_365[%rev3A_438] in [0] : vector<16xi32>, vector<16xi32> -> vector<16xi32>
      %ge3A_440 = arith.cmpf oge, %masked_sort3A_330, %rev3A_434 : vector<16xf32>
      %select_n3A_441 = arith.select %ge3A_440, %masked_sort3A_330, %rev3A_434 : vector<16xi1>, vector<16xf32>
      %select_n3A_442 = arith.select %ge3A_440, %masked_sort3A_331, %rev3A_439 : vector<16xi1>, vector<16xi32>
      %masked_sort3A_443 = arith.constant dense<true> : vector<16xi1>
      %masked_sort3A_444, %masked_sort3A_445, %masked_sort3A_446 = tpu.sort %select_n3A_441, %select_n3A_442 masked %masked_sort3A_443 {descending = true} : (vector<16xf32>, vector<16xi32>, vector<16xi1>) -> (vector<16xi1>, vector<16xf32>, vector<16xi32>)
      %rev3A_447 = arith.constant 15 : i32
      %rev3A_448 = vector.broadcast %rev3A_447 : i32 to vector<16xi32>
      %rev3A_449 = tpu.iota {dimensions = array<i32: 0>} : vector<16xi32>
      %rev3A_450 = arith.subi %rev3A_448, %rev3A_449 : vector<16xi32>
      %rev3A_451 = tpu.dynamic_gather %select_n3A_429[%rev3A_450] in [0] : vector<16xf32>, vector<16xi32> -> vector<16xf32>
      %rev3A_452 = arith.constant 15 : i32
      %rev3A_453 = vector.broadcast %rev3A_452 : i32 to vector<16xi32>
      %rev3A_454 = tpu.iota {dimensions = array<i32: 0>} : vector<16xi32>
      %rev3A_455 = arith.subi %rev3A_453, %rev3A_454 : vector<16xi32>
      %rev3A_456 = tpu.dynamic_gather %get3A_405[%rev3A_455] in [0] : vector<16xi32>, vector<16xi32> -> vector<16xi32>
      %ge3A_457 = arith.cmpf oge, %masked_sort3A_398, %rev3A_451 : vector<16xf32>
      %select_n3A_458 = arith.select %ge3A_457, %masked_sort3A_398, %rev3A_451 : vector<16xi1>, vector<16xf32>
      %select_n3A_459 = arith.select %ge3A_457, %masked_sort3A_399, %rev3A_456 : vector<16xi1>, vector<16xi32>
      %masked_sort3A_460 = arith.constant dense<true> : vector<16xi1>
      %masked_sort3A_461, %masked_sort3A_462, %masked_sort3A_463 = tpu.sort %select_n3A_458, %select_n3A_459 masked %masked_sort3A_460 {descending = true} : (vector<16xf32>, vector<16xi32>, vector<16xi1>) -> (vector<16xi1>, vector<16xf32>, vector<16xi32>)
      %rev3A_464 = arith.constant 15 : i32
      %rev3A_465 = vector.broadcast %rev3A_464 : i32 to vector<16xi32>
      %rev3A_466 = tpu.iota {dimensions = array<i32: 0>} : vector<16xi32>
      %rev3A_467 = arith.subi %rev3A_465, %rev3A_466 : vector<16xi32>
      %rev3A_468 = tpu.dynamic_gather %masked_sort3A_462[%rev3A_467] in [0] : vector<16xf32>, vector<16xi32> -> vector<16xf32>
      %rev3A_469 = arith.constant 15 : i32
      %rev3A_470 = vector.broadcast %rev3A_469 : i32 to vector<16xi32>
      %rev3A_471 = tpu.iota {dimensions = array<i32: 0>} : vector<16xi32>
      %rev3A_472 = arith.subi %rev3A_470, %rev3A_471 : vector<16xi32>
      %rev3A_473 = tpu.dynamic_gather %masked_sort3A_463[%rev3A_472] in [0] : vector<16xi32>, vector<16xi32> -> vector<16xi32>
      %ge3A_474 = arith.cmpf oge, %masked_sort3A_445, %rev3A_468 : vector<16xf32>
      %select_n3A_475 = arith.select %ge3A_474, %masked_sort3A_445, %rev3A_468 : vector<16xi1>, vector<16xf32>
      %select_n3A_476 = arith.select %ge3A_474, %masked_sort3A_446, %rev3A_473 : vector<16xi1>, vector<16xi32>
      %masked_sort3A_477 = arith.constant dense<true> : vector<16xi1>
      %masked_sort3A_478, %masked_sort3A_479, %masked_sort3A_480 = tpu.sort %select_n3A_475, %select_n3A_476 masked %masked_sort3A_477 {descending = true} : (vector<16xf32>, vector<16xi32>, vector<16xi1>) -> (vector<16xi1>, vector<16xf32>, vector<16xi32>)
      %lt3A_481 = arith.constant 9 : i32
      %lt3A_482 = vector.broadcast %lt3A_481 : i32 to vector<16xi32>
      %lt3A_483 = arith.cmpi slt, %iota3A, %lt3A_482 : vector<16xi32>
      %jit3A_484 = arith.constant 1073741824 : i32
      %broadcast_in_dim3A_485 = vector.broadcast %jit3A_484 : i32 to vector<16xi32>
      %select_n3A_486 = arith.select %lt3A_483, %masked_sort3A_480, %broadcast_in_dim3A_485 : vector<16xi1>, vector<16xi32>
      %masked_sort3A_487 = arith.constant dense<true> : vector<16xi1>
      %masked_sort3A_488 = arith.constant -2147483648 : i32
      %masked_sort3A_489 = vector.broadcast %masked_sort3A_488 : i32 to vector<16xi32>
      %masked_sort3A_490 = arith.xori %select_n3A_486, %masked_sort3A_489 : vector<16xi32>
      %masked_sort3A_491, %masked_sort3A_492, %masked_sort3A_493 = tpu.sort %masked_sort3A_490, %select_n3A_486 masked %masked_sort3A_487 : (vector<16xi32>, vector<16xi32>, vector<16xi1>) -> (vector<16xi1>, vector<16xi32>, vector<16xi32>)
      %masked_sort3A_494 = arith.xori %masked_sort3A_492, %masked_sort3A_489 : vector<16xi32>
      %mul3A_495 = arith.constant 128 : i32
      %mul3A_496 = arith.muli %add3A_291, %mul3A_495 : i32
      %swap3A_497 = arith.index_cast %mul3A_496 : i32 to index
      %swap3A_498 = tpu.vector_load %arg9[%swap3A_497] {strides = array<i32>} : memref<13312xi32, #tpu.memory_space<vmem>>, vector<16xi32>,
      tpu.vector_store %arg9[%swap3A_497], %masked_sort3A_494 {strides = array<i32>} : memref<13312xi32, #tpu.memory_space<vmem>>, vector<16xi32>,
    }
    %eq3A_77 = arith.constant 0 : i32
    %eq3A_78 = arith.cmpi eq, %select_n3A_30, %eq3A_77 : i32
    %convert_element_type3A = arith.extui %eq3A_78 : i1 to i32
    %cond3A = arith.constant 0 : i32
    %cond3A_79 = arith.cmpi ne, %convert_element_type3A, %cond3A : i32
    scf.if %cond3A_79 {
      %mul3A_85 = arith.constant 200 : i32
      %mul3A_86 = arith.muli %select_n3A, %mul3A_85 : i32
      %mul3A_87 = arith.constant 128 : i32
      %mul3A_88 = arith.muli %mul3A_86, %mul3A_87 : i32
      "tpu.region"() ({
        %run_scoped3A = tpu.sem_alloc : memref<!tpu.dma_semaphore, #tpu.memory_space<semaphore_mem>>
        %dma_start3A = arith.constant 0 : i32
        %dma_start3A_89 = tpu.memref_slice %arg9[%dma_start3A] : memref<13312xi32, #tpu.memory_space<vmem>> -> memref<12288xi32, #tpu.memory_space<vmem>>
        %dma_start3A_90 = tpu.memref_slice %arg5[%mul3A_88] : memref<409600xi32, #tpu.memory_space<hbm>> -> memref<12288xi32, #tpu.memory_space<hbm>>
        %dma_start3A_91 = tpu.memref_slice %arg5[%mul3A_88] : memref<409600xi32, #tpu.memory_space<hbm>> -> memref<12288xi32, #tpu.memory_space<hbm>>
        %dma_start3A_92 = arith.constant 0 : i32
        %dma_start3A_93 = tpu.memref_slice %arg9[%dma_start3A_92] : memref<13312xi32, #tpu.memory_space<vmem>> -> memref<12288xi32, #tpu.memory_space<vmem>>
        tpu.enqueue_dma source(%dma_start3A_93 : memref<12288xi32, #tpu.memory_space<vmem>>) target(%dma_start3A_91 : memref<12288xi32, #tpu.memory_space<hbm>>) target_semaphore(%run_scoped3A : memref<!tpu.dma_semaphore, #tpu.memory_space<semaphore_mem>>)
        %dma_wait3A = arith.constant 0 : i32
        %dma_wait3A_94 = tpu.memref_slice %arg9[%dma_wait3A] : memref<13312xi32, #tpu.memory_space<vmem>> -> memref<12288xi32, #tpu.memory_space<vmem>>
        %dma_wait3A_95 = tpu.memref_slice %arg5[%mul3A_88] : memref<409600xi32, #tpu.memory_space<hbm>> -> memref<12288xi32, #tpu.memory_space<hbm>>
        %dma_wait3A_96 = tpu.memref_slice %arg5[%mul3A_88] : memref<409600xi32, #tpu.memory_space<hbm>> -> memref<12288xi32, #tpu.memory_space<hbm>>
        %dma_wait3A_97 = arith.constant 0 : i32
        %dma_wait3A_98 = tpu.memref_slice %arg9[%dma_wait3A_97] : memref<13312xi32, #tpu.memory_space<vmem>> -> memref<12288xi32, #tpu.memory_space<vmem>>
        tpu.wait_dma2 semaphore(%run_scoped3A : memref<!tpu.dma_semaphore, #tpu.memory_space<semaphore_mem>>) src(%dma_wait3A_98 : memref<12288xi32, #tpu.memory_space<vmem>>) dst(%dma_wait3A_96 : memref<12288xi32, #tpu.memory_space<hbm>>)
        tpu.yield
      }) : () -> ()
    } else {
    }
    %eq3A_80 = arith.constant 1 : i32
    %eq3A_81 = arith.cmpi eq, %select_n3A_30, %eq3A_80 : i32
    %convert_element_type3A_82 = arith.extui %eq3A_81 : i1 to i32
    %cond3A_83 = arith.constant 0 : i32
    %cond3A_84 = arith.cmpi ne, %convert_element_type3A_82, %cond3A_83 : i32
    scf.if %cond3A_84 {
      %mul3A_85 = arith.constant 200 : i32
      %mul3A_86 = arith.muli %select_n3A, %mul3A_85 : i32
      %add3A_87 = arith.constant 96 : i32
      %add3A_88 = arith.addi %mul3A_86, %add3A_87 : i32
      %mul3A_89 = arith.constant 128 : i32
      %mul3A_90 = arith.muli %add3A_88, %mul3A_89 : i32
      "tpu.region"() ({
        %run_scoped3A = tpu.sem_alloc : memref<!tpu.dma_semaphore, #tpu.memory_space<semaphore_mem>>
        %dma_start3A = arith.constant 0 : i32
        %dma_start3A_91 = tpu.memref_slice %arg9[%dma_start3A] : memref<13312xi32, #tpu.memory_space<vmem>> -> memref<12800xi32, #tpu.memory_space<vmem>>
        %dma_start3A_92 = tpu.memref_slice %arg5[%mul3A_90] : memref<409600xi32, #tpu.memory_space<hbm>> -> memref<12800xi32, #tpu.memory_space<hbm>>
        %dma_start3A_93 = tpu.memref_slice %arg5[%mul3A_90] : memref<409600xi32, #tpu.memory_space<hbm>> -> memref<12800xi32, #tpu.memory_space<hbm>>
        %dma_start3A_94 = arith.constant 0 : i32
        %dma_start3A_95 = tpu.memref_slice %arg9[%dma_start3A_94] : memref<13312xi32, #tpu.memory_space<vmem>> -> memref<12800xi32, #tpu.memory_space<vmem>>
        tpu.enqueue_dma source(%dma_start3A_95 : memref<12800xi32, #tpu.memory_space<vmem>>) target(%dma_start3A_93 : memref<12800xi32, #tpu.memory_space<hbm>>) target_semaphore(%run_scoped3A : memref<!tpu.dma_semaphore, #tpu.memory_space<semaphore_mem>>)
        %dma_wait3A = arith.constant 0 : i32
        %dma_wait3A_96 = tpu.memref_slice %arg9[%dma_wait3A] : memref<13312xi32, #tpu.memory_space<vmem>> -> memref<12800xi32, #tpu.memory_space<vmem>>
        %dma_wait3A_97 = tpu.memref_slice %arg5[%mul3A_90] : memref<409600xi32, #tpu.memory_space<hbm>> -> memref<12800xi32, #tpu.memory_space<hbm>>
        %dma_wait3A_98 = tpu.memref_slice %arg5[%mul3A_90] : memref<409600xi32, #tpu.memory_space<hbm>> -> memref<12800xi32, #tpu.memory_space<hbm>>
        %dma_wait3A_99 = arith.constant 0 : i32
        %dma_wait3A_100 = tpu.memref_slice %arg9[%dma_wait3A_99] : memref<13312xi32, #tpu.memory_space<vmem>> -> memref<12800xi32, #tpu.memory_space<vmem>>
        tpu.wait_dma2 semaphore(%run_scoped3A : memref<!tpu.dma_semaphore, #tpu.memory_space<semaphore_mem>>) src(%dma_wait3A_100 : memref<12800xi32, #tpu.memory_space<vmem>>) dst(%dma_wait3A_98 : memref<12800xi32, #tpu.memory_space<hbm>>)
        tpu.yield
      }) : () -> ()
    } else {
    }
    return
  }
}

#map = affine_map<(d0, d1) -> (0, 0)>
#map1 = affine_map<(d0, d1) -> (0)>
module attributes {stable_mosaic.version = 14 : i64} {
  func.func @_sc_topk_body(%arg0: i32, %arg1: i32, %arg2: memref<3200x128xf32, #tpu.memory_space<hbm>>, %arg3: memref<3200x128xf32, #tpu.memory_space<hbm>>, %arg4: memref<12544xi32, #tpu.memory_space<hbm>>, %arg5: memref<409600xi32, #tpu.memory_space<hbm>>, %arg6: memref<104x128xf32, #tpu.memory_space<vmem>>, %arg7: memref<104x128xf32, #tpu.memory_space<vmem>>, %arg8: memref<12544xi32, #tpu.memory_space<vmem>>, %arg9: memref<13312xi32, #tpu.memory_space<vmem>>) attributes {dimension_semantics = [#tpu.dimension_semantics<core_parallel>, #tpu.dimension_semantics<subcore_parallel>], iteration_bounds = array<i64: 2, 16>, scalar_prefetch = 0 : i64, scratch_operands = 4 : i64, tpu.core_type = #tpu.core_type<sc_vector_subcore>, window_params = [{transform_indices = #map}, {transform_indices = #map}, {transform_indices = #map1}, {transform_indices = #map1}]} {
    %mul3A = arith.constant 2 : i32
    %mul3A_0 = arith.muli %arg1, %mul3A : i32
    %add3A = arith.addi %mul3A_0, %arg0 : i32
    %jit3A = arith.constant 2 : i32
    %div3A = arith.divsi %add3A, %jit3A : i32
    %sign3A = arith.constant 0 : i32
    %sign3A_1 = arith.cmpi sgt, %add3A, %sign3A : i32
    %sign3A_2 = arith.extui %sign3A_1 : i1 to i32
    %sign3A_3 = arith.constant 0 : i32
    %sign3A_4 = arith.cmpi slt, %add3A, %sign3A_3 : i32
    %sign3A_5 = arith.extui %sign3A_4 : i1 to i32
    %sign3A_6 = arith.subi %sign3A_2, %sign3A_5 : i32
    %sign3A_7 = arith.constant 0 : i32
    %sign3A_8 = arith.cmpi sgt, %jit3A, %sign3A_7 : i32
    %sign3A_9 = arith.extui %sign3A_8 : i1 to i32
    %sign3A_10 = arith.constant 0 : i32
    %sign3A_11 = arith.cmpi slt, %jit3A, %sign3A_10 : i32
    %sign3A_12 = arith.extui %sign3A_11 : i1 to i32
    %sign3A_13 = arith.subi %sign3A_9, %sign3A_12 : i32
    %ne3A = arith.cmpi ne, %sign3A_6, %sign3A_13 : i32
    %rem3A = arith.remsi %add3A, %jit3A : i32
    %ne3A_14 = arith.constant 0 : i32
    %ne3A_15 = arith.cmpi ne, %rem3A, %ne3A_14 : i32
    %and3A = arith.andi %ne3A, %ne3A_15 : i1
    %sub3A = arith.constant 1 : i32
    %sub3A_16 = arith.subi %div3A, %sub3A : i32
    %select_n3A = arith.select %and3A, %sub3A_16, %div3A : i32
    %jit3A_17 = arith.constant 2 : i32
    %eq3A = arith.constant 0 : i32
    %eq3A_18 = arith.cmpi eq, %jit3A_17, %eq3A : i32
    %jit3A_19 = arith.constant 1 : i32
    %select_n3A_20 = arith.select %eq3A_18, %jit3A_19, %jit3A_17 : i32
    %rem3A_21 = arith.remsi %add3A, %select_n3A_20 : i32
    %ne3A_22 = arith.constant 0 : i32
    %ne3A_23 = arith.cmpi ne, %rem3A_21, %ne3A_22 : i32
    %lt3A = arith.constant 0 : i32
    %lt3A_24 = arith.cmpi slt, %rem3A_21, %lt3A : i32
    %lt3A_25 = arith.constant 0 : i32
    %lt3A_26 = arith.cmpi slt, %select_n3A_20, %lt3A_25 : i32
    %ne3A_27 = arith.xori %lt3A_24, %lt3A_26 : i1
    %and3A_28 = arith.andi %ne3A_27, %ne3A_23 : i1
    %add3A_29 = arith.addi %rem3A_21, %select_n3A_20 : i32
    %select_n3A_30 = arith.select %and3A_28, %add3A_29, %rem3A_21 : i32
    %mul3A_31 = arith.constant 96 : i32
    %mul3A_32 = arith.muli %select_n3A_30, %mul3A_31 : i32
    %mul3A_33 = arith.constant 200 : i32
    %mul3A_34 = arith.muli %select_n3A, %mul3A_33 : i32
    %add3A_35 = arith.addi %mul3A_34, %mul3A_32 : i32
    "tpu.region"() ({
      %run_scoped3A = tpu.sem_alloc : memref<!tpu.dma_semaphore, #tpu.memory_space<semaphore_mem>>
      %dma_start3A = arith.constant 0 : i32
      %dma_start3A_85 = tpu.memref_slice %arg2[%add3A_35, %dma_start3A] : memref<3200x128xf32, #tpu.memory_space<hbm>> -> memref<104x128xf32, #tpu.memory_space<hbm>>
      %dma_start3A_86 = arith.constant 0 : i32
      %dma_start3A_87 = tpu.memref_slice %arg2[%add3A_35, %dma_start3A_86] : memref<3200x128xf32, #tpu.memory_space<hbm>> -> memref<104x128xf32, #tpu.memory_space<hbm>>
      tpu.enqueue_dma source(%dma_start3A_87 : memref<104x128xf32, #tpu.memory_space<hbm>>) target(%arg6 : memref<104x128xf32, #tpu.memory_space<vmem>>) target_semaphore(%run_scoped3A : memref<!tpu.dma_semaphore, #tpu.memory_space<semaphore_mem>>)
      %dma_wait3A = arith.constant 0 : i32
      %dma_wait3A_88 = tpu.memref_slice %arg2[%add3A_35, %dma_wait3A] : memref<3200x128xf32, #tpu.memory_space<hbm>> -> memref<104x128xf32, #tpu.memory_space<hbm>>
      %dma_wait3A_89 = arith.constant 0 : i32
      %dma_wait3A_90 = tpu.memref_slice %arg2[%add3A_35, %dma_wait3A_89] : memref<3200x128xf32, #tpu.memory_space<hbm>> -> memref<104x128xf32, #tpu.memory_space<hbm>>
      tpu.wait_dma2 semaphore(%run_scoped3A : memref<!tpu.dma_semaphore, #tpu.memory_space<semaphore_mem>>) src(%dma_wait3A_90 : memref<104x128xf32, #tpu.memory_space<hbm>>) dst(%arg6 : memref<104x128xf32, #tpu.memory_space<vmem>>)
      tpu.yield
    }) : () -> ()
    %mul3A_36 = arith.constant 200 : i32
    %mul3A_37 = arith.muli %select_n3A, %mul3A_36 : i32
    %add3A_38 = arith.addi %mul3A_37, %mul3A_32 : i32
    "tpu.region"() ({
      %run_scoped3A = tpu.sem_alloc : memref<!tpu.dma_semaphore, #tpu.memory_space<semaphore_mem>>
      %dma_start3A = arith.constant 0 : i32
      %dma_start3A_85 = tpu.memref_slice %arg3[%add3A_38, %dma_start3A] : memref<3200x128xf32, #tpu.memory_space<hbm>> -> memref<104x128xf32, #tpu.memory_space<hbm>>
      %dma_start3A_86 = arith.constant 0 : i32
      %dma_start3A_87 = tpu.memref_slice %arg3[%add3A_38, %dma_start3A_86] : memref<3200x128xf32, #tpu.memory_space<hbm>> -> memref<104x128xf32, #tpu.memory_space<hbm>>
      tpu.enqueue_dma source(%dma_start3A_87 : memref<104x128xf32, #tpu.memory_space<hbm>>) target(%arg7 : memref<104x128xf32, #tpu.memory_space<vmem>>) target_semaphore(%run_scoped3A : memref<!tpu.dma_semaphore, #tpu.memory_space<semaphore_mem>>)
      %dma_wait3A = arith.constant 0 : i32
      %dma_wait3A_88 = tpu.memref_slice %arg3[%add3A_38, %dma_wait3A] : memref<3200x128xf32, #tpu.memory_space<hbm>> -> memref<104x128xf32, #tpu.memory_space<hbm>>
      %dma_wait3A_89 = arith.constant 0 : i32
      %dma_wait3A_90 = tpu.memref_slice %arg3[%add3A_38, %dma_wait3A_89] : memref<3200x128xf32, #tpu.memory_space<hbm>> -> memref<104x128xf32, #tpu.memory_space<hbm>>
      tpu.wait_dma2 semaphore(%run_scoped3A : memref<!tpu.dma_semaphore, #tpu.memory_space<semaphore_mem>>) src(%dma_wait3A_90 : memref<104x128xf32, #tpu.memory_space<hbm>>) dst(%arg7 : memref<104x128xf32, #tpu.memory_space<vmem>>)
      tpu.yield
    }) : () -> ()
    "tpu.region"() ({
      %run_scoped3A = tpu.sem_alloc : memref<!tpu.dma_semaphore, #tpu.memory_space<semaphore_mem>>
      tpu.enqueue_dma source(%arg4 : memref<12544xi32, #tpu.memory_space<hbm>>) target(%arg8 : memref<12544xi32, #tpu.memory_space<vmem>>) target_semaphore(%run_scoped3A : memref<!tpu.dma_semaphore, #tpu.memory_space<semaphore_mem>>)
      tpu.wait_dma2 semaphore(%run_scoped3A : memref<!tpu.dma_semaphore, #tpu.memory_space<semaphore_mem>>) src(%arg4 : memref<12544xi32, #tpu.memory_space<hbm>>) dst(%arg8 : memref<12544xi32, #tpu.memory_space<vmem>>)
      tpu.yield
    }) : () -> ()
    %iota3A = tpu.iota {dimensions = array<i32: 0>} : vector<16xi32>
    %eq3A_39 = arith.constant 0 : i32
    %eq3A_40 = arith.cmpi eq, %select_n3A_30, %eq3A_39 : i32
    %jit3A_41 = arith.constant 96 : i32
    %jit3A_42 = arith.constant 100 : i32
    %select_n3A_43 = arith.select %eq3A_40, %jit3A_41, %jit3A_42 : i32
    %jit3A_44 = arith.constant 2 : i32
    %div3A_45 = arith.divsi %select_n3A_43, %jit3A_44 : i32
    %sign3A_46 = arith.constant 0 : i32
    %sign3A_47 = arith.cmpi sgt, %select_n3A_43, %sign3A_46 : i32
    %sign3A_48 = arith.extui %sign3A_47 : i1 to i32
    %sign3A_49 = arith.constant 0 : i32
    %sign3A_50 = arith.cmpi slt, %select_n3A_43, %sign3A_49 : i32
    %sign3A_51 = arith.extui %sign3A_50 : i1 to i32
    %sign3A_52 = arith.subi %sign3A_48, %sign3A_51 : i32
    %sign3A_53 = arith.constant 0 : i32
    %sign3A_54 = arith.cmpi sgt, %jit3A_44, %sign3A_53 : i32
    %sign3A_55 = arith.extui %sign3A_54 : i1 to i32
    %sign3A_56 = arith.constant 0 : i32
    %sign3A_57 = arith.cmpi slt, %jit3A_44, %sign3A_56 : i32
    %sign3A_58 = arith.extui %sign3A_57 : i1 to i32
    %sign3A_59 = arith.subi %sign3A_55, %sign3A_58 : i32
    %ne3A_60 = arith.cmpi ne, %sign3A_52, %sign3A_59 : i32
    %rem3A_61 = arith.remsi %select_n3A_43, %jit3A_44 : i32
    %ne3A_62 = arith.constant 0 : i32
    %ne3A_63 = arith.cmpi ne, %rem3A_61, %ne3A_62 : i32
    %and3A_64 = arith.andi %ne3A_60, %ne3A_63 : i1
    %sub3A_65 = arith.constant 1 : i32
    %sub3A_66 = arith.subi %div3A_45, %sub3A_65 : i32
    %select_n3A_67 = arith.select %and3A_64, %sub3A_66, %div3A_45 : i32
    %while3A = arith.constant 0 : i32
    %while3A_68 = arith.constant 0 : i32
    %while3A_69 = arith.subi %select_n3A_67, %while3A_68 : i32
    %while3A_70 = arith.addi %while3A_68, %while3A_69 : i32
    %while3A_71 = arith.constant 1 : i32
    %while3A_72 = arith.divsi %while3A_69, %while3A_71 : i32
    %while3A_73 = arith.muli %while3A_72, %while3A_71 : i32
    %while3A_74 = arith.addi %while3A_68, %while3A_73 : i32
    %while3A_75 = arith.constant 1 : i32
    scf.for %while3A_85 = %while3A_68 to %while3A_74 step %while3A_75  : i32 {
      %mul3A_86 = arith.constant 2 : i32
      %mul3A_87 = arith.muli %mul3A_86, %while3A_85 : i32
      %add3A_88 = arith.addi %mul3A_32, %mul3A_87 : i32
      %mul3A_89 = arith.constant 0 : i32
      %mul3A_90 = vector.broadcast %mul3A_89 : i32 to vector<16xi32>
      %mul3A_91 = arith.muli %iota3A, %mul3A_90 : vector<16xi32>
      %add3A_92 = vector.broadcast %mul3A_87 : i32 to vector<16xi32>
      %add3A_93 = arith.addi %mul3A_91, %add3A_92 : vector<16xi32>
      %mul3A_94 = arith.constant 64 : i32
      %mul3A_95 = arith.muli %add3A_88, %mul3A_94 : i32
      %add3A_96 = arith.constant 0 : i32
      %add3A_97 = arith.addi %mul3A_95, %add3A_96 : i32
      %get3A = arith.index_cast %add3A_97 : i32 to index
      %get3A_98 = tpu.vector_load %arg8[%get3A] {strides = array<i32>} : memref<12544xi32, #tpu.memory_space<vmem>>, vector<16xi32>,
      %ge3A = arith.constant 0 : i32
      %ge3A_99 = vector.broadcast %ge3A : i32 to vector<16xi32>
      %ge3A_100 = arith.cmpi sge, %get3A_98, %ge3A_99 : vector<16xi32>
      %jit3A_101 = arith.constant 0 : i32
      %broadcast_in_dim3A = vector.broadcast %jit3A_101 : i32 to vector<16xi32>
      %select_n3A_102 = arith.select %ge3A_100, %get3A_98, %broadcast_in_dim3A : vector<16xi1>, vector<16xi32>
      %lt3A_103 = arith.constant 128 : i32
      %lt3A_104 = vector.broadcast %lt3A_103 : i32 to vector<16xi32>
      %lt3A_105 = arith.cmpi slt, %select_n3A_102, %lt3A_104 : vector<16xi32>
      %jit3A_106 = arith.constant 0 : i32
      %broadcast_in_dim3A_107 = vector.broadcast %jit3A_106 : i32 to vector<16xi32>
      %select_n3A_108 = arith.select %lt3A_105, %select_n3A_102, %broadcast_in_dim3A_107 : vector<16xi1>, vector<16xi32>
      %gather3A = tpu.vector_load_idx %arg6[%add3A_93, %select_n3A_108] : memref<104x128xf32, #tpu.memory_space<vmem>>[vector<16xi32>, vector<16xi32>], vector<16xf32>,
      %sub3A_109 = arith.constant 128 : i32
      %sub3A_110 = vector.broadcast %sub3A_109 : i32 to vector<16xi32>
      %sub3A_111 = arith.subi %select_n3A_102, %sub3A_110 : vector<16xi32>
      %jit3A_112 = arith.constant 0 : i32
      %broadcast_in_dim3A_113 = vector.broadcast %jit3A_112 : i32 to vector<16xi32>
      %select_n3A_114 = arith.select %lt3A_105, %broadcast_in_dim3A_113, %sub3A_111 : vector<16xi1>, vector<16xi32>
      %gather3A_115 = tpu.vector_load_idx %arg7[%add3A_93, %select_n3A_114] : memref<104x128xf32, #tpu.memory_space<vmem>>[vector<16xi32>, vector<16xi32>], vector<16xf32>,
      %select_n3A_116 = arith.select %lt3A_105, %gather3A, %gather3A_115 : vector<16xi1>, vector<16xf32>
      %jit3A_117 = arith.constant -1.000000e+30 : f32
      %broadcast_in_dim3A_118 = vector.broadcast %jit3A_117 : f32 to vector<16xf32>
      %select_n3A_119 = arith.select %ge3A_100, %select_n3A_116, %broadcast_in_dim3A_118 : vector<16xi1>, vector<16xf32>
      %masked_sort3A = arith.constant dense<true> : vector<16xi1>
      %masked_sort3A_120, %masked_sort3A_121, %masked_sort3A_122 = tpu.sort %select_n3A_119, %get3A_98 masked %masked_sort3A {descending = true} : (vector<16xf32>, vector<16xi32>, vector<16xi1>) -> (vector<16xi1>, vector<16xf32>, vector<16xi32>)
      %mul3A_123 = arith.constant 64 : i32
      %mul3A_124 = arith.muli %add3A_88, %mul3A_123 : i32
      %add3A_125 = arith.constant 16 : i32
      %add3A_126 = arith.addi %mul3A_124, %add3A_125 : i32
      %get3A_127 = arith.index_cast %add3A_126 : i32 to index
      %get3A_128 = tpu.vector_load %arg8[%get3A_127] {strides = array<i32>} : memref<12544xi32, #tpu.memory_space<vmem>>, vector<16xi32>,
      %ge3A_129 = arith.constant 0 : i32
      %ge3A_130 = vector.broadcast %ge3A_129 : i32 to vector<16xi32>
      %ge3A_131 = arith.cmpi sge, %get3A_128, %ge3A_130 : vector<16xi32>
      %jit3A_132 = arith.constant 0 : i32
      %broadcast_in_dim3A_133 = vector.broadcast %jit3A_132 : i32 to vector<16xi32>
      %select_n3A_134 = arith.select %ge3A_131, %get3A_128, %broadcast_in_dim3A_133 : vector<16xi1>, vector<16xi32>
      %lt3A_135 = arith.constant 128 : i32
      %lt3A_136 = vector.broadcast %lt3A_135 : i32 to vector<16xi32>
      %lt3A_137 = arith.cmpi slt, %select_n3A_134, %lt3A_136 : vector<16xi32>
      %jit3A_138 = arith.constant 0 : i32
      %broadcast_in_dim3A_139 = vector.broadcast %jit3A_138 : i32 to vector<16xi32>
      %select_n3A_140 = arith.select %lt3A_137, %select_n3A_134, %broadcast_in_dim3A_139 : vector<16xi1>, vector<16xi32>
      %gather3A_141 = tpu.vector_load_idx %arg6[%add3A_93, %select_n3A_140] : memref<104x128xf32, #tpu.memory_space<vmem>>[vector<16xi32>, vector<16xi32>], vector<16xf32>,
      %sub3A_142 = arith.constant 128 : i32
      %sub3A_143 = vector.broadcast %sub3A_142 : i32 to vector<16xi32>
      %sub3A_144 = arith.subi %select_n3A_134, %sub3A_143 : vector<16xi32>
      %jit3A_145 = arith.constant 0 : i32
      %broadcast_in_dim3A_146 = vector.broadcast %jit3A_145 : i32 to vector<16xi32>
      %select_n3A_147 = arith.select %lt3A_137, %broadcast_in_dim3A_146, %sub3A_144 : vector<16xi1>, vector<16xi32>
      %gather3A_148 = tpu.vector_load_idx %arg7[%add3A_93, %select_n3A_147] : memref<104x128xf32, #tpu.memory_space<vmem>>[vector<16xi32>, vector<16xi32>], vector<16xf32>,
      %select_n3A_149 = arith.select %lt3A_137, %gather3A_141, %gather3A_148 : vector<16xi1>, vector<16xf32>
      %jit3A_150 = arith.constant -1.000000e+30 : f32
      %broadcast_in_dim3A_151 = vector.broadcast %jit3A_150 : f32 to vector<16xf32>
      %select_n3A_152 = arith.select %ge3A_131, %select_n3A_149, %broadcast_in_dim3A_151 : vector<16xi1>, vector<16xf32>
      %masked_sort3A_153 = arith.constant dense<true> : vector<16xi1>
      %masked_sort3A_154, %masked_sort3A_155, %masked_sort3A_156 = tpu.sort %select_n3A_152, %get3A_128 masked %masked_sort3A_153 {descending = true} : (vector<16xf32>, vector<16xi32>, vector<16xi1>) -> (vector<16xi1>, vector<16xf32>, vector<16xi32>)
      %mul3A_157 = arith.constant 64 : i32
      %mul3A_158 = arith.muli %add3A_88, %mul3A_157 : i32
      %add3A_159 = arith.constant 32 : i32
      %add3A_160 = arith.addi %mul3A_158, %add3A_159 : i32
      %get3A_161 = arith.index_cast %add3A_160 : i32 to index
      %get3A_162 = tpu.vector_load %arg8[%get3A_161] {strides = array<i32>} : memref<12544xi32, #tpu.memory_space<vmem>>, vector<16xi32>,
      %ge3A_163 = arith.constant 0 : i32
      %ge3A_164 = vector.broadcast %ge3A_163 : i32 to vector<16xi32>
      %ge3A_165 = arith.cmpi sge, %get3A_162, %ge3A_164 : vector<16xi32>
      %jit3A_166 = arith.constant 0 : i32
      %broadcast_in_dim3A_167 = vector.broadcast %jit3A_166 : i32 to vector<16xi32>
      %select_n3A_168 = arith.select %ge3A_165, %get3A_162, %broadcast_in_dim3A_167 : vector<16xi1>, vector<16xi32>
      %lt3A_169 = arith.constant 128 : i32
      %lt3A_170 = vector.broadcast %lt3A_169 : i32 to vector<16xi32>
      %lt3A_171 = arith.cmpi slt, %select_n3A_168, %lt3A_170 : vector<16xi32>
      %jit3A_172 = arith.constant 0 : i32
      %broadcast_in_dim3A_173 = vector.broadcast %jit3A_172 : i32 to vector<16xi32>
      %select_n3A_174 = arith.select %lt3A_171, %select_n3A_168, %broadcast_in_dim3A_173 : vector<16xi1>, vector<16xi32>
      %gather3A_175 = tpu.vector_load_idx %arg6[%add3A_93, %select_n3A_174] : memref<104x128xf32, #tpu.memory_space<vmem>>[vector<16xi32>, vector<16xi32>], vector<16xf32>,
      %sub3A_176 = arith.constant 128 : i32
      %sub3A_177 = vector.broadcast %sub3A_176 : i32 to vector<16xi32>
      %sub3A_178 = arith.subi %select_n3A_168, %sub3A_177 : vector<16xi32>
      %jit3A_179 = arith.constant 0 : i32
      %broadcast_in_dim3A_180 = vector.broadcast %jit3A_179 : i32 to vector<16xi32>
      %select_n3A_181 = arith.select %lt3A_171, %broadcast_in_dim3A_180, %sub3A_178 : vector<16xi1>, vector<16xi32>
      %gather3A_182 = tpu.vector_load_idx %arg7[%add3A_93, %select_n3A_181] : memref<104x128xf32, #tpu.memory_space<vmem>>[vector<16xi32>, vector<16xi32>], vector<16xf32>,
      %select_n3A_183 = arith.select %lt3A_171, %gather3A_175, %gather3A_182 : vector<16xi1>, vector<16xf32>
      %jit3A_184 = arith.constant -1.000000e+30 : f32
      %broadcast_in_dim3A_185 = vector.broadcast %jit3A_184 : f32 to vector<16xf32>
      %select_n3A_186 = arith.select %ge3A_165, %select_n3A_183, %broadcast_in_dim3A_185 : vector<16xi1>, vector<16xf32>
      %masked_sort3A_187 = arith.constant dense<true> : vector<16xi1>
      %masked_sort3A_188, %masked_sort3A_189, %masked_sort3A_190 = tpu.sort %select_n3A_186, %get3A_162 masked %masked_sort3A_187 {descending = true} : (vector<16xf32>, vector<16xi32>, vector<16xi1>) -> (vector<16xi1>, vector<16xf32>, vector<16xi32>)
      %mul3A_191 = arith.constant 64 : i32
      %mul3A_192 = arith.muli %add3A_88, %mul3A_191 : i32
      %add3A_193 = arith.constant 48 : i32
      %add3A_194 = arith.addi %mul3A_192, %add3A_193 : i32
      %get3A_195 = arith.index_cast %add3A_194 : i32 to index
      %get3A_196 = tpu.vector_load %arg8[%get3A_195] {strides = array<i32>} : memref<12544xi32, #tpu.memory_space<vmem>>, vector<16xi32>,
      %ge3A_197 = arith.constant 0 : i32
      %ge3A_198 = vector.broadcast %ge3A_197 : i32 to vector<16xi32>
      %ge3A_199 = arith.cmpi sge, %get3A_196, %ge3A_198 : vector<16xi32>
      %jit3A_200 = arith.constant 0 : i32
      %broadcast_in_dim3A_201 = vector.broadcast %jit3A_200 : i32 to vector<16xi32>
      %select_n3A_202 = arith.select %ge3A_199, %get3A_196, %broadcast_in_dim3A_201 : vector<16xi1>, vector<16xi32>
      %lt3A_203 = arith.constant 128 : i32
      %lt3A_204 = vector.broadcast %lt3A_203 : i32 to vector<16xi32>
      %lt3A_205 = arith.cmpi slt, %select_n3A_202, %lt3A_204 : vector<16xi32>
      %jit3A_206 = arith.constant 0 : i32
      %broadcast_in_dim3A_207 = vector.broadcast %jit3A_206 : i32 to vector<16xi32>
      %select_n3A_208 = arith.select %lt3A_205, %select_n3A_202, %broadcast_in_dim3A_207 : vector<16xi1>, vector<16xi32>
      %gather3A_209 = tpu.vector_load_idx %arg6[%add3A_93, %select_n3A_208] : memref<104x128xf32, #tpu.memory_space<vmem>>[vector<16xi32>, vector<16xi32>], vector<16xf32>,
      %sub3A_210 = arith.constant 128 : i32
      %sub3A_211 = vector.broadcast %sub3A_210 : i32 to vector<16xi32>
      %sub3A_212 = arith.subi %select_n3A_202, %sub3A_211 : vector<16xi32>
      %jit3A_213 = arith.constant 0 : i32
      %broadcast_in_dim3A_214 = vector.broadcast %jit3A_213 : i32 to vector<16xi32>
      %select_n3A_215 = arith.select %lt3A_205, %broadcast_in_dim3A_214, %sub3A_212 : vector<16xi1>, vector<16xi32>
      %gather3A_216 = tpu.vector_load_idx %arg7[%add3A_93, %select_n3A_215] : memref<104x128xf32, #tpu.memory_space<vmem>>[vector<16xi32>, vector<16xi32>], vector<16xf32>,
      %select_n3A_217 = arith.select %lt3A_205, %gather3A_209, %gather3A_216 : vector<16xi1>, vector<16xf32>
      %jit3A_218 = arith.constant -1.000000e+30 : f32
      %broadcast_in_dim3A_219 = vector.broadcast %jit3A_218 : f32 to vector<16xf32>
      %select_n3A_220 = arith.select %ge3A_199, %select_n3A_217, %broadcast_in_dim3A_219 : vector<16xi1>, vector<16xf32>
      %rev3A = arith.constant 15 : i32
      %rev3A_221 = vector.broadcast %rev3A : i32 to vector<16xi32>
      %rev3A_222 = tpu.iota {dimensions = array<i32: 0>} : vector<16xi32>
      %rev3A_223 = arith.subi %rev3A_221, %rev3A_222 : vector<16xi32>
      %rev3A_224 = tpu.dynamic_gather %masked_sort3A_155[%rev3A_223] in [0] : vector<16xf32>, vector<16xi32> -> vector<16xf32>
      %rev3A_225 = arith.constant 15 : i32
      %rev3A_226 = vector.broadcast %rev3A_225 : i32 to vector<16xi32>
      %rev3A_227 = tpu.iota {dimensions = array<i32: 0>} : vector<16xi32>
      %rev3A_228 = arith.subi %rev3A_226, %rev3A_227 : vector<16xi32>
      %rev3A_229 = tpu.dynamic_gather %masked_sort3A_156[%rev3A_228] in [0] : vector<16xi32>, vector<16xi32> -> vector<16xi32>
      %ge3A_230 = arith.cmpf oge, %masked_sort3A_121, %rev3A_224 : vector<16xf32>
      %select_n3A_231 = arith.select %ge3A_230, %masked_sort3A_121, %rev3A_224 : vector<16xi1>, vector<16xf32>
      %select_n3A_232 = arith.select %ge3A_230, %masked_sort3A_122, %rev3A_229 : vector<16xi1>, vector<16xi32>
      %masked_sort3A_233 = arith.constant dense<true> : vector<16xi1>
      %masked_sort3A_234, %masked_sort3A_235, %masked_sort3A_236 = tpu.sort %select_n3A_231, %select_n3A_232 masked %masked_sort3A_233 {descending = true} : (vector<16xf32>, vector<16xi32>, vector<16xi1>) -> (vector<16xi1>, vector<16xf32>, vector<16xi32>)
      %rev3A_237 = arith.constant 15 : i32
      %rev3A_238 = vector.broadcast %rev3A_237 : i32 to vector<16xi32>
      %rev3A_239 = tpu.iota {dimensions = array<i32: 0>} : vector<16xi32>
      %rev3A_240 = arith.subi %rev3A_238, %rev3A_239 : vector<16xi32>
      %rev3A_241 = tpu.dynamic_gather %select_n3A_220[%rev3A_240] in [0] : vector<16xf32>, vector<16xi32> -> vector<16xf32>
      %rev3A_242 = arith.constant 15 : i32
      %rev3A_243 = vector.broadcast %rev3A_242 : i32 to vector<16xi32>
      %rev3A_244 = tpu.iota {dimensions = array<i32: 0>} : vector<16xi32>
      %rev3A_245 = arith.subi %rev3A_243, %rev3A_244 : vector<16xi32>
      %rev3A_246 = tpu.dynamic_gather %get3A_196[%rev3A_245] in [0] : vector<16xi32>, vector<16xi32> -> vector<16xi32>
      %ge3A_247 = arith.cmpf oge, %masked_sort3A_189, %rev3A_241 : vector<16xf32>
      %select_n3A_248 = arith.select %ge3A_247, %masked_sort3A_189, %rev3A_241 : vector<16xi1>, vector<16xf32>
      %select_n3A_249 = arith.select %ge3A_247, %masked_sort3A_190, %rev3A_246 : vector<16xi1>, vector<16xi32>
      %masked_sort3A_250 = arith.constant dense<true> : vector<16xi1>
      %masked_sort3A_251, %masked_sort3A_252, %masked_sort3A_253 = tpu.sort %select_n3A_248, %select_n3A_249 masked %masked_sort3A_250 {descending = true} : (vector<16xf32>, vector<16xi32>, vector<16xi1>) -> (vector<16xi1>, vector<16xf32>, vector<16xi32>)
      %rev3A_254 = arith.constant 15 : i32
      %rev3A_255 = vector.broadcast %rev3A_254 : i32 to vector<16xi32>
      %rev3A_256 = tpu.iota {dimensions = array<i32: 0>} : vector<16xi32>
      %rev3A_257 = arith.subi %rev3A_255, %rev3A_256 : vector<16xi32>
      %rev3A_258 = tpu.dynamic_gather %masked_sort3A_252[%rev3A_257] in [0] : vector<16xf32>, vector<16xi32> -> vector<16xf32>
      %rev3A_259 = arith.constant 15 : i32
      %rev3A_260 = vector.broadcast %rev3A_259 : i32 to vector<16xi32>
      %rev3A_261 = tpu.iota {dimensions = array<i32: 0>} : vector<16xi32>
      %rev3A_262 = arith.subi %rev3A_260, %rev3A_261 : vector<16xi32>
      %rev3A_263 = tpu.dynamic_gather %masked_sort3A_253[%rev3A_262] in [0] : vector<16xi32>, vector<16xi32> -> vector<16xi32>
      %ge3A_264 = arith.cmpf oge, %masked_sort3A_235, %rev3A_258 : vector<16xf32>
      %select_n3A_265 = arith.select %ge3A_264, %masked_sort3A_235, %rev3A_258 : vector<16xi1>, vector<16xf32>
      %select_n3A_266 = arith.select %ge3A_264, %masked_sort3A_236, %rev3A_263 : vector<16xi1>, vector<16xi32>
      %masked_sort3A_267 = arith.constant dense<true> : vector<16xi1>
      %masked_sort3A_268, %masked_sort3A_269, %masked_sort3A_270 = tpu.sort %select_n3A_265, %select_n3A_266 masked %masked_sort3A_267 {descending = true} : (vector<16xf32>, vector<16xi32>, vector<16xi1>) -> (vector<16xi1>, vector<16xf32>, vector<16xi32>)
      %lt3A_271 = arith.constant 9 : i32
      %lt3A_272 = vector.broadcast %lt3A_271 : i32 to vector<16xi32>
      %lt3A_273 = arith.cmpi slt, %iota3A, %lt3A_272 : vector<16xi32>
      %jit3A_274 = arith.constant 1073741824 : i32
      %broadcast_in_dim3A_275 = vector.broadcast %jit3A_274 : i32 to vector<16xi32>
      %select_n3A_276 = arith.select %lt3A_273, %masked_sort3A_270, %broadcast_in_dim3A_275 : vector<16xi1>, vector<16xi32>
      %masked_sort3A_277 = arith.constant dense<true> : vector<16xi1>
      %masked_sort3A_278 = arith.constant -2147483648 : i32
      %masked_sort3A_279 = vector.broadcast %masked_sort3A_278 : i32 to vector<16xi32>
      %masked_sort3A_280 = arith.xori %select_n3A_276, %masked_sort3A_279 : vector<16xi32>
      %masked_sort3A_281, %masked_sort3A_282, %masked_sort3A_283 = tpu.sort %masked_sort3A_280, %select_n3A_276 masked %masked_sort3A_277 : (vector<16xi32>, vector<16xi32>, vector<16xi1>) -> (vector<16xi1>, vector<16xi32>, vector<16xi32>)
      %masked_sort3A_284 = arith.xori %masked_sort3A_282, %masked_sort3A_279 : vector<16xi32>
      %mul3A_285 = arith.constant 128 : i32
      %mul3A_286 = arith.muli %mul3A_87, %mul3A_285 : i32
      %swap3A = arith.index_cast %mul3A_286 : i32 to index
      %swap3A_287 = tpu.vector_load %arg9[%swap3A] {strides = array<i32>} : memref<13312xi32, #tpu.memory_space<vmem>>, vector<16xi32>,
      tpu.vector_store %arg9[%swap3A], %masked_sort3A_284 {strides = array<i32>} : memref<13312xi32, #tpu.memory_space<vmem>>, vector<16xi32>,
      %mul3A_288 = arith.constant 2 : i32
      %mul3A_289 = arith.muli %mul3A_288, %while3A_85 : i32
      %add3A_290 = arith.constant 1 : i32
      %add3A_291 = arith.addi %mul3A_289, %add3A_290 : i32
      %add3A_292 = arith.addi %mul3A_32, %add3A_291 : i32
      %mul3A_293 = arith.constant 0 : i32
      %mul3A_294 = vector.broadcast %mul3A_293 : i32 to vector<16xi32>
      %mul3A_295 = arith.muli %iota3A, %mul3A_294 : vector<16xi32>
      %add3A_296 = vector.broadcast %add3A_291 : i32 to vector<16xi32>
      %add3A_297 = arith.addi %mul3A_295, %add3A_296 : vector<16xi32>
      %mul3A_298 = arith.constant 64 : i32
      %mul3A_299 = arith.muli %add3A_292, %mul3A_298 : i32
      %add3A_300 = arith.constant 0 : i32
      %add3A_301 = arith.addi %mul3A_299, %add3A_300 : i32
      %get3A_302 = arith.index_cast %add3A_301 : i32 to index
      %get3A_303 = tpu.vector_load %arg8[%get3A_302] {strides = array<i32>} : memref<12544xi32, #tpu.memory_space<vmem>>, vector<16xi32>,
      %ge3A_304 = arith.constant 0 : i32
      %ge3A_305 = vector.broadcast %ge3A_304 : i32 to vector<16xi32>
      %ge3A_306 = arith.cmpi sge, %get3A_303, %ge3A_305 : vector<16xi32>
      %jit3A_307 = arith.constant 0 : i32
      %broadcast_in_dim3A_308 = vector.broadcast %jit3A_307 : i32 to vector<16xi32>
      %select_n3A_309 = arith.select %ge3A_306, %get3A_303, %broadcast_in_dim3A_308 : vector<16xi1>, vector<16xi32>
      %lt3A_310 = arith.constant 128 : i32
      %lt3A_311 = vector.broadcast %lt3A_310 : i32 to vector<16xi32>
      %lt3A_312 = arith.cmpi slt, %select_n3A_309, %lt3A_311 : vector<16xi32>
      %jit3A_313 = arith.constant 0 : i32
      %broadcast_in_dim3A_314 = vector.broadcast %jit3A_313 : i32 to vector<16xi32>
      %select_n3A_315 = arith.select %lt3A_312, %select_n3A_309, %broadcast_in_dim3A_314 : vector<16xi1>, vector<16xi32>
      %gather3A_316 = tpu.vector_load_idx %arg6[%add3A_297, %select_n3A_315] : memref<104x128xf32, #tpu.memory_space<vmem>>[vector<16xi32>, vector<16xi32>], vector<16xf32>,
      %sub3A_317 = arith.constant 128 : i32
      %sub3A_318 = vector.broadcast %sub3A_317 : i32 to vector<16xi32>
      %sub3A_319 = arith.subi %select_n3A_309, %sub3A_318 : vector<16xi32>
      %jit3A_320 = arith.constant 0 : i32
      %broadcast_in_dim3A_321 = vector.broadcast %jit3A_320 : i32 to vector<16xi32>
      %select_n3A_322 = arith.select %lt3A_312, %broadcast_in_dim3A_321, %sub3A_319 : vector<16xi1>, vector<16xi32>
      %gather3A_323 = tpu.vector_load_idx %arg7[%add3A_297, %select_n3A_322] : memref<104x128xf32, #tpu.memory_space<vmem>>[vector<16xi32>, vector<16xi32>], vector<16xf32>,
      %select_n3A_324 = arith.select %lt3A_312, %gather3A_316, %gather3A_323 : vector<16xi1>, vector<16xf32>
      %jit3A_325 = arith.constant -1.000000e+30 : f32
      %broadcast_in_dim3A_326 = vector.broadcast %jit3A_325 : f32 to vector<16xf32>
      %select_n3A_327 = arith.select %ge3A_306, %select_n3A_324, %broadcast_in_dim3A_326 : vector<16xi1>, vector<16xf32>
      %masked_sort3A_328 = arith.constant dense<true> : vector<16xi1>
      %masked_sort3A_329, %masked_sort3A_330, %masked_sort3A_331 = tpu.sort %select_n3A_327, %get3A_303 masked %masked_sort3A_328 {descending = true} : (vector<16xf32>, vector<16xi32>, vector<16xi1>) -> (vector<16xi1>, vector<16xf32>, vector<16xi32>)
      %mul3A_332 = arith.constant 64 : i32
      %mul3A_333 = arith.muli %add3A_292, %mul3A_332 : i32
      %add3A_334 = arith.constant 16 : i32
      %add3A_335 = arith.addi %mul3A_333, %add3A_334 : i32
      %get3A_336 = arith.index_cast %add3A_335 : i32 to index
      %get3A_337 = tpu.vector_load %arg8[%get3A_336] {strides = array<i32>} : memref<12544xi32, #tpu.memory_space<vmem>>, vector<16xi32>,
      %ge3A_338 = arith.constant 0 : i32
      %ge3A_339 = vector.broadcast %ge3A_338 : i32 to vector<16xi32>
      %ge3A_340 = arith.cmpi sge, %get3A_337, %ge3A_339 : vector<16xi32>
      %jit3A_341 = arith.constant 0 : i32
      %broadcast_in_dim3A_342 = vector.broadcast %jit3A_341 : i32 to vector<16xi32>
      %select_n3A_343 = arith.select %ge3A_340, %get3A_337, %broadcast_in_dim3A_342 : vector<16xi1>, vector<16xi32>
      %lt3A_344 = arith.constant 128 : i32
      %lt3A_345 = vector.broadcast %lt3A_344 : i32 to vector<16xi32>
      %lt3A_346 = arith.cmpi slt, %select_n3A_343, %lt3A_345 : vector<16xi32>
      %jit3A_347 = arith.constant 0 : i32
      %broadcast_in_dim3A_348 = vector.broadcast %jit3A_347 : i32 to vector<16xi32>
      %select_n3A_349 = arith.select %lt3A_346, %select_n3A_343, %broadcast_in_dim3A_348 : vector<16xi1>, vector<16xi32>
      %gather3A_350 = tpu.vector_load_idx %arg6[%add3A_297, %select_n3A_349] : memref<104x128xf32, #tpu.memory_space<vmem>>[vector<16xi32>, vector<16xi32>], vector<16xf32>,
      %sub3A_351 = arith.constant 128 : i32
      %sub3A_352 = vector.broadcast %sub3A_351 : i32 to vector<16xi32>
      %sub3A_353 = arith.subi %select_n3A_343, %sub3A_352 : vector<16xi32>
      %jit3A_354 = arith.constant 0 : i32
      %broadcast_in_dim3A_355 = vector.broadcast %jit3A_354 : i32 to vector<16xi32>
      %select_n3A_356 = arith.select %lt3A_346, %broadcast_in_dim3A_355, %sub3A_353 : vector<16xi1>, vector<16xi32>
      %gather3A_357 = tpu.vector_load_idx %arg7[%add3A_297, %select_n3A_356] : memref<104x128xf32, #tpu.memory_space<vmem>>[vector<16xi32>, vector<16xi32>], vector<16xf32>,
      %select_n3A_358 = arith.select %lt3A_346, %gather3A_350, %gather3A_357 : vector<16xi1>, vector<16xf32>
      %jit3A_359 = arith.constant -1.000000e+30 : f32
      %broadcast_in_dim3A_360 = vector.broadcast %jit3A_359 : f32 to vector<16xf32>
      %select_n3A_361 = arith.select %ge3A_340, %select_n3A_358, %broadcast_in_dim3A_360 : vector<16xi1>, vector<16xf32>
      %masked_sort3A_362 = arith.constant dense<true> : vector<16xi1>
      %masked_sort3A_363, %masked_sort3A_364, %masked_sort3A_365 = tpu.sort %select_n3A_361, %get3A_337 masked %masked_sort3A_362 {descending = true} : (vector<16xf32>, vector<16xi32>, vector<16xi1>) -> (vector<16xi1>, vector<16xf32>, vector<16xi32>)
      %mul3A_366 = arith.constant 64 : i32
      %mul3A_367 = arith.muli %add3A_292, %mul3A_366 : i32
      %add3A_368 = arith.constant 32 : i32
      %add3A_369 = arith.addi %mul3A_367, %add3A_368 : i32
      %get3A_370 = arith.index_cast %add3A_369 : i32 to index
      %get3A_371 = tpu.vector_load %arg8[%get3A_370] {strides = array<i32>} : memref<12544xi32, #tpu.memory_space<vmem>>, vector<16xi32>,
      %ge3A_372 = arith.constant 0 : i32
      %ge3A_373 = vector.broadcast %ge3A_372 : i32 to vector<16xi32>
      %ge3A_374 = arith.cmpi sge, %get3A_371, %ge3A_373 : vector<16xi32>
      %jit3A_375 = arith.constant 0 : i32
      %broadcast_in_dim3A_376 = vector.broadcast %jit3A_375 : i32 to vector<16xi32>
      %select_n3A_377 = arith.select %ge3A_374, %get3A_371, %broadcast_in_dim3A_376 : vector<16xi1>, vector<16xi32>
      %lt3A_378 = arith.constant 128 : i32
      %lt3A_379 = vector.broadcast %lt3A_378 : i32 to vector<16xi32>
      %lt3A_380 = arith.cmpi slt, %select_n3A_377, %lt3A_379 : vector<16xi32>
      %jit3A_381 = arith.constant 0 : i32
      %broadcast_in_dim3A_382 = vector.broadcast %jit3A_381 : i32 to vector<16xi32>
      %select_n3A_383 = arith.select %lt3A_380, %select_n3A_377, %broadcast_in_dim3A_382 : vector<16xi1>, vector<16xi32>
      %gather3A_384 = tpu.vector_load_idx %arg6[%add3A_297, %select_n3A_383] : memref<104x128xf32, #tpu.memory_space<vmem>>[vector<16xi32>, vector<16xi32>], vector<16xf32>,
      %sub3A_385 = arith.constant 128 : i32
      %sub3A_386 = vector.broadcast %sub3A_385 : i32 to vector<16xi32>
      %sub3A_387 = arith.subi %select_n3A_377, %sub3A_386 : vector<16xi32>
      %jit3A_388 = arith.constant 0 : i32
      %broadcast_in_dim3A_389 = vector.broadcast %jit3A_388 : i32 to vector<16xi32>
      %select_n3A_390 = arith.select %lt3A_380, %broadcast_in_dim3A_389, %sub3A_387 : vector<16xi1>, vector<16xi32>
      %gather3A_391 = tpu.vector_load_idx %arg7[%add3A_297, %select_n3A_390] : memref<104x128xf32, #tpu.memory_space<vmem>>[vector<16xi32>, vector<16xi32>], vector<16xf32>,
      %select_n3A_392 = arith.select %lt3A_380, %gather3A_384, %gather3A_391 : vector<16xi1>, vector<16xf32>
      %jit3A_393 = arith.constant -1.000000e+30 : f32
      %broadcast_in_dim3A_394 = vector.broadcast %jit3A_393 : f32 to vector<16xf32>
      %select_n3A_395 = arith.select %ge3A_374, %select_n3A_392, %broadcast_in_dim3A_394 : vector<16xi1>, vector<16xf32>
      %masked_sort3A_396 = arith.constant dense<true> : vector<16xi1>
      %masked_sort3A_397, %masked_sort3A_398, %masked_sort3A_399 = tpu.sort %select_n3A_395, %get3A_371 masked %masked_sort3A_396 {descending = true} : (vector<16xf32>, vector<16xi32>, vector<16xi1>) -> (vector<16xi1>, vector<16xf32>, vector<16xi32>)
      %mul3A_400 = arith.constant 64 : i32
      %mul3A_401 = arith.muli %add3A_292, %mul3A_400 : i32
      %add3A_402 = arith.constant 48 : i32
      %add3A_403 = arith.addi %mul3A_401, %add3A_402 : i32
      %get3A_404 = arith.index_cast %add3A_403 : i32 to index
      %get3A_405 = tpu.vector_load %arg8[%get3A_404] {strides = array<i32>} : memref<12544xi32, #tpu.memory_space<vmem>>, vector<16xi32>,
      %ge3A_406 = arith.constant 0 : i32
      %ge3A_407 = vector.broadcast %ge3A_406 : i32 to vector<16xi32>
      %ge3A_408 = arith.cmpi sge, %get3A_405, %ge3A_407 : vector<16xi32>
      %jit3A_409 = arith.constant 0 : i32
      %broadcast_in_dim3A_410 = vector.broadcast %jit3A_409 : i32 to vector<16xi32>
      %select_n3A_411 = arith.select %ge3A_408, %get3A_405, %broadcast_in_dim3A_410 : vector<16xi1>, vector<16xi32>
      %lt3A_412 = arith.constant 128 : i32
      %lt3A_413 = vector.broadcast %lt3A_412 : i32 to vector<16xi32>
      %lt3A_414 = arith.cmpi slt, %select_n3A_411, %lt3A_413 : vector<16xi32>
      %jit3A_415 = arith.constant 0 : i32
      %broadcast_in_dim3A_416 = vector.broadcast %jit3A_415 : i32 to vector<16xi32>
      %select_n3A_417 = arith.select %lt3A_414, %select_n3A_411, %broadcast_in_dim3A_416 : vector<16xi1>, vector<16xi32>
      %gather3A_418 = tpu.vector_load_idx %arg6[%add3A_297, %select_n3A_417] : memref<104x128xf32, #tpu.memory_space<vmem>>[vector<16xi32>, vector<16xi32>], vector<16xf32>,
      %sub3A_419 = arith.constant 128 : i32
      %sub3A_420 = vector.broadcast %sub3A_419 : i32 to vector<16xi32>
      %sub3A_421 = arith.subi %select_n3A_411, %sub3A_420 : vector<16xi32>
      %jit3A_422 = arith.constant 0 : i32
      %broadcast_in_dim3A_423 = vector.broadcast %jit3A_422 : i32 to vector<16xi32>
      %select_n3A_424 = arith.select %lt3A_414, %broadcast_in_dim3A_423, %sub3A_421 : vector<16xi1>, vector<16xi32>
      %gather3A_425 = tpu.vector_load_idx %arg7[%add3A_297, %select_n3A_424] : memref<104x128xf32, #tpu.memory_space<vmem>>[vector<16xi32>, vector<16xi32>], vector<16xf32>,
      %select_n3A_426 = arith.select %lt3A_414, %gather3A_418, %gather3A_425 : vector<16xi1>, vector<16xf32>
      %jit3A_427 = arith.constant -1.000000e+30 : f32
      %broadcast_in_dim3A_428 = vector.broadcast %jit3A_427 : f32 to vector<16xf32>
      %select_n3A_429 = arith.select %ge3A_408, %select_n3A_426, %broadcast_in_dim3A_428 : vector<16xi1>, vector<16xf32>
      %rev3A_430 = arith.constant 15 : i32
      %rev3A_431 = vector.broadcast %rev3A_430 : i32 to vector<16xi32>
      %rev3A_432 = tpu.iota {dimensions = array<i32: 0>} : vector<16xi32>
      %rev3A_433 = arith.subi %rev3A_431, %rev3A_432 : vector<16xi32>
      %rev3A_434 = tpu.dynamic_gather %masked_sort3A_364[%rev3A_433] in [0] : vector<16xf32>, vector<16xi32> -> vector<16xf32>
      %rev3A_435 = arith.constant 15 : i32
      %rev3A_436 = vector.broadcast %rev3A_435 : i32 to vector<16xi32>
      %rev3A_437 = tpu.iota {dimensions = array<i32: 0>} : vector<16xi32>
      %rev3A_438 = arith.subi %rev3A_436, %rev3A_437 : vector<16xi32>
      %rev3A_439 = tpu.dynamic_gather %masked_sort3A_365[%rev3A_438] in [0] : vector<16xi32>, vector<16xi32> -> vector<16xi32>
      %ge3A_440 = arith.cmpf oge, %masked_sort3A_330, %rev3A_434 : vector<16xf32>
      %select_n3A_441 = arith.select %ge3A_440, %masked_sort3A_330, %rev3A_434 : vector<16xi1>, vector<16xf32>
      %select_n3A_442 = arith.select %ge3A_440, %masked_sort3A_331, %rev3A_439 : vector<16xi1>, vector<16xi32>
      %masked_sort3A_443 = arith.constant dense<true> : vector<16xi1>
      %masked_sort3A_444, %masked_sort3A_445, %masked_sort3A_446 = tpu.sort %select_n3A_441, %select_n3A_442 masked %masked_sort3A_443 {descending = true} : (vector<16xf32>, vector<16xi32>, vector<16xi1>) -> (vector<16xi1>, vector<16xf32>, vector<16xi32>)
      %rev3A_447 = arith.constant 15 : i32
      %rev3A_448 = vector.broadcast %rev3A_447 : i32 to vector<16xi32>
      %rev3A_449 = tpu.iota {dimensions = array<i32: 0>} : vector<16xi32>
      %rev3A_450 = arith.subi %rev3A_448, %rev3A_449 : vector<16xi32>
      %rev3A_451 = tpu.dynamic_gather %select_n3A_429[%rev3A_450] in [0] : vector<16xf32>, vector<16xi32> -> vector<16xf32>
      %rev3A_452 = arith.constant 15 : i32
      %rev3A_453 = vector.broadcast %rev3A_452 : i32 to vector<16xi32>
      %rev3A_454 = tpu.iota {dimensions = array<i32: 0>} : vector<16xi32>
      %rev3A_455 = arith.subi %rev3A_453, %rev3A_454 : vector<16xi32>
      %rev3A_456 = tpu.dynamic_gather %get3A_405[%rev3A_455] in [0] : vector<16xi32>, vector<16xi32> -> vector<16xi32>
      %ge3A_457 = arith.cmpf oge, %masked_sort3A_398, %rev3A_451 : vector<16xf32>
      %select_n3A_458 = arith.select %ge3A_457, %masked_sort3A_398, %rev3A_451 : vector<16xi1>, vector<16xf32>
      %select_n3A_459 = arith.select %ge3A_457, %masked_sort3A_399, %rev3A_456 : vector<16xi1>, vector<16xi32>
      %masked_sort3A_460 = arith.constant dense<true> : vector<16xi1>
      %masked_sort3A_461, %masked_sort3A_462, %masked_sort3A_463 = tpu.sort %select_n3A_458, %select_n3A_459 masked %masked_sort3A_460 {descending = true} : (vector<16xf32>, vector<16xi32>, vector<16xi1>) -> (vector<16xi1>, vector<16xf32>, vector<16xi32>)
      %rev3A_464 = arith.constant 15 : i32
      %rev3A_465 = vector.broadcast %rev3A_464 : i32 to vector<16xi32>
      %rev3A_466 = tpu.iota {dimensions = array<i32: 0>} : vector<16xi32>
      %rev3A_467 = arith.subi %rev3A_465, %rev3A_466 : vector<16xi32>
      %rev3A_468 = tpu.dynamic_gather %masked_sort3A_462[%rev3A_467] in [0] : vector<16xf32>, vector<16xi32> -> vector<16xf32>
      %rev3A_469 = arith.constant 15 : i32
      %rev3A_470 = vector.broadcast %rev3A_469 : i32 to vector<16xi32>
      %rev3A_471 = tpu.iota {dimensions = array<i32: 0>} : vector<16xi32>
      %rev3A_472 = arith.subi %rev3A_470, %rev3A_471 : vector<16xi32>
      %rev3A_473 = tpu.dynamic_gather %masked_sort3A_463[%rev3A_472] in [0] : vector<16xi32>, vector<16xi32> -> vector<16xi32>
      %ge3A_474 = arith.cmpf oge, %masked_sort3A_445, %rev3A_468 : vector<16xf32>
      %select_n3A_475 = arith.select %ge3A_474, %masked_sort3A_445, %rev3A_468 : vector<16xi1>, vector<16xf32>
      %select_n3A_476 = arith.select %ge3A_474, %masked_sort3A_446, %rev3A_473 : vector<16xi1>, vector<16xi32>
      %masked_sort3A_477 = arith.constant dense<true> : vector<16xi1>
      %masked_sort3A_478, %masked_sort3A_479, %masked_sort3A_480 = tpu.sort %select_n3A_475, %select_n3A_476 masked %masked_sort3A_477 {descending = true} : (vector<16xf32>, vector<16xi32>, vector<16xi1>) -> (vector<16xi1>, vector<16xf32>, vector<16xi32>)
      %lt3A_481 = arith.constant 9 : i32
      %lt3A_482 = vector.broadcast %lt3A_481 : i32 to vector<16xi32>
      %lt3A_483 = arith.cmpi slt, %iota3A, %lt3A_482 : vector<16xi32>
      %jit3A_484 = arith.constant 1073741824 : i32
      %broadcast_in_dim3A_485 = vector.broadcast %jit3A_484 : i32 to vector<16xi32>
      %select_n3A_486 = arith.select %lt3A_483, %masked_sort3A_480, %broadcast_in_dim3A_485 : vector<16xi1>, vector<16xi32>
      %masked_sort3A_487 = arith.constant dense<true> : vector<16xi1>
      %masked_sort3A_488 = arith.constant -2147483648 : i32
      %masked_sort3A_489 = vector.broadcast %masked_sort3A_488 : i32 to vector<16xi32>
      %masked_sort3A_490 = arith.xori %select_n3A_486, %masked_sort3A_489 : vector<16xi32>
      %masked_sort3A_491, %masked_sort3A_492, %masked_sort3A_493 = tpu.sort %masked_sort3A_490, %select_n3A_486 masked %masked_sort3A_487 : (vector<16xi32>, vector<16xi32>, vector<16xi1>) -> (vector<16xi1>, vector<16xi32>, vector<16xi32>)
      %masked_sort3A_494 = arith.xori %masked_sort3A_492, %masked_sort3A_489 : vector<16xi32>
      %mul3A_495 = arith.constant 128 : i32
      %mul3A_496 = arith.muli %add3A_291, %mul3A_495 : i32
      %swap3A_497 = arith.index_cast %mul3A_496 : i32 to index
      %swap3A_498 = tpu.vector_load %arg9[%swap3A_497] {strides = array<i32>} : memref<13312xi32, #tpu.memory_space<vmem>>, vector<16xi32>,
      tpu.vector_store %arg9[%swap3A_497], %masked_sort3A_494 {strides = array<i32>} : memref<13312xi32, #tpu.memory_space<vmem>>, vector<16xi32>,
    }
    %while3A_76 = arith.constant 1 : i32
    scf.for %while3A_85 = %while3A_74 to %while3A_70 step %while3A_76  : i32 {
      %mul3A_86 = arith.constant 2 : i32
      %mul3A_87 = arith.muli %mul3A_86, %while3A_85 : i32
      %add3A_88 = arith.addi %mul3A_32, %mul3A_87 : i32
      %mul3A_89 = arith.constant 0 : i32
      %mul3A_90 = vector.broadcast %mul3A_89 : i32 to vector<16xi32>
      %mul3A_91 = arith.muli %iota3A, %mul3A_90 : vector<16xi32>
      %add3A_92 = vector.broadcast %mul3A_87 : i32 to vector<16xi32>
      %add3A_93 = arith.addi %mul3A_91, %add3A_92 : vector<16xi32>
      %mul3A_94 = arith.constant 64 : i32
      %mul3A_95 = arith.muli %add3A_88, %mul3A_94 : i32
      %add3A_96 = arith.constant 0 : i32
      %add3A_97 = arith.addi %mul3A_95, %add3A_96 : i32
      %get3A = arith.index_cast %add3A_97 : i32 to index
      %get3A_98 = tpu.vector_load %arg8[%get3A] {strides = array<i32>} : memref<12544xi32, #tpu.memory_space<vmem>>, vector<16xi32>,
      %ge3A = arith.constant 0 : i32
      %ge3A_99 = vector.broadcast %ge3A : i32 to vector<16xi32>
      %ge3A_100 = arith.cmpi sge, %get3A_98, %ge3A_99 : vector<16xi32>
      %jit3A_101 = arith.constant 0 : i32
      %broadcast_in_dim3A = vector.broadcast %jit3A_101 : i32 to vector<16xi32>
      %select_n3A_102 = arith.select %ge3A_100, %get3A_98, %broadcast_in_dim3A : vector<16xi1>, vector<16xi32>
      %lt3A_103 = arith.constant 128 : i32
      %lt3A_104 = vector.broadcast %lt3A_103 : i32 to vector<16xi32>
      %lt3A_105 = arith.cmpi slt, %select_n3A_102, %lt3A_104 : vector<16xi32>
      %jit3A_106 = arith.constant 0 : i32
      %broadcast_in_dim3A_107 = vector.broadcast %jit3A_106 : i32 to vector<16xi32>
      %select_n3A_108 = arith.select %lt3A_105, %select_n3A_102, %broadcast_in_dim3A_107 : vector<16xi1>, vector<16xi32>
      %gather3A = tpu.vector_load_idx %arg6[%add3A_93, %select_n3A_108] : memref<104x128xf32, #tpu.memory_space<vmem>>[vector<16xi32>, vector<16xi32>], vector<16xf32>,
      %sub3A_109 = arith.constant 128 : i32
      %sub3A_110 = vector.broadcast %sub3A_109 : i32 to vector<16xi32>
      %sub3A_111 = arith.subi %select_n3A_102, %sub3A_110 : vector<16xi32>
      %jit3A_112 = arith.constant 0 : i32
      %broadcast_in_dim3A_113 = vector.broadcast %jit3A_112 : i32 to vector<16xi32>
      %select_n3A_114 = arith.select %lt3A_105, %broadcast_in_dim3A_113, %sub3A_111 : vector<16xi1>, vector<16xi32>
      %gather3A_115 = tpu.vector_load_idx %arg7[%add3A_93, %select_n3A_114] : memref<104x128xf32, #tpu.memory_space<vmem>>[vector<16xi32>, vector<16xi32>], vector<16xf32>,
      %select_n3A_116 = arith.select %lt3A_105, %gather3A, %gather3A_115 : vector<16xi1>, vector<16xf32>
      %jit3A_117 = arith.constant -1.000000e+30 : f32
      %broadcast_in_dim3A_118 = vector.broadcast %jit3A_117 : f32 to vector<16xf32>
      %select_n3A_119 = arith.select %ge3A_100, %select_n3A_116, %broadcast_in_dim3A_118 : vector<16xi1>, vector<16xf32>
      %masked_sort3A = arith.constant dense<true> : vector<16xi1>
      %masked_sort3A_120, %masked_sort3A_121, %masked_sort3A_122 = tpu.sort %select_n3A_119, %get3A_98 masked %masked_sort3A {descending = true} : (vector<16xf32>, vector<16xi32>, vector<16xi1>) -> (vector<16xi1>, vector<16xf32>, vector<16xi32>)
      %mul3A_123 = arith.constant 64 : i32
      %mul3A_124 = arith.muli %add3A_88, %mul3A_123 : i32
      %add3A_125 = arith.constant 16 : i32
      %add3A_126 = arith.addi %mul3A_124, %add3A_125 : i32
      %get3A_127 = arith.index_cast %add3A_126 : i32 to index
      %get3A_128 = tpu.vector_load %arg8[%get3A_127] {strides = array<i32>} : memref<12544xi32, #tpu.memory_space<vmem>>, vector<16xi32>,
      %ge3A_129 = arith.constant 0 : i32
      %ge3A_130 = vector.broadcast %ge3A_129 : i32 to vector<16xi32>
      %ge3A_131 = arith.cmpi sge, %get3A_128, %ge3A_130 : vector<16xi32>
      %jit3A_132 = arith.constant 0 : i32
      %broadcast_in_dim3A_133 = vector.broadcast %jit3A_132 : i32 to vector<16xi32>
      %select_n3A_134 = arith.select %ge3A_131, %get3A_128, %broadcast_in_dim3A_133 : vector<16xi1>, vector<16xi32>
      %lt3A_135 = arith.constant 128 : i32
      %lt3A_136 = vector.broadcast %lt3A_135 : i32 to vector<16xi32>
      %lt3A_137 = arith.cmpi slt, %select_n3A_134, %lt3A_136 : vector<16xi32>
      %jit3A_138 = arith.constant 0 : i32
      %broadcast_in_dim3A_139 = vector.broadcast %jit3A_138 : i32 to vector<16xi32>
      %select_n3A_140 = arith.select %lt3A_137, %select_n3A_134, %broadcast_in_dim3A_139 : vector<16xi1>, vector<16xi32>
      %gather3A_141 = tpu.vector_load_idx %arg6[%add3A_93, %select_n3A_140] : memref<104x128xf32, #tpu.memory_space<vmem>>[vector<16xi32>, vector<16xi32>], vector<16xf32>,
      %sub3A_142 = arith.constant 128 : i32
      %sub3A_143 = vector.broadcast %sub3A_142 : i32 to vector<16xi32>
      %sub3A_144 = arith.subi %select_n3A_134, %sub3A_143 : vector<16xi32>
      %jit3A_145 = arith.constant 0 : i32
      %broadcast_in_dim3A_146 = vector.broadcast %jit3A_145 : i32 to vector<16xi32>
      %select_n3A_147 = arith.select %lt3A_137, %broadcast_in_dim3A_146, %sub3A_144 : vector<16xi1>, vector<16xi32>
      %gather3A_148 = tpu.vector_load_idx %arg7[%add3A_93, %select_n3A_147] : memref<104x128xf32, #tpu.memory_space<vmem>>[vector<16xi32>, vector<16xi32>], vector<16xf32>,
      %select_n3A_149 = arith.select %lt3A_137, %gather3A_141, %gather3A_148 : vector<16xi1>, vector<16xf32>
      %jit3A_150 = arith.constant -1.000000e+30 : f32
      %broadcast_in_dim3A_151 = vector.broadcast %jit3A_150 : f32 to vector<16xf32>
      %select_n3A_152 = arith.select %ge3A_131, %select_n3A_149, %broadcast_in_dim3A_151 : vector<16xi1>, vector<16xf32>
      %masked_sort3A_153 = arith.constant dense<true> : vector<16xi1>
      %masked_sort3A_154, %masked_sort3A_155, %masked_sort3A_156 = tpu.sort %select_n3A_152, %get3A_128 masked %masked_sort3A_153 {descending = true} : (vector<16xf32>, vector<16xi32>, vector<16xi1>) -> (vector<16xi1>, vector<16xf32>, vector<16xi32>)
      %mul3A_157 = arith.constant 64 : i32
      %mul3A_158 = arith.muli %add3A_88, %mul3A_157 : i32
      %add3A_159 = arith.constant 32 : i32
      %add3A_160 = arith.addi %mul3A_158, %add3A_159 : i32
      %get3A_161 = arith.index_cast %add3A_160 : i32 to index
      %get3A_162 = tpu.vector_load %arg8[%get3A_161] {strides = array<i32>} : memref<12544xi32, #tpu.memory_space<vmem>>, vector<16xi32>,
      %ge3A_163 = arith.constant 0 : i32
      %ge3A_164 = vector.broadcast %ge3A_163 : i32 to vector<16xi32>
      %ge3A_165 = arith.cmpi sge, %get3A_162, %ge3A_164 : vector<16xi32>
      %jit3A_166 = arith.constant 0 : i32
      %broadcast_in_dim3A_167 = vector.broadcast %jit3A_166 : i32 to vector<16xi32>
      %select_n3A_168 = arith.select %ge3A_165, %get3A_162, %broadcast_in_dim3A_167 : vector<16xi1>, vector<16xi32>
      %lt3A_169 = arith.constant 128 : i32
      %lt3A_170 = vector.broadcast %lt3A_169 : i32 to vector<16xi32>
      %lt3A_171 = arith.cmpi slt, %select_n3A_168, %lt3A_170 : vector<16xi32>
      %jit3A_172 = arith.constant 0 : i32
      %broadcast_in_dim3A_173 = vector.broadcast %jit3A_172 : i32 to vector<16xi32>
      %select_n3A_174 = arith.select %lt3A_171, %select_n3A_168, %broadcast_in_dim3A_173 : vector<16xi1>, vector<16xi32>
      %gather3A_175 = tpu.vector_load_idx %arg6[%add3A_93, %select_n3A_174] : memref<104x128xf32, #tpu.memory_space<vmem>>[vector<16xi32>, vector<16xi32>], vector<16xf32>,
      %sub3A_176 = arith.constant 128 : i32
      %sub3A_177 = vector.broadcast %sub3A_176 : i32 to vector<16xi32>
      %sub3A_178 = arith.subi %select_n3A_168, %sub3A_177 : vector<16xi32>
      %jit3A_179 = arith.constant 0 : i32
      %broadcast_in_dim3A_180 = vector.broadcast %jit3A_179 : i32 to vector<16xi32>
      %select_n3A_181 = arith.select %lt3A_171, %broadcast_in_dim3A_180, %sub3A_178 : vector<16xi1>, vector<16xi32>
      %gather3A_182 = tpu.vector_load_idx %arg7[%add3A_93, %select_n3A_181] : memref<104x128xf32, #tpu.memory_space<vmem>>[vector<16xi32>, vector<16xi32>], vector<16xf32>,
      %select_n3A_183 = arith.select %lt3A_171, %gather3A_175, %gather3A_182 : vector<16xi1>, vector<16xf32>
      %jit3A_184 = arith.constant -1.000000e+30 : f32
      %broadcast_in_dim3A_185 = vector.broadcast %jit3A_184 : f32 to vector<16xf32>
      %select_n3A_186 = arith.select %ge3A_165, %select_n3A_183, %broadcast_in_dim3A_185 : vector<16xi1>, vector<16xf32>
      %masked_sort3A_187 = arith.constant dense<true> : vector<16xi1>
      %masked_sort3A_188, %masked_sort3A_189, %masked_sort3A_190 = tpu.sort %select_n3A_186, %get3A_162 masked %masked_sort3A_187 {descending = true} : (vector<16xf32>, vector<16xi32>, vector<16xi1>) -> (vector<16xi1>, vector<16xf32>, vector<16xi32>)
      %mul3A_191 = arith.constant 64 : i32
      %mul3A_192 = arith.muli %add3A_88, %mul3A_191 : i32
      %add3A_193 = arith.constant 48 : i32
      %add3A_194 = arith.addi %mul3A_192, %add3A_193 : i32
      %get3A_195 = arith.index_cast %add3A_194 : i32 to index
      %get3A_196 = tpu.vector_load %arg8[%get3A_195] {strides = array<i32>} : memref<12544xi32, #tpu.memory_space<vmem>>, vector<16xi32>,
      %ge3A_197 = arith.constant 0 : i32
      %ge3A_198 = vector.broadcast %ge3A_197 : i32 to vector<16xi32>
      %ge3A_199 = arith.cmpi sge, %get3A_196, %ge3A_198 : vector<16xi32>
      %jit3A_200 = arith.constant 0 : i32
      %broadcast_in_dim3A_201 = vector.broadcast %jit3A_200 : i32 to vector<16xi32>
      %select_n3A_202 = arith.select %ge3A_199, %get3A_196, %broadcast_in_dim3A_201 : vector<16xi1>, vector<16xi32>
      %lt3A_203 = arith.constant 128 : i32
      %lt3A_204 = vector.broadcast %lt3A_203 : i32 to vector<16xi32>
      %lt3A_205 = arith.cmpi slt, %select_n3A_202, %lt3A_204 : vector<16xi32>
      %jit3A_206 = arith.constant 0 : i32
      %broadcast_in_dim3A_207 = vector.broadcast %jit3A_206 : i32 to vector<16xi32>
      %select_n3A_208 = arith.select %lt3A_205, %select_n3A_202, %broadcast_in_dim3A_207 : vector<16xi1>, vector<16xi32>
      %gather3A_209 = tpu.vector_load_idx %arg6[%add3A_93, %select_n3A_208] : memref<104x128xf32, #tpu.memory_space<vmem>>[vector<16xi32>, vector<16xi32>], vector<16xf32>,
      %sub3A_210 = arith.constant 128 : i32
      %sub3A_211 = vector.broadcast %sub3A_210 : i32 to vector<16xi32>
      %sub3A_212 = arith.subi %select_n3A_202, %sub3A_211 : vector<16xi32>
      %jit3A_213 = arith.constant 0 : i32
      %broadcast_in_dim3A_214 = vector.broadcast %jit3A_213 : i32 to vector<16xi32>
      %select_n3A_215 = arith.select %lt3A_205, %broadcast_in_dim3A_214, %sub3A_212 : vector<16xi1>, vector<16xi32>
      %gather3A_216 = tpu.vector_load_idx %arg7[%add3A_93, %select_n3A_215] : memref<104x128xf32, #tpu.memory_space<vmem>>[vector<16xi32>, vector<16xi32>], vector<16xf32>,
      %select_n3A_217 = arith.select %lt3A_205, %gather3A_209, %gather3A_216 : vector<16xi1>, vector<16xf32>
      %jit3A_218 = arith.constant -1.000000e+30 : f32
      %broadcast_in_dim3A_219 = vector.broadcast %jit3A_218 : f32 to vector<16xf32>
      %select_n3A_220 = arith.select %ge3A_199, %select_n3A_217, %broadcast_in_dim3A_219 : vector<16xi1>, vector<16xf32>
      %rev3A = arith.constant 15 : i32
      %rev3A_221 = vector.broadcast %rev3A : i32 to vector<16xi32>
      %rev3A_222 = tpu.iota {dimensions = array<i32: 0>} : vector<16xi32>
      %rev3A_223 = arith.subi %rev3A_221, %rev3A_222 : vector<16xi32>
      %rev3A_224 = tpu.dynamic_gather %masked_sort3A_155[%rev3A_223] in [0] : vector<16xf32>, vector<16xi32> -> vector<16xf32>
      %rev3A_225 = arith.constant 15 : i32
      %rev3A_226 = vector.broadcast %rev3A_225 : i32 to vector<16xi32>
      %rev3A_227 = tpu.iota {dimensions = array<i32: 0>} : vector<16xi32>
      %rev3A_228 = arith.subi %rev3A_226, %rev3A_227 : vector<16xi32>
      %rev3A_229 = tpu.dynamic_gather %masked_sort3A_156[%rev3A_228] in [0] : vector<16xi32>, vector<16xi32> -> vector<16xi32>
      %ge3A_230 = arith.cmpf oge, %masked_sort3A_121, %rev3A_224 : vector<16xf32>
      %select_n3A_231 = arith.select %ge3A_230, %masked_sort3A_121, %rev3A_224 : vector<16xi1>, vector<16xf32>
      %select_n3A_232 = arith.select %ge3A_230, %masked_sort3A_122, %rev3A_229 : vector<16xi1>, vector<16xi32>
      %masked_sort3A_233 = arith.constant dense<true> : vector<16xi1>
      %masked_sort3A_234, %masked_sort3A_235, %masked_sort3A_236 = tpu.sort %select_n3A_231, %select_n3A_232 masked %masked_sort3A_233 {descending = true} : (vector<16xf32>, vector<16xi32>, vector<16xi1>) -> (vector<16xi1>, vector<16xf32>, vector<16xi32>)
      %rev3A_237 = arith.constant 15 : i32
      %rev3A_238 = vector.broadcast %rev3A_237 : i32 to vector<16xi32>
      %rev3A_239 = tpu.iota {dimensions = array<i32: 0>} : vector<16xi32>
      %rev3A_240 = arith.subi %rev3A_238, %rev3A_239 : vector<16xi32>
      %rev3A_241 = tpu.dynamic_gather %select_n3A_220[%rev3A_240] in [0] : vector<16xf32>, vector<16xi32> -> vector<16xf32>
      %rev3A_242 = arith.constant 15 : i32
      %rev3A_243 = vector.broadcast %rev3A_242 : i32 to vector<16xi32>
      %rev3A_244 = tpu.iota {dimensions = array<i32: 0>} : vector<16xi32>
      %rev3A_245 = arith.subi %rev3A_243, %rev3A_244 : vector<16xi32>
      %rev3A_246 = tpu.dynamic_gather %get3A_196[%rev3A_245] in [0] : vector<16xi32>, vector<16xi32> -> vector<16xi32>
      %ge3A_247 = arith.cmpf oge, %masked_sort3A_189, %rev3A_241 : vector<16xf32>
      %select_n3A_248 = arith.select %ge3A_247, %masked_sort3A_189, %rev3A_241 : vector<16xi1>, vector<16xf32>
      %select_n3A_249 = arith.select %ge3A_247, %masked_sort3A_190, %rev3A_246 : vector<16xi1>, vector<16xi32>
      %masked_sort3A_250 = arith.constant dense<true> : vector<16xi1>
      %masked_sort3A_251, %masked_sort3A_252, %masked_sort3A_253 = tpu.sort %select_n3A_248, %select_n3A_249 masked %masked_sort3A_250 {descending = true} : (vector<16xf32>, vector<16xi32>, vector<16xi1>) -> (vector<16xi1>, vector<16xf32>, vector<16xi32>)
      %rev3A_254 = arith.constant 15 : i32
      %rev3A_255 = vector.broadcast %rev3A_254 : i32 to vector<16xi32>
      %rev3A_256 = tpu.iota {dimensions = array<i32: 0>} : vector<16xi32>
      %rev3A_257 = arith.subi %rev3A_255, %rev3A_256 : vector<16xi32>
      %rev3A_258 = tpu.dynamic_gather %masked_sort3A_252[%rev3A_257] in [0] : vector<16xf32>, vector<16xi32> -> vector<16xf32>
      %rev3A_259 = arith.constant 15 : i32
      %rev3A_260 = vector.broadcast %rev3A_259 : i32 to vector<16xi32>
      %rev3A_261 = tpu.iota {dimensions = array<i32: 0>} : vector<16xi32>
      %rev3A_262 = arith.subi %rev3A_260, %rev3A_261 : vector<16xi32>
      %rev3A_263 = tpu.dynamic_gather %masked_sort3A_253[%rev3A_262] in [0] : vector<16xi32>, vector<16xi32> -> vector<16xi32>
      %ge3A_264 = arith.cmpf oge, %masked_sort3A_235, %rev3A_258 : vector<16xf32>
      %select_n3A_265 = arith.select %ge3A_264, %masked_sort3A_235, %rev3A_258 : vector<16xi1>, vector<16xf32>
      %select_n3A_266 = arith.select %ge3A_264, %masked_sort3A_236, %rev3A_263 : vector<16xi1>, vector<16xi32>
      %masked_sort3A_267 = arith.constant dense<true> : vector<16xi1>
      %masked_sort3A_268, %masked_sort3A_269, %masked_sort3A_270 = tpu.sort %select_n3A_265, %select_n3A_266 masked %masked_sort3A_267 {descending = true} : (vector<16xf32>, vector<16xi32>, vector<16xi1>) -> (vector<16xi1>, vector<16xf32>, vector<16xi32>)
      %lt3A_271 = arith.constant 9 : i32
      %lt3A_272 = vector.broadcast %lt3A_271 : i32 to vector<16xi32>
      %lt3A_273 = arith.cmpi slt, %iota3A, %lt3A_272 : vector<16xi32>
      %jit3A_274 = arith.constant 1073741824 : i32
      %broadcast_in_dim3A_275 = vector.broadcast %jit3A_274 : i32 to vector<16xi32>
      %select_n3A_276 = arith.select %lt3A_273, %masked_sort3A_270, %broadcast_in_dim3A_275 : vector<16xi1>, vector<16xi32>
      %masked_sort3A_277 = arith.constant dense<true> : vector<16xi1>
      %masked_sort3A_278 = arith.constant -2147483648 : i32
      %masked_sort3A_279 = vector.broadcast %masked_sort3A_278 : i32 to vector<16xi32>
      %masked_sort3A_280 = arith.xori %select_n3A_276, %masked_sort3A_279 : vector<16xi32>
      %masked_sort3A_281, %masked_sort3A_282, %masked_sort3A_283 = tpu.sort %masked_sort3A_280, %select_n3A_276 masked %masked_sort3A_277 : (vector<16xi32>, vector<16xi32>, vector<16xi1>) -> (vector<16xi1>, vector<16xi32>, vector<16xi32>)
      %masked_sort3A_284 = arith.xori %masked_sort3A_282, %masked_sort3A_279 : vector<16xi32>
      %mul3A_285 = arith.constant 128 : i32
      %mul3A_286 = arith.muli %mul3A_87, %mul3A_285 : i32
      %swap3A = arith.index_cast %mul3A_286 : i32 to index
      %swap3A_287 = tpu.vector_load %arg9[%swap3A] {strides = array<i32>} : memref<13312xi32, #tpu.memory_space<vmem>>, vector<16xi32>,
      tpu.vector_store %arg9[%swap3A], %masked_sort3A_284 {strides = array<i32>} : memref<13312xi32, #tpu.memory_space<vmem>>, vector<16xi32>,
      %mul3A_288 = arith.constant 2 : i32
      %mul3A_289 = arith.muli %mul3A_288, %while3A_85 : i32
      %add3A_290 = arith.constant 1 : i32
      %add3A_291 = arith.addi %mul3A_289, %add3A_290 : i32
      %add3A_292 = arith.addi %mul3A_32, %add3A_291 : i32
      %mul3A_293 = arith.constant 0 : i32
      %mul3A_294 = vector.broadcast %mul3A_293 : i32 to vector<16xi32>
      %mul3A_295 = arith.muli %iota3A, %mul3A_294 : vector<16xi32>
      %add3A_296 = vector.broadcast %add3A_291 : i32 to vector<16xi32>
      %add3A_297 = arith.addi %mul3A_295, %add3A_296 : vector<16xi32>
      %mul3A_298 = arith.constant 64 : i32
      %mul3A_299 = arith.muli %add3A_292, %mul3A_298 : i32
      %add3A_300 = arith.constant 0 : i32
      %add3A_301 = arith.addi %mul3A_299, %add3A_300 : i32
      %get3A_302 = arith.index_cast %add3A_301 : i32 to index
      %get3A_303 = tpu.vector_load %arg8[%get3A_302] {strides = array<i32>} : memref<12544xi32, #tpu.memory_space<vmem>>, vector<16xi32>,
      %ge3A_304 = arith.constant 0 : i32
      %ge3A_305 = vector.broadcast %ge3A_304 : i32 to vector<16xi32>
      %ge3A_306 = arith.cmpi sge, %get3A_303, %ge3A_305 : vector<16xi32>
      %jit3A_307 = arith.constant 0 : i32
      %broadcast_in_dim3A_308 = vector.broadcast %jit3A_307 : i32 to vector<16xi32>
      %select_n3A_309 = arith.select %ge3A_306, %get3A_303, %broadcast_in_dim3A_308 : vector<16xi1>, vector<16xi32>
      %lt3A_310 = arith.constant 128 : i32
      %lt3A_311 = vector.broadcast %lt3A_310 : i32 to vector<16xi32>
      %lt3A_312 = arith.cmpi slt, %select_n3A_309, %lt3A_311 : vector<16xi32>
      %jit3A_313 = arith.constant 0 : i32
      %broadcast_in_dim3A_314 = vector.broadcast %jit3A_313 : i32 to vector<16xi32>
      %select_n3A_315 = arith.select %lt3A_312, %select_n3A_309, %broadcast_in_dim3A_314 : vector<16xi1>, vector<16xi32>
      %gather3A_316 = tpu.vector_load_idx %arg6[%add3A_297, %select_n3A_315] : memref<104x128xf32, #tpu.memory_space<vmem>>[vector<16xi32>, vector<16xi32>], vector<16xf32>,
      %sub3A_317 = arith.constant 128 : i32
      %sub3A_318 = vector.broadcast %sub3A_317 : i32 to vector<16xi32>
      %sub3A_319 = arith.subi %select_n3A_309, %sub3A_318 : vector<16xi32>
      %jit3A_320 = arith.constant 0 : i32
      %broadcast_in_dim3A_321 = vector.broadcast %jit3A_320 : i32 to vector<16xi32>
      %select_n3A_322 = arith.select %lt3A_312, %broadcast_in_dim3A_321, %sub3A_319 : vector<16xi1>, vector<16xi32>
      %gather3A_323 = tpu.vector_load_idx %arg7[%add3A_297, %select_n3A_322] : memref<104x128xf32, #tpu.memory_space<vmem>>[vector<16xi32>, vector<16xi32>], vector<16xf32>,
      %select_n3A_324 = arith.select %lt3A_312, %gather3A_316, %gather3A_323 : vector<16xi1>, vector<16xf32>
      %jit3A_325 = arith.constant -1.000000e+30 : f32
      %broadcast_in_dim3A_326 = vector.broadcast %jit3A_325 : f32 to vector<16xf32>
      %select_n3A_327 = arith.select %ge3A_306, %select_n3A_324, %broadcast_in_dim3A_326 : vector<16xi1>, vector<16xf32>
      %masked_sort3A_328 = arith.constant dense<true> : vector<16xi1>
      %masked_sort3A_329, %masked_sort3A_330, %masked_sort3A_331 = tpu.sort %select_n3A_327, %get3A_303 masked %masked_sort3A_328 {descending = true} : (vector<16xf32>, vector<16xi32>, vector<16xi1>) -> (vector<16xi1>, vector<16xf32>, vector<16xi32>)
      %mul3A_332 = arith.constant 64 : i32
      %mul3A_333 = arith.muli %add3A_292, %mul3A_332 : i32
      %add3A_334 = arith.constant 16 : i32
      %add3A_335 = arith.addi %mul3A_333, %add3A_334 : i32
      %get3A_336 = arith.index_cast %add3A_335 : i32 to index
      %get3A_337 = tpu.vector_load %arg8[%get3A_336] {strides = array<i32>} : memref<12544xi32, #tpu.memory_space<vmem>>, vector<16xi32>,
      %ge3A_338 = arith.constant 0 : i32
      %ge3A_339 = vector.broadcast %ge3A_338 : i32 to vector<16xi32>
      %ge3A_340 = arith.cmpi sge, %get3A_337, %ge3A_339 : vector<16xi32>
      %jit3A_341 = arith.constant 0 : i32
      %broadcast_in_dim3A_342 = vector.broadcast %jit3A_341 : i32 to vector<16xi32>
      %select_n3A_343 = arith.select %ge3A_340, %get3A_337, %broadcast_in_dim3A_342 : vector<16xi1>, vector<16xi32>
      %lt3A_344 = arith.constant 128 : i32
      %lt3A_345 = vector.broadcast %lt3A_344 : i32 to vector<16xi32>
      %lt3A_346 = arith.cmpi slt, %select_n3A_343, %lt3A_345 : vector<16xi32>
      %jit3A_347 = arith.constant 0 : i32
      %broadcast_in_dim3A_348 = vector.broadcast %jit3A_347 : i32 to vector<16xi32>
      %select_n3A_349 = arith.select %lt3A_346, %select_n3A_343, %broadcast_in_dim3A_348 : vector<16xi1>, vector<16xi32>
      %gather3A_350 = tpu.vector_load_idx %arg6[%add3A_297, %select_n3A_349] : memref<104x128xf32, #tpu.memory_space<vmem>>[vector<16xi32>, vector<16xi32>], vector<16xf32>,
      %sub3A_351 = arith.constant 128 : i32
      %sub3A_352 = vector.broadcast %sub3A_351 : i32 to vector<16xi32>
      %sub3A_353 = arith.subi %select_n3A_343, %sub3A_352 : vector<16xi32>
      %jit3A_354 = arith.constant 0 : i32
      %broadcast_in_dim3A_355 = vector.broadcast %jit3A_354 : i32 to vector<16xi32>
      %select_n3A_356 = arith.select %lt3A_346, %broadcast_in_dim3A_355, %sub3A_353 : vector<16xi1>, vector<16xi32>
      %gather3A_357 = tpu.vector_load_idx %arg7[%add3A_297, %select_n3A_356] : memref<104x128xf32, #tpu.memory_space<vmem>>[vector<16xi32>, vector<16xi32>], vector<16xf32>,
      %select_n3A_358 = arith.select %lt3A_346, %gather3A_350, %gather3A_357 : vector<16xi1>, vector<16xf32>
      %jit3A_359 = arith.constant -1.000000e+30 : f32
      %broadcast_in_dim3A_360 = vector.broadcast %jit3A_359 : f32 to vector<16xf32>
      %select_n3A_361 = arith.select %ge3A_340, %select_n3A_358, %broadcast_in_dim3A_360 : vector<16xi1>, vector<16xf32>
      %masked_sort3A_362 = arith.constant dense<true> : vector<16xi1>
      %masked_sort3A_363, %masked_sort3A_364, %masked_sort3A_365 = tpu.sort %select_n3A_361, %get3A_337 masked %masked_sort3A_362 {descending = true} : (vector<16xf32>, vector<16xi32>, vector<16xi1>) -> (vector<16xi1>, vector<16xf32>, vector<16xi32>)
      %mul3A_366 = arith.constant 64 : i32
      %mul3A_367 = arith.muli %add3A_292, %mul3A_366 : i32
      %add3A_368 = arith.constant 32 : i32
      %add3A_369 = arith.addi %mul3A_367, %add3A_368 : i32
      %get3A_370 = arith.index_cast %add3A_369 : i32 to index
      %get3A_371 = tpu.vector_load %arg8[%get3A_370] {strides = array<i32>} : memref<12544xi32, #tpu.memory_space<vmem>>, vector<16xi32>,
      %ge3A_372 = arith.constant 0 : i32
      %ge3A_373 = vector.broadcast %ge3A_372 : i32 to vector<16xi32>
      %ge3A_374 = arith.cmpi sge, %get3A_371, %ge3A_373 : vector<16xi32>
      %jit3A_375 = arith.constant 0 : i32
      %broadcast_in_dim3A_376 = vector.broadcast %jit3A_375 : i32 to vector<16xi32>
      %select_n3A_377 = arith.select %ge3A_374, %get3A_371, %broadcast_in_dim3A_376 : vector<16xi1>, vector<16xi32>
      %lt3A_378 = arith.constant 128 : i32
      %lt3A_379 = vector.broadcast %lt3A_378 : i32 to vector<16xi32>
      %lt3A_380 = arith.cmpi slt, %select_n3A_377, %lt3A_379 : vector<16xi32>
      %jit3A_381 = arith.constant 0 : i32
      %broadcast_in_dim3A_382 = vector.broadcast %jit3A_381 : i32 to vector<16xi32>
      %select_n3A_383 = arith.select %lt3A_380, %select_n3A_377, %broadcast_in_dim3A_382 : vector<16xi1>, vector<16xi32>
      %gather3A_384 = tpu.vector_load_idx %arg6[%add3A_297, %select_n3A_383] : memref<104x128xf32, #tpu.memory_space<vmem>>[vector<16xi32>, vector<16xi32>], vector<16xf32>,
      %sub3A_385 = arith.constant 128 : i32
      %sub3A_386 = vector.broadcast %sub3A_385 : i32 to vector<16xi32>
      %sub3A_387 = arith.subi %select_n3A_377, %sub3A_386 : vector<16xi32>
      %jit3A_388 = arith.constant 0 : i32
      %broadcast_in_dim3A_389 = vector.broadcast %jit3A_388 : i32 to vector<16xi32>
      %select_n3A_390 = arith.select %lt3A_380, %broadcast_in_dim3A_389, %sub3A_387 : vector<16xi1>, vector<16xi32>
      %gather3A_391 = tpu.vector_load_idx %arg7[%add3A_297, %select_n3A_390] : memref<104x128xf32, #tpu.memory_space<vmem>>[vector<16xi32>, vector<16xi32>], vector<16xf32>,
      %select_n3A_392 = arith.select %lt3A_380, %gather3A_384, %gather3A_391 : vector<16xi1>, vector<16xf32>
      %jit3A_393 = arith.constant -1.000000e+30 : f32
      %broadcast_in_dim3A_394 = vector.broadcast %jit3A_393 : f32 to vector<16xf32>
      %select_n3A_395 = arith.select %ge3A_374, %select_n3A_392, %broadcast_in_dim3A_394 : vector<16xi1>, vector<16xf32>
      %masked_sort3A_396 = arith.constant dense<true> : vector<16xi1>
      %masked_sort3A_397, %masked_sort3A_398, %masked_sort3A_399 = tpu.sort %select_n3A_395, %get3A_371 masked %masked_sort3A_396 {descending = true} : (vector<16xf32>, vector<16xi32>, vector<16xi1>) -> (vector<16xi1>, vector<16xf32>, vector<16xi32>)
      %mul3A_400 = arith.constant 64 : i32
      %mul3A_401 = arith.muli %add3A_292, %mul3A_400 : i32
      %add3A_402 = arith.constant 48 : i32
      %add3A_403 = arith.addi %mul3A_401, %add3A_402 : i32
      %get3A_404 = arith.index_cast %add3A_403 : i32 to index
      %get3A_405 = tpu.vector_load %arg8[%get3A_404] {strides = array<i32>} : memref<12544xi32, #tpu.memory_space<vmem>>, vector<16xi32>,
      %ge3A_406 = arith.constant 0 : i32
      %ge3A_407 = vector.broadcast %ge3A_406 : i32 to vector<16xi32>
      %ge3A_408 = arith.cmpi sge, %get3A_405, %ge3A_407 : vector<16xi32>
      %jit3A_409 = arith.constant 0 : i32
      %broadcast_in_dim3A_410 = vector.broadcast %jit3A_409 : i32 to vector<16xi32>
      %select_n3A_411 = arith.select %ge3A_408, %get3A_405, %broadcast_in_dim3A_410 : vector<16xi1>, vector<16xi32>
      %lt3A_412 = arith.constant 128 : i32
      %lt3A_413 = vector.broadcast %lt3A_412 : i32 to vector<16xi32>
      %lt3A_414 = arith.cmpi slt, %select_n3A_411, %lt3A_413 : vector<16xi32>
      %jit3A_415 = arith.constant 0 : i32
      %broadcast_in_dim3A_416 = vector.broadcast %jit3A_415 : i32 to vector<16xi32>
      %select_n3A_417 = arith.select %lt3A_414, %select_n3A_411, %broadcast_in_dim3A_416 : vector<16xi1>, vector<16xi32>
      %gather3A_418 = tpu.vector_load_idx %arg6[%add3A_297, %select_n3A_417] : memref<104x128xf32, #tpu.memory_space<vmem>>[vector<16xi32>, vector<16xi32>], vector<16xf32>,
      %sub3A_419 = arith.constant 128 : i32
      %sub3A_420 = vector.broadcast %sub3A_419 : i32 to vector<16xi32>
      %sub3A_421 = arith.subi %select_n3A_411, %sub3A_420 : vector<16xi32>
      %jit3A_422 = arith.constant 0 : i32
      %broadcast_in_dim3A_423 = vector.broadcast %jit3A_422 : i32 to vector<16xi32>
      %select_n3A_424 = arith.select %lt3A_414, %broadcast_in_dim3A_423, %sub3A_421 : vector<16xi1>, vector<16xi32>
      %gather3A_425 = tpu.vector_load_idx %arg7[%add3A_297, %select_n3A_424] : memref<104x128xf32, #tpu.memory_space<vmem>>[vector<16xi32>, vector<16xi32>], vector<16xf32>,
      %select_n3A_426 = arith.select %lt3A_414, %gather3A_418, %gather3A_425 : vector<16xi1>, vector<16xf32>
      %jit3A_427 = arith.constant -1.000000e+30 : f32
      %broadcast_in_dim3A_428 = vector.broadcast %jit3A_427 : f32 to vector<16xf32>
      %select_n3A_429 = arith.select %ge3A_408, %select_n3A_426, %broadcast_in_dim3A_428 : vector<16xi1>, vector<16xf32>
      %rev3A_430 = arith.constant 15 : i32
      %rev3A_431 = vector.broadcast %rev3A_430 : i32 to vector<16xi32>
      %rev3A_432 = tpu.iota {dimensions = array<i32: 0>} : vector<16xi32>
      %rev3A_433 = arith.subi %rev3A_431, %rev3A_432 : vector<16xi32>
      %rev3A_434 = tpu.dynamic_gather %masked_sort3A_364[%rev3A_433] in [0] : vector<16xf32>, vector<16xi32> -> vector<16xf32>
      %rev3A_435 = arith.constant 15 : i32
      %rev3A_436 = vector.broadcast %rev3A_435 : i32 to vector<16xi32>
      %rev3A_437 = tpu.iota {dimensions = array<i32: 0>} : vector<16xi32>
      %rev3A_438 = arith.subi %rev3A_436, %rev3A_437 : vector<16xi32>
      %rev3A_439 = tpu.dynamic_gather %masked_sort3A_365[%rev3A_438] in [0] : vector<16xi32>, vector<16xi32> -> vector<16xi32>
      %ge3A_440 = arith.cmpf oge, %masked_sort3A_330, %rev3A_434 : vector<16xf32>
      %select_n3A_441 = arith.select %ge3A_440, %masked_sort3A_330, %rev3A_434 : vector<16xi1>, vector<16xf32>
      %select_n3A_442 = arith.select %ge3A_440, %masked_sort3A_331, %rev3A_439 : vector<16xi1>, vector<16xi32>
      %masked_sort3A_443 = arith.constant dense<true> : vector<16xi1>
      %masked_sort3A_444, %masked_sort3A_445, %masked_sort3A_446 = tpu.sort %select_n3A_441, %select_n3A_442 masked %masked_sort3A_443 {descending = true} : (vector<16xf32>, vector<16xi32>, vector<16xi1>) -> (vector<16xi1>, vector<16xf32>, vector<16xi32>)
      %rev3A_447 = arith.constant 15 : i32
      %rev3A_448 = vector.broadcast %rev3A_447 : i32 to vector<16xi32>
      %rev3A_449 = tpu.iota {dimensions = array<i32: 0>} : vector<16xi32>
      %rev3A_450 = arith.subi %rev3A_448, %rev3A_449 : vector<16xi32>
      %rev3A_451 = tpu.dynamic_gather %select_n3A_429[%rev3A_450] in [0] : vector<16xf32>, vector<16xi32> -> vector<16xf32>
      %rev3A_452 = arith.constant 15 : i32
      %rev3A_453 = vector.broadcast %rev3A_452 : i32 to vector<16xi32>
      %rev3A_454 = tpu.iota {dimensions = array<i32: 0>} : vector<16xi32>
      %rev3A_455 = arith.subi %rev3A_453, %rev3A_454 : vector<16xi32>
      %rev3A_456 = tpu.dynamic_gather %get3A_405[%rev3A_455] in [0] : vector<16xi32>, vector<16xi32> -> vector<16xi32>
      %ge3A_457 = arith.cmpf oge, %masked_sort3A_398, %rev3A_451 : vector<16xf32>
      %select_n3A_458 = arith.select %ge3A_457, %masked_sort3A_398, %rev3A_451 : vector<16xi1>, vector<16xf32>
      %select_n3A_459 = arith.select %ge3A_457, %masked_sort3A_399, %rev3A_456 : vector<16xi1>, vector<16xi32>
      %masked_sort3A_460 = arith.constant dense<true> : vector<16xi1>
      %masked_sort3A_461, %masked_sort3A_462, %masked_sort3A_463 = tpu.sort %select_n3A_458, %select_n3A_459 masked %masked_sort3A_460 {descending = true} : (vector<16xf32>, vector<16xi32>, vector<16xi1>) -> (vector<16xi1>, vector<16xf32>, vector<16xi32>)
      %rev3A_464 = arith.constant 15 : i32
      %rev3A_465 = vector.broadcast %rev3A_464 : i32 to vector<16xi32>
      %rev3A_466 = tpu.iota {dimensions = array<i32: 0>} : vector<16xi32>
      %rev3A_467 = arith.subi %rev3A_465, %rev3A_466 : vector<16xi32>
      %rev3A_468 = tpu.dynamic_gather %masked_sort3A_462[%rev3A_467] in [0] : vector<16xf32>, vector<16xi32> -> vector<16xf32>
      %rev3A_469 = arith.constant 15 : i32
      %rev3A_470 = vector.broadcast %rev3A_469 : i32 to vector<16xi32>
      %rev3A_471 = tpu.iota {dimensions = array<i32: 0>} : vector<16xi32>
      %rev3A_472 = arith.subi %rev3A_470, %rev3A_471 : vector<16xi32>
      %rev3A_473 = tpu.dynamic_gather %masked_sort3A_463[%rev3A_472] in [0] : vector<16xi32>, vector<16xi32> -> vector<16xi32>
      %ge3A_474 = arith.cmpf oge, %masked_sort3A_445, %rev3A_468 : vector<16xf32>
      %select_n3A_475 = arith.select %ge3A_474, %masked_sort3A_445, %rev3A_468 : vector<16xi1>, vector<16xf32>
      %select_n3A_476 = arith.select %ge3A_474, %masked_sort3A_446, %rev3A_473 : vector<16xi1>, vector<16xi32>
      %masked_sort3A_477 = arith.constant dense<true> : vector<16xi1>
      %masked_sort3A_478, %masked_sort3A_479, %masked_sort3A_480 = tpu.sort %select_n3A_475, %select_n3A_476 masked %masked_sort3A_477 {descending = true} : (vector<16xf32>, vector<16xi32>, vector<16xi1>) -> (vector<16xi1>, vector<16xf32>, vector<16xi32>)
      %lt3A_481 = arith.constant 9 : i32
      %lt3A_482 = vector.broadcast %lt3A_481 : i32 to vector<16xi32>
      %lt3A_483 = arith.cmpi slt, %iota3A, %lt3A_482 : vector<16xi32>
      %jit3A_484 = arith.constant 1073741824 : i32
      %broadcast_in_dim3A_485 = vector.broadcast %jit3A_484 : i32 to vector<16xi32>
      %select_n3A_486 = arith.select %lt3A_483, %masked_sort3A_480, %broadcast_in_dim3A_485 : vector<16xi1>, vector<16xi32>
      %masked_sort3A_487 = arith.constant dense<true> : vector<16xi1>
      %masked_sort3A_488 = arith.constant -2147483648 : i32
      %masked_sort3A_489 = vector.broadcast %masked_sort3A_488 : i32 to vector<16xi32>
      %masked_sort3A_490 = arith.xori %select_n3A_486, %masked_sort3A_489 : vector<16xi32>
      %masked_sort3A_491, %masked_sort3A_492, %masked_sort3A_493 = tpu.sort %masked_sort3A_490, %select_n3A_486 masked %masked_sort3A_487 : (vector<16xi32>, vector<16xi32>, vector<16xi1>) -> (vector<16xi1>, vector<16xi32>, vector<16xi32>)
      %masked_sort3A_494 = arith.xori %masked_sort3A_492, %masked_sort3A_489 : vector<16xi32>
      %mul3A_495 = arith.constant 128 : i32
      %mul3A_496 = arith.muli %add3A_291, %mul3A_495 : i32
      %swap3A_497 = arith.index_cast %mul3A_496 : i32 to index
      %swap3A_498 = tpu.vector_load %arg9[%swap3A_497] {strides = array<i32>} : memref<13312xi32, #tpu.memory_space<vmem>>, vector<16xi32>,
      tpu.vector_store %arg9[%swap3A_497], %masked_sort3A_494 {strides = array<i32>} : memref<13312xi32, #tpu.memory_space<vmem>>, vector<16xi32>,
    }
    %eq3A_77 = arith.constant 0 : i32
    %eq3A_78 = arith.cmpi eq, %select_n3A_30, %eq3A_77 : i32
    %convert_element_type3A = arith.extui %eq3A_78 : i1 to i32
    %cond3A = arith.constant 0 : i32
    %cond3A_79 = arith.cmpi ne, %convert_element_type3A, %cond3A : i32
    scf.if %cond3A_79 {
      %mul3A_85 = arith.constant 200 : i32
      %mul3A_86 = arith.muli %select_n3A, %mul3A_85 : i32
      %mul3A_87 = arith.constant 128 : i32
      %mul3A_88 = arith.muli %mul3A_86, %mul3A_87 : i32
      "tpu.region"() ({
        %run_scoped3A = tpu.sem_alloc : memref<!tpu.dma_semaphore, #tpu.memory_space<semaphore_mem>>
        %dma_start3A = arith.constant 0 : i32
        %dma_start3A_89 = tpu.memref_slice %arg9[%dma_start3A] : memref<13312xi32, #tpu.memory_space<vmem>> -> memref<12288xi32, #tpu.memory_space<vmem>>
        %dma_start3A_90 = tpu.memref_slice %arg5[%mul3A_88] : memref<409600xi32, #tpu.memory_space<hbm>> -> memref<12288xi32, #tpu.memory_space<hbm>>
        %dma_start3A_91 = tpu.memref_slice %arg5[%mul3A_88] : memref<409600xi32, #tpu.memory_space<hbm>> -> memref<12288xi32, #tpu.memory_space<hbm>>
        %dma_start3A_92 = arith.constant 0 : i32
        %dma_start3A_93 = tpu.memref_slice %arg9[%dma_start3A_92] : memref<13312xi32, #tpu.memory_space<vmem>> -> memref<12288xi32, #tpu.memory_space<vmem>>
        tpu.enqueue_dma source(%dma_start3A_93 : memref<12288xi32, #tpu.memory_space<vmem>>) target(%dma_start3A_91 : memref<12288xi32, #tpu.memory_space<hbm>>) target_semaphore(%run_scoped3A : memref<!tpu.dma_semaphore, #tpu.memory_space<semaphore_mem>>)
        %dma_wait3A = arith.constant 0 : i32
        %dma_wait3A_94 = tpu.memref_slice %arg9[%dma_wait3A] : memref<13312xi32, #tpu.memory_space<vmem>> -> memref<12288xi32, #tpu.memory_space<vmem>>
        %dma_wait3A_95 = tpu.memref_slice %arg5[%mul3A_88] : memref<409600xi32, #tpu.memory_space<hbm>> -> memref<12288xi32, #tpu.memory_space<hbm>>
        %dma_wait3A_96 = tpu.memref_slice %arg5[%mul3A_88] : memref<409600xi32, #tpu.memory_space<hbm>> -> memref<12288xi32, #tpu.memory_space<hbm>>
        %dma_wait3A_97 = arith.constant 0 : i32
        %dma_wait3A_98 = tpu.memref_slice %arg9[%dma_wait3A_97] : memref<13312xi32, #tpu.memory_space<vmem>> -> memref<12288xi32, #tpu.memory_space<vmem>>
        tpu.wait_dma2 semaphore(%run_scoped3A : memref<!tpu.dma_semaphore, #tpu.memory_space<semaphore_mem>>) src(%dma_wait3A_98 : memref<12288xi32, #tpu.memory_space<vmem>>) dst(%dma_wait3A_96 : memref<12288xi32, #tpu.memory_space<hbm>>)
        tpu.yield
      }) : () -> ()
    } else {
    }
    %eq3A_80 = arith.constant 1 : i32
    %eq3A_81 = arith.cmpi eq, %select_n3A_30, %eq3A_80 : i32
    %convert_element_type3A_82 = arith.extui %eq3A_81 : i1 to i32
    %cond3A_83 = arith.constant 0 : i32
    %cond3A_84 = arith.cmpi ne, %convert_element_type3A_82, %cond3A_83 : i32
    scf.if %cond3A_84 {
      %mul3A_85 = arith.constant 200 : i32
      %mul3A_86 = arith.muli %select_n3A, %mul3A_85 : i32
      %add3A_87 = arith.constant 96 : i32
      %add3A_88 = arith.addi %mul3A_86, %add3A_87 : i32
      %mul3A_89 = arith.constant 128 : i32
      %mul3A_90 = arith.muli %add3A_88, %mul3A_89 : i32
      "tpu.region"() ({
        %run_scoped3A = tpu.sem_alloc : memref<!tpu.dma_semaphore, #tpu.memory_space<semaphore_mem>>
        %dma_start3A = arith.constant 0 : i32
        %dma_start3A_91 = tpu.memref_slice %arg9[%dma_start3A] : memref<13312xi32, #tpu.memory_space<vmem>> -> memref<12800xi32, #tpu.memory_space<vmem>>
        %dma_start3A_92 = tpu.memref_slice %arg5[%mul3A_90] : memref<409600xi32, #tpu.memory_space<hbm>> -> memref<12800xi32, #tpu.memory_space<hbm>>
        %dma_start3A_93 = tpu.memref_slice %arg5[%mul3A_90] : memref<409600xi32, #tpu.memory_space<hbm>> -> memref<12800xi32, #tpu.memory_space<hbm>>
        %dma_start3A_94 = arith.constant 0 : i32
        %dma_start3A_95 = tpu.memref_slice %arg9[%dma_start3A_94] : memref<13312xi32, #tpu.memory_space<vmem>> -> memref<12800xi32, #tpu.memory_space<vmem>>
        tpu.enqueue_dma source(%dma_start3A_95 : memref<12800xi32, #tpu.memory_space<vmem>>) target(%dma_start3A_93 : memref<12800xi32, #tpu.memory_space<hbm>>) target_semaphore(%run_scoped3A : memref<!tpu.dma_semaphore, #tpu.memory_space<semaphore_mem>>)
        %dma_wait3A = arith.constant 0 : i32
        %dma_wait3A_96 = tpu.memref_slice %arg9[%dma_wait3A] : memref<13312xi32, #tpu.memory_space<vmem>> -> memref<12800xi32, #tpu.memory_space<vmem>>
        %dma_wait3A_97 = tpu.memref_slice %arg5[%mul3A_90] : memref<409600xi32, #tpu.memory_space<hbm>> -> memref<12800xi32, #tpu.memory_space<hbm>>
        %dma_wait3A_98 = tpu.memref_slice %arg5[%mul3A_90] : memref<409600xi32, #tpu.memory_space<hbm>> -> memref<12800xi32, #tpu.memory_space<hbm>>
        %dma_wait3A_99 = arith.constant 0 : i32
        %dma_wait3A_100 = tpu.memref_slice %arg9[%dma_wait3A_99] : memref<13312xi32, #tpu.memory_space<vmem>> -> memref<12800xi32, #tpu.memory_space<vmem>>
        tpu.wait_dma2 semaphore(%run_scoped3A : memref<!tpu.dma_semaphore, #tpu.memory_space<semaphore_mem>>) src(%dma_wait3A_100 : memref<12800xi32, #tpu.memory_space<vmem>>) dst(%dma_wait3A_98 : memref<12800xi32, #tpu.memory_space<hbm>>)
        tpu.yield
      }) : () -> ()
    } else {
    }
    return
  }
}

module attributes {stable_mosaic.version = 14 : i64} {
  func.func @_sims_body(%arg0: i32, %arg1: memref<8x384x196xf32, #tpu.memory_space<vmem>>, %arg2: memref<1600x128xf32, #tpu.memory_space<vmem>>, %arg3: memref<1600x128xf32, #tpu.memory_space<vmem>>) attributes {dimension_semantics = [#tpu.dimension_semantics<arbitrary>], iteration_bounds = array<i64: 2>, scalar_prefetch = 0 : i64, scratch_operands = 0 : i64, tpu.core_type = #tpu.core_type<tc>, window_params = [{transform_indices = @transform_0, window_bounds = array<i64: 8, 384, 196>}, {transform_indices = @transform_1, window_bounds = array<i64: 1600, 128>}, {transform_indices = @transform_2, window_bounds = array<i64: 1600, 128>}]} {
    %get3A = arith.constant 0 : index
    %get3A_0 = arith.constant 0 : index
    %get3A_1 = arith.constant 0 : index
    %get3A_2 = vector.load %arg1[%get3A, %get3A_0, %get3A_1] : memref<8x384x196xf32, #tpu.memory_space<vmem>>, vector<1x384x196xf32>
    %get3A_3 = vector.shape_cast %get3A_2 : vector<1x384x196xf32> to vector<384x196xf32>
    %mul3A = arith.mulf %get3A_3, %get3A_3 : vector<384x196xf32>
    %reduce_sum3A = arith.constant dense<0.000000e+00> : vector<196xf32>
    %reduce_sum3A_4 = vector.multi_reduction <add>, %mul3A, %reduce_sum3A [0] : vector<384x196xf32> to vector<196xf32>
    %sqrt3A = math.sqrt %reduce_sum3A_4 : vector<196xf32>
    %dot_general3A = arith.constant dense<0.000000e+00> : vector<196x196xf32>
    %dot_general3A_5 = tpu.matmul %get3A_3, %get3A_3, %dot_general3A {dimension_numbers = #tpu.dot_dimension_numbers<[0], [0], [1], [1], [0, 1, 1, 1], [], []>, precision = #tpu.contract_precision<fp32>, transpose_lhs_hint = false} : vector<384x196xf32>, vector<384x196xf32>, vector<196x196xf32> -> vector<196x196xf32>
    %broadcast_in_dim3A = vector.shape_cast %sqrt3A : vector<196xf32> to vector<196x1xf32>
    %broadcast_in_dim3A_6 = vector.shape_cast %sqrt3A : vector<196xf32> to vector<1x196xf32>
    %mul3A_7 = vector.broadcast %broadcast_in_dim3A : vector<196x1xf32> to vector<196x196xf32>
    %mul3A_8 = vector.broadcast %broadcast_in_dim3A_6 : vector<1x196xf32> to vector<196x196xf32>
    %mul3A_9 = arith.mulf %mul3A_7, %mul3A_8 : vector<196x196xf32>
    %max3A = arith.constant 9.99999997E-7 : f32
    %max3A_10 = vector.broadcast %max3A : f32 to vector<196x196xf32>
    %max3A_11 = arith.maximumf %mul3A_9, %max3A_10 : vector<196x196xf32>
    %div3A = arith.divf %dot_general3A_5, %max3A_11 : vector<196x196xf32>
    %slice3A = vector.extract_strided_slice %div3A {offsets = [0, 0], sizes = [196, 128], strides = [1, 1]} : vector<196x196xf32> to vector<196x128xf32>
    %swap3A = arith.constant 0 : index
    %swap3A_12 = arith.constant 0 : index
    %swap3A_13 = vector.load %arg2[%swap3A, %swap3A_12] : memref<1600x128xf32, #tpu.memory_space<vmem>>, vector<196x128xf32>
    tpu.vector_store %arg2[%swap3A, %swap3A_12], %slice3A {strides = array<i32>} : memref<1600x128xf32, #tpu.memory_space<vmem>>, vector<196x128xf32>,
    %slice3A_14 = vector.extract_strided_slice %div3A {offsets = [0, 128], sizes = [196, 68], strides = [1, 1]} : vector<196x196xf32> to vector<196x68xf32>
    %broadcast_in_dim3A_15 = arith.constant -1.000000e+30 : f32
    %broadcast_in_dim3A_16 = vector.broadcast %broadcast_in_dim3A_15 : f32 to vector<196x60xf32>
    %concatenate3A = tpu.concatenate %slice3A_14, %broadcast_in_dim3A_16 in 1 : vector<196x68xf32>, vector<196x60xf32> -> vector<196x128xf32>
    %swap3A_17 = arith.constant 0 : index
    %swap3A_18 = arith.constant 0 : index
    %swap3A_19 = vector.load %arg3[%swap3A_17, %swap3A_18] : memref<1600x128xf32, #tpu.memory_space<vmem>>, vector<196x128xf32>
    tpu.vector_store %arg3[%swap3A_17, %swap3A_18], %concatenate3A {strides = array<i32>} : memref<1600x128xf32, #tpu.memory_space<vmem>>, vector<196x128xf32>,
    %get3A_20 = arith.constant 1 : index
    %get3A_21 = arith.constant 0 : index
    %get3A_22 = arith.constant 0 : index
    %get3A_23 = vector.load %arg1[%get3A_20, %get3A_21, %get3A_22] : memref<8x384x196xf32, #tpu.memory_space<vmem>>, vector<1x384x196xf32>
    %get3A_24 = vector.shape_cast %get3A_23 : vector<1x384x196xf32> to vector<384x196xf32>
    %mul3A_25 = arith.mulf %get3A_24, %get3A_24 : vector<384x196xf32>
    %reduce_sum3A_26 = arith.constant dense<0.000000e+00> : vector<196xf32>
    %reduce_sum3A_27 = vector.multi_reduction <add>, %mul3A_25, %reduce_sum3A_26 [0] : vector<384x196xf32> to vector<196xf32>
    %sqrt3A_28 = math.sqrt %reduce_sum3A_27 : vector<196xf32>
    %dot_general3A_29 = arith.constant dense<0.000000e+00> : vector<196x196xf32>
    %dot_general3A_30 = tpu.matmul %get3A_24, %get3A_24, %dot_general3A_29 {dimension_numbers = #tpu.dot_dimension_numbers<[0], [0], [1], [1], [0, 1, 1, 1], [], []>, precision = #tpu.contract_precision<fp32>, transpose_lhs_hint = false} : vector<384x196xf32>, vector<384x196xf32>, vector<196x196xf32> -> vector<196x196xf32>
    %broadcast_in_dim3A_31 = vector.shape_cast %sqrt3A_28 : vector<196xf32> to vector<196x1xf32>
    %broadcast_in_dim3A_32 = vector.shape_cast %sqrt3A_28 : vector<196xf32> to vector<1x196xf32>
    %mul3A_33 = vector.broadcast %broadcast_in_dim3A_31 : vector<196x1xf32> to vector<196x196xf32>
    %mul3A_34 = vector.broadcast %broadcast_in_dim3A_32 : vector<1x196xf32> to vector<196x196xf32>
    %mul3A_35 = arith.mulf %mul3A_33, %mul3A_34 : vector<196x196xf32>
    %max3A_36 = arith.constant 9.99999997E-7 : f32
    %max3A_37 = vector.broadcast %max3A_36 : f32 to vector<196x196xf32>
    %max3A_38 = arith.maximumf %mul3A_35, %max3A_37 : vector<196x196xf32>
    %div3A_39 = arith.divf %dot_general3A_30, %max3A_38 : vector<196x196xf32>
    %slice3A_40 = vector.extract_strided_slice %div3A_39 {offsets = [0, 0], sizes = [196, 128], strides = [1, 1]} : vector<196x196xf32> to vector<196x128xf32>
    %swap3A_41 = arith.constant 200 : index
    %swap3A_42 = arith.constant 0 : index
    %swap3A_43 = vector.load %arg2[%swap3A_41, %swap3A_42] : memref<1600x128xf32, #tpu.memory_space<vmem>>, vector<196x128xf32>
    tpu.vector_store %arg2[%swap3A_41, %swap3A_42], %slice3A_40 {strides = array<i32>} : memref<1600x128xf32, #tpu.memory_space<vmem>>, vector<196x128xf32>,
    %slice3A_44 = vector.extract_strided_slice %div3A_39 {offsets = [0, 128], sizes = [196, 68], strides = [1, 1]} : vector<196x196xf32> to vector<196x68xf32>
    %broadcast_in_dim3A_45 = arith.constant -1.000000e+30 : f32
    %broadcast_in_dim3A_46 = vector.broadcast %broadcast_in_dim3A_45 : f32 to vector<196x60xf32>
    %concatenate3A_47 = tpu.concatenate %slice3A_44, %broadcast_in_dim3A_46 in 1 : vector<196x68xf32>, vector<196x60xf32> -> vector<196x128xf32>
    %swap3A_48 = arith.constant 200 : index
    %swap3A_49 = arith.constant 0 : index
    %swap3A_50 = vector.load %arg3[%swap3A_48, %swap3A_49] : memref<1600x128xf32, #tpu.memory_space<vmem>>, vector<196x128xf32>
    tpu.vector_store %arg3[%swap3A_48, %swap3A_49], %concatenate3A_47 {strides = array<i32>} : memref<1600x128xf32, #tpu.memory_space<vmem>>, vector<196x128xf32>,
    %get3A_51 = arith.constant 2 : index
    %get3A_52 = arith.constant 0 : index
    %get3A_53 = arith.constant 0 : index
    %get3A_54 = vector.load %arg1[%get3A_51, %get3A_52, %get3A_53] : memref<8x384x196xf32, #tpu.memory_space<vmem>>, vector<1x384x196xf32>
    %get3A_55 = vector.shape_cast %get3A_54 : vector<1x384x196xf32> to vector<384x196xf32>
    %mul3A_56 = arith.mulf %get3A_55, %get3A_55 : vector<384x196xf32>
    %reduce_sum3A_57 = arith.constant dense<0.000000e+00> : vector<196xf32>
    %reduce_sum3A_58 = vector.multi_reduction <add>, %mul3A_56, %reduce_sum3A_57 [0] : vector<384x196xf32> to vector<196xf32>
    %sqrt3A_59 = math.sqrt %reduce_sum3A_58 : vector<196xf32>
    %dot_general3A_60 = arith.constant dense<0.000000e+00> : vector<196x196xf32>
    %dot_general3A_61 = tpu.matmul %get3A_55, %get3A_55, %dot_general3A_60 {dimension_numbers = #tpu.dot_dimension_numbers<[0], [0], [1], [1], [0, 1, 1, 1], [], []>, precision = #tpu.contract_precision<fp32>, transpose_lhs_hint = false} : vector<384x196xf32>, vector<384x196xf32>, vector<196x196xf32> -> vector<196x196xf32>
    %broadcast_in_dim3A_62 = vector.shape_cast %sqrt3A_59 : vector<196xf32> to vector<196x1xf32>
    %broadcast_in_dim3A_63 = vector.shape_cast %sqrt3A_59 : vector<196xf32> to vector<1x196xf32>
    %mul3A_64 = vector.broadcast %broadcast_in_dim3A_62 : vector<196x1xf32> to vector<196x196xf32>
    %mul3A_65 = vector.broadcast %broadcast_in_dim3A_63 : vector<1x196xf32> to vector<196x196xf32>
    %mul3A_66 = arith.mulf %mul3A_64, %mul3A_65 : vector<196x196xf32>
    %max3A_67 = arith.constant 9.99999997E-7 : f32
    %max3A_68 = vector.broadcast %max3A_67 : f32 to vector<196x196xf32>
    %max3A_69 = arith.maximumf %mul3A_66, %max3A_68 : vector<196x196xf32>
    %div3A_70 = arith.divf %dot_general3A_61, %max3A_69 : vector<196x196xf32>
    %slice3A_71 = vector.extract_strided_slice %div3A_70 {offsets = [0, 0], sizes = [196, 128], strides = [1, 1]} : vector<196x196xf32> to vector<196x128xf32>
    %swap3A_72 = arith.constant 400 : index
    %swap3A_73 = arith.constant 0 : index
    %swap3A_74 = vector.load %arg2[%swap3A_72, %swap3A_73] : memref<1600x128xf32, #tpu.memory_space<vmem>>, vector<196x128xf32>
    tpu.vector_store %arg2[%swap3A_72, %swap3A_73], %slice3A_71 {strides = array<i32>} : memref<1600x128xf32, #tpu.memory_space<vmem>>, vector<196x128xf32>,
    %slice3A_75 = vector.extract_strided_slice %div3A_70 {offsets = [0, 128], sizes = [196, 68], strides = [1, 1]} : vector<196x196xf32> to vector<196x68xf32>
    %broadcast_in_dim3A_76 = arith.constant -1.000000e+30 : f32
    %broadcast_in_dim3A_77 = vector.broadcast %broadcast_in_dim3A_76 : f32 to vector<196x60xf32>
    %concatenate3A_78 = tpu.concatenate %slice3A_75, %broadcast_in_dim3A_77 in 1 : vector<196x68xf32>, vector<196x60xf32> -> vector<196x128xf32>
    %swap3A_79 = arith.constant 400 : index
    %swap3A_80 = arith.constant 0 : index
    %swap3A_81 = vector.load %arg3[%swap3A_79, %swap3A_80] : memref<1600x128xf32, #tpu.memory_space<vmem>>, vector<196x128xf32>
    tpu.vector_store %arg3[%swap3A_79, %swap3A_80], %concatenate3A_78 {strides = array<i32>} : memref<1600x128xf32, #tpu.memory_space<vmem>>, vector<196x128xf32>,
    %get3A_82 = arith.constant 3 : index
    %get3A_83 = arith.constant 0 : index
    %get3A_84 = arith.constant 0 : index
    %get3A_85 = vector.load %arg1[%get3A_82, %get3A_83, %get3A_84] : memref<8x384x196xf32, #tpu.memory_space<vmem>>, vector<1x384x196xf32>
    %get3A_86 = vector.shape_cast %get3A_85 : vector<1x384x196xf32> to vector<384x196xf32>
    %mul3A_87 = arith.mulf %get3A_86, %get3A_86 : vector<384x196xf32>
    %reduce_sum3A_88 = arith.constant dense<0.000000e+00> : vector<196xf32>
    %reduce_sum3A_89 = vector.multi_reduction <add>, %mul3A_87, %reduce_sum3A_88 [0] : vector<384x196xf32> to vector<196xf32>
    %sqrt3A_90 = math.sqrt %reduce_sum3A_89 : vector<196xf32>
    %dot_general3A_91 = arith.constant dense<0.000000e+00> : vector<196x196xf32>
    %dot_general3A_92 = tpu.matmul %get3A_86, %get3A_86, %dot_general3A_91 {dimension_numbers = #tpu.dot_dimension_numbers<[0], [0], [1], [1], [0, 1, 1, 1], [], []>, precision = #tpu.contract_precision<fp32>, transpose_lhs_hint = false} : vector<384x196xf32>, vector<384x196xf32>, vector<196x196xf32> -> vector<196x196xf32>
    %broadcast_in_dim3A_93 = vector.shape_cast %sqrt3A_90 : vector<196xf32> to vector<196x1xf32>
    %broadcast_in_dim3A_94 = vector.shape_cast %sqrt3A_90 : vector<196xf32> to vector<1x196xf32>
    %mul3A_95 = vector.broadcast %broadcast_in_dim3A_93 : vector<196x1xf32> to vector<196x196xf32>
    %mul3A_96 = vector.broadcast %broadcast_in_dim3A_94 : vector<1x196xf32> to vector<196x196xf32>
    %mul3A_97 = arith.mulf %mul3A_95, %mul3A_96 : vector<196x196xf32>
    %max3A_98 = arith.constant 9.99999997E-7 : f32
    %max3A_99 = vector.broadcast %max3A_98 : f32 to vector<196x196xf32>
    %max3A_100 = arith.maximumf %mul3A_97, %max3A_99 : vector<196x196xf32>
    %div3A_101 = arith.divf %dot_general3A_92, %max3A_100 : vector<196x196xf32>
    %slice3A_102 = vector.extract_strided_slice %div3A_101 {offsets = [0, 0], sizes = [196, 128], strides = [1, 1]} : vector<196x196xf32> to vector<196x128xf32>
    %swap3A_103 = arith.constant 600 : index
    %swap3A_104 = arith.constant 0 : index
    %swap3A_105 = vector.load %arg2[%swap3A_103, %swap3A_104] : memref<1600x128xf32, #tpu.memory_space<vmem>>, vector<196x128xf32>
    tpu.vector_store %arg2[%swap3A_103, %swap3A_104], %slice3A_102 {strides = array<i32>} : memref<1600x128xf32, #tpu.memory_space<vmem>>, vector<196x128xf32>,
    %slice3A_106 = vector.extract_strided_slice %div3A_101 {offsets = [0, 128], sizes = [196, 68], strides = [1, 1]} : vector<196x196xf32> to vector<196x68xf32>
    %broadcast_in_dim3A_107 = arith.constant -1.000000e+30 : f32
    %broadcast_in_dim3A_108 = vector.broadcast %broadcast_in_dim3A_107 : f32 to vector<196x60xf32>
    %concatenate3A_109 = tpu.concatenate %slice3A_106, %broadcast_in_dim3A_108 in 1 : vector<196x68xf32>, vector<196x60xf32> -> vector<196x128xf32>
    %swap3A_110 = arith.constant 600 : index
    %swap3A_111 = arith.constant 0 : index
    %swap3A_112 = vector.load %arg3[%swap3A_110, %swap3A_111] : memref<1600x128xf32, #tpu.memory_space<vmem>>, vector<196x128xf32>
    tpu.vector_store %arg3[%swap3A_110, %swap3A_111], %concatenate3A_109 {strides = array<i32>} : memref<1600x128xf32, #tpu.memory_space<vmem>>, vector<196x128xf32>,
    %get3A_113 = arith.constant 4 : index
    %get3A_114 = arith.constant 0 : index
    %get3A_115 = arith.constant 0 : index
    %get3A_116 = vector.load %arg1[%get3A_113, %get3A_114, %get3A_115] : memref<8x384x196xf32, #tpu.memory_space<vmem>>, vector<1x384x196xf32>
    %get3A_117 = vector.shape_cast %get3A_116 : vector<1x384x196xf32> to vector<384x196xf32>
    %mul3A_118 = arith.mulf %get3A_117, %get3A_117 : vector<384x196xf32>
    %reduce_sum3A_119 = arith.constant dense<0.000000e+00> : vector<196xf32>
    %reduce_sum3A_120 = vector.multi_reduction <add>, %mul3A_118, %reduce_sum3A_119 [0] : vector<384x196xf32> to vector<196xf32>
    %sqrt3A_121 = math.sqrt %reduce_sum3A_120 : vector<196xf32>
    %dot_general3A_122 = arith.constant dense<0.000000e+00> : vector<196x196xf32>
    %dot_general3A_123 = tpu.matmul %get3A_117, %get3A_117, %dot_general3A_122 {dimension_numbers = #tpu.dot_dimension_numbers<[0], [0], [1], [1], [0, 1, 1, 1], [], []>, precision = #tpu.contract_precision<fp32>, transpose_lhs_hint = false} : vector<384x196xf32>, vector<384x196xf32>, vector<196x196xf32> -> vector<196x196xf32>
    %broadcast_in_dim3A_124 = vector.shape_cast %sqrt3A_121 : vector<196xf32> to vector<196x1xf32>
    %broadcast_in_dim3A_125 = vector.shape_cast %sqrt3A_121 : vector<196xf32> to vector<1x196xf32>
    %mul3A_126 = vector.broadcast %broadcast_in_dim3A_124 : vector<196x1xf32> to vector<196x196xf32>
    %mul3A_127 = vector.broadcast %broadcast_in_dim3A_125 : vector<1x196xf32> to vector<196x196xf32>
    %mul3A_128 = arith.mulf %mul3A_126, %mul3A_127 : vector<196x196xf32>
    %max3A_129 = arith.constant 9.99999997E-7 : f32
    %max3A_130 = vector.broadcast %max3A_129 : f32 to vector<196x196xf32>
    %max3A_131 = arith.maximumf %mul3A_128, %max3A_130 : vector<196x196xf32>
    %div3A_132 = arith.divf %dot_general3A_123, %max3A_131 : vector<196x196xf32>
    %slice3A_133 = vector.extract_strided_slice %div3A_132 {offsets = [0, 0], sizes = [196, 128], strides = [1, 1]} : vector<196x196xf32> to vector<196x128xf32>
    %swap3A_134 = arith.constant 800 : index
    %swap3A_135 = arith.constant 0 : index
    %swap3A_136 = vector.load %arg2[%swap3A_134, %swap3A_135] : memref<1600x128xf32, #tpu.memory_space<vmem>>, vector<196x128xf32>
    tpu.vector_store %arg2[%swap3A_134, %swap3A_135], %slice3A_133 {strides = array<i32>} : memref<1600x128xf32, #tpu.memory_space<vmem>>, vector<196x128xf32>,
    %slice3A_137 = vector.extract_strided_slice %div3A_132 {offsets = [0, 128], sizes = [196, 68], strides = [1, 1]} : vector<196x196xf32> to vector<196x68xf32>
    %broadcast_in_dim3A_138 = arith.constant -1.000000e+30 : f32
    %broadcast_in_dim3A_139 = vector.broadcast %broadcast_in_dim3A_138 : f32 to vector<196x60xf32>
    %concatenate3A_140 = tpu.concatenate %slice3A_137, %broadcast_in_dim3A_139 in 1 : vector<196x68xf32>, vector<196x60xf32> -> vector<196x128xf32>
    %swap3A_141 = arith.constant 800 : index
    %swap3A_142 = arith.constant 0 : index
    %swap3A_143 = vector.load %arg3[%swap3A_141, %swap3A_142] : memref<1600x128xf32, #tpu.memory_space<vmem>>, vector<196x128xf32>
    tpu.vector_store %arg3[%swap3A_141, %swap3A_142], %concatenate3A_140 {strides = array<i32>} : memref<1600x128xf32, #tpu.memory_space<vmem>>, vector<196x128xf32>,
    %get3A_144 = arith.constant 5 : index
    %get3A_145 = arith.constant 0 : index
    %get3A_146 = arith.constant 0 : index
    %get3A_147 = vector.load %arg1[%get3A_144, %get3A_145, %get3A_146] : memref<8x384x196xf32, #tpu.memory_space<vmem>>, vector<1x384x196xf32>
    %get3A_148 = vector.shape_cast %get3A_147 : vector<1x384x196xf32> to vector<384x196xf32>
    %mul3A_149 = arith.mulf %get3A_148, %get3A_148 : vector<384x196xf32>
    %reduce_sum3A_150 = arith.constant dense<0.000000e+00> : vector<196xf32>
    %reduce_sum3A_151 = vector.multi_reduction <add>, %mul3A_149, %reduce_sum3A_150 [0] : vector<384x196xf32> to vector<196xf32>
    %sqrt3A_152 = math.sqrt %reduce_sum3A_151 : vector<196xf32>
    %dot_general3A_153 = arith.constant dense<0.000000e+00> : vector<196x196xf32>
    %dot_general3A_154 = tpu.matmul %get3A_148, %get3A_148, %dot_general3A_153 {dimension_numbers = #tpu.dot_dimension_numbers<[0], [0], [1], [1], [0, 1, 1, 1], [], []>, precision = #tpu.contract_precision<fp32>, transpose_lhs_hint = false} : vector<384x196xf32>, vector<384x196xf32>, vector<196x196xf32> -> vector<196x196xf32>
    %broadcast_in_dim3A_155 = vector.shape_cast %sqrt3A_152 : vector<196xf32> to vector<196x1xf32>
    %broadcast_in_dim3A_156 = vector.shape_cast %sqrt3A_152 : vector<196xf32> to vector<1x196xf32>
    %mul3A_157 = vector.broadcast %broadcast_in_dim3A_155 : vector<196x1xf32> to vector<196x196xf32>
    %mul3A_158 = vector.broadcast %broadcast_in_dim3A_156 : vector<1x196xf32> to vector<196x196xf32>
    %mul3A_159 = arith.mulf %mul3A_157, %mul3A_158 : vector<196x196xf32>
    %max3A_160 = arith.constant 9.99999997E-7 : f32
    %max3A_161 = vector.broadcast %max3A_160 : f32 to vector<196x196xf32>
    %max3A_162 = arith.maximumf %mul3A_159, %max3A_161 : vector<196x196xf32>
    %div3A_163 = arith.divf %dot_general3A_154, %max3A_162 : vector<196x196xf32>
    %slice3A_164 = vector.extract_strided_slice %div3A_163 {offsets = [0, 0], sizes = [196, 128], strides = [1, 1]} : vector<196x196xf32> to vector<196x128xf32>
    %swap3A_165 = arith.constant 1000 : index
    %swap3A_166 = arith.constant 0 : index
    %swap3A_167 = vector.load %arg2[%swap3A_165, %swap3A_166] : memref<1600x128xf32, #tpu.memory_space<vmem>>, vector<196x128xf32>
    tpu.vector_store %arg2[%swap3A_165, %swap3A_166], %slice3A_164 {strides = array<i32>} : memref<1600x128xf32, #tpu.memory_space<vmem>>, vector<196x128xf32>,
    %slice3A_168 = vector.extract_strided_slice %div3A_163 {offsets = [0, 128], sizes = [196, 68], strides = [1, 1]} : vector<196x196xf32> to vector<196x68xf32>
    %broadcast_in_dim3A_169 = arith.constant -1.000000e+30 : f32
    %broadcast_in_dim3A_170 = vector.broadcast %broadcast_in_dim3A_169 : f32 to vector<196x60xf32>
    %concatenate3A_171 = tpu.concatenate %slice3A_168, %broadcast_in_dim3A_170 in 1 : vector<196x68xf32>, vector<196x60xf32> -> vector<196x128xf32>
    %swap3A_172 = arith.constant 1000 : index
    %swap3A_173 = arith.constant 0 : index
    %swap3A_174 = vector.load %arg3[%swap3A_172, %swap3A_173] : memref<1600x128xf32, #tpu.memory_space<vmem>>, vector<196x128xf32>
    tpu.vector_store %arg3[%swap3A_172, %swap3A_173], %concatenate3A_171 {strides = array<i32>} : memref<1600x128xf32, #tpu.memory_space<vmem>>, vector<196x128xf32>,
    %get3A_175 = arith.constant 6 : index
    %get3A_176 = arith.constant 0 : index
    %get3A_177 = arith.constant 0 : index
    %get3A_178 = vector.load %arg1[%get3A_175, %get3A_176, %get3A_177] : memref<8x384x196xf32, #tpu.memory_space<vmem>>, vector<1x384x196xf32>
    %get3A_179 = vector.shape_cast %get3A_178 : vector<1x384x196xf32> to vector<384x196xf32>
    %mul3A_180 = arith.mulf %get3A_179, %get3A_179 : vector<384x196xf32>
    %reduce_sum3A_181 = arith.constant dense<0.000000e+00> : vector<196xf32>
    %reduce_sum3A_182 = vector.multi_reduction <add>, %mul3A_180, %reduce_sum3A_181 [0] : vector<384x196xf32> to vector<196xf32>
    %sqrt3A_183 = math.sqrt %reduce_sum3A_182 : vector<196xf32>
    %dot_general3A_184 = arith.constant dense<0.000000e+00> : vector<196x196xf32>
    %dot_general3A_185 = tpu.matmul %get3A_179, %get3A_179, %dot_general3A_184 {dimension_numbers = #tpu.dot_dimension_numbers<[0], [0], [1], [1], [0, 1, 1, 1], [], []>, precision = #tpu.contract_precision<fp32>, transpose_lhs_hint = false} : vector<384x196xf32>, vector<384x196xf32>, vector<196x196xf32> -> vector<196x196xf32>
    %broadcast_in_dim3A_186 = vector.shape_cast %sqrt3A_183 : vector<196xf32> to vector<196x1xf32>
    %broadcast_in_dim3A_187 = vector.shape_cast %sqrt3A_183 : vector<196xf32> to vector<1x196xf32>
    %mul3A_188 = vector.broadcast %broadcast_in_dim3A_186 : vector<196x1xf32> to vector<196x196xf32>
    %mul3A_189 = vector.broadcast %broadcast_in_dim3A_187 : vector<1x196xf32> to vector<196x196xf32>
    %mul3A_190 = arith.mulf %mul3A_188, %mul3A_189 : vector<196x196xf32>
    %max3A_191 = arith.constant 9.99999997E-7 : f32
    %max3A_192 = vector.broadcast %max3A_191 : f32 to vector<196x196xf32>
    %max3A_193 = arith.maximumf %mul3A_190, %max3A_192 : vector<196x196xf32>
    %div3A_194 = arith.divf %dot_general3A_185, %max3A_193 : vector<196x196xf32>
    %slice3A_195 = vector.extract_strided_slice %div3A_194 {offsets = [0, 0], sizes = [196, 128], strides = [1, 1]} : vector<196x196xf32> to vector<196x128xf32>
    %swap3A_196 = arith.constant 1200 : index
    %swap3A_197 = arith.constant 0 : index
    %swap3A_198 = vector.load %arg2[%swap3A_196, %swap3A_197] : memref<1600x128xf32, #tpu.memory_space<vmem>>, vector<196x128xf32>
    tpu.vector_store %arg2[%swap3A_196, %swap3A_197], %slice3A_195 {strides = array<i32>} : memref<1600x128xf32, #tpu.memory_space<vmem>>, vector<196x128xf32>,
    %slice3A_199 = vector.extract_strided_slice %div3A_194 {offsets = [0, 128], sizes = [196, 68], strides = [1, 1]} : vector<196x196xf32> to vector<196x68xf32>
    %broadcast_in_dim3A_200 = arith.constant -1.000000e+30 : f32
    %broadcast_in_dim3A_201 = vector.broadcast %broadcast_in_dim3A_200 : f32 to vector<196x60xf32>
    %concatenate3A_202 = tpu.concatenate %slice3A_199, %broadcast_in_dim3A_201 in 1 : vector<196x68xf32>, vector<196x60xf32> -> vector<196x128xf32>
    %swap3A_203 = arith.constant 1200 : index
    %swap3A_204 = arith.constant 0 : index
    %swap3A_205 = vector.load %arg3[%swap3A_203, %swap3A_204] : memref<1600x128xf32, #tpu.memory_space<vmem>>, vector<196x128xf32>
    tpu.vector_store %arg3[%swap3A_203, %swap3A_204], %concatenate3A_202 {strides = array<i32>} : memref<1600x128xf32, #tpu.memory_space<vmem>>, vector<196x128xf32>,
    %get3A_206 = arith.constant 7 : index
    %get3A_207 = arith.constant 0 : index
    %get3A_208 = arith.constant 0 : index
    %get3A_209 = vector.load %arg1[%get3A_206, %get3A_207, %get3A_208] : memref<8x384x196xf32, #tpu.memory_space<vmem>>, vector<1x384x196xf32>
    %get3A_210 = vector.shape_cast %get3A_209 : vector<1x384x196xf32> to vector<384x196xf32>
    %mul3A_211 = arith.mulf %get3A_210, %get3A_210 : vector<384x196xf32>
    %reduce_sum3A_212 = arith.constant dense<0.000000e+00> : vector<196xf32>
    %reduce_sum3A_213 = vector.multi_reduction <add>, %mul3A_211, %reduce_sum3A_212 [0] : vector<384x196xf32> to vector<196xf32>
    %sqrt3A_214 = math.sqrt %reduce_sum3A_213 : vector<196xf32>
    %dot_general3A_215 = arith.constant dense<0.000000e+00> : vector<196x196xf32>
    %dot_general3A_216 = tpu.matmul %get3A_210, %get3A_210, %dot_general3A_215 {dimension_numbers = #tpu.dot_dimension_numbers<[0], [0], [1], [1], [0, 1, 1, 1], [], []>, precision = #tpu.contract_precision<fp32>, transpose_lhs_hint = false} : vector<384x196xf32>, vector<384x196xf32>, vector<196x196xf32> -> vector<196x196xf32>
    %broadcast_in_dim3A_217 = vector.shape_cast %sqrt3A_214 : vector<196xf32> to vector<196x1xf32>
    %broadcast_in_dim3A_218 = vector.shape_cast %sqrt3A_214 : vector<196xf32> to vector<1x196xf32>
    %mul3A_219 = vector.broadcast %broadcast_in_dim3A_217 : vector<196x1xf32> to vector<196x196xf32>
    %mul3A_220 = vector.broadcast %broadcast_in_dim3A_218 : vector<1x196xf32> to vector<196x196xf32>
    %mul3A_221 = arith.mulf %mul3A_219, %mul3A_220 : vector<196x196xf32>
    %max3A_222 = arith.constant 9.99999997E-7 : f32
    %max3A_223 = vector.broadcast %max3A_222 : f32 to vector<196x196xf32>
    %max3A_224 = arith.maximumf %mul3A_221, %max3A_223 : vector<196x196xf32>
    %div3A_225 = arith.divf %dot_general3A_216, %max3A_224 : vector<196x196xf32>
    %slice3A_226 = vector.extract_strided_slice %div3A_225 {offsets = [0, 0], sizes = [196, 128], strides = [1, 1]} : vector<196x196xf32> to vector<196x128xf32>
    %swap3A_227 = arith.constant 1400 : index
    %swap3A_228 = arith.constant 0 : index
    %swap3A_229 = vector.load %arg2[%swap3A_227, %swap3A_228] : memref<1600x128xf32, #tpu.memory_space<vmem>>, vector<196x128xf32>
    tpu.vector_store %arg2[%swap3A_227, %swap3A_228], %slice3A_226 {strides = array<i32>} : memref<1600x128xf32, #tpu.memory_space<vmem>>, vector<196x128xf32>,
    %slice3A_230 = vector.extract_strided_slice %div3A_225 {offsets = [0, 128], sizes = [196, 68], strides = [1, 1]} : vector<196x196xf32> to vector<196x68xf32>
    %broadcast_in_dim3A_231 = arith.constant -1.000000e+30 : f32
    %broadcast_in_dim3A_232 = vector.broadcast %broadcast_in_dim3A_231 : f32 to vector<196x60xf32>
    %concatenate3A_233 = tpu.concatenate %slice3A_230, %broadcast_in_dim3A_232 in 1 : vector<196x68xf32>, vector<196x60xf32> -> vector<196x128xf32>
    %swap3A_234 = arith.constant 1400 : index
    %swap3A_235 = arith.constant 0 : index
    %swap3A_236 = vector.load %arg3[%swap3A_234, %swap3A_235] : memref<1600x128xf32, #tpu.memory_space<vmem>>, vector<196x128xf32>
    tpu.vector_store %arg3[%swap3A_234, %swap3A_235], %concatenate3A_233 {strides = array<i32>} : memref<1600x128xf32, #tpu.memory_space<vmem>>, vector<196x128xf32>,
    return
  }
  func.func @transform_0(%arg0: i32) -> (i32, i32, i32) {
    %c0_i32 = arith.constant 0 : i32
    %c0_i32_0 = arith.constant 0 : i32
    %c0_i32_1 = arith.constant 0 : i32
    return %arg0, %c0_i32, %c0_i32_0 : i32, i32, i32
  }
  func.func @transform_1(%arg0: i32) -> (i32, i32) {
    %c0_i32 = arith.constant 0 : i32
    %c0_i32_0 = arith.constant 0 : i32
    return %arg0, %c0_i32 : i32, i32
  }
  func.func @transform_2(%arg0: i32) -> (i32, i32) {
    %c0_i32 = arith.constant 0 : i32
    %c0_i32_0 = arith.constant 0 : i32
    return %arg0, %c0_i32 : i32, i32
  }
}

module attributes {stable_mosaic.version = 14 : i64} {
  func.func @_conv_body(%arg0: i32, %arg1: memref<8x384x196xf32, #tpu.memory_space<vmem>>, %arg2: memref<8x200x128xi32, #tpu.memory_space<vmem>>, %arg3: memref<9x384x384xf32, #tpu.memory_space<vmem>>, %arg4: memref<8x384x196xf32, #tpu.memory_space<vmem>>) attributes {dimension_semantics = [#tpu.dimension_semantics<arbitrary>], iteration_bounds = array<i64: 2>, scalar_prefetch = 0 : i64, scratch_operands = 0 : i64, tpu.core_type = #tpu.core_type<tc>, window_params = [{transform_indices = @transform_0, window_bounds = array<i64: 8, 384, 196>}, {transform_indices = @transform_1, window_bounds = array<i64: 8, 200, 128>}, {pipeline_mode = #tpu.pipeline_mode<synchronous>, transform_indices = @transform_2, window_bounds = array<i64: 9, 384, 384>}, {transform_indices = @transform_3, window_bounds = array<i64: 8, 384, 196>}]} {
    %iota3A = tpu.iota {dimensions = array<i32: 1>} : vector<196x196xi32>
    %get3A = arith.constant 0 : index
    %get3A_0 = arith.constant 0 : index
    %get3A_1 = arith.constant 0 : index
    %get3A_2 = vector.load %arg1[%get3A, %get3A_0, %get3A_1] : memref<8x384x196xf32, #tpu.memory_space<vmem>>, vector<1x384x196xf32>
    %get3A_3 = vector.shape_cast %get3A_2 : vector<1x384x196xf32> to vector<384x196xf32>
    %broadcast_in_dim3A = arith.constant 0.000000e+00 : f32
    %broadcast_in_dim3A_4 = vector.broadcast %broadcast_in_dim3A : f32 to vector<384x196xf32>
    %get3A_5 = arith.constant 0 : index
    %get3A_6 = arith.constant 0 : index
    %get3A_7 = arith.constant 0 : index
    %get3A_8 = vector.load %arg2[%get3A_5, %get3A_6, %get3A_7] : memref<8x200x128xi32, #tpu.memory_space<vmem>>, vector<1x196x1xi32>
    %get3A_9 = vector.shape_cast %get3A_8 : vector<1x196x1xi32> to vector<196xi32>
    %broadcast_in_dim3A_10 = vector.shape_cast %get3A_9 : vector<196xi32> to vector<196x1xi32>
    %eq3A = vector.broadcast %broadcast_in_dim3A_10 : vector<196x1xi32> to vector<196x196xi32>
    %eq3A_11 = arith.cmpi eq, %iota3A, %eq3A : vector<196x196xi32>
    %convert_element_type3A = arith.extui %eq3A_11 : vector<196x196xi1> to vector<196x196xi32>
    %convert_element_type3A_12 = arith.sitofp %convert_element_type3A : vector<196x196xi32> to vector<196x196xf32>
    %dot_general3A = arith.constant dense<0.000000e+00> : vector<196x384xf32>
    %dot_general3A_13 = tpu.matmul %convert_element_type3A_12, %get3A_3, %dot_general3A {dimension_numbers = #tpu.dot_dimension_numbers<[1], [1], [0], [0], [0, 0, 1, 0], [], []>, transpose_lhs_hint = false} : vector<196x196xf32>, vector<384x196xf32>, vector<196x384xf32> -> vector<196x384xf32>
    %get3A_14 = arith.constant 0 : index
    %get3A_15 = arith.constant 0 : index
    %get3A_16 = arith.constant 0 : index
    %get3A_17 = vector.load %arg3[%get3A_14, %get3A_15, %get3A_16] : memref<9x384x384xf32, #tpu.memory_space<vmem>>, vector<1x384x384xf32>
    %get3A_18 = vector.shape_cast %get3A_17 : vector<1x384x384xf32> to vector<384x384xf32>
    %dot_general3A_19 = arith.constant dense<0.000000e+00> : vector<384x196xf32>
    %dot_general3A_20 = tpu.matmul %get3A_18, %dot_general3A_13, %dot_general3A_19 {dimension_numbers = #tpu.dot_dimension_numbers<[0], [1], [1], [0], [0, 1, 1, 0], [], []>, transpose_lhs_hint = false} : vector<384x384xf32>, vector<196x384xf32>, vector<384x196xf32> -> vector<384x196xf32>
    %add3A = arith.addf %broadcast_in_dim3A_4, %dot_general3A_20 : vector<384x196xf32>
    %get3A_21 = arith.constant 0 : index
    %get3A_22 = arith.constant 0 : index
    %get3A_23 = arith.constant 1 : index
    %get3A_24 = vector.load %arg2[%get3A_21, %get3A_22, %get3A_23] : memref<8x200x128xi32, #tpu.memory_space<vmem>>, vector<1x196x1xi32>
    %get3A_25 = vector.shape_cast %get3A_24 : vector<1x196x1xi32> to vector<196xi32>
    %broadcast_in_dim3A_26 = vector.shape_cast %get3A_25 : vector<196xi32> to vector<196x1xi32>
    %eq3A_27 = vector.broadcast %broadcast_in_dim3A_26 : vector<196x1xi32> to vector<196x196xi32>
    %eq3A_28 = arith.cmpi eq, %iota3A, %eq3A_27 : vector<196x196xi32>
    %convert_element_type3A_29 = arith.extui %eq3A_28 : vector<196x196xi1> to vector<196x196xi32>
    %convert_element_type3A_30 = arith.sitofp %convert_element_type3A_29 : vector<196x196xi32> to vector<196x196xf32>
    %dot_general3A_31 = arith.constant dense<0.000000e+00> : vector<196x384xf32>
    %dot_general3A_32 = tpu.matmul %convert_element_type3A_30, %get3A_3, %dot_general3A_31 {dimension_numbers = #tpu.dot_dimension_numbers<[1], [1], [0], [0], [0, 0, 1, 0], [], []>, transpose_lhs_hint = false} : vector<196x196xf32>, vector<384x196xf32>, vector<196x384xf32> -> vector<196x384xf32>
    %get3A_33 = arith.constant 1 : index
    %get3A_34 = arith.constant 0 : index
    %get3A_35 = arith.constant 0 : index
    %get3A_36 = vector.load %arg3[%get3A_33, %get3A_34, %get3A_35] : memref<9x384x384xf32, #tpu.memory_space<vmem>>, vector<1x384x384xf32>
    %get3A_37 = vector.shape_cast %get3A_36 : vector<1x384x384xf32> to vector<384x384xf32>
    %dot_general3A_38 = arith.constant dense<0.000000e+00> : vector<384x196xf32>
    %dot_general3A_39 = tpu.matmul %get3A_37, %dot_general3A_32, %dot_general3A_38 {dimension_numbers = #tpu.dot_dimension_numbers<[0], [1], [1], [0], [0, 1, 1, 0], [], []>, transpose_lhs_hint = false} : vector<384x384xf32>, vector<196x384xf32>, vector<384x196xf32> -> vector<384x196xf32>
    %add3A_40 = arith.addf %add3A, %dot_general3A_39 : vector<384x196xf32>
    %get3A_41 = arith.constant 0 : index
    %get3A_42 = arith.constant 0 : index
    %get3A_43 = arith.constant 2 : index
    %get3A_44 = vector.load %arg2[%get3A_41, %get3A_42, %get3A_43] : memref<8x200x128xi32, #tpu.memory_space<vmem>>, vector<1x196x1xi32>
    %get3A_45 = vector.shape_cast %get3A_44 : vector<1x196x1xi32> to vector<196xi32>
    %broadcast_in_dim3A_46 = vector.shape_cast %get3A_45 : vector<196xi32> to vector<196x1xi32>
    %eq3A_47 = vector.broadcast %broadcast_in_dim3A_46 : vector<196x1xi32> to vector<196x196xi32>
    %eq3A_48 = arith.cmpi eq, %iota3A, %eq3A_47 : vector<196x196xi32>
    %convert_element_type3A_49 = arith.extui %eq3A_48 : vector<196x196xi1> to vector<196x196xi32>
    %convert_element_type3A_50 = arith.sitofp %convert_element_type3A_49 : vector<196x196xi32> to vector<196x196xf32>
    %dot_general3A_51 = arith.constant dense<0.000000e+00> : vector<196x384xf32>
    %dot_general3A_52 = tpu.matmul %convert_element_type3A_50, %get3A_3, %dot_general3A_51 {dimension_numbers = #tpu.dot_dimension_numbers<[1], [1], [0], [0], [0, 0, 1, 0], [], []>, transpose_lhs_hint = false} : vector<196x196xf32>, vector<384x196xf32>, vector<196x384xf32> -> vector<196x384xf32>
    %get3A_53 = arith.constant 2 : index
    %get3A_54 = arith.constant 0 : index
    %get3A_55 = arith.constant 0 : index
    %get3A_56 = vector.load %arg3[%get3A_53, %get3A_54, %get3A_55] : memref<9x384x384xf32, #tpu.memory_space<vmem>>, vector<1x384x384xf32>
    %get3A_57 = vector.shape_cast %get3A_56 : vector<1x384x384xf32> to vector<384x384xf32>
    %dot_general3A_58 = arith.constant dense<0.000000e+00> : vector<384x196xf32>
    %dot_general3A_59 = tpu.matmul %get3A_57, %dot_general3A_52, %dot_general3A_58 {dimension_numbers = #tpu.dot_dimension_numbers<[0], [1], [1], [0], [0, 1, 1, 0], [], []>, transpose_lhs_hint = false} : vector<384x384xf32>, vector<196x384xf32>, vector<384x196xf32> -> vector<384x196xf32>
    %add3A_60 = arith.addf %add3A_40, %dot_general3A_59 : vector<384x196xf32>
    %get3A_61 = arith.constant 0 : index
    %get3A_62 = arith.constant 0 : index
    %get3A_63 = arith.constant 3 : index
    %get3A_64 = vector.load %arg2[%get3A_61, %get3A_62, %get3A_63] : memref<8x200x128xi32, #tpu.memory_space<vmem>>, vector<1x196x1xi32>
    %get3A_65 = vector.shape_cast %get3A_64 : vector<1x196x1xi32> to vector<196xi32>
    %broadcast_in_dim3A_66 = vector.shape_cast %get3A_65 : vector<196xi32> to vector<196x1xi32>
    %eq3A_67 = vector.broadcast %broadcast_in_dim3A_66 : vector<196x1xi32> to vector<196x196xi32>
    %eq3A_68 = arith.cmpi eq, %iota3A, %eq3A_67 : vector<196x196xi32>
    %convert_element_type3A_69 = arith.extui %eq3A_68 : vector<196x196xi1> to vector<196x196xi32>
    %convert_element_type3A_70 = arith.sitofp %convert_element_type3A_69 : vector<196x196xi32> to vector<196x196xf32>
    %dot_general3A_71 = arith.constant dense<0.000000e+00> : vector<196x384xf32>
    %dot_general3A_72 = tpu.matmul %convert_element_type3A_70, %get3A_3, %dot_general3A_71 {dimension_numbers = #tpu.dot_dimension_numbers<[1], [1], [0], [0], [0, 0, 1, 0], [], []>, transpose_lhs_hint = false} : vector<196x196xf32>, vector<384x196xf32>, vector<196x384xf32> -> vector<196x384xf32>
    %get3A_73 = arith.constant 3 : index
    %get3A_74 = arith.constant 0 : index
    %get3A_75 = arith.constant 0 : index
    %get3A_76 = vector.load %arg3[%get3A_73, %get3A_74, %get3A_75] : memref<9x384x384xf32, #tpu.memory_space<vmem>>, vector<1x384x384xf32>
    %get3A_77 = vector.shape_cast %get3A_76 : vector<1x384x384xf32> to vector<384x384xf32>
    %dot_general3A_78 = arith.constant dense<0.000000e+00> : vector<384x196xf32>
    %dot_general3A_79 = tpu.matmul %get3A_77, %dot_general3A_72, %dot_general3A_78 {dimension_numbers = #tpu.dot_dimension_numbers<[0], [1], [1], [0], [0, 1, 1, 0], [], []>, transpose_lhs_hint = false} : vector<384x384xf32>, vector<196x384xf32>, vector<384x196xf32> -> vector<384x196xf32>
    %add3A_80 = arith.addf %add3A_60, %dot_general3A_79 : vector<384x196xf32>
    %get3A_81 = arith.constant 0 : index
    %get3A_82 = arith.constant 0 : index
    %get3A_83 = arith.constant 4 : index
    %get3A_84 = vector.load %arg2[%get3A_81, %get3A_82, %get3A_83] : memref<8x200x128xi32, #tpu.memory_space<vmem>>, vector<1x196x1xi32>
    %get3A_85 = vector.shape_cast %get3A_84 : vector<1x196x1xi32> to vector<196xi32>
    %broadcast_in_dim3A_86 = vector.shape_cast %get3A_85 : vector<196xi32> to vector<196x1xi32>
    %eq3A_87 = vector.broadcast %broadcast_in_dim3A_86 : vector<196x1xi32> to vector<196x196xi32>
    %eq3A_88 = arith.cmpi eq, %iota3A, %eq3A_87 : vector<196x196xi32>
    %convert_element_type3A_89 = arith.extui %eq3A_88 : vector<196x196xi1> to vector<196x196xi32>
    %convert_element_type3A_90 = arith.sitofp %convert_element_type3A_89 : vector<196x196xi32> to vector<196x196xf32>
    %dot_general3A_91 = arith.constant dense<0.000000e+00> : vector<196x384xf32>
    %dot_general3A_92 = tpu.matmul %convert_element_type3A_90, %get3A_3, %dot_general3A_91 {dimension_numbers = #tpu.dot_dimension_numbers<[1], [1], [0], [0], [0, 0, 1, 0], [], []>, transpose_lhs_hint = false} : vector<196x196xf32>, vector<384x196xf32>, vector<196x384xf32> -> vector<196x384xf32>
    %get3A_93 = arith.constant 4 : index
    %get3A_94 = arith.constant 0 : index
    %get3A_95 = arith.constant 0 : index
    %get3A_96 = vector.load %arg3[%get3A_93, %get3A_94, %get3A_95] : memref<9x384x384xf32, #tpu.memory_space<vmem>>, vector<1x384x384xf32>
    %get3A_97 = vector.shape_cast %get3A_96 : vector<1x384x384xf32> to vector<384x384xf32>
    %dot_general3A_98 = arith.constant dense<0.000000e+00> : vector<384x196xf32>
    %dot_general3A_99 = tpu.matmul %get3A_97, %dot_general3A_92, %dot_general3A_98 {dimension_numbers = #tpu.dot_dimension_numbers<[0], [1], [1], [0], [0, 1, 1, 0], [], []>, transpose_lhs_hint = false} : vector<384x384xf32>, vector<196x384xf32>, vector<384x196xf32> -> vector<384x196xf32>
    %add3A_100 = arith.addf %add3A_80, %dot_general3A_99 : vector<384x196xf32>
    %get3A_101 = arith.constant 0 : index
    %get3A_102 = arith.constant 0 : index
    %get3A_103 = arith.constant 5 : index
    %get3A_104 = vector.load %arg2[%get3A_101, %get3A_102, %get3A_103] : memref<8x200x128xi32, #tpu.memory_space<vmem>>, vector<1x196x1xi32>
    %get3A_105 = vector.shape_cast %get3A_104 : vector<1x196x1xi32> to vector<196xi32>
    %broadcast_in_dim3A_106 = vector.shape_cast %get3A_105 : vector<196xi32> to vector<196x1xi32>
    %eq3A_107 = vector.broadcast %broadcast_in_dim3A_106 : vector<196x1xi32> to vector<196x196xi32>
    %eq3A_108 = arith.cmpi eq, %iota3A, %eq3A_107 : vector<196x196xi32>
    %convert_element_type3A_109 = arith.extui %eq3A_108 : vector<196x196xi1> to vector<196x196xi32>
    %convert_element_type3A_110 = arith.sitofp %convert_element_type3A_109 : vector<196x196xi32> to vector<196x196xf32>
    %dot_general3A_111 = arith.constant dense<0.000000e+00> : vector<196x384xf32>
    %dot_general3A_112 = tpu.matmul %convert_element_type3A_110, %get3A_3, %dot_general3A_111 {dimension_numbers = #tpu.dot_dimension_numbers<[1], [1], [0], [0], [0, 0, 1, 0], [], []>, transpose_lhs_hint = false} : vector<196x196xf32>, vector<384x196xf32>, vector<196x384xf32> -> vector<196x384xf32>
    %get3A_113 = arith.constant 5 : index
    %get3A_114 = arith.constant 0 : index
    %get3A_115 = arith.constant 0 : index
    %get3A_116 = vector.load %arg3[%get3A_113, %get3A_114, %get3A_115] : memref<9x384x384xf32, #tpu.memory_space<vmem>>, vector<1x384x384xf32>
    %get3A_117 = vector.shape_cast %get3A_116 : vector<1x384x384xf32> to vector<384x384xf32>
    %dot_general3A_118 = arith.constant dense<0.000000e+00> : vector<384x196xf32>
    %dot_general3A_119 = tpu.matmul %get3A_117, %dot_general3A_112, %dot_general3A_118 {dimension_numbers = #tpu.dot_dimension_numbers<[0], [1], [1], [0], [0, 1, 1, 0], [], []>, transpose_lhs_hint = false} : vector<384x384xf32>, vector<196x384xf32>, vector<384x196xf32> -> vector<384x196xf32>
    %add3A_120 = arith.addf %add3A_100, %dot_general3A_119 : vector<384x196xf32>
    %get3A_121 = arith.constant 0 : index
    %get3A_122 = arith.constant 0 : index
    %get3A_123 = arith.constant 6 : index
    %get3A_124 = vector.load %arg2[%get3A_121, %get3A_122, %get3A_123] : memref<8x200x128xi32, #tpu.memory_space<vmem>>, vector<1x196x1xi32>
    %get3A_125 = vector.shape_cast %get3A_124 : vector<1x196x1xi32> to vector<196xi32>
    %broadcast_in_dim3A_126 = vector.shape_cast %get3A_125 : vector<196xi32> to vector<196x1xi32>
    %eq3A_127 = vector.broadcast %broadcast_in_dim3A_126 : vector<196x1xi32> to vector<196x196xi32>
    %eq3A_128 = arith.cmpi eq, %iota3A, %eq3A_127 : vector<196x196xi32>
    %convert_element_type3A_129 = arith.extui %eq3A_128 : vector<196x196xi1> to vector<196x196xi32>
    %convert_element_type3A_130 = arith.sitofp %convert_element_type3A_129 : vector<196x196xi32> to vector<196x196xf32>
    %dot_general3A_131 = arith.constant dense<0.000000e+00> : vector<196x384xf32>
    %dot_general3A_132 = tpu.matmul %convert_element_type3A_130, %get3A_3, %dot_general3A_131 {dimension_numbers = #tpu.dot_dimension_numbers<[1], [1], [0], [0], [0, 0, 1, 0], [], []>, transpose_lhs_hint = false} : vector<196x196xf32>, vector<384x196xf32>, vector<196x384xf32> -> vector<196x384xf32>
    %get3A_133 = arith.constant 6 : index
    %get3A_134 = arith.constant 0 : index
    %get3A_135 = arith.constant 0 : index
    %get3A_136 = vector.load %arg3[%get3A_133, %get3A_134, %get3A_135] : memref<9x384x384xf32, #tpu.memory_space<vmem>>, vector<1x384x384xf32>
    %get3A_137 = vector.shape_cast %get3A_136 : vector<1x384x384xf32> to vector<384x384xf32>
    %dot_general3A_138 = arith.constant dense<0.000000e+00> : vector<384x196xf32>
    %dot_general3A_139 = tpu.matmul %get3A_137, %dot_general3A_132, %dot_general3A_138 {dimension_numbers = #tpu.dot_dimension_numbers<[0], [1], [1], [0], [0, 1, 1, 0], [], []>, transpose_lhs_hint = false} : vector<384x384xf32>, vector<196x384xf32>, vector<384x196xf32> -> vector<384x196xf32>
    %add3A_140 = arith.addf %add3A_120, %dot_general3A_139 : vector<384x196xf32>
    %get3A_141 = arith.constant 0 : index
    %get3A_142 = arith.constant 0 : index
    %get3A_143 = arith.constant 7 : index
    %get3A_144 = vector.load %arg2[%get3A_141, %get3A_142, %get3A_143] : memref<8x200x128xi32, #tpu.memory_space<vmem>>, vector<1x196x1xi32>
    %get3A_145 = vector.shape_cast %get3A_144 : vector<1x196x1xi32> to vector<196xi32>
    %broadcast_in_dim3A_146 = vector.shape_cast %get3A_145 : vector<196xi32> to vector<196x1xi32>
    %eq3A_147 = vector.broadcast %broadcast_in_dim3A_146 : vector<196x1xi32> to vector<196x196xi32>
    %eq3A_148 = arith.cmpi eq, %iota3A, %eq3A_147 : vector<196x196xi32>
    %convert_element_type3A_149 = arith.extui %eq3A_148 : vector<196x196xi1> to vector<196x196xi32>
    %convert_element_type3A_150 = arith.sitofp %convert_element_type3A_149 : vector<196x196xi32> to vector<196x196xf32>
    %dot_general3A_151 = arith.constant dense<0.000000e+00> : vector<196x384xf32>
    %dot_general3A_152 = tpu.matmul %convert_element_type3A_150, %get3A_3, %dot_general3A_151 {dimension_numbers = #tpu.dot_dimension_numbers<[1], [1], [0], [0], [0, 0, 1, 0], [], []>, transpose_lhs_hint = false} : vector<196x196xf32>, vector<384x196xf32>, vector<196x384xf32> -> vector<196x384xf32>
    %get3A_153 = arith.constant 7 : index
    %get3A_154 = arith.constant 0 : index
    %get3A_155 = arith.constant 0 : index
    %get3A_156 = vector.load %arg3[%get3A_153, %get3A_154, %get3A_155] : memref<9x384x384xf32, #tpu.memory_space<vmem>>, vector<1x384x384xf32>
    %get3A_157 = vector.shape_cast %get3A_156 : vector<1x384x384xf32> to vector<384x384xf32>
    %dot_general3A_158 = arith.constant dense<0.000000e+00> : vector<384x196xf32>
    %dot_general3A_159 = tpu.matmul %get3A_157, %dot_general3A_152, %dot_general3A_158 {dimension_numbers = #tpu.dot_dimension_numbers<[0], [1], [1], [0], [0, 1, 1, 0], [], []>, transpose_lhs_hint = false} : vector<384x384xf32>, vector<196x384xf32>, vector<384x196xf32> -> vector<384x196xf32>
    %add3A_160 = arith.addf %add3A_140, %dot_general3A_159 : vector<384x196xf32>
    %get3A_161 = arith.constant 0 : index
    %get3A_162 = arith.constant 0 : index
    %get3A_163 = arith.constant 8 : index
    %get3A_164 = vector.load %arg2[%get3A_161, %get3A_162, %get3A_163] : memref<8x200x128xi32, #tpu.memory_space<vmem>>, vector<1x196x1xi32>
    %get3A_165 = vector.shape_cast %get3A_164 : vector<1x196x1xi32> to vector<196xi32>
    %broadcast_in_dim3A_166 = vector.shape_cast %get3A_165 : vector<196xi32> to vector<196x1xi32>
    %eq3A_167 = vector.broadcast %broadcast_in_dim3A_166 : vector<196x1xi32> to vector<196x196xi32>
    %eq3A_168 = arith.cmpi eq, %iota3A, %eq3A_167 : vector<196x196xi32>
    %convert_element_type3A_169 = arith.extui %eq3A_168 : vector<196x196xi1> to vector<196x196xi32>
    %convert_element_type3A_170 = arith.sitofp %convert_element_type3A_169 : vector<196x196xi32> to vector<196x196xf32>
    %dot_general3A_171 = arith.constant dense<0.000000e+00> : vector<196x384xf32>
    %dot_general3A_172 = tpu.matmul %convert_element_type3A_170, %get3A_3, %dot_general3A_171 {dimension_numbers = #tpu.dot_dimension_numbers<[1], [1], [0], [0], [0, 0, 1, 0], [], []>, transpose_lhs_hint = false} : vector<196x196xf32>, vector<384x196xf32>, vector<196x384xf32> -> vector<196x384xf32>
    %get3A_173 = arith.constant 8 : index
    %get3A_174 = arith.constant 0 : index
    %get3A_175 = arith.constant 0 : index
    %get3A_176 = vector.load %arg3[%get3A_173, %get3A_174, %get3A_175] : memref<9x384x384xf32, #tpu.memory_space<vmem>>, vector<1x384x384xf32>
    %get3A_177 = vector.shape_cast %get3A_176 : vector<1x384x384xf32> to vector<384x384xf32>
    %dot_general3A_178 = arith.constant dense<0.000000e+00> : vector<384x196xf32>
    %dot_general3A_179 = tpu.matmul %get3A_177, %dot_general3A_172, %dot_general3A_178 {dimension_numbers = #tpu.dot_dimension_numbers<[0], [1], [1], [0], [0, 1, 1, 0], [], []>, transpose_lhs_hint = false} : vector<384x384xf32>, vector<196x384xf32>, vector<384x196xf32> -> vector<384x196xf32>
    %add3A_180 = arith.addf %add3A_160, %dot_general3A_179 : vector<384x196xf32>
    %swap3A = arith.constant 0 : index
    %swap3A_181 = arith.constant 0 : index
    %swap3A_182 = arith.constant 0 : index
    %swap3A_183 = vector.load %arg4[%swap3A, %swap3A_181, %swap3A_182] : memref<8x384x196xf32, #tpu.memory_space<vmem>>, vector<1x384x196xf32>
    %swap3A_184 = vector.shape_cast %swap3A_183 : vector<1x384x196xf32> to vector<384x196xf32>
    %swap3A_185 = vector.shape_cast %add3A_180 : vector<384x196xf32> to vector<1x384x196xf32>
    tpu.vector_store %arg4[%swap3A, %swap3A_181, %swap3A_182], %swap3A_185 {strides = array<i32>} : memref<8x384x196xf32, #tpu.memory_space<vmem>>, vector<1x384x196xf32>,
    %get3A_186 = arith.constant 1 : index
    %get3A_187 = arith.constant 0 : index
    %get3A_188 = arith.constant 0 : index
    %get3A_189 = vector.load %arg1[%get3A_186, %get3A_187, %get3A_188] : memref<8x384x196xf32, #tpu.memory_space<vmem>>, vector<1x384x196xf32>
    %get3A_190 = vector.shape_cast %get3A_189 : vector<1x384x196xf32> to vector<384x196xf32>
    %broadcast_in_dim3A_191 = arith.constant 0.000000e+00 : f32
    %broadcast_in_dim3A_192 = vector.broadcast %broadcast_in_dim3A_191 : f32 to vector<384x196xf32>
    %get3A_193 = arith.constant 1 : index
    %get3A_194 = arith.constant 0 : index
    %get3A_195 = arith.constant 0 : index
    %get3A_196 = vector.load %arg2[%get3A_193, %get3A_194, %get3A_195] : memref<8x200x128xi32, #tpu.memory_space<vmem>>, vector<1x196x1xi32>
    %get3A_197 = vector.shape_cast %get3A_196 : vector<1x196x1xi32> to vector<196xi32>
    %broadcast_in_dim3A_198 = vector.shape_cast %get3A_197 : vector<196xi32> to vector<196x1xi32>
    %eq3A_199 = vector.broadcast %broadcast_in_dim3A_198 : vector<196x1xi32> to vector<196x196xi32>
    %eq3A_200 = arith.cmpi eq, %iota3A, %eq3A_199 : vector<196x196xi32>
    %convert_element_type3A_201 = arith.extui %eq3A_200 : vector<196x196xi1> to vector<196x196xi32>
    %convert_element_type3A_202 = arith.sitofp %convert_element_type3A_201 : vector<196x196xi32> to vector<196x196xf32>
    %dot_general3A_203 = arith.constant dense<0.000000e+00> : vector<196x384xf32>
    %dot_general3A_204 = tpu.matmul %convert_element_type3A_202, %get3A_190, %dot_general3A_203 {dimension_numbers = #tpu.dot_dimension_numbers<[1], [1], [0], [0], [0, 0, 1, 0], [], []>, transpose_lhs_hint = false} : vector<196x196xf32>, vector<384x196xf32>, vector<196x384xf32> -> vector<196x384xf32>
    %get3A_205 = arith.constant 0 : index
    %get3A_206 = arith.constant 0 : index
    %get3A_207 = arith.constant 0 : index
    %get3A_208 = vector.load %arg3[%get3A_205, %get3A_206, %get3A_207] : memref<9x384x384xf32, #tpu.memory_space<vmem>>, vector<1x384x384xf32>
    %get3A_209 = vector.shape_cast %get3A_208 : vector<1x384x384xf32> to vector<384x384xf32>
    %dot_general3A_210 = arith.constant dense<0.000000e+00> : vector<384x196xf32>
    %dot_general3A_211 = tpu.matmul %get3A_209, %dot_general3A_204, %dot_general3A_210 {dimension_numbers = #tpu.dot_dimension_numbers<[0], [1], [1], [0], [0, 1, 1, 0], [], []>, transpose_lhs_hint = false} : vector<384x384xf32>, vector<196x384xf32>, vector<384x196xf32> -> vector<384x196xf32>
    %add3A_212 = arith.addf %broadcast_in_dim3A_192, %dot_general3A_211 : vector<384x196xf32>
    %get3A_213 = arith.constant 1 : index
    %get3A_214 = arith.constant 0 : index
    %get3A_215 = arith.constant 1 : index
    %get3A_216 = vector.load %arg2[%get3A_213, %get3A_214, %get3A_215] : memref<8x200x128xi32, #tpu.memory_space<vmem>>, vector<1x196x1xi32>
    %get3A_217 = vector.shape_cast %get3A_216 : vector<1x196x1xi32> to vector<196xi32>
    %broadcast_in_dim3A_218 = vector.shape_cast %get3A_217 : vector<196xi32> to vector<196x1xi32>
    %eq3A_219 = vector.broadcast %broadcast_in_dim3A_218 : vector<196x1xi32> to vector<196x196xi32>
    %eq3A_220 = arith.cmpi eq, %iota3A, %eq3A_219 : vector<196x196xi32>
    %convert_element_type3A_221 = arith.extui %eq3A_220 : vector<196x196xi1> to vector<196x196xi32>
    %convert_element_type3A_222 = arith.sitofp %convert_element_type3A_221 : vector<196x196xi32> to vector<196x196xf32>
    %dot_general3A_223 = arith.constant dense<0.000000e+00> : vector<196x384xf32>
    %dot_general3A_224 = tpu.matmul %convert_element_type3A_222, %get3A_190, %dot_general3A_223 {dimension_numbers = #tpu.dot_dimension_numbers<[1], [1], [0], [0], [0, 0, 1, 0], [], []>, transpose_lhs_hint = false} : vector<196x196xf32>, vector<384x196xf32>, vector<196x384xf32> -> vector<196x384xf32>
    %get3A_225 = arith.constant 1 : index
    %get3A_226 = arith.constant 0 : index
    %get3A_227 = arith.constant 0 : index
    %get3A_228 = vector.load %arg3[%get3A_225, %get3A_226, %get3A_227] : memref<9x384x384xf32, #tpu.memory_space<vmem>>, vector<1x384x384xf32>
    %get3A_229 = vector.shape_cast %get3A_228 : vector<1x384x384xf32> to vector<384x384xf32>
    %dot_general3A_230 = arith.constant dense<0.000000e+00> : vector<384x196xf32>
    %dot_general3A_231 = tpu.matmul %get3A_229, %dot_general3A_224, %dot_general3A_230 {dimension_numbers = #tpu.dot_dimension_numbers<[0], [1], [1], [0], [0, 1, 1, 0], [], []>, transpose_lhs_hint = false} : vector<384x384xf32>, vector<196x384xf32>, vector<384x196xf32> -> vector<384x196xf32>
    %add3A_232 = arith.addf %add3A_212, %dot_general3A_231 : vector<384x196xf32>
    %get3A_233 = arith.constant 1 : index
    %get3A_234 = arith.constant 0 : index
    %get3A_235 = arith.constant 2 : index
    %get3A_236 = vector.load %arg2[%get3A_233, %get3A_234, %get3A_235] : memref<8x200x128xi32, #tpu.memory_space<vmem>>, vector<1x196x1xi32>
    %get3A_237 = vector.shape_cast %get3A_236 : vector<1x196x1xi32> to vector<196xi32>
    %broadcast_in_dim3A_238 = vector.shape_cast %get3A_237 : vector<196xi32> to vector<196x1xi32>
    %eq3A_239 = vector.broadcast %broadcast_in_dim3A_238 : vector<196x1xi32> to vector<196x196xi32>
    %eq3A_240 = arith.cmpi eq, %iota3A, %eq3A_239 : vector<196x196xi32>
    %convert_element_type3A_241 = arith.extui %eq3A_240 : vector<196x196xi1> to vector<196x196xi32>
    %convert_element_type3A_242 = arith.sitofp %convert_element_type3A_241 : vector<196x196xi32> to vector<196x196xf32>
    %dot_general3A_243 = arith.constant dense<0.000000e+00> : vector<196x384xf32>
    %dot_general3A_244 = tpu.matmul %convert_element_type3A_242, %get3A_190, %dot_general3A_243 {dimension_numbers = #tpu.dot_dimension_numbers<[1], [1], [0], [0], [0, 0, 1, 0], [], []>, transpose_lhs_hint = false} : vector<196x196xf32>, vector<384x196xf32>, vector<196x384xf32> -> vector<196x384xf32>
    %get3A_245 = arith.constant 2 : index
    %get3A_246 = arith.constant 0 : index
    %get3A_247 = arith.constant 0 : index
    %get3A_248 = vector.load %arg3[%get3A_245, %get3A_246, %get3A_247] : memref<9x384x384xf32, #tpu.memory_space<vmem>>, vector<1x384x384xf32>
    %get3A_249 = vector.shape_cast %get3A_248 : vector<1x384x384xf32> to vector<384x384xf32>
    %dot_general3A_250 = arith.constant dense<0.000000e+00> : vector<384x196xf32>
    %dot_general3A_251 = tpu.matmul %get3A_249, %dot_general3A_244, %dot_general3A_250 {dimension_numbers = #tpu.dot_dimension_numbers<[0], [1], [1], [0], [0, 1, 1, 0], [], []>, transpose_lhs_hint = false} : vector<384x384xf32>, vector<196x384xf32>, vector<384x196xf32> -> vector<384x196xf32>
    %add3A_252 = arith.addf %add3A_232, %dot_general3A_251 : vector<384x196xf32>
    %get3A_253 = arith.constant 1 : index
    %get3A_254 = arith.constant 0 : index
    %get3A_255 = arith.constant 3 : index
    %get3A_256 = vector.load %arg2[%get3A_253, %get3A_254, %get3A_255] : memref<8x200x128xi32, #tpu.memory_space<vmem>>, vector<1x196x1xi32>
    %get3A_257 = vector.shape_cast %get3A_256 : vector<1x196x1xi32> to vector<196xi32>
    %broadcast_in_dim3A_258 = vector.shape_cast %get3A_257 : vector<196xi32> to vector<196x1xi32>
    %eq3A_259 = vector.broadcast %broadcast_in_dim3A_258 : vector<196x1xi32> to vector<196x196xi32>
    %eq3A_260 = arith.cmpi eq, %iota3A, %eq3A_259 : vector<196x196xi32>
    %convert_element_type3A_261 = arith.extui %eq3A_260 : vector<196x196xi1> to vector<196x196xi32>
    %convert_element_type3A_262 = arith.sitofp %convert_element_type3A_261 : vector<196x196xi32> to vector<196x196xf32>
    %dot_general3A_263 = arith.constant dense<0.000000e+00> : vector<196x384xf32>
    %dot_general3A_264 = tpu.matmul %convert_element_type3A_262, %get3A_190, %dot_general3A_263 {dimension_numbers = #tpu.dot_dimension_numbers<[1], [1], [0], [0], [0, 0, 1, 0], [], []>, transpose_lhs_hint = false} : vector<196x196xf32>, vector<384x196xf32>, vector<196x384xf32> -> vector<196x384xf32>
    %get3A_265 = arith.constant 3 : index
    %get3A_266 = arith.constant 0 : index
    %get3A_267 = arith.constant 0 : index
    %get3A_268 = vector.load %arg3[%get3A_265, %get3A_266, %get3A_267] : memref<9x384x384xf32, #tpu.memory_space<vmem>>, vector<1x384x384xf32>
    %get3A_269 = vector.shape_cast %get3A_268 : vector<1x384x384xf32> to vector<384x384xf32>
    %dot_general3A_270 = arith.constant dense<0.000000e+00> : vector<384x196xf32>
    %dot_general3A_271 = tpu.matmul %get3A_269, %dot_general3A_264, %dot_general3A_270 {dimension_numbers = #tpu.dot_dimension_numbers<[0], [1], [1], [0], [0, 1, 1, 0], [], []>, transpose_lhs_hint = false} : vector<384x384xf32>, vector<196x384xf32>, vector<384x196xf32> -> vector<384x196xf32>
    %add3A_272 = arith.addf %add3A_252, %dot_general3A_271 : vector<384x196xf32>
    %get3A_273 = arith.constant 1 : index
    %get3A_274 = arith.constant 0 : index
    %get3A_275 = arith.constant 4 : index
    %get3A_276 = vector.load %arg2[%get3A_273, %get3A_274, %get3A_275] : memref<8x200x128xi32, #tpu.memory_space<vmem>>, vector<1x196x1xi32>
    %get3A_277 = vector.shape_cast %get3A_276 : vector<1x196x1xi32> to vector<196xi32>
    %broadcast_in_dim3A_278 = vector.shape_cast %get3A_277 : vector<196xi32> to vector<196x1xi32>
    %eq3A_279 = vector.broadcast %broadcast_in_dim3A_278 : vector<196x1xi32> to vector<196x196xi32>
    %eq3A_280 = arith.cmpi eq, %iota3A, %eq3A_279 : vector<196x196xi32>
    %convert_element_type3A_281 = arith.extui %eq3A_280 : vector<196x196xi1> to vector<196x196xi32>
    %convert_element_type3A_282 = arith.sitofp %convert_element_type3A_281 : vector<196x196xi32> to vector<196x196xf32>
    %dot_general3A_283 = arith.constant dense<0.000000e+00> : vector<196x384xf32>
    %dot_general3A_284 = tpu.matmul %convert_element_type3A_282, %get3A_190, %dot_general3A_283 {dimension_numbers = #tpu.dot_dimension_numbers<[1], [1], [0], [0], [0, 0, 1, 0], [], []>, transpose_lhs_hint = false} : vector<196x196xf32>, vector<384x196xf32>, vector<196x384xf32> -> vector<196x384xf32>
    %get3A_285 = arith.constant 4 : index
    %get3A_286 = arith.constant 0 : index
    %get3A_287 = arith.constant 0 : index
    %get3A_288 = vector.load %arg3[%get3A_285, %get3A_286, %get3A_287] : memref<9x384x384xf32, #tpu.memory_space<vmem>>, vector<1x384x384xf32>
    %get3A_289 = vector.shape_cast %get3A_288 : vector<1x384x384xf32> to vector<384x384xf32>
    %dot_general3A_290 = arith.constant dense<0.000000e+00> : vector<384x196xf32>
    %dot_general3A_291 = tpu.matmul %get3A_289, %dot_general3A_284, %dot_general3A_290 {dimension_numbers = #tpu.dot_dimension_numbers<[0], [1], [1], [0], [0, 1, 1, 0], [], []>, transpose_lhs_hint = false} : vector<384x384xf32>, vector<196x384xf32>, vector<384x196xf32> -> vector<384x196xf32>
    %add3A_292 = arith.addf %add3A_272, %dot_general3A_291 : vector<384x196xf32>
    %get3A_293 = arith.constant 1 : index
    %get3A_294 = arith.constant 0 : index
    %get3A_295 = arith.constant 5 : index
    %get3A_296 = vector.load %arg2[%get3A_293, %get3A_294, %get3A_295] : memref<8x200x128xi32, #tpu.memory_space<vmem>>, vector<1x196x1xi32>
    %get3A_297 = vector.shape_cast %get3A_296 : vector<1x196x1xi32> to vector<196xi32>
    %broadcast_in_dim3A_298 = vector.shape_cast %get3A_297 : vector<196xi32> to vector<196x1xi32>
    %eq3A_299 = vector.broadcast %broadcast_in_dim3A_298 : vector<196x1xi32> to vector<196x196xi32>
    %eq3A_300 = arith.cmpi eq, %iota3A, %eq3A_299 : vector<196x196xi32>
    %convert_element_type3A_301 = arith.extui %eq3A_300 : vector<196x196xi1> to vector<196x196xi32>
    %convert_element_type3A_302 = arith.sitofp %convert_element_type3A_301 : vector<196x196xi32> to vector<196x196xf32>
    %dot_general3A_303 = arith.constant dense<0.000000e+00> : vector<196x384xf32>
    %dot_general3A_304 = tpu.matmul %convert_element_type3A_302, %get3A_190, %dot_general3A_303 {dimension_numbers = #tpu.dot_dimension_numbers<[1], [1], [0], [0], [0, 0, 1, 0], [], []>, transpose_lhs_hint = false} : vector<196x196xf32>, vector<384x196xf32>, vector<196x384xf32> -> vector<196x384xf32>
    %get3A_305 = arith.constant 5 : index
    %get3A_306 = arith.constant 0 : index
    %get3A_307 = arith.constant 0 : index
    %get3A_308 = vector.load %arg3[%get3A_305, %get3A_306, %get3A_307] : memref<9x384x384xf32, #tpu.memory_space<vmem>>, vector<1x384x384xf32>
    %get3A_309 = vector.shape_cast %get3A_308 : vector<1x384x384xf32> to vector<384x384xf32>
    %dot_general3A_310 = arith.constant dense<0.000000e+00> : vector<384x196xf32>
    %dot_general3A_311 = tpu.matmul %get3A_309, %dot_general3A_304, %dot_general3A_310 {dimension_numbers = #tpu.dot_dimension_numbers<[0], [1], [1], [0], [0, 1, 1, 0], [], []>, transpose_lhs_hint = false} : vector<384x384xf32>, vector<196x384xf32>, vector<384x196xf32> -> vector<384x196xf32>
    %add3A_312 = arith.addf %add3A_292, %dot_general3A_311 : vector<384x196xf32>
    %get3A_313 = arith.constant 1 : index
    %get3A_314 = arith.constant 0 : index
    %get3A_315 = arith.constant 6 : index
    %get3A_316 = vector.load %arg2[%get3A_313, %get3A_314, %get3A_315] : memref<8x200x128xi32, #tpu.memory_space<vmem>>, vector<1x196x1xi32>
    %get3A_317 = vector.shape_cast %get3A_316 : vector<1x196x1xi32> to vector<196xi32>
    %broadcast_in_dim3A_318 = vector.shape_cast %get3A_317 : vector<196xi32> to vector<196x1xi32>
    %eq3A_319 = vector.broadcast %broadcast_in_dim3A_318 : vector<196x1xi32> to vector<196x196xi32>
    %eq3A_320 = arith.cmpi eq, %iota3A, %eq3A_319 : vector<196x196xi32>
    %convert_element_type3A_321 = arith.extui %eq3A_320 : vector<196x196xi1> to vector<196x196xi32>
    %convert_element_type3A_322 = arith.sitofp %convert_element_type3A_321 : vector<196x196xi32> to vector<196x196xf32>
    %dot_general3A_323 = arith.constant dense<0.000000e+00> : vector<196x384xf32>
    %dot_general3A_324 = tpu.matmul %convert_element_type3A_322, %get3A_190, %dot_general3A_323 {dimension_numbers = #tpu.dot_dimension_numbers<[1], [1], [0], [0], [0, 0, 1, 0], [], []>, transpose_lhs_hint = false} : vector<196x196xf32>, vector<384x196xf32>, vector<196x384xf32> -> vector<196x384xf32>
    %get3A_325 = arith.constant 6 : index
    %get3A_326 = arith.constant 0 : index
    %get3A_327 = arith.constant 0 : index
    %get3A_328 = vector.load %arg3[%get3A_325, %get3A_326, %get3A_327] : memref<9x384x384xf32, #tpu.memory_space<vmem>>, vector<1x384x384xf32>
    %get3A_329 = vector.shape_cast %get3A_328 : vector<1x384x384xf32> to vector<384x384xf32>
    %dot_general3A_330 = arith.constant dense<0.000000e+00> : vector<384x196xf32>
    %dot_general3A_331 = tpu.matmul %get3A_329, %dot_general3A_324, %dot_general3A_330 {dimension_numbers = #tpu.dot_dimension_numbers<[0], [1], [1], [0], [0, 1, 1, 0], [], []>, transpose_lhs_hint = false} : vector<384x384xf32>, vector<196x384xf32>, vector<384x196xf32> -> vector<384x196xf32>
    %add3A_332 = arith.addf %add3A_312, %dot_general3A_331 : vector<384x196xf32>
    %get3A_333 = arith.constant 1 : index
    %get3A_334 = arith.constant 0 : index
    %get3A_335 = arith.constant 7 : index
    %get3A_336 = vector.load %arg2[%get3A_333, %get3A_334, %get3A_335] : memref<8x200x128xi32, #tpu.memory_space<vmem>>, vector<1x196x1xi32>
    %get3A_337 = vector.shape_cast %get3A_336 : vector<1x196x1xi32> to vector<196xi32>
    %broadcast_in_dim3A_338 = vector.shape_cast %get3A_337 : vector<196xi32> to vector<196x1xi32>
    %eq3A_339 = vector.broadcast %broadcast_in_dim3A_338 : vector<196x1xi32> to vector<196x196xi32>
    %eq3A_340 = arith.cmpi eq, %iota3A, %eq3A_339 : vector<196x196xi32>
    %convert_element_type3A_341 = arith.extui %eq3A_340 : vector<196x196xi1> to vector<196x196xi32>
    %convert_element_type3A_342 = arith.sitofp %convert_element_type3A_341 : vector<196x196xi32> to vector<196x196xf32>
    %dot_general3A_343 = arith.constant dense<0.000000e+00> : vector<196x384xf32>
    %dot_general3A_344 = tpu.matmul %convert_element_type3A_342, %get3A_190, %dot_general3A_343 {dimension_numbers = #tpu.dot_dimension_numbers<[1], [1], [0], [0], [0, 0, 1, 0], [], []>, transpose_lhs_hint = false} : vector<196x196xf32>, vector<384x196xf32>, vector<196x384xf32> -> vector<196x384xf32>
    %get3A_345 = arith.constant 7 : index
    %get3A_346 = arith.constant 0 : index
    %get3A_347 = arith.constant 0 : index
    %get3A_348 = vector.load %arg3[%get3A_345, %get3A_346, %get3A_347] : memref<9x384x384xf32, #tpu.memory_space<vmem>>, vector<1x384x384xf32>
    %get3A_349 = vector.shape_cast %get3A_348 : vector<1x384x384xf32> to vector<384x384xf32>
    %dot_general3A_350 = arith.constant dense<0.000000e+00> : vector<384x196xf32>
    %dot_general3A_351 = tpu.matmul %get3A_349, %dot_general3A_344, %dot_general3A_350 {dimension_numbers = #tpu.dot_dimension_numbers<[0], [1], [1], [0], [0, 1, 1, 0], [], []>, transpose_lhs_hint = false} : vector<384x384xf32>, vector<196x384xf32>, vector<384x196xf32> -> vector<384x196xf32>
    %add3A_352 = arith.addf %add3A_332, %dot_general3A_351 : vector<384x196xf32>
    %get3A_353 = arith.constant 1 : index
    %get3A_354 = arith.constant 0 : index
    %get3A_355 = arith.constant 8 : index
    %get3A_356 = vector.load %arg2[%get3A_353, %get3A_354, %get3A_355] : memref<8x200x128xi32, #tpu.memory_space<vmem>>, vector<1x196x1xi32>
    %get3A_357 = vector.shape_cast %get3A_356 : vector<1x196x1xi32> to vector<196xi32>
    %broadcast_in_dim3A_358 = vector.shape_cast %get3A_357 : vector<196xi32> to vector<196x1xi32>
    %eq3A_359 = vector.broadcast %broadcast_in_dim3A_358 : vector<196x1xi32> to vector<196x196xi32>
    %eq3A_360 = arith.cmpi eq, %iota3A, %eq3A_359 : vector<196x196xi32>
    %convert_element_type3A_361 = arith.extui %eq3A_360 : vector<196x196xi1> to vector<196x196xi32>
    %convert_element_type3A_362 = arith.sitofp %convert_element_type3A_361 : vector<196x196xi32> to vector<196x196xf32>
    %dot_general3A_363 = arith.constant dense<0.000000e+00> : vector<196x384xf32>
    %dot_general3A_364 = tpu.matmul %convert_element_type3A_362, %get3A_190, %dot_general3A_363 {dimension_numbers = #tpu.dot_dimension_numbers<[1], [1], [0], [0], [0, 0, 1, 0], [], []>, transpose_lhs_hint = false} : vector<196x196xf32>, vector<384x196xf32>, vector<196x384xf32> -> vector<196x384xf32>
    %get3A_365 = arith.constant 8 : index
    %get3A_366 = arith.constant 0 : index
    %get3A_367 = arith.constant 0 : index
    %get3A_368 = vector.load %arg3[%get3A_365, %get3A_366, %get3A_367] : memref<9x384x384xf32, #tpu.memory_space<vmem>>, vector<1x384x384xf32>
    %get3A_369 = vector.shape_cast %get3A_368 : vector<1x384x384xf32> to vector<384x384xf32>
    %dot_general3A_370 = arith.constant dense<0.000000e+00> : vector<384x196xf32>
    %dot_general3A_371 = tpu.matmul %get3A_369, %dot_general3A_364, %dot_general3A_370 {dimension_numbers = #tpu.dot_dimension_numbers<[0], [1], [1], [0], [0, 1, 1, 0], [], []>, transpose_lhs_hint = false} : vector<384x384xf32>, vector<196x384xf32>, vector<384x196xf32> -> vector<384x196xf32>
    %add3A_372 = arith.addf %add3A_352, %dot_general3A_371 : vector<384x196xf32>
    %swap3A_373 = arith.constant 1 : index
    %swap3A_374 = arith.constant 0 : index
    %swap3A_375 = arith.constant 0 : index
    %swap3A_376 = vector.load %arg4[%swap3A_373, %swap3A_374, %swap3A_375] : memref<8x384x196xf32, #tpu.memory_space<vmem>>, vector<1x384x196xf32>
    %swap3A_377 = vector.shape_cast %swap3A_376 : vector<1x384x196xf32> to vector<384x196xf32>
    %swap3A_378 = vector.shape_cast %add3A_372 : vector<384x196xf32> to vector<1x384x196xf32>
    tpu.vector_store %arg4[%swap3A_373, %swap3A_374, %swap3A_375], %swap3A_378 {strides = array<i32>} : memref<8x384x196xf32, #tpu.memory_space<vmem>>, vector<1x384x196xf32>,
    %get3A_379 = arith.constant 2 : index
    %get3A_380 = arith.constant 0 : index
    %get3A_381 = arith.constant 0 : index
    %get3A_382 = vector.load %arg1[%get3A_379, %get3A_380, %get3A_381] : memref<8x384x196xf32, #tpu.memory_space<vmem>>, vector<1x384x196xf32>
    %get3A_383 = vector.shape_cast %get3A_382 : vector<1x384x196xf32> to vector<384x196xf32>
    %broadcast_in_dim3A_384 = arith.constant 0.000000e+00 : f32
    %broadcast_in_dim3A_385 = vector.broadcast %broadcast_in_dim3A_384 : f32 to vector<384x196xf32>
    %get3A_386 = arith.constant 2 : index
    %get3A_387 = arith.constant 0 : index
    %get3A_388 = arith.constant 0 : index
    %get3A_389 = vector.load %arg2[%get3A_386, %get3A_387, %get3A_388] : memref<8x200x128xi32, #tpu.memory_space<vmem>>, vector<1x196x1xi32>
    %get3A_390 = vector.shape_cast %get3A_389 : vector<1x196x1xi32> to vector<196xi32>
    %broadcast_in_dim3A_391 = vector.shape_cast %get3A_390 : vector<196xi32> to vector<196x1xi32>
    %eq3A_392 = vector.broadcast %broadcast_in_dim3A_391 : vector<196x1xi32> to vector<196x196xi32>
    %eq3A_393 = arith.cmpi eq, %iota3A, %eq3A_392 : vector<196x196xi32>
    %convert_element_type3A_394 = arith.extui %eq3A_393 : vector<196x196xi1> to vector<196x196xi32>
    %convert_element_type3A_395 = arith.sitofp %convert_element_type3A_394 : vector<196x196xi32> to vector<196x196xf32>
    %dot_general3A_396 = arith.constant dense<0.000000e+00> : vector<196x384xf32>
    %dot_general3A_397 = tpu.matmul %convert_element_type3A_395, %get3A_383, %dot_general3A_396 {dimension_numbers = #tpu.dot_dimension_numbers<[1], [1], [0], [0], [0, 0, 1, 0], [], []>, transpose_lhs_hint = false} : vector<196x196xf32>, vector<384x196xf32>, vector<196x384xf32> -> vector<196x384xf32>
    %get3A_398 = arith.constant 0 : index
    %get3A_399 = arith.constant 0 : index
    %get3A_400 = arith.constant 0 : index
    %get3A_401 = vector.load %arg3[%get3A_398, %get3A_399, %get3A_400] : memref<9x384x384xf32, #tpu.memory_space<vmem>>, vector<1x384x384xf32>
    %get3A_402 = vector.shape_cast %get3A_401 : vector<1x384x384xf32> to vector<384x384xf32>
    %dot_general3A_403 = arith.constant dense<0.000000e+00> : vector<384x196xf32>
    %dot_general3A_404 = tpu.matmul %get3A_402, %dot_general3A_397, %dot_general3A_403 {dimension_numbers = #tpu.dot_dimension_numbers<[0], [1], [1], [0], [0, 1, 1, 0], [], []>, transpose_lhs_hint = false} : vector<384x384xf32>, vector<196x384xf32>, vector<384x196xf32> -> vector<384x196xf32>
    %add3A_405 = arith.addf %broadcast_in_dim3A_385, %dot_general3A_404 : vector<384x196xf32>
    %get3A_406 = arith.constant 2 : index
    %get3A_407 = arith.constant 0 : index
    %get3A_408 = arith.constant 1 : index
    %get3A_409 = vector.load %arg2[%get3A_406, %get3A_407, %get3A_408] : memref<8x200x128xi32, #tpu.memory_space<vmem>>, vector<1x196x1xi32>
    %get3A_410 = vector.shape_cast %get3A_409 : vector<1x196x1xi32> to vector<196xi32>
    %broadcast_in_dim3A_411 = vector.shape_cast %get3A_410 : vector<196xi32> to vector<196x1xi32>
    %eq3A_412 = vector.broadcast %broadcast_in_dim3A_411 : vector<196x1xi32> to vector<196x196xi32>
    %eq3A_413 = arith.cmpi eq, %iota3A, %eq3A_412 : vector<196x196xi32>
    %convert_element_type3A_414 = arith.extui %eq3A_413 : vector<196x196xi1> to vector<196x196xi32>
    %convert_element_type3A_415 = arith.sitofp %convert_element_type3A_414 : vector<196x196xi32> to vector<196x196xf32>
    %dot_general3A_416 = arith.constant dense<0.000000e+00> : vector<196x384xf32>
    %dot_general3A_417 = tpu.matmul %convert_element_type3A_415, %get3A_383, %dot_general3A_416 {dimension_numbers = #tpu.dot_dimension_numbers<[1], [1], [0], [0], [0, 0, 1, 0], [], []>, transpose_lhs_hint = false} : vector<196x196xf32>, vector<384x196xf32>, vector<196x384xf32> -> vector<196x384xf32>
    %get3A_418 = arith.constant 1 : index
    %get3A_419 = arith.constant 0 : index
    %get3A_420 = arith.constant 0 : index
    %get3A_421 = vector.load %arg3[%get3A_418, %get3A_419, %get3A_420] : memref<9x384x384xf32, #tpu.memory_space<vmem>>, vector<1x384x384xf32>
    %get3A_422 = vector.shape_cast %get3A_421 : vector<1x384x384xf32> to vector<384x384xf32>
    %dot_general3A_423 = arith.constant dense<0.000000e+00> : vector<384x196xf32>
    %dot_general3A_424 = tpu.matmul %get3A_422, %dot_general3A_417, %dot_general3A_423 {dimension_numbers = #tpu.dot_dimension_numbers<[0], [1], [1], [0], [0, 1, 1, 0], [], []>, transpose_lhs_hint = false} : vector<384x384xf32>, vector<196x384xf32>, vector<384x196xf32> -> vector<384x196xf32>
    %add3A_425 = arith.addf %add3A_405, %dot_general3A_424 : vector<384x196xf32>
    %get3A_426 = arith.constant 2 : index
    %get3A_427 = arith.constant 0 : index
    %get3A_428 = arith.constant 2 : index
    %get3A_429 = vector.load %arg2[%get3A_426, %get3A_427, %get3A_428] : memref<8x200x128xi32, #tpu.memory_space<vmem>>, vector<1x196x1xi32>
    %get3A_430 = vector.shape_cast %get3A_429 : vector<1x196x1xi32> to vector<196xi32>
    %broadcast_in_dim3A_431 = vector.shape_cast %get3A_430 : vector<196xi32> to vector<196x1xi32>
    %eq3A_432 = vector.broadcast %broadcast_in_dim3A_431 : vector<196x1xi32> to vector<196x196xi32>
    %eq3A_433 = arith.cmpi eq, %iota3A, %eq3A_432 : vector<196x196xi32>
    %convert_element_type3A_434 = arith.extui %eq3A_433 : vector<196x196xi1> to vector<196x196xi32>
    %convert_element_type3A_435 = arith.sitofp %convert_element_type3A_434 : vector<196x196xi32> to vector<196x196xf32>
    %dot_general3A_436 = arith.constant dense<0.000000e+00> : vector<196x384xf32>
    %dot_general3A_437 = tpu.matmul %convert_element_type3A_435, %get3A_383, %dot_general3A_436 {dimension_numbers = #tpu.dot_dimension_numbers<[1], [1], [0], [0], [0, 0, 1, 0], [], []>, transpose_lhs_hint = false} : vector<196x196xf32>, vector<384x196xf32>, vector<196x384xf32> -> vector<196x384xf32>
    %get3A_438 = arith.constant 2 : index
    %get3A_439 = arith.constant 0 : index
    %get3A_440 = arith.constant 0 : index
    %get3A_441 = vector.load %arg3[%get3A_438, %get3A_439, %get3A_440] : memref<9x384x384xf32, #tpu.memory_space<vmem>>, vector<1x384x384xf32>
    %get3A_442 = vector.shape_cast %get3A_441 : vector<1x384x384xf32> to vector<384x384xf32>
    %dot_general3A_443 = arith.constant dense<0.000000e+00> : vector<384x196xf32>
    %dot_general3A_444 = tpu.matmul %get3A_442, %dot_general3A_437, %dot_general3A_443 {dimension_numbers = #tpu.dot_dimension_numbers<[0], [1], [1], [0], [0, 1, 1, 0], [], []>, transpose_lhs_hint = false} : vector<384x384xf32>, vector<196x384xf32>, vector<384x196xf32> -> vector<384x196xf32>
    %add3A_445 = arith.addf %add3A_425, %dot_general3A_444 : vector<384x196xf32>
    %get3A_446 = arith.constant 2 : index
    %get3A_447 = arith.constant 0 : index
    %get3A_448 = arith.constant 3 : index
    %get3A_449 = vector.load %arg2[%get3A_446, %get3A_447, %get3A_448] : memref<8x200x128xi32, #tpu.memory_space<vmem>>, vector<1x196x1xi32>
    %get3A_450 = vector.shape_cast %get3A_449 : vector<1x196x1xi32> to vector<196xi32>
    %broadcast_in_dim3A_451 = vector.shape_cast %get3A_450 : vector<196xi32> to vector<196x1xi32>
    %eq3A_452 = vector.broadcast %broadcast_in_dim3A_451 : vector<196x1xi32> to vector<196x196xi32>
    %eq3A_453 = arith.cmpi eq, %iota3A, %eq3A_452 : vector<196x196xi32>
    %convert_element_type3A_454 = arith.extui %eq3A_453 : vector<196x196xi1> to vector<196x196xi32>
    %convert_element_type3A_455 = arith.sitofp %convert_element_type3A_454 : vector<196x196xi32> to vector<196x196xf32>
    %dot_general3A_456 = arith.constant dense<0.000000e+00> : vector<196x384xf32>
    %dot_general3A_457 = tpu.matmul %convert_element_type3A_455, %get3A_383, %dot_general3A_456 {dimension_numbers = #tpu.dot_dimension_numbers<[1], [1], [0], [0], [0, 0, 1, 0], [], []>, transpose_lhs_hint = false} : vector<196x196xf32>, vector<384x196xf32>, vector<196x384xf32> -> vector<196x384xf32>
    %get3A_458 = arith.constant 3 : index
    %get3A_459 = arith.constant 0 : index
    %get3A_460 = arith.constant 0 : index
    %get3A_461 = vector.load %arg3[%get3A_458, %get3A_459, %get3A_460] : memref<9x384x384xf32, #tpu.memory_space<vmem>>, vector<1x384x384xf32>
    %get3A_462 = vector.shape_cast %get3A_461 : vector<1x384x384xf32> to vector<384x384xf32>
    %dot_general3A_463 = arith.constant dense<0.000000e+00> : vector<384x196xf32>
    %dot_general3A_464 = tpu.matmul %get3A_462, %dot_general3A_457, %dot_general3A_463 {dimension_numbers = #tpu.dot_dimension_numbers<[0], [1], [1], [0], [0, 1, 1, 0], [], []>, transpose_lhs_hint = false} : vector<384x384xf32>, vector<196x384xf32>, vector<384x196xf32> -> vector<384x196xf32>
    %add3A_465 = arith.addf %add3A_445, %dot_general3A_464 : vector<384x196xf32>
    %get3A_466 = arith.constant 2 : index
    %get3A_467 = arith.constant 0 : index
    %get3A_468 = arith.constant 4 : index
    %get3A_469 = vector.load %arg2[%get3A_466, %get3A_467, %get3A_468] : memref<8x200x128xi32, #tpu.memory_space<vmem>>, vector<1x196x1xi32>
    %get3A_470 = vector.shape_cast %get3A_469 : vector<1x196x1xi32> to vector<196xi32>
    %broadcast_in_dim3A_471 = vector.shape_cast %get3A_470 : vector<196xi32> to vector<196x1xi32>
    %eq3A_472 = vector.broadcast %broadcast_in_dim3A_471 : vector<196x1xi32> to vector<196x196xi32>
    %eq3A_473 = arith.cmpi eq, %iota3A, %eq3A_472 : vector<196x196xi32>
    %convert_element_type3A_474 = arith.extui %eq3A_473 : vector<196x196xi1> to vector<196x196xi32>
    %convert_element_type3A_475 = arith.sitofp %convert_element_type3A_474 : vector<196x196xi32> to vector<196x196xf32>
    %dot_general3A_476 = arith.constant dense<0.000000e+00> : vector<196x384xf32>
    %dot_general3A_477 = tpu.matmul %convert_element_type3A_475, %get3A_383, %dot_general3A_476 {dimension_numbers = #tpu.dot_dimension_numbers<[1], [1], [0], [0], [0, 0, 1, 0], [], []>, transpose_lhs_hint = false} : vector<196x196xf32>, vector<384x196xf32>, vector<196x384xf32> -> vector<196x384xf32>
    %get3A_478 = arith.constant 4 : index
    %get3A_479 = arith.constant 0 : index
    %get3A_480 = arith.constant 0 : index
    %get3A_481 = vector.load %arg3[%get3A_478, %get3A_479, %get3A_480] : memref<9x384x384xf32, #tpu.memory_space<vmem>>, vector<1x384x384xf32>
    %get3A_482 = vector.shape_cast %get3A_481 : vector<1x384x384xf32> to vector<384x384xf32>
    %dot_general3A_483 = arith.constant dense<0.000000e+00> : vector<384x196xf32>
    %dot_general3A_484 = tpu.matmul %get3A_482, %dot_general3A_477, %dot_general3A_483 {dimension_numbers = #tpu.dot_dimension_numbers<[0], [1], [1], [0], [0, 1, 1, 0], [], []>, transpose_lhs_hint = false} : vector<384x384xf32>, vector<196x384xf32>, vector<384x196xf32> -> vector<384x196xf32>
    %add3A_485 = arith.addf %add3A_465, %dot_general3A_484 : vector<384x196xf32>
    %get3A_486 = arith.constant 2 : index
    %get3A_487 = arith.constant 0 : index
    %get3A_488 = arith.constant 5 : index
    %get3A_489 = vector.load %arg2[%get3A_486, %get3A_487, %get3A_488] : memref<8x200x128xi32, #tpu.memory_space<vmem>>, vector<1x196x1xi32>
    %get3A_490 = vector.shape_cast %get3A_489 : vector<1x196x1xi32> to vector<196xi32>
    %broadcast_in_dim3A_491 = vector.shape_cast %get3A_490 : vector<196xi32> to vector<196x1xi32>
    %eq3A_492 = vector.broadcast %broadcast_in_dim3A_491 : vector<196x1xi32> to vector<196x196xi32>
    %eq3A_493 = arith.cmpi eq, %iota3A, %eq3A_492 : vector<196x196xi32>
    %convert_element_type3A_494 = arith.extui %eq3A_493 : vector<196x196xi1> to vector<196x196xi32>
    %convert_element_type3A_495 = arith.sitofp %convert_element_type3A_494 : vector<196x196xi32> to vector<196x196xf32>
    %dot_general3A_496 = arith.constant dense<0.000000e+00> : vector<196x384xf32>
    %dot_general3A_497 = tpu.matmul %convert_element_type3A_495, %get3A_383, %dot_general3A_496 {dimension_numbers = #tpu.dot_dimension_numbers<[1], [1], [0], [0], [0, 0, 1, 0], [], []>, transpose_lhs_hint = false} : vector<196x196xf32>, vector<384x196xf32>, vector<196x384xf32> -> vector<196x384xf32>
    %get3A_498 = arith.constant 5 : index
    %get3A_499 = arith.constant 0 : index
    %get3A_500 = arith.constant 0 : index
    %get3A_501 = vector.load %arg3[%get3A_498, %get3A_499, %get3A_500] : memref<9x384x384xf32, #tpu.memory_space<vmem>>, vector<1x384x384xf32>
    %get3A_502 = vector.shape_cast %get3A_501 : vector<1x384x384xf32> to vector<384x384xf32>
    %dot_general3A_503 = arith.constant dense<0.000000e+00> : vector<384x196xf32>
    %dot_general3A_504 = tpu.matmul %get3A_502, %dot_general3A_497, %dot_general3A_503 {dimension_numbers = #tpu.dot_dimension_numbers<[0], [1], [1], [0], [0, 1, 1, 0], [], []>, transpose_lhs_hint = false} : vector<384x384xf32>, vector<196x384xf32>, vector<384x196xf32> -> vector<384x196xf32>
    %add3A_505 = arith.addf %add3A_485, %dot_general3A_504 : vector<384x196xf32>
    %get3A_506 = arith.constant 2 : index
    %get3A_507 = arith.constant 0 : index
    %get3A_508 = arith.constant 6 : index
    %get3A_509 = vector.load %arg2[%get3A_506, %get3A_507, %get3A_508] : memref<8x200x128xi32, #tpu.memory_space<vmem>>, vector<1x196x1xi32>
    %get3A_510 = vector.shape_cast %get3A_509 : vector<1x196x1xi32> to vector<196xi32>
    %broadcast_in_dim3A_511 = vector.shape_cast %get3A_510 : vector<196xi32> to vector<196x1xi32>
    %eq3A_512 = vector.broadcast %broadcast_in_dim3A_511 : vector<196x1xi32> to vector<196x196xi32>
    %eq3A_513 = arith.cmpi eq, %iota3A, %eq3A_512 : vector<196x196xi32>
    %convert_element_type3A_514 = arith.extui %eq3A_513 : vector<196x196xi1> to vector<196x196xi32>
    %convert_element_type3A_515 = arith.sitofp %convert_element_type3A_514 : vector<196x196xi32> to vector<196x196xf32>
    %dot_general3A_516 = arith.constant dense<0.000000e+00> : vector<196x384xf32>
    %dot_general3A_517 = tpu.matmul %convert_element_type3A_515, %get3A_383, %dot_general3A_516 {dimension_numbers = #tpu.dot_dimension_numbers<[1], [1], [0], [0], [0, 0, 1, 0], [], []>, transpose_lhs_hint = false} : vector<196x196xf32>, vector<384x196xf32>, vector<196x384xf32> -> vector<196x384xf32>
    %get3A_518 = arith.constant 6 : index
    %get3A_519 = arith.constant 0 : index
    %get3A_520 = arith.constant 0 : index
    %get3A_521 = vector.load %arg3[%get3A_518, %get3A_519, %get3A_520] : memref<9x384x384xf32, #tpu.memory_space<vmem>>, vector<1x384x384xf32>
    %get3A_522 = vector.shape_cast %get3A_521 : vector<1x384x384xf32> to vector<384x384xf32>
    %dot_general3A_523 = arith.constant dense<0.000000e+00> : vector<384x196xf32>
    %dot_general3A_524 = tpu.matmul %get3A_522, %dot_general3A_517, %dot_general3A_523 {dimension_numbers = #tpu.dot_dimension_numbers<[0], [1], [1], [0], [0, 1, 1, 0], [], []>, transpose_lhs_hint = false} : vector<384x384xf32>, vector<196x384xf32>, vector<384x196xf32> -> vector<384x196xf32>
    %add3A_525 = arith.addf %add3A_505, %dot_general3A_524 : vector<384x196xf32>
    %get3A_526 = arith.constant 2 : index
    %get3A_527 = arith.constant 0 : index
    %get3A_528 = arith.constant 7 : index
    %get3A_529 = vector.load %arg2[%get3A_526, %get3A_527, %get3A_528] : memref<8x200x128xi32, #tpu.memory_space<vmem>>, vector<1x196x1xi32>
    %get3A_530 = vector.shape_cast %get3A_529 : vector<1x196x1xi32> to vector<196xi32>
    %broadcast_in_dim3A_531 = vector.shape_cast %get3A_530 : vector<196xi32> to vector<196x1xi32>
    %eq3A_532 = vector.broadcast %broadcast_in_dim3A_531 : vector<196x1xi32> to vector<196x196xi32>
    %eq3A_533 = arith.cmpi eq, %iota3A, %eq3A_532 : vector<196x196xi32>
    %convert_element_type3A_534 = arith.extui %eq3A_533 : vector<196x196xi1> to vector<196x196xi32>
    %convert_element_type3A_535 = arith.sitofp %convert_element_type3A_534 : vector<196x196xi32> to vector<196x196xf32>
    %dot_general3A_536 = arith.constant dense<0.000000e+00> : vector<196x384xf32>
    %dot_general3A_537 = tpu.matmul %convert_element_type3A_535, %get3A_383, %dot_general3A_536 {dimension_numbers = #tpu.dot_dimension_numbers<[1], [1], [0], [0], [0, 0, 1, 0], [], []>, transpose_lhs_hint = false} : vector<196x196xf32>, vector<384x196xf32>, vector<196x384xf32> -> vector<196x384xf32>
    %get3A_538 = arith.constant 7 : index
    %get3A_539 = arith.constant 0 : index
    %get3A_540 = arith.constant 0 : index
    %get3A_541 = vector.load %arg3[%get3A_538, %get3A_539, %get3A_540] : memref<9x384x384xf32, #tpu.memory_space<vmem>>, vector<1x384x384xf32>
    %get3A_542 = vector.shape_cast %get3A_541 : vector<1x384x384xf32> to vector<384x384xf32>
    %dot_general3A_543 = arith.constant dense<0.000000e+00> : vector<384x196xf32>
    %dot_general3A_544 = tpu.matmul %get3A_542, %dot_general3A_537, %dot_general3A_543 {dimension_numbers = #tpu.dot_dimension_numbers<[0], [1], [1], [0], [0, 1, 1, 0], [], []>, transpose_lhs_hint = false} : vector<384x384xf32>, vector<196x384xf32>, vector<384x196xf32> -> vector<384x196xf32>
    %add3A_545 = arith.addf %add3A_525, %dot_general3A_544 : vector<384x196xf32>
    %get3A_546 = arith.constant 2 : index
    %get3A_547 = arith.constant 0 : index
    %get3A_548 = arith.constant 8 : index
    %get3A_549 = vector.load %arg2[%get3A_546, %get3A_547, %get3A_548] : memref<8x200x128xi32, #tpu.memory_space<vmem>>, vector<1x196x1xi32>
    %get3A_550 = vector.shape_cast %get3A_549 : vector<1x196x1xi32> to vector<196xi32>
    %broadcast_in_dim3A_551 = vector.shape_cast %get3A_550 : vector<196xi32> to vector<196x1xi32>
    %eq3A_552 = vector.broadcast %broadcast_in_dim3A_551 : vector<196x1xi32> to vector<196x196xi32>
    %eq3A_553 = arith.cmpi eq, %iota3A, %eq3A_552 : vector<196x196xi32>
    %convert_element_type3A_554 = arith.extui %eq3A_553 : vector<196x196xi1> to vector<196x196xi32>
    %convert_element_type3A_555 = arith.sitofp %convert_element_type3A_554 : vector<196x196xi32> to vector<196x196xf32>
    %dot_general3A_556 = arith.constant dense<0.000000e+00> : vector<196x384xf32>
    %dot_general3A_557 = tpu.matmul %convert_element_type3A_555, %get3A_383, %dot_general3A_556 {dimension_numbers = #tpu.dot_dimension_numbers<[1], [1], [0], [0], [0, 0, 1, 0], [], []>, transpose_lhs_hint = false} : vector<196x196xf32>, vector<384x196xf32>, vector<196x384xf32> -> vector<196x384xf32>
    %get3A_558 = arith.constant 8 : index
    %get3A_559 = arith.constant 0 : index
    %get3A_560 = arith.constant 0 : index
    %get3A_561 = vector.load %arg3[%get3A_558, %get3A_559, %get3A_560] : memref<9x384x384xf32, #tpu.memory_space<vmem>>, vector<1x384x384xf32>
    %get3A_562 = vector.shape_cast %get3A_561 : vector<1x384x384xf32> to vector<384x384xf32>
    %dot_general3A_563 = arith.constant dense<0.000000e+00> : vector<384x196xf32>
    %dot_general3A_564 = tpu.matmul %get3A_562, %dot_general3A_557, %dot_general3A_563 {dimension_numbers = #tpu.dot_dimension_numbers<[0], [1], [1], [0], [0, 1, 1, 0], [], []>, transpose_lhs_hint = false} : vector<384x384xf32>, vector<196x384xf32>, vector<384x196xf32> -> vector<384x196xf32>
    %add3A_565 = arith.addf %add3A_545, %dot_general3A_564 : vector<384x196xf32>
    %swap3A_566 = arith.constant 2 : index
    %swap3A_567 = arith.constant 0 : index
    %swap3A_568 = arith.constant 0 : index
    %swap3A_569 = vector.load %arg4[%swap3A_566, %swap3A_567, %swap3A_568] : memref<8x384x196xf32, #tpu.memory_space<vmem>>, vector<1x384x196xf32>
    %swap3A_570 = vector.shape_cast %swap3A_569 : vector<1x384x196xf32> to vector<384x196xf32>
    %swap3A_571 = vector.shape_cast %add3A_565 : vector<384x196xf32> to vector<1x384x196xf32>
    tpu.vector_store %arg4[%swap3A_566, %swap3A_567, %swap3A_568], %swap3A_571 {strides = array<i32>} : memref<8x384x196xf32, #tpu.memory_space<vmem>>, vector<1x384x196xf32>,
    %get3A_572 = arith.constant 3 : index
    %get3A_573 = arith.constant 0 : index
    %get3A_574 = arith.constant 0 : index
    %get3A_575 = vector.load %arg1[%get3A_572, %get3A_573, %get3A_574] : memref<8x384x196xf32, #tpu.memory_space<vmem>>, vector<1x384x196xf32>
    %get3A_576 = vector.shape_cast %get3A_575 : vector<1x384x196xf32> to vector<384x196xf32>
    %broadcast_in_dim3A_577 = arith.constant 0.000000e+00 : f32
    %broadcast_in_dim3A_578 = vector.broadcast %broadcast_in_dim3A_577 : f32 to vector<384x196xf32>
    %get3A_579 = arith.constant 3 : index
    %get3A_580 = arith.constant 0 : index
    %get3A_581 = arith.constant 0 : index
    %get3A_582 = vector.load %arg2[%get3A_579, %get3A_580, %get3A_581] : memref<8x200x128xi32, #tpu.memory_space<vmem>>, vector<1x196x1xi32>
    %get3A_583 = vector.shape_cast %get3A_582 : vector<1x196x1xi32> to vector<196xi32>
    %broadcast_in_dim3A_584 = vector.shape_cast %get3A_583 : vector<196xi32> to vector<196x1xi32>
    %eq3A_585 = vector.broadcast %broadcast_in_dim3A_584 : vector<196x1xi32> to vector<196x196xi32>
    %eq3A_586 = arith.cmpi eq, %iota3A, %eq3A_585 : vector<196x196xi32>
    %convert_element_type3A_587 = arith.extui %eq3A_586 : vector<196x196xi1> to vector<196x196xi32>
    %convert_element_type3A_588 = arith.sitofp %convert_element_type3A_587 : vector<196x196xi32> to vector<196x196xf32>
    %dot_general3A_589 = arith.constant dense<0.000000e+00> : vector<196x384xf32>
    %dot_general3A_590 = tpu.matmul %convert_element_type3A_588, %get3A_576, %dot_general3A_589 {dimension_numbers = #tpu.dot_dimension_numbers<[1], [1], [0], [0], [0, 0, 1, 0], [], []>, transpose_lhs_hint = false} : vector<196x196xf32>, vector<384x196xf32>, vector<196x384xf32> -> vector<196x384xf32>
    %get3A_591 = arith.constant 0 : index
    %get3A_592 = arith.constant 0 : index
    %get3A_593 = arith.constant 0 : index
    %get3A_594 = vector.load %arg3[%get3A_591, %get3A_592, %get3A_593] : memref<9x384x384xf32, #tpu.memory_space<vmem>>, vector<1x384x384xf32>
    %get3A_595 = vector.shape_cast %get3A_594 : vector<1x384x384xf32> to vector<384x384xf32>
    %dot_general3A_596 = arith.constant dense<0.000000e+00> : vector<384x196xf32>
    %dot_general3A_597 = tpu.matmul %get3A_595, %dot_general3A_590, %dot_general3A_596 {dimension_numbers = #tpu.dot_dimension_numbers<[0], [1], [1], [0], [0, 1, 1, 0], [], []>, transpose_lhs_hint = false} : vector<384x384xf32>, vector<196x384xf32>, vector<384x196xf32> -> vector<384x196xf32>
    %add3A_598 = arith.addf %broadcast_in_dim3A_578, %dot_general3A_597 : vector<384x196xf32>
    %get3A_599 = arith.constant 3 : index
    %get3A_600 = arith.constant 0 : index
    %get3A_601 = arith.constant 1 : index
    %get3A_602 = vector.load %arg2[%get3A_599, %get3A_600, %get3A_601] : memref<8x200x128xi32, #tpu.memory_space<vmem>>, vector<1x196x1xi32>
    %get3A_603 = vector.shape_cast %get3A_602 : vector<1x196x1xi32> to vector<196xi32>
    %broadcast_in_dim3A_604 = vector.shape_cast %get3A_603 : vector<196xi32> to vector<196x1xi32>
    %eq3A_605 = vector.broadcast %broadcast_in_dim3A_604 : vector<196x1xi32> to vector<196x196xi32>
    %eq3A_606 = arith.cmpi eq, %iota3A, %eq3A_605 : vector<196x196xi32>
    %convert_element_type3A_607 = arith.extui %eq3A_606 : vector<196x196xi1> to vector<196x196xi32>
    %convert_element_type3A_608 = arith.sitofp %convert_element_type3A_607 : vector<196x196xi32> to vector<196x196xf32>
    %dot_general3A_609 = arith.constant dense<0.000000e+00> : vector<196x384xf32>
    %dot_general3A_610 = tpu.matmul %convert_element_type3A_608, %get3A_576, %dot_general3A_609 {dimension_numbers = #tpu.dot_dimension_numbers<[1], [1], [0], [0], [0, 0, 1, 0], [], []>, transpose_lhs_hint = false} : vector<196x196xf32>, vector<384x196xf32>, vector<196x384xf32> -> vector<196x384xf32>
    %get3A_611 = arith.constant 1 : index
    %get3A_612 = arith.constant 0 : index
    %get3A_613 = arith.constant 0 : index
    %get3A_614 = vector.load %arg3[%get3A_611, %get3A_612, %get3A_613] : memref<9x384x384xf32, #tpu.memory_space<vmem>>, vector<1x384x384xf32>
    %get3A_615 = vector.shape_cast %get3A_614 : vector<1x384x384xf32> to vector<384x384xf32>
    %dot_general3A_616 = arith.constant dense<0.000000e+00> : vector<384x196xf32>
    %dot_general3A_617 = tpu.matmul %get3A_615, %dot_general3A_610, %dot_general3A_616 {dimension_numbers = #tpu.dot_dimension_numbers<[0], [1], [1], [0], [0, 1, 1, 0], [], []>, transpose_lhs_hint = false} : vector<384x384xf32>, vector<196x384xf32>, vector<384x196xf32> -> vector<384x196xf32>
    %add3A_618 = arith.addf %add3A_598, %dot_general3A_617 : vector<384x196xf32>
    %get3A_619 = arith.constant 3 : index
    %get3A_620 = arith.constant 0 : index
    %get3A_621 = arith.constant 2 : index
    %get3A_622 = vector.load %arg2[%get3A_619, %get3A_620, %get3A_621] : memref<8x200x128xi32, #tpu.memory_space<vmem>>, vector<1x196x1xi32>
    %get3A_623 = vector.shape_cast %get3A_622 : vector<1x196x1xi32> to vector<196xi32>
    %broadcast_in_dim3A_624 = vector.shape_cast %get3A_623 : vector<196xi32> to vector<196x1xi32>
    %eq3A_625 = vector.broadcast %broadcast_in_dim3A_624 : vector<196x1xi32> to vector<196x196xi32>
    %eq3A_626 = arith.cmpi eq, %iota3A, %eq3A_625 : vector<196x196xi32>
    %convert_element_type3A_627 = arith.extui %eq3A_626 : vector<196x196xi1> to vector<196x196xi32>
    %convert_element_type3A_628 = arith.sitofp %convert_element_type3A_627 : vector<196x196xi32> to vector<196x196xf32>
    %dot_general3A_629 = arith.constant dense<0.000000e+00> : vector<196x384xf32>
    %dot_general3A_630 = tpu.matmul %convert_element_type3A_628, %get3A_576, %dot_general3A_629 {dimension_numbers = #tpu.dot_dimension_numbers<[1], [1], [0], [0], [0, 0, 1, 0], [], []>, transpose_lhs_hint = false} : vector<196x196xf32>, vector<384x196xf32>, vector<196x384xf32> -> vector<196x384xf32>
    %get3A_631 = arith.constant 2 : index
    %get3A_632 = arith.constant 0 : index
    %get3A_633 = arith.constant 0 : index
    %get3A_634 = vector.load %arg3[%get3A_631, %get3A_632, %get3A_633] : memref<9x384x384xf32, #tpu.memory_space<vmem>>, vector<1x384x384xf32>
    %get3A_635 = vector.shape_cast %get3A_634 : vector<1x384x384xf32> to vector<384x384xf32>
    %dot_general3A_636 = arith.constant dense<0.000000e+00> : vector<384x196xf32>
    %dot_general3A_637 = tpu.matmul %get3A_635, %dot_general3A_630, %dot_general3A_636 {dimension_numbers = #tpu.dot_dimension_numbers<[0], [1], [1], [0], [0, 1, 1, 0], [], []>, transpose_lhs_hint = false} : vector<384x384xf32>, vector<196x384xf32>, vector<384x196xf32> -> vector<384x196xf32>
    %add3A_638 = arith.addf %add3A_618, %dot_general3A_637 : vector<384x196xf32>
    %get3A_639 = arith.constant 3 : index
    %get3A_640 = arith.constant 0 : index
    %get3A_641 = arith.constant 3 : index
    %get3A_642 = vector.load %arg2[%get3A_639, %get3A_640, %get3A_641] : memref<8x200x128xi32, #tpu.memory_space<vmem>>, vector<1x196x1xi32>
    %get3A_643 = vector.shape_cast %get3A_642 : vector<1x196x1xi32> to vector<196xi32>
    %broadcast_in_dim3A_644 = vector.shape_cast %get3A_643 : vector<196xi32> to vector<196x1xi32>
    %eq3A_645 = vector.broadcast %broadcast_in_dim3A_644 : vector<196x1xi32> to vector<196x196xi32>
    %eq3A_646 = arith.cmpi eq, %iota3A, %eq3A_645 : vector<196x196xi32>
    %convert_element_type3A_647 = arith.extui %eq3A_646 : vector<196x196xi1> to vector<196x196xi32>
    %convert_element_type3A_648 = arith.sitofp %convert_element_type3A_647 : vector<196x196xi32> to vector<196x196xf32>
    %dot_general3A_649 = arith.constant dense<0.000000e+00> : vector<196x384xf32>
    %dot_general3A_650 = tpu.matmul %convert_element_type3A_648, %get3A_576, %dot_general3A_649 {dimension_numbers = #tpu.dot_dimension_numbers<[1], [1], [0], [0], [0, 0, 1, 0], [], []>, transpose_lhs_hint = false} : vector<196x196xf32>, vector<384x196xf32>, vector<196x384xf32> -> vector<196x384xf32>
    %get3A_651 = arith.constant 3 : index
    %get3A_652 = arith.constant 0 : index
    %get3A_653 = arith.constant 0 : index
    %get3A_654 = vector.load %arg3[%get3A_651, %get3A_652, %get3A_653] : memref<9x384x384xf32, #tpu.memory_space<vmem>>, vector<1x384x384xf32>
    %get3A_655 = vector.shape_cast %get3A_654 : vector<1x384x384xf32> to vector<384x384xf32>
    %dot_general3A_656 = arith.constant dense<0.000000e+00> : vector<384x196xf32>
    %dot_general3A_657 = tpu.matmul %get3A_655, %dot_general3A_650, %dot_general3A_656 {dimension_numbers = #tpu.dot_dimension_numbers<[0], [1], [1], [0], [0, 1, 1, 0], [], []>, transpose_lhs_hint = false} : vector<384x384xf32>, vector<196x384xf32>, vector<384x196xf32> -> vector<384x196xf32>
    %add3A_658 = arith.addf %add3A_638, %dot_general3A_657 : vector<384x196xf32>
    %get3A_659 = arith.constant 3 : index
    %get3A_660 = arith.constant 0 : index
    %get3A_661 = arith.constant 4 : index
    %get3A_662 = vector.load %arg2[%get3A_659, %get3A_660, %get3A_661] : memref<8x200x128xi32, #tpu.memory_space<vmem>>, vector<1x196x1xi32>
    %get3A_663 = vector.shape_cast %get3A_662 : vector<1x196x1xi32> to vector<196xi32>
    %broadcast_in_dim3A_664 = vector.shape_cast %get3A_663 : vector<196xi32> to vector<196x1xi32>
    %eq3A_665 = vector.broadcast %broadcast_in_dim3A_664 : vector<196x1xi32> to vector<196x196xi32>
    %eq3A_666 = arith.cmpi eq, %iota3A, %eq3A_665 : vector<196x196xi32>
    %convert_element_type3A_667 = arith.extui %eq3A_666 : vector<196x196xi1> to vector<196x196xi32>
    %convert_element_type3A_668 = arith.sitofp %convert_element_type3A_667 : vector<196x196xi32> to vector<196x196xf32>
    %dot_general3A_669 = arith.constant dense<0.000000e+00> : vector<196x384xf32>
    %dot_general3A_670 = tpu.matmul %convert_element_type3A_668, %get3A_576, %dot_general3A_669 {dimension_numbers = #tpu.dot_dimension_numbers<[1], [1], [0], [0], [0, 0, 1, 0], [], []>, transpose_lhs_hint = false} : vector<196x196xf32>, vector<384x196xf32>, vector<196x384xf32> -> vector<196x384xf32>
    %get3A_671 = arith.constant 4 : index
    %get3A_672 = arith.constant 0 : index
    %get3A_673 = arith.constant 0 : index
    %get3A_674 = vector.load %arg3[%get3A_671, %get3A_672, %get3A_673] : memref<9x384x384xf32, #tpu.memory_space<vmem>>, vector<1x384x384xf32>
    %get3A_675 = vector.shape_cast %get3A_674 : vector<1x384x384xf32> to vector<384x384xf32>
    %dot_general3A_676 = arith.constant dense<0.000000e+00> : vector<384x196xf32>
    %dot_general3A_677 = tpu.matmul %get3A_675, %dot_general3A_670, %dot_general3A_676 {dimension_numbers = #tpu.dot_dimension_numbers<[0], [1], [1], [0], [0, 1, 1, 0], [], []>, transpose_lhs_hint = false} : vector<384x384xf32>, vector<196x384xf32>, vector<384x196xf32> -> vector<384x196xf32>
    %add3A_678 = arith.addf %add3A_658, %dot_general3A_677 : vector<384x196xf32>
    %get3A_679 = arith.constant 3 : index
    %get3A_680 = arith.constant 0 : index
    %get3A_681 = arith.constant 5 : index
    %get3A_682 = vector.load %arg2[%get3A_679, %get3A_680, %get3A_681] : memref<8x200x128xi32, #tpu.memory_space<vmem>>, vector<1x196x1xi32>
    %get3A_683 = vector.shape_cast %get3A_682 : vector<1x196x1xi32> to vector<196xi32>
    %broadcast_in_dim3A_684 = vector.shape_cast %get3A_683 : vector<196xi32> to vector<196x1xi32>
    %eq3A_685 = vector.broadcast %broadcast_in_dim3A_684 : vector<196x1xi32> to vector<196x196xi32>
    %eq3A_686 = arith.cmpi eq, %iota3A, %eq3A_685 : vector<196x196xi32>
    %convert_element_type3A_687 = arith.extui %eq3A_686 : vector<196x196xi1> to vector<196x196xi32>
    %convert_element_type3A_688 = arith.sitofp %convert_element_type3A_687 : vector<196x196xi32> to vector<196x196xf32>
    %dot_general3A_689 = arith.constant dense<0.000000e+00> : vector<196x384xf32>
    %dot_general3A_690 = tpu.matmul %convert_element_type3A_688, %get3A_576, %dot_general3A_689 {dimension_numbers = #tpu.dot_dimension_numbers<[1], [1], [0], [0], [0, 0, 1, 0], [], []>, transpose_lhs_hint = false} : vector<196x196xf32>, vector<384x196xf32>, vector<196x384xf32> -> vector<196x384xf32>
    %get3A_691 = arith.constant 5 : index
    %get3A_692 = arith.constant 0 : index
    %get3A_693 = arith.constant 0 : index
    %get3A_694 = vector.load %arg3[%get3A_691, %get3A_692, %get3A_693] : memref<9x384x384xf32, #tpu.memory_space<vmem>>, vector<1x384x384xf32>
    %get3A_695 = vector.shape_cast %get3A_694 : vector<1x384x384xf32> to vector<384x384xf32>
    %dot_general3A_696 = arith.constant dense<0.000000e+00> : vector<384x196xf32>
    %dot_general3A_697 = tpu.matmul %get3A_695, %dot_general3A_690, %dot_general3A_696 {dimension_numbers = #tpu.dot_dimension_numbers<[0], [1], [1], [0], [0, 1, 1, 0], [], []>, transpose_lhs_hint = false} : vector<384x384xf32>, vector<196x384xf32>, vector<384x196xf32> -> vector<384x196xf32>
    %add3A_698 = arith.addf %add3A_678, %dot_general3A_697 : vector<384x196xf32>
    %get3A_699 = arith.constant 3 : index
    %get3A_700 = arith.constant 0 : index
    %get3A_701 = arith.constant 6 : index
    %get3A_702 = vector.load %arg2[%get3A_699, %get3A_700, %get3A_701] : memref<8x200x128xi32, #tpu.memory_space<vmem>>, vector<1x196x1xi32>
    %get3A_703 = vector.shape_cast %get3A_702 : vector<1x196x1xi32> to vector<196xi32>
    %broadcast_in_dim3A_704 = vector.shape_cast %get3A_703 : vector<196xi32> to vector<196x1xi32>
    %eq3A_705 = vector.broadcast %broadcast_in_dim3A_704 : vector<196x1xi32> to vector<196x196xi32>
    %eq3A_706 = arith.cmpi eq, %iota3A, %eq3A_705 : vector<196x196xi32>
    %convert_element_type3A_707 = arith.extui %eq3A_706 : vector<196x196xi1> to vector<196x196xi32>
    %convert_element_type3A_708 = arith.sitofp %convert_element_type3A_707 : vector<196x196xi32> to vector<196x196xf32>
    %dot_general3A_709 = arith.constant dense<0.000000e+00> : vector<196x384xf32>
    %dot_general3A_710 = tpu.matmul %convert_element_type3A_708, %get3A_576, %dot_general3A_709 {dimension_numbers = #tpu.dot_dimension_numbers<[1], [1], [0], [0], [0, 0, 1, 0], [], []>, transpose_lhs_hint = false} : vector<196x196xf32>, vector<384x196xf32>, vector<196x384xf32> -> vector<196x384xf32>
    %get3A_711 = arith.constant 6 : index
    %get3A_712 = arith.constant 0 : index
    %get3A_713 = arith.constant 0 : index
    %get3A_714 = vector.load %arg3[%get3A_711, %get3A_712, %get3A_713] : memref<9x384x384xf32, #tpu.memory_space<vmem>>, vector<1x384x384xf32>
    %get3A_715 = vector.shape_cast %get3A_714 : vector<1x384x384xf32> to vector<384x384xf32>
    %dot_general3A_716 = arith.constant dense<0.000000e+00> : vector<384x196xf32>
    %dot_general3A_717 = tpu.matmul %get3A_715, %dot_general3A_710, %dot_general3A_716 {dimension_numbers = #tpu.dot_dimension_numbers<[0], [1], [1], [0], [0, 1, 1, 0], [], []>, transpose_lhs_hint = false} : vector<384x384xf32>, vector<196x384xf32>, vector<384x196xf32> -> vector<384x196xf32>
    %add3A_718 = arith.addf %add3A_698, %dot_general3A_717 : vector<384x196xf32>
    %get3A_719 = arith.constant 3 : index
    %get3A_720 = arith.constant 0 : index
    %get3A_721 = arith.constant 7 : index
    %get3A_722 = vector.load %arg2[%get3A_719, %get3A_720, %get3A_721] : memref<8x200x128xi32, #tpu.memory_space<vmem>>, vector<1x196x1xi32>
    %get3A_723 = vector.shape_cast %get3A_722 : vector<1x196x1xi32> to vector<196xi32>
    %broadcast_in_dim3A_724 = vector.shape_cast %get3A_723 : vector<196xi32> to vector<196x1xi32>
    %eq3A_725 = vector.broadcast %broadcast_in_dim3A_724 : vector<196x1xi32> to vector<196x196xi32>
    %eq3A_726 = arith.cmpi eq, %iota3A, %eq3A_725 : vector<196x196xi32>
    %convert_element_type3A_727 = arith.extui %eq3A_726 : vector<196x196xi1> to vector<196x196xi32>
    %convert_element_type3A_728 = arith.sitofp %convert_element_type3A_727 : vector<196x196xi32> to vector<196x196xf32>
    %dot_general3A_729 = arith.constant dense<0.000000e+00> : vector<196x384xf32>
    %dot_general3A_730 = tpu.matmul %convert_element_type3A_728, %get3A_576, %dot_general3A_729 {dimension_numbers = #tpu.dot_dimension_numbers<[1], [1], [0], [0], [0, 0, 1, 0], [], []>, transpose_lhs_hint = false} : vector<196x196xf32>, vector<384x196xf32>, vector<196x384xf32> -> vector<196x384xf32>
    %get3A_731 = arith.constant 7 : index
    %get3A_732 = arith.constant 0 : index
    %get3A_733 = arith.constant 0 : index
    %get3A_734 = vector.load %arg3[%get3A_731, %get3A_732, %get3A_733] : memref<9x384x384xf32, #tpu.memory_space<vmem>>, vector<1x384x384xf32>
    %get3A_735 = vector.shape_cast %get3A_734 : vector<1x384x384xf32> to vector<384x384xf32>
    %dot_general3A_736 = arith.constant dense<0.000000e+00> : vector<384x196xf32>
    %dot_general3A_737 = tpu.matmul %get3A_735, %dot_general3A_730, %dot_general3A_736 {dimension_numbers = #tpu.dot_dimension_numbers<[0], [1], [1], [0], [0, 1, 1, 0], [], []>, transpose_lhs_hint = false} : vector<384x384xf32>, vector<196x384xf32>, vector<384x196xf32> -> vector<384x196xf32>
    %add3A_738 = arith.addf %add3A_718, %dot_general3A_737 : vector<384x196xf32>
    %get3A_739 = arith.constant 3 : index
    %get3A_740 = arith.constant 0 : index
    %get3A_741 = arith.constant 8 : index
    %get3A_742 = vector.load %arg2[%get3A_739, %get3A_740, %get3A_741] : memref<8x200x128xi32, #tpu.memory_space<vmem>>, vector<1x196x1xi32>
    %get3A_743 = vector.shape_cast %get3A_742 : vector<1x196x1xi32> to vector<196xi32>
    %broadcast_in_dim3A_744 = vector.shape_cast %get3A_743 : vector<196xi32> to vector<196x1xi32>
    %eq3A_745 = vector.broadcast %broadcast_in_dim3A_744 : vector<196x1xi32> to vector<196x196xi32>
    %eq3A_746 = arith.cmpi eq, %iota3A, %eq3A_745 : vector<196x196xi32>
    %convert_element_type3A_747 = arith.extui %eq3A_746 : vector<196x196xi1> to vector<196x196xi32>
    %convert_element_type3A_748 = arith.sitofp %convert_element_type3A_747 : vector<196x196xi32> to vector<196x196xf32>
    %dot_general3A_749 = arith.constant dense<0.000000e+00> : vector<196x384xf32>
    %dot_general3A_750 = tpu.matmul %convert_element_type3A_748, %get3A_576, %dot_general3A_749 {dimension_numbers = #tpu.dot_dimension_numbers<[1], [1], [0], [0], [0, 0, 1, 0], [], []>, transpose_lhs_hint = false} : vector<196x196xf32>, vector<384x196xf32>, vector<196x384xf32> -> vector<196x384xf32>
    %get3A_751 = arith.constant 8 : index
    %get3A_752 = arith.constant 0 : index
    %get3A_753 = arith.constant 0 : index
    %get3A_754 = vector.load %arg3[%get3A_751, %get3A_752, %get3A_753] : memref<9x384x384xf32, #tpu.memory_space<vmem>>, vector<1x384x384xf32>
    %get3A_755 = vector.shape_cast %get3A_754 : vector<1x384x384xf32> to vector<384x384xf32>
    %dot_general3A_756 = arith.constant dense<0.000000e+00> : vector<384x196xf32>
    %dot_general3A_757 = tpu.matmul %get3A_755, %dot_general3A_750, %dot_general3A_756 {dimension_numbers = #tpu.dot_dimension_numbers<[0], [1], [1], [0], [0, 1, 1, 0], [], []>, transpose_lhs_hint = false} : vector<384x384xf32>, vector<196x384xf32>, vector<384x196xf32> -> vector<384x196xf32>
    %add3A_758 = arith.addf %add3A_738, %dot_general3A_757 : vector<384x196xf32>
    %swap3A_759 = arith.constant 3 : index
    %swap3A_760 = arith.constant 0 : index
    %swap3A_761 = arith.constant 0 : index
    %swap3A_762 = vector.load %arg4[%swap3A_759, %swap3A_760, %swap3A_761] : memref<8x384x196xf32, #tpu.memory_space<vmem>>, vector<1x384x196xf32>
    %swap3A_763 = vector.shape_cast %swap3A_762 : vector<1x384x196xf32> to vector<384x196xf32>
    %swap3A_764 = vector.shape_cast %add3A_758 : vector<384x196xf32> to vector<1x384x196xf32>
    tpu.vector_store %arg4[%swap3A_759, %swap3A_760, %swap3A_761], %swap3A_764 {strides = array<i32>} : memref<8x384x196xf32, #tpu.memory_space<vmem>>, vector<1x384x196xf32>,
    %get3A_765 = arith.constant 4 : index
    %get3A_766 = arith.constant 0 : index
    %get3A_767 = arith.constant 0 : index
    %get3A_768 = vector.load %arg1[%get3A_765, %get3A_766, %get3A_767] : memref<8x384x196xf32, #tpu.memory_space<vmem>>, vector<1x384x196xf32>
    %get3A_769 = vector.shape_cast %get3A_768 : vector<1x384x196xf32> to vector<384x196xf32>
    %broadcast_in_dim3A_770 = arith.constant 0.000000e+00 : f32
    %broadcast_in_dim3A_771 = vector.broadcast %broadcast_in_dim3A_770 : f32 to vector<384x196xf32>
    %get3A_772 = arith.constant 4 : index
    %get3A_773 = arith.constant 0 : index
    %get3A_774 = arith.constant 0 : index
    %get3A_775 = vector.load %arg2[%get3A_772, %get3A_773, %get3A_774] : memref<8x200x128xi32, #tpu.memory_space<vmem>>, vector<1x196x1xi32>
    %get3A_776 = vector.shape_cast %get3A_775 : vector<1x196x1xi32> to vector<196xi32>
    %broadcast_in_dim3A_777 = vector.shape_cast %get3A_776 : vector<196xi32> to vector<196x1xi32>
    %eq3A_778 = vector.broadcast %broadcast_in_dim3A_777 : vector<196x1xi32> to vector<196x196xi32>
    %eq3A_779 = arith.cmpi eq, %iota3A, %eq3A_778 : vector<196x196xi32>
    %convert_element_type3A_780 = arith.extui %eq3A_779 : vector<196x196xi1> to vector<196x196xi32>
    %convert_element_type3A_781 = arith.sitofp %convert_element_type3A_780 : vector<196x196xi32> to vector<196x196xf32>
    %dot_general3A_782 = arith.constant dense<0.000000e+00> : vector<196x384xf32>
    %dot_general3A_783 = tpu.matmul %convert_element_type3A_781, %get3A_769, %dot_general3A_782 {dimension_numbers = #tpu.dot_dimension_numbers<[1], [1], [0], [0], [0, 0, 1, 0], [], []>, transpose_lhs_hint = false} : vector<196x196xf32>, vector<384x196xf32>, vector<196x384xf32> -> vector<196x384xf32>
    %get3A_784 = arith.constant 0 : index
    %get3A_785 = arith.constant 0 : index
    %get3A_786 = arith.constant 0 : index
    %get3A_787 = vector.load %arg3[%get3A_784, %get3A_785, %get3A_786] : memref<9x384x384xf32, #tpu.memory_space<vmem>>, vector<1x384x384xf32>
    %get3A_788 = vector.shape_cast %get3A_787 : vector<1x384x384xf32> to vector<384x384xf32>
    %dot_general3A_789 = arith.constant dense<0.000000e+00> : vector<384x196xf32>
    %dot_general3A_790 = tpu.matmul %get3A_788, %dot_general3A_783, %dot_general3A_789 {dimension_numbers = #tpu.dot_dimension_numbers<[0], [1], [1], [0], [0, 1, 1, 0], [], []>, transpose_lhs_hint = false} : vector<384x384xf32>, vector<196x384xf32>, vector<384x196xf32> -> vector<384x196xf32>
    %add3A_791 = arith.addf %broadcast_in_dim3A_771, %dot_general3A_790 : vector<384x196xf32>
    %get3A_792 = arith.constant 4 : index
    %get3A_793 = arith.constant 0 : index
    %get3A_794 = arith.constant 1 : index
    %get3A_795 = vector.load %arg2[%get3A_792, %get3A_793, %get3A_794] : memref<8x200x128xi32, #tpu.memory_space<vmem>>, vector<1x196x1xi32>
    %get3A_796 = vector.shape_cast %get3A_795 : vector<1x196x1xi32> to vector<196xi32>
    %broadcast_in_dim3A_797 = vector.shape_cast %get3A_796 : vector<196xi32> to vector<196x1xi32>
    %eq3A_798 = vector.broadcast %broadcast_in_dim3A_797 : vector<196x1xi32> to vector<196x196xi32>
    %eq3A_799 = arith.cmpi eq, %iota3A, %eq3A_798 : vector<196x196xi32>
    %convert_element_type3A_800 = arith.extui %eq3A_799 : vector<196x196xi1> to vector<196x196xi32>
    %convert_element_type3A_801 = arith.sitofp %convert_element_type3A_800 : vector<196x196xi32> to vector<196x196xf32>
    %dot_general3A_802 = arith.constant dense<0.000000e+00> : vector<196x384xf32>
    %dot_general3A_803 = tpu.matmul %convert_element_type3A_801, %get3A_769, %dot_general3A_802 {dimension_numbers = #tpu.dot_dimension_numbers<[1], [1], [0], [0], [0, 0, 1, 0], [], []>, transpose_lhs_hint = false} : vector<196x196xf32>, vector<384x196xf32>, vector<196x384xf32> -> vector<196x384xf32>
    %get3A_804 = arith.constant 1 : index
    %get3A_805 = arith.constant 0 : index
    %get3A_806 = arith.constant 0 : index
    %get3A_807 = vector.load %arg3[%get3A_804, %get3A_805, %get3A_806] : memref<9x384x384xf32, #tpu.memory_space<vmem>>, vector<1x384x384xf32>
    %get3A_808 = vector.shape_cast %get3A_807 : vector<1x384x384xf32> to vector<384x384xf32>
    %dot_general3A_809 = arith.constant dense<0.000000e+00> : vector<384x196xf32>
    %dot_general3A_810 = tpu.matmul %get3A_808, %dot_general3A_803, %dot_general3A_809 {dimension_numbers = #tpu.dot_dimension_numbers<[0], [1], [1], [0], [0, 1, 1, 0], [], []>, transpose_lhs_hint = false} : vector<384x384xf32>, vector<196x384xf32>, vector<384x196xf32> -> vector<384x196xf32>
    %add3A_811 = arith.addf %add3A_791, %dot_general3A_810 : vector<384x196xf32>
    %get3A_812 = arith.constant 4 : index
    %get3A_813 = arith.constant 0 : index
    %get3A_814 = arith.constant 2 : index
    %get3A_815 = vector.load %arg2[%get3A_812, %get3A_813, %get3A_814] : memref<8x200x128xi32, #tpu.memory_space<vmem>>, vector<1x196x1xi32>
    %get3A_816 = vector.shape_cast %get3A_815 : vector<1x196x1xi32> to vector<196xi32>
    %broadcast_in_dim3A_817 = vector.shape_cast %get3A_816 : vector<196xi32> to vector<196x1xi32>
    %eq3A_818 = vector.broadcast %broadcast_in_dim3A_817 : vector<196x1xi32> to vector<196x196xi32>
    %eq3A_819 = arith.cmpi eq, %iota3A, %eq3A_818 : vector<196x196xi32>
    %convert_element_type3A_820 = arith.extui %eq3A_819 : vector<196x196xi1> to vector<196x196xi32>
    %convert_element_type3A_821 = arith.sitofp %convert_element_type3A_820 : vector<196x196xi32> to vector<196x196xf32>
    %dot_general3A_822 = arith.constant dense<0.000000e+00> : vector<196x384xf32>
    %dot_general3A_823 = tpu.matmul %convert_element_type3A_821, %get3A_769, %dot_general3A_822 {dimension_numbers = #tpu.dot_dimension_numbers<[1], [1], [0], [0], [0, 0, 1, 0], [], []>, transpose_lhs_hint = false} : vector<196x196xf32>, vector<384x196xf32>, vector<196x384xf32> -> vector<196x384xf32>
    %get3A_824 = arith.constant 2 : index
    %get3A_825 = arith.constant 0 : index
    %get3A_826 = arith.constant 0 : index
    %get3A_827 = vector.load %arg3[%get3A_824, %get3A_825, %get3A_826] : memref<9x384x384xf32, #tpu.memory_space<vmem>>, vector<1x384x384xf32>
    %get3A_828 = vector.shape_cast %get3A_827 : vector<1x384x384xf32> to vector<384x384xf32>
    %dot_general3A_829 = arith.constant dense<0.000000e+00> : vector<384x196xf32>
    %dot_general3A_830 = tpu.matmul %get3A_828, %dot_general3A_823, %dot_general3A_829 {dimension_numbers = #tpu.dot_dimension_numbers<[0], [1], [1], [0], [0, 1, 1, 0], [], []>, transpose_lhs_hint = false} : vector<384x384xf32>, vector<196x384xf32>, vector<384x196xf32> -> vector<384x196xf32>
    %add3A_831 = arith.addf %add3A_811, %dot_general3A_830 : vector<384x196xf32>
    %get3A_832 = arith.constant 4 : index
    %get3A_833 = arith.constant 0 : index
    %get3A_834 = arith.constant 3 : index
    %get3A_835 = vector.load %arg2[%get3A_832, %get3A_833, %get3A_834] : memref<8x200x128xi32, #tpu.memory_space<vmem>>, vector<1x196x1xi32>
    %get3A_836 = vector.shape_cast %get3A_835 : vector<1x196x1xi32> to vector<196xi32>
    %broadcast_in_dim3A_837 = vector.shape_cast %get3A_836 : vector<196xi32> to vector<196x1xi32>
    %eq3A_838 = vector.broadcast %broadcast_in_dim3A_837 : vector<196x1xi32> to vector<196x196xi32>
    %eq3A_839 = arith.cmpi eq, %iota3A, %eq3A_838 : vector<196x196xi32>
    %convert_element_type3A_840 = arith.extui %eq3A_839 : vector<196x196xi1> to vector<196x196xi32>
    %convert_element_type3A_841 = arith.sitofp %convert_element_type3A_840 : vector<196x196xi32> to vector<196x196xf32>
    %dot_general3A_842 = arith.constant dense<0.000000e+00> : vector<196x384xf32>
    %dot_general3A_843 = tpu.matmul %convert_element_type3A_841, %get3A_769, %dot_general3A_842 {dimension_numbers = #tpu.dot_dimension_numbers<[1], [1], [0], [0], [0, 0, 1, 0], [], []>, transpose_lhs_hint = false} : vector<196x196xf32>, vector<384x196xf32>, vector<196x384xf32> -> vector<196x384xf32>
    %get3A_844 = arith.constant 3 : index
    %get3A_845 = arith.constant 0 : index
    %get3A_846 = arith.constant 0 : index
    %get3A_847 = vector.load %arg3[%get3A_844, %get3A_845, %get3A_846] : memref<9x384x384xf32, #tpu.memory_space<vmem>>, vector<1x384x384xf32>
    %get3A_848 = vector.shape_cast %get3A_847 : vector<1x384x384xf32> to vector<384x384xf32>
    %dot_general3A_849 = arith.constant dense<0.000000e+00> : vector<384x196xf32>
    %dot_general3A_850 = tpu.matmul %get3A_848, %dot_general3A_843, %dot_general3A_849 {dimension_numbers = #tpu.dot_dimension_numbers<[0], [1], [1], [0], [0, 1, 1, 0], [], []>, transpose_lhs_hint = false} : vector<384x384xf32>, vector<196x384xf32>, vector<384x196xf32> -> vector<384x196xf32>
    %add3A_851 = arith.addf %add3A_831, %dot_general3A_850 : vector<384x196xf32>
    %get3A_852 = arith.constant 4 : index
    %get3A_853 = arith.constant 0 : index
    %get3A_854 = arith.constant 4 : index
    %get3A_855 = vector.load %arg2[%get3A_852, %get3A_853, %get3A_854] : memref<8x200x128xi32, #tpu.memory_space<vmem>>, vector<1x196x1xi32>
    %get3A_856 = vector.shape_cast %get3A_855 : vector<1x196x1xi32> to vector<196xi32>
    %broadcast_in_dim3A_857 = vector.shape_cast %get3A_856 : vector<196xi32> to vector<196x1xi32>
    %eq3A_858 = vector.broadcast %broadcast_in_dim3A_857 : vector<196x1xi32> to vector<196x196xi32>
    %eq3A_859 = arith.cmpi eq, %iota3A, %eq3A_858 : vector<196x196xi32>
    %convert_element_type3A_860 = arith.extui %eq3A_859 : vector<196x196xi1> to vector<196x196xi32>
    %convert_element_type3A_861 = arith.sitofp %convert_element_type3A_860 : vector<196x196xi32> to vector<196x196xf32>
    %dot_general3A_862 = arith.constant dense<0.000000e+00> : vector<196x384xf32>
    %dot_general3A_863 = tpu.matmul %convert_element_type3A_861, %get3A_769, %dot_general3A_862 {dimension_numbers = #tpu.dot_dimension_numbers<[1], [1], [0], [0], [0, 0, 1, 0], [], []>, transpose_lhs_hint = false} : vector<196x196xf32>, vector<384x196xf32>, vector<196x384xf32> -> vector<196x384xf32>
    %get3A_864 = arith.constant 4 : index
    %get3A_865 = arith.constant 0 : index
    %get3A_866 = arith.constant 0 : index
    %get3A_867 = vector.load %arg3[%get3A_864, %get3A_865, %get3A_866] : memref<9x384x384xf32, #tpu.memory_space<vmem>>, vector<1x384x384xf32>
    %get3A_868 = vector.shape_cast %get3A_867 : vector<1x384x384xf32> to vector<384x384xf32>
    %dot_general3A_869 = arith.constant dense<0.000000e+00> : vector<384x196xf32>
    %dot_general3A_870 = tpu.matmul %get3A_868, %dot_general3A_863, %dot_general3A_869 {dimension_numbers = #tpu.dot_dimension_numbers<[0], [1], [1], [0], [0, 1, 1, 0], [], []>, transpose_lhs_hint = false} : vector<384x384xf32>, vector<196x384xf32>, vector<384x196xf32> -> vector<384x196xf32>
    %add3A_871 = arith.addf %add3A_851, %dot_general3A_870 : vector<384x196xf32>
    %get3A_872 = arith.constant 4 : index
    %get3A_873 = arith.constant 0 : index
    %get3A_874 = arith.constant 5 : index
    %get3A_875 = vector.load %arg2[%get3A_872, %get3A_873, %get3A_874] : memref<8x200x128xi32, #tpu.memory_space<vmem>>, vector<1x196x1xi32>
    %get3A_876 = vector.shape_cast %get3A_875 : vector<1x196x1xi32> to vector<196xi32>
    %broadcast_in_dim3A_877 = vector.shape_cast %get3A_876 : vector<196xi32> to vector<196x1xi32>
    %eq3A_878 = vector.broadcast %broadcast_in_dim3A_877 : vector<196x1xi32> to vector<196x196xi32>
    %eq3A_879 = arith.cmpi eq, %iota3A, %eq3A_878 : vector<196x196xi32>
    %convert_element_type3A_880 = arith.extui %eq3A_879 : vector<196x196xi1> to vector<196x196xi32>
    %convert_element_type3A_881 = arith.sitofp %convert_element_type3A_880 : vector<196x196xi32> to vector<196x196xf32>
    %dot_general3A_882 = arith.constant dense<0.000000e+00> : vector<196x384xf32>
    %dot_general3A_883 = tpu.matmul %convert_element_type3A_881, %get3A_769, %dot_general3A_882 {dimension_numbers = #tpu.dot_dimension_numbers<[1], [1], [0], [0], [0, 0, 1, 0], [], []>, transpose_lhs_hint = false} : vector<196x196xf32>, vector<384x196xf32>, vector<196x384xf32> -> vector<196x384xf32>
    %get3A_884 = arith.constant 5 : index
    %get3A_885 = arith.constant 0 : index
    %get3A_886 = arith.constant 0 : index
    %get3A_887 = vector.load %arg3[%get3A_884, %get3A_885, %get3A_886] : memref<9x384x384xf32, #tpu.memory_space<vmem>>, vector<1x384x384xf32>
    %get3A_888 = vector.shape_cast %get3A_887 : vector<1x384x384xf32> to vector<384x384xf32>
    %dot_general3A_889 = arith.constant dense<0.000000e+00> : vector<384x196xf32>
    %dot_general3A_890 = tpu.matmul %get3A_888, %dot_general3A_883, %dot_general3A_889 {dimension_numbers = #tpu.dot_dimension_numbers<[0], [1], [1], [0], [0, 1, 1, 0], [], []>, transpose_lhs_hint = false} : vector<384x384xf32>, vector<196x384xf32>, vector<384x196xf32> -> vector<384x196xf32>
    %add3A_891 = arith.addf %add3A_871, %dot_general3A_890 : vector<384x196xf32>
    %get3A_892 = arith.constant 4 : index
    %get3A_893 = arith.constant 0 : index
    %get3A_894 = arith.constant 6 : index
    %get3A_895 = vector.load %arg2[%get3A_892, %get3A_893, %get3A_894] : memref<8x200x128xi32, #tpu.memory_space<vmem>>, vector<1x196x1xi32>
    %get3A_896 = vector.shape_cast %get3A_895 : vector<1x196x1xi32> to vector<196xi32>
    %broadcast_in_dim3A_897 = vector.shape_cast %get3A_896 : vector<196xi32> to vector<196x1xi32>
    %eq3A_898 = vector.broadcast %broadcast_in_dim3A_897 : vector<196x1xi32> to vector<196x196xi32>
    %eq3A_899 = arith.cmpi eq, %iota3A, %eq3A_898 : vector<196x196xi32>
    %convert_element_type3A_900 = arith.extui %eq3A_899 : vector<196x196xi1> to vector<196x196xi32>
    %convert_element_type3A_901 = arith.sitofp %convert_element_type3A_900 : vector<196x196xi32> to vector<196x196xf32>
    %dot_general3A_902 = arith.constant dense<0.000000e+00> : vector<196x384xf32>
    %dot_general3A_903 = tpu.matmul %convert_element_type3A_901, %get3A_769, %dot_general3A_902 {dimension_numbers = #tpu.dot_dimension_numbers<[1], [1], [0], [0], [0, 0, 1, 0], [], []>, transpose_lhs_hint = false} : vector<196x196xf32>, vector<384x196xf32>, vector<196x384xf32> -> vector<196x384xf32>
    %get3A_904 = arith.constant 6 : index
    %get3A_905 = arith.constant 0 : index
    %get3A_906 = arith.constant 0 : index
    %get3A_907 = vector.load %arg3[%get3A_904, %get3A_905, %get3A_906] : memref<9x384x384xf32, #tpu.memory_space<vmem>>, vector<1x384x384xf32>
    %get3A_908 = vector.shape_cast %get3A_907 : vector<1x384x384xf32> to vector<384x384xf32>
    %dot_general3A_909 = arith.constant dense<0.000000e+00> : vector<384x196xf32>
    %dot_general3A_910 = tpu.matmul %get3A_908, %dot_general3A_903, %dot_general3A_909 {dimension_numbers = #tpu.dot_dimension_numbers<[0], [1], [1], [0], [0, 1, 1, 0], [], []>, transpose_lhs_hint = false} : vector<384x384xf32>, vector<196x384xf32>, vector<384x196xf32> -> vector<384x196xf32>
    %add3A_911 = arith.addf %add3A_891, %dot_general3A_910 : vector<384x196xf32>
    %get3A_912 = arith.constant 4 : index
    %get3A_913 = arith.constant 0 : index
    %get3A_914 = arith.constant 7 : index
    %get3A_915 = vector.load %arg2[%get3A_912, %get3A_913, %get3A_914] : memref<8x200x128xi32, #tpu.memory_space<vmem>>, vector<1x196x1xi32>
    %get3A_916 = vector.shape_cast %get3A_915 : vector<1x196x1xi32> to vector<196xi32>
    %broadcast_in_dim3A_917 = vector.shape_cast %get3A_916 : vector<196xi32> to vector<196x1xi32>
    %eq3A_918 = vector.broadcast %broadcast_in_dim3A_917 : vector<196x1xi32> to vector<196x196xi32>
    %eq3A_919 = arith.cmpi eq, %iota3A, %eq3A_918 : vector<196x196xi32>
    %convert_element_type3A_920 = arith.extui %eq3A_919 : vector<196x196xi1> to vector<196x196xi32>
    %convert_element_type3A_921 = arith.sitofp %convert_element_type3A_920 : vector<196x196xi32> to vector<196x196xf32>
    %dot_general3A_922 = arith.constant dense<0.000000e+00> : vector<196x384xf32>
    %dot_general3A_923 = tpu.matmul %convert_element_type3A_921, %get3A_769, %dot_general3A_922 {dimension_numbers = #tpu.dot_dimension_numbers<[1], [1], [0], [0], [0, 0, 1, 0], [], []>, transpose_lhs_hint = false} : vector<196x196xf32>, vector<384x196xf32>, vector<196x384xf32> -> vector<196x384xf32>
    %get3A_924 = arith.constant 7 : index
    %get3A_925 = arith.constant 0 : index
    %get3A_926 = arith.constant 0 : index
    %get3A_927 = vector.load %arg3[%get3A_924, %get3A_925, %get3A_926] : memref<9x384x384xf32, #tpu.memory_space<vmem>>, vector<1x384x384xf32>
    %get3A_928 = vector.shape_cast %get3A_927 : vector<1x384x384xf32> to vector<384x384xf32>
    %dot_general3A_929 = arith.constant dense<0.000000e+00> : vector<384x196xf32>
    %dot_general3A_930 = tpu.matmul %get3A_928, %dot_general3A_923, %dot_general3A_929 {dimension_numbers = #tpu.dot_dimension_numbers<[0], [1], [1], [0], [0, 1, 1, 0], [], []>, transpose_lhs_hint = false} : vector<384x384xf32>, vector<196x384xf32>, vector<384x196xf32> -> vector<384x196xf32>
    %add3A_931 = arith.addf %add3A_911, %dot_general3A_930 : vector<384x196xf32>
    %get3A_932 = arith.constant 4 : index
    %get3A_933 = arith.constant 0 : index
    %get3A_934 = arith.constant 8 : index
    %get3A_935 = vector.load %arg2[%get3A_932, %get3A_933, %get3A_934] : memref<8x200x128xi32, #tpu.memory_space<vmem>>, vector<1x196x1xi32>
    %get3A_936 = vector.shape_cast %get3A_935 : vector<1x196x1xi32> to vector<196xi32>
    %broadcast_in_dim3A_937 = vector.shape_cast %get3A_936 : vector<196xi32> to vector<196x1xi32>
    %eq3A_938 = vector.broadcast %broadcast_in_dim3A_937 : vector<196x1xi32> to vector<196x196xi32>
    %eq3A_939 = arith.cmpi eq, %iota3A, %eq3A_938 : vector<196x196xi32>
    %convert_element_type3A_940 = arith.extui %eq3A_939 : vector<196x196xi1> to vector<196x196xi32>
    %convert_element_type3A_941 = arith.sitofp %convert_element_type3A_940 : vector<196x196xi32> to vector<196x196xf32>
    %dot_general3A_942 = arith.constant dense<0.000000e+00> : vector<196x384xf32>
    %dot_general3A_943 = tpu.matmul %convert_element_type3A_941, %get3A_769, %dot_general3A_942 {dimension_numbers = #tpu.dot_dimension_numbers<[1], [1], [0], [0], [0, 0, 1, 0], [], []>, transpose_lhs_hint = false} : vector<196x196xf32>, vector<384x196xf32>, vector<196x384xf32> -> vector<196x384xf32>
    %get3A_944 = arith.constant 8 : index
    %get3A_945 = arith.constant 0 : index
    %get3A_946 = arith.constant 0 : index
    %get3A_947 = vector.load %arg3[%get3A_944, %get3A_945, %get3A_946] : memref<9x384x384xf32, #tpu.memory_space<vmem>>, vector<1x384x384xf32>
    %get3A_948 = vector.shape_cast %get3A_947 : vector<1x384x384xf32> to vector<384x384xf32>
    %dot_general3A_949 = arith.constant dense<0.000000e+00> : vector<384x196xf32>
    %dot_general3A_950 = tpu.matmul %get3A_948, %dot_general3A_943, %dot_general3A_949 {dimension_numbers = #tpu.dot_dimension_numbers<[0], [1], [1], [0], [0, 1, 1, 0], [], []>, transpose_lhs_hint = false} : vector<384x384xf32>, vector<196x384xf32>, vector<384x196xf32> -> vector<384x196xf32>
    %add3A_951 = arith.addf %add3A_931, %dot_general3A_950 : vector<384x196xf32>
    %swap3A_952 = arith.constant 4 : index
    %swap3A_953 = arith.constant 0 : index
    %swap3A_954 = arith.constant 0 : index
    %swap3A_955 = vector.load %arg4[%swap3A_952, %swap3A_953, %swap3A_954] : memref<8x384x196xf32, #tpu.memory_space<vmem>>, vector<1x384x196xf32>
    %swap3A_956 = vector.shape_cast %swap3A_955 : vector<1x384x196xf32> to vector<384x196xf32>
    %swap3A_957 = vector.shape_cast %add3A_951 : vector<384x196xf32> to vector<1x384x196xf32>
    tpu.vector_store %arg4[%swap3A_952, %swap3A_953, %swap3A_954], %swap3A_957 {strides = array<i32>} : memref<8x384x196xf32, #tpu.memory_space<vmem>>, vector<1x384x196xf32>,
    %get3A_958 = arith.constant 5 : index
    %get3A_959 = arith.constant 0 : index
    %get3A_960 = arith.constant 0 : index
    %get3A_961 = vector.load %arg1[%get3A_958, %get3A_959, %get3A_960] : memref<8x384x196xf32, #tpu.memory_space<vmem>>, vector<1x384x196xf32>
    %get3A_962 = vector.shape_cast %get3A_961 : vector<1x384x196xf32> to vector<384x196xf32>
    %broadcast_in_dim3A_963 = arith.constant 0.000000e+00 : f32
    %broadcast_in_dim3A_964 = vector.broadcast %broadcast_in_dim3A_963 : f32 to vector<384x196xf32>
    %get3A_965 = arith.constant 5 : index
    %get3A_966 = arith.constant 0 : index
    %get3A_967 = arith.constant 0 : index
    %get3A_968 = vector.load %arg2[%get3A_965, %get3A_966, %get3A_967] : memref<8x200x128xi32, #tpu.memory_space<vmem>>, vector<1x196x1xi32>
    %get3A_969 = vector.shape_cast %get3A_968 : vector<1x196x1xi32> to vector<196xi32>
    %broadcast_in_dim3A_970 = vector.shape_cast %get3A_969 : vector<196xi32> to vector<196x1xi32>
    %eq3A_971 = vector.broadcast %broadcast_in_dim3A_970 : vector<196x1xi32> to vector<196x196xi32>
    %eq3A_972 = arith.cmpi eq, %iota3A, %eq3A_971 : vector<196x196xi32>
    %convert_element_type3A_973 = arith.extui %eq3A_972 : vector<196x196xi1> to vector<196x196xi32>
    %convert_element_type3A_974 = arith.sitofp %convert_element_type3A_973 : vector<196x196xi32> to vector<196x196xf32>
    %dot_general3A_975 = arith.constant dense<0.000000e+00> : vector<196x384xf32>
    %dot_general3A_976 = tpu.matmul %convert_element_type3A_974, %get3A_962, %dot_general3A_975 {dimension_numbers = #tpu.dot_dimension_numbers<[1], [1], [0], [0], [0, 0, 1, 0], [], []>, transpose_lhs_hint = false} : vector<196x196xf32>, vector<384x196xf32>, vector<196x384xf32> -> vector<196x384xf32>
    %get3A_977 = arith.constant 0 : index
    %get3A_978 = arith.constant 0 : index
    %get3A_979 = arith.constant 0 : index
    %get3A_980 = vector.load %arg3[%get3A_977, %get3A_978, %get3A_979] : memref<9x384x384xf32, #tpu.memory_space<vmem>>, vector<1x384x384xf32>
    %get3A_981 = vector.shape_cast %get3A_980 : vector<1x384x384xf32> to vector<384x384xf32>
    %dot_general3A_982 = arith.constant dense<0.000000e+00> : vector<384x196xf32>
    %dot_general3A_983 = tpu.matmul %get3A_981, %dot_general3A_976, %dot_general3A_982 {dimension_numbers = #tpu.dot_dimension_numbers<[0], [1], [1], [0], [0, 1, 1, 0], [], []>, transpose_lhs_hint = false} : vector<384x384xf32>, vector<196x384xf32>, vector<384x196xf32> -> vector<384x196xf32>
    %add3A_984 = arith.addf %broadcast_in_dim3A_964, %dot_general3A_983 : vector<384x196xf32>
    %get3A_985 = arith.constant 5 : index
    %get3A_986 = arith.constant 0 : index
    %get3A_987 = arith.constant 1 : index
    %get3A_988 = vector.load %arg2[%get3A_985, %get3A_986, %get3A_987] : memref<8x200x128xi32, #tpu.memory_space<vmem>>, vector<1x196x1xi32>
    %get3A_989 = vector.shape_cast %get3A_988 : vector<1x196x1xi32> to vector<196xi32>
    %broadcast_in_dim3A_990 = vector.shape_cast %get3A_989 : vector<196xi32> to vector<196x1xi32>
    %eq3A_991 = vector.broadcast %broadcast_in_dim3A_990 : vector<196x1xi32> to vector<196x196xi32>
    %eq3A_992 = arith.cmpi eq, %iota3A, %eq3A_991 : vector<196x196xi32>
    %convert_element_type3A_993 = arith.extui %eq3A_992 : vector<196x196xi1> to vector<196x196xi32>
    %convert_element_type3A_994 = arith.sitofp %convert_element_type3A_993 : vector<196x196xi32> to vector<196x196xf32>
    %dot_general3A_995 = arith.constant dense<0.000000e+00> : vector<196x384xf32>
    %dot_general3A_996 = tpu.matmul %convert_element_type3A_994, %get3A_962, %dot_general3A_995 {dimension_numbers = #tpu.dot_dimension_numbers<[1], [1], [0], [0], [0, 0, 1, 0], [], []>, transpose_lhs_hint = false} : vector<196x196xf32>, vector<384x196xf32>, vector<196x384xf32> -> vector<196x384xf32>
    %get3A_997 = arith.constant 1 : index
    %get3A_998 = arith.constant 0 : index
    %get3A_999 = arith.constant 0 : index
    %get3A_1000 = vector.load %arg3[%get3A_997, %get3A_998, %get3A_999] : memref<9x384x384xf32, #tpu.memory_space<vmem>>, vector<1x384x384xf32>
    %get3A_1001 = vector.shape_cast %get3A_1000 : vector<1x384x384xf32> to vector<384x384xf32>
    %dot_general3A_1002 = arith.constant dense<0.000000e+00> : vector<384x196xf32>
    %dot_general3A_1003 = tpu.matmul %get3A_1001, %dot_general3A_996, %dot_general3A_1002 {dimension_numbers = #tpu.dot_dimension_numbers<[0], [1], [1], [0], [0, 1, 1, 0], [], []>, transpose_lhs_hint = false} : vector<384x384xf32>, vector<196x384xf32>, vector<384x196xf32> -> vector<384x196xf32>
    %add3A_1004 = arith.addf %add3A_984, %dot_general3A_1003 : vector<384x196xf32>
    %get3A_1005 = arith.constant 5 : index
    %get3A_1006 = arith.constant 0 : index
    %get3A_1007 = arith.constant 2 : index
    %get3A_1008 = vector.load %arg2[%get3A_1005, %get3A_1006, %get3A_1007] : memref<8x200x128xi32, #tpu.memory_space<vmem>>, vector<1x196x1xi32>
    %get3A_1009 = vector.shape_cast %get3A_1008 : vector<1x196x1xi32> to vector<196xi32>
    %broadcast_in_dim3A_1010 = vector.shape_cast %get3A_1009 : vector<196xi32> to vector<196x1xi32>
    %eq3A_1011 = vector.broadcast %broadcast_in_dim3A_1010 : vector<196x1xi32> to vector<196x196xi32>
    %eq3A_1012 = arith.cmpi eq, %iota3A, %eq3A_1011 : vector<196x196xi32>
    %convert_element_type3A_1013 = arith.extui %eq3A_1012 : vector<196x196xi1> to vector<196x196xi32>
    %convert_element_type3A_1014 = arith.sitofp %convert_element_type3A_1013 : vector<196x196xi32> to vector<196x196xf32>
    %dot_general3A_1015 = arith.constant dense<0.000000e+00> : vector<196x384xf32>
    %dot_general3A_1016 = tpu.matmul %convert_element_type3A_1014, %get3A_962, %dot_general3A_1015 {dimension_numbers = #tpu.dot_dimension_numbers<[1], [1], [0], [0], [0, 0, 1, 0], [], []>, transpose_lhs_hint = false} : vector<196x196xf32>, vector<384x196xf32>, vector<196x384xf32> -> vector<196x384xf32>
    %get3A_1017 = arith.constant 2 : index
    %get3A_1018 = arith.constant 0 : index
    %get3A_1019 = arith.constant 0 : index
    %get3A_1020 = vector.load %arg3[%get3A_1017, %get3A_1018, %get3A_1019] : memref<9x384x384xf32, #tpu.memory_space<vmem>>, vector<1x384x384xf32>
    %get3A_1021 = vector.shape_cast %get3A_1020 : vector<1x384x384xf32> to vector<384x384xf32>
    %dot_general3A_1022 = arith.constant dense<0.000000e+00> : vector<384x196xf32>
    %dot_general3A_1023 = tpu.matmul %get3A_1021, %dot_general3A_1016, %dot_general3A_1022 {dimension_numbers = #tpu.dot_dimension_numbers<[0], [1], [1], [0], [0, 1, 1, 0], [], []>, transpose_lhs_hint = false} : vector<384x384xf32>, vector<196x384xf32>, vector<384x196xf32> -> vector<384x196xf32>
    %add3A_1024 = arith.addf %add3A_1004, %dot_general3A_1023 : vector<384x196xf32>
    %get3A_1025 = arith.constant 5 : index
    %get3A_1026 = arith.constant 0 : index
    %get3A_1027 = arith.constant 3 : index
    %get3A_1028 = vector.load %arg2[%get3A_1025, %get3A_1026, %get3A_1027] : memref<8x200x128xi32, #tpu.memory_space<vmem>>, vector<1x196x1xi32>
    %get3A_1029 = vector.shape_cast %get3A_1028 : vector<1x196x1xi32> to vector<196xi32>
    %broadcast_in_dim3A_1030 = vector.shape_cast %get3A_1029 : vector<196xi32> to vector<196x1xi32>
    %eq3A_1031 = vector.broadcast %broadcast_in_dim3A_1030 : vector<196x1xi32> to vector<196x196xi32>
    %eq3A_1032 = arith.cmpi eq, %iota3A, %eq3A_1031 : vector<196x196xi32>
    %convert_element_type3A_1033 = arith.extui %eq3A_1032 : vector<196x196xi1> to vector<196x196xi32>
    %convert_element_type3A_1034 = arith.sitofp %convert_element_type3A_1033 : vector<196x196xi32> to vector<196x196xf32>
    %dot_general3A_1035 = arith.constant dense<0.000000e+00> : vector<196x384xf32>
    %dot_general3A_1036 = tpu.matmul %convert_element_type3A_1034, %get3A_962, %dot_general3A_1035 {dimension_numbers = #tpu.dot_dimension_numbers<[1], [1], [0], [0], [0, 0, 1, 0], [], []>, transpose_lhs_hint = false} : vector<196x196xf32>, vector<384x196xf32>, vector<196x384xf32> -> vector<196x384xf32>
    %get3A_1037 = arith.constant 3 : index
    %get3A_1038 = arith.constant 0 : index
    %get3A_1039 = arith.constant 0 : index
    %get3A_1040 = vector.load %arg3[%get3A_1037, %get3A_1038, %get3A_1039] : memref<9x384x384xf32, #tpu.memory_space<vmem>>, vector<1x384x384xf32>
    %get3A_1041 = vector.shape_cast %get3A_1040 : vector<1x384x384xf32> to vector<384x384xf32>
    %dot_general3A_1042 = arith.constant dense<0.000000e+00> : vector<384x196xf32>
    %dot_general3A_1043 = tpu.matmul %get3A_1041, %dot_general3A_1036, %dot_general3A_1042 {dimension_numbers = #tpu.dot_dimension_numbers<[0], [1], [1], [0], [0, 1, 1, 0], [], []>, transpose_lhs_hint = false} : vector<384x384xf32>, vector<196x384xf32>, vector<384x196xf32> -> vector<384x196xf32>
    %add3A_1044 = arith.addf %add3A_1024, %dot_general3A_1043 : vector<384x196xf32>
    %get3A_1045 = arith.constant 5 : index
    %get3A_1046 = arith.constant 0 : index
    %get3A_1047 = arith.constant 4 : index
    %get3A_1048 = vector.load %arg2[%get3A_1045, %get3A_1046, %get3A_1047] : memref<8x200x128xi32, #tpu.memory_space<vmem>>, vector<1x196x1xi32>
    %get3A_1049 = vector.shape_cast %get3A_1048 : vector<1x196x1xi32> to vector<196xi32>
    %broadcast_in_dim3A_1050 = vector.shape_cast %get3A_1049 : vector<196xi32> to vector<196x1xi32>
    %eq3A_1051 = vector.broadcast %broadcast_in_dim3A_1050 : vector<196x1xi32> to vector<196x196xi32>
    %eq3A_1052 = arith.cmpi eq, %iota3A, %eq3A_1051 : vector<196x196xi32>
    %convert_element_type3A_1053 = arith.extui %eq3A_1052 : vector<196x196xi1> to vector<196x196xi32>
    %convert_element_type3A_1054 = arith.sitofp %convert_element_type3A_1053 : vector<196x196xi32> to vector<196x196xf32>
    %dot_general3A_1055 = arith.constant dense<0.000000e+00> : vector<196x384xf32>
    %dot_general3A_1056 = tpu.matmul %convert_element_type3A_1054, %get3A_962, %dot_general3A_1055 {dimension_numbers = #tpu.dot_dimension_numbers<[1], [1], [0], [0], [0, 0, 1, 0], [], []>, transpose_lhs_hint = false} : vector<196x196xf32>, vector<384x196xf32>, vector<196x384xf32> -> vector<196x384xf32>
    %get3A_1057 = arith.constant 4 : index
    %get3A_1058 = arith.constant 0 : index
    %get3A_1059 = arith.constant 0 : index
    %get3A_1060 = vector.load %arg3[%get3A_1057, %get3A_1058, %get3A_1059] : memref<9x384x384xf32, #tpu.memory_space<vmem>>, vector<1x384x384xf32>
    %get3A_1061 = vector.shape_cast %get3A_1060 : vector<1x384x384xf32> to vector<384x384xf32>
    %dot_general3A_1062 = arith.constant dense<0.000000e+00> : vector<384x196xf32>
    %dot_general3A_1063 = tpu.matmul %get3A_1061, %dot_general3A_1056, %dot_general3A_1062 {dimension_numbers = #tpu.dot_dimension_numbers<[0], [1], [1], [0], [0, 1, 1, 0], [], []>, transpose_lhs_hint = false} : vector<384x384xf32>, vector<196x384xf32>, vector<384x196xf32> -> vector<384x196xf32>
    %add3A_1064 = arith.addf %add3A_1044, %dot_general3A_1063 : vector<384x196xf32>
    %get3A_1065 = arith.constant 5 : index
    %get3A_1066 = arith.constant 0 : index
    %get3A_1067 = arith.constant 5 : index
    %get3A_1068 = vector.load %arg2[%get3A_1065, %get3A_1066, %get3A_1067] : memref<8x200x128xi32, #tpu.memory_space<vmem>>, vector<1x196x1xi32>
    %get3A_1069 = vector.shape_cast %get3A_1068 : vector<1x196x1xi32> to vector<196xi32>
    %broadcast_in_dim3A_1070 = vector.shape_cast %get3A_1069 : vector<196xi32> to vector<196x1xi32>
    %eq3A_1071 = vector.broadcast %broadcast_in_dim3A_1070 : vector<196x1xi32> to vector<196x196xi32>
    %eq3A_1072 = arith.cmpi eq, %iota3A, %eq3A_1071 : vector<196x196xi32>
    %convert_element_type3A_1073 = arith.extui %eq3A_1072 : vector<196x196xi1> to vector<196x196xi32>
    %convert_element_type3A_1074 = arith.sitofp %convert_element_type3A_1073 : vector<196x196xi32> to vector<196x196xf32>
    %dot_general3A_1075 = arith.constant dense<0.000000e+00> : vector<196x384xf32>
    %dot_general3A_1076 = tpu.matmul %convert_element_type3A_1074, %get3A_962, %dot_general3A_1075 {dimension_numbers = #tpu.dot_dimension_numbers<[1], [1], [0], [0], [0, 0, 1, 0], [], []>, transpose_lhs_hint = false} : vector<196x196xf32>, vector<384x196xf32>, vector<196x384xf32> -> vector<196x384xf32>
    %get3A_1077 = arith.constant 5 : index
    %get3A_1078 = arith.constant 0 : index
    %get3A_1079 = arith.constant 0 : index
    %get3A_1080 = vector.load %arg3[%get3A_1077, %get3A_1078, %get3A_1079] : memref<9x384x384xf32, #tpu.memory_space<vmem>>, vector<1x384x384xf32>
    %get3A_1081 = vector.shape_cast %get3A_1080 : vector<1x384x384xf32> to vector<384x384xf32>
    %dot_general3A_1082 = arith.constant dense<0.000000e+00> : vector<384x196xf32>
    %dot_general3A_1083 = tpu.matmul %get3A_1081, %dot_general3A_1076, %dot_general3A_1082 {dimension_numbers = #tpu.dot_dimension_numbers<[0], [1], [1], [0], [0, 1, 1, 0], [], []>, transpose_lhs_hint = false} : vector<384x384xf32>, vector<196x384xf32>, vector<384x196xf32> -> vector<384x196xf32>
    %add3A_1084 = arith.addf %add3A_1064, %dot_general3A_1083 : vector<384x196xf32>
    %get3A_1085 = arith.constant 5 : index
    %get3A_1086 = arith.constant 0 : index
    %get3A_1087 = arith.constant 6 : index
    %get3A_1088 = vector.load %arg2[%get3A_1085, %get3A_1086, %get3A_1087] : memref<8x200x128xi32, #tpu.memory_space<vmem>>, vector<1x196x1xi32>
    %get3A_1089 = vector.shape_cast %get3A_1088 : vector<1x196x1xi32> to vector<196xi32>
    %broadcast_in_dim3A_1090 = vector.shape_cast %get3A_1089 : vector<196xi32> to vector<196x1xi32>
    %eq3A_1091 = vector.broadcast %broadcast_in_dim3A_1090 : vector<196x1xi32> to vector<196x196xi32>
    %eq3A_1092 = arith.cmpi eq, %iota3A, %eq3A_1091 : vector<196x196xi32>
    %convert_element_type3A_1093 = arith.extui %eq3A_1092 : vector<196x196xi1> to vector<196x196xi32>
    %convert_element_type3A_1094 = arith.sitofp %convert_element_type3A_1093 : vector<196x196xi32> to vector<196x196xf32>
    %dot_general3A_1095 = arith.constant dense<0.000000e+00> : vector<196x384xf32>
    %dot_general3A_1096 = tpu.matmul %convert_element_type3A_1094, %get3A_962, %dot_general3A_1095 {dimension_numbers = #tpu.dot_dimension_numbers<[1], [1], [0], [0], [0, 0, 1, 0], [], []>, transpose_lhs_hint = false} : vector<196x196xf32>, vector<384x196xf32>, vector<196x384xf32> -> vector<196x384xf32>
    %get3A_1097 = arith.constant 6 : index
    %get3A_1098 = arith.constant 0 : index
    %get3A_1099 = arith.constant 0 : index
    %get3A_1100 = vector.load %arg3[%get3A_1097, %get3A_1098, %get3A_1099] : memref<9x384x384xf32, #tpu.memory_space<vmem>>, vector<1x384x384xf32>
    %get3A_1101 = vector.shape_cast %get3A_1100 : vector<1x384x384xf32> to vector<384x384xf32>
    %dot_general3A_1102 = arith.constant dense<0.000000e+00> : vector<384x196xf32>
    %dot_general3A_1103 = tpu.matmul %get3A_1101, %dot_general3A_1096, %dot_general3A_1102 {dimension_numbers = #tpu.dot_dimension_numbers<[0], [1], [1], [0], [0, 1, 1, 0], [], []>, transpose_lhs_hint = false} : vector<384x384xf32>, vector<196x384xf32>, vector<384x196xf32> -> vector<384x196xf32>
    %add3A_1104 = arith.addf %add3A_1084, %dot_general3A_1103 : vector<384x196xf32>
    %get3A_1105 = arith.constant 5 : index
    %get3A_1106 = arith.constant 0 : index
    %get3A_1107 = arith.constant 7 : index
    %get3A_1108 = vector.load %arg2[%get3A_1105, %get3A_1106, %get3A_1107] : memref<8x200x128xi32, #tpu.memory_space<vmem>>, vector<1x196x1xi32>
    %get3A_1109 = vector.shape_cast %get3A_1108 : vector<1x196x1xi32> to vector<196xi32>
    %broadcast_in_dim3A_1110 = vector.shape_cast %get3A_1109 : vector<196xi32> to vector<196x1xi32>
    %eq3A_1111 = vector.broadcast %broadcast_in_dim3A_1110 : vector<196x1xi32> to vector<196x196xi32>
    %eq3A_1112 = arith.cmpi eq, %iota3A, %eq3A_1111 : vector<196x196xi32>
    %convert_element_type3A_1113 = arith.extui %eq3A_1112 : vector<196x196xi1> to vector<196x196xi32>
    %convert_element_type3A_1114 = arith.sitofp %convert_element_type3A_1113 : vector<196x196xi32> to vector<196x196xf32>
    %dot_general3A_1115 = arith.constant dense<0.000000e+00> : vector<196x384xf32>
    %dot_general3A_1116 = tpu.matmul %convert_element_type3A_1114, %get3A_962, %dot_general3A_1115 {dimension_numbers = #tpu.dot_dimension_numbers<[1], [1], [0], [0], [0, 0, 1, 0], [], []>, transpose_lhs_hint = false} : vector<196x196xf32>, vector<384x196xf32>, vector<196x384xf32> -> vector<196x384xf32>
    %get3A_1117 = arith.constant 7 : index
    %get3A_1118 = arith.constant 0 : index
    %get3A_1119 = arith.constant 0 : index
    %get3A_1120 = vector.load %arg3[%get3A_1117, %get3A_1118, %get3A_1119] : memref<9x384x384xf32, #tpu.memory_space<vmem>>, vector<1x384x384xf32>
    %get3A_1121 = vector.shape_cast %get3A_1120 : vector<1x384x384xf32> to vector<384x384xf32>
    %dot_general3A_1122 = arith.constant dense<0.000000e+00> : vector<384x196xf32>
    %dot_general3A_1123 = tpu.matmul %get3A_1121, %dot_general3A_1116, %dot_general3A_1122 {dimension_numbers = #tpu.dot_dimension_numbers<[0], [1], [1], [0], [0, 1, 1, 0], [], []>, transpose_lhs_hint = false} : vector<384x384xf32>, vector<196x384xf32>, vector<384x196xf32> -> vector<384x196xf32>
    %add3A_1124 = arith.addf %add3A_1104, %dot_general3A_1123 : vector<384x196xf32>
    %get3A_1125 = arith.constant 5 : index
    %get3A_1126 = arith.constant 0 : index
    %get3A_1127 = arith.constant 8 : index
    %get3A_1128 = vector.load %arg2[%get3A_1125, %get3A_1126, %get3A_1127] : memref<8x200x128xi32, #tpu.memory_space<vmem>>, vector<1x196x1xi32>
    %get3A_1129 = vector.shape_cast %get3A_1128 : vector<1x196x1xi32> to vector<196xi32>
    %broadcast_in_dim3A_1130 = vector.shape_cast %get3A_1129 : vector<196xi32> to vector<196x1xi32>
    %eq3A_1131 = vector.broadcast %broadcast_in_dim3A_1130 : vector<196x1xi32> to vector<196x196xi32>
    %eq3A_1132 = arith.cmpi eq, %iota3A, %eq3A_1131 : vector<196x196xi32>
    %convert_element_type3A_1133 = arith.extui %eq3A_1132 : vector<196x196xi1> to vector<196x196xi32>
    %convert_element_type3A_1134 = arith.sitofp %convert_element_type3A_1133 : vector<196x196xi32> to vector<196x196xf32>
    %dot_general3A_1135 = arith.constant dense<0.000000e+00> : vector<196x384xf32>
    %dot_general3A_1136 = tpu.matmul %convert_element_type3A_1134, %get3A_962, %dot_general3A_1135 {dimension_numbers = #tpu.dot_dimension_numbers<[1], [1], [0], [0], [0, 0, 1, 0], [], []>, transpose_lhs_hint = false} : vector<196x196xf32>, vector<384x196xf32>, vector<196x384xf32> -> vector<196x384xf32>
    %get3A_1137 = arith.constant 8 : index
    %get3A_1138 = arith.constant 0 : index
    %get3A_1139 = arith.constant 0 : index
    %get3A_1140 = vector.load %arg3[%get3A_1137, %get3A_1138, %get3A_1139] : memref<9x384x384xf32, #tpu.memory_space<vmem>>, vector<1x384x384xf32>
    %get3A_1141 = vector.shape_cast %get3A_1140 : vector<1x384x384xf32> to vector<384x384xf32>
    %dot_general3A_1142 = arith.constant dense<0.000000e+00> : vector<384x196xf32>
    %dot_general3A_1143 = tpu.matmul %get3A_1141, %dot_general3A_1136, %dot_general3A_1142 {dimension_numbers = #tpu.dot_dimension_numbers<[0], [1], [1], [0], [0, 1, 1, 0], [], []>, transpose_lhs_hint = false} : vector<384x384xf32>, vector<196x384xf32>, vector<384x196xf32> -> vector<384x196xf32>
    %add3A_1144 = arith.addf %add3A_1124, %dot_general3A_1143 : vector<384x196xf32>
    %swap3A_1145 = arith.constant 5 : index
    %swap3A_1146 = arith.constant 0 : index
    %swap3A_1147 = arith.constant 0 : index
    %swap3A_1148 = vector.load %arg4[%swap3A_1145, %swap3A_1146, %swap3A_1147] : memref<8x384x196xf32, #tpu.memory_space<vmem>>, vector<1x384x196xf32>
    %swap3A_1149 = vector.shape_cast %swap3A_1148 : vector<1x384x196xf32> to vector<384x196xf32>
    %swap3A_1150 = vector.shape_cast %add3A_1144 : vector<384x196xf32> to vector<1x384x196xf32>
    tpu.vector_store %arg4[%swap3A_1145, %swap3A_1146, %swap3A_1147], %swap3A_1150 {strides = array<i32>} : memref<8x384x196xf32, #tpu.memory_space<vmem>>, vector<1x384x196xf32>,
    %get3A_1151 = arith.constant 6 : index
    %get3A_1152 = arith.constant 0 : index
    %get3A_1153 = arith.constant 0 : index
    %get3A_1154 = vector.load %arg1[%get3A_1151, %get3A_1152, %get3A_1153] : memref<8x384x196xf32, #tpu.memory_space<vmem>>, vector<1x384x196xf32>
    %get3A_1155 = vector.shape_cast %get3A_1154 : vector<1x384x196xf32> to vector<384x196xf32>
    %broadcast_in_dim3A_1156 = arith.constant 0.000000e+00 : f32
    %broadcast_in_dim3A_1157 = vector.broadcast %broadcast_in_dim3A_1156 : f32 to vector<384x196xf32>
    %get3A_1158 = arith.constant 6 : index
    %get3A_1159 = arith.constant 0 : index
    %get3A_1160 = arith.constant 0 : index
    %get3A_1161 = vector.load %arg2[%get3A_1158, %get3A_1159, %get3A_1160] : memref<8x200x128xi32, #tpu.memory_space<vmem>>, vector<1x196x1xi32>
    %get3A_1162 = vector.shape_cast %get3A_1161 : vector<1x196x1xi32> to vector<196xi32>
    %broadcast_in_dim3A_1163 = vector.shape_cast %get3A_1162 : vector<196xi32> to vector<196x1xi32>
    %eq3A_1164 = vector.broadcast %broadcast_in_dim3A_1163 : vector<196x1xi32> to vector<196x196xi32>
    %eq3A_1165 = arith.cmpi eq, %iota3A, %eq3A_1164 : vector<196x196xi32>
    %convert_element_type3A_1166 = arith.extui %eq3A_1165 : vector<196x196xi1> to vector<196x196xi32>
    %convert_element_type3A_1167 = arith.sitofp %convert_element_type3A_1166 : vector<196x196xi32> to vector<196x196xf32>
    %dot_general3A_1168 = arith.constant dense<0.000000e+00> : vector<196x384xf32>
    %dot_general3A_1169 = tpu.matmul %convert_element_type3A_1167, %get3A_1155, %dot_general3A_1168 {dimension_numbers = #tpu.dot_dimension_numbers<[1], [1], [0], [0], [0, 0, 1, 0], [], []>, transpose_lhs_hint = false} : vector<196x196xf32>, vector<384x196xf32>, vector<196x384xf32> -> vector<196x384xf32>
    %get3A_1170 = arith.constant 0 : index
    %get3A_1171 = arith.constant 0 : index
    %get3A_1172 = arith.constant 0 : index
    %get3A_1173 = vector.load %arg3[%get3A_1170, %get3A_1171, %get3A_1172] : memref<9x384x384xf32, #tpu.memory_space<vmem>>, vector<1x384x384xf32>
    %get3A_1174 = vector.shape_cast %get3A_1173 : vector<1x384x384xf32> to vector<384x384xf32>
    %dot_general3A_1175 = arith.constant dense<0.000000e+00> : vector<384x196xf32>
    %dot_general3A_1176 = tpu.matmul %get3A_1174, %dot_general3A_1169, %dot_general3A_1175 {dimension_numbers = #tpu.dot_dimension_numbers<[0], [1], [1], [0], [0, 1, 1, 0], [], []>, transpose_lhs_hint = false} : vector<384x384xf32>, vector<196x384xf32>, vector<384x196xf32> -> vector<384x196xf32>
    %add3A_1177 = arith.addf %broadcast_in_dim3A_1157, %dot_general3A_1176 : vector<384x196xf32>
    %get3A_1178 = arith.constant 6 : index
    %get3A_1179 = arith.constant 0 : index
    %get3A_1180 = arith.constant 1 : index
    %get3A_1181 = vector.load %arg2[%get3A_1178, %get3A_1179, %get3A_1180] : memref<8x200x128xi32, #tpu.memory_space<vmem>>, vector<1x196x1xi32>
    %get3A_1182 = vector.shape_cast %get3A_1181 : vector<1x196x1xi32> to vector<196xi32>
    %broadcast_in_dim3A_1183 = vector.shape_cast %get3A_1182 : vector<196xi32> to vector<196x1xi32>
    %eq3A_1184 = vector.broadcast %broadcast_in_dim3A_1183 : vector<196x1xi32> to vector<196x196xi32>
    %eq3A_1185 = arith.cmpi eq, %iota3A, %eq3A_1184 : vector<196x196xi32>
    %convert_element_type3A_1186 = arith.extui %eq3A_1185 : vector<196x196xi1> to vector<196x196xi32>
    %convert_element_type3A_1187 = arith.sitofp %convert_element_type3A_1186 : vector<196x196xi32> to vector<196x196xf32>
    %dot_general3A_1188 = arith.constant dense<0.000000e+00> : vector<196x384xf32>
    %dot_general3A_1189 = tpu.matmul %convert_element_type3A_1187, %get3A_1155, %dot_general3A_1188 {dimension_numbers = #tpu.dot_dimension_numbers<[1], [1], [0], [0], [0, 0, 1, 0], [], []>, transpose_lhs_hint = false} : vector<196x196xf32>, vector<384x196xf32>, vector<196x384xf32> -> vector<196x384xf32>
    %get3A_1190 = arith.constant 1 : index
    %get3A_1191 = arith.constant 0 : index
    %get3A_1192 = arith.constant 0 : index
    %get3A_1193 = vector.load %arg3[%get3A_1190, %get3A_1191, %get3A_1192] : memref<9x384x384xf32, #tpu.memory_space<vmem>>, vector<1x384x384xf32>
    %get3A_1194 = vector.shape_cast %get3A_1193 : vector<1x384x384xf32> to vector<384x384xf32>
    %dot_general3A_1195 = arith.constant dense<0.000000e+00> : vector<384x196xf32>
    %dot_general3A_1196 = tpu.matmul %get3A_1194, %dot_general3A_1189, %dot_general3A_1195 {dimension_numbers = #tpu.dot_dimension_numbers<[0], [1], [1], [0], [0, 1, 1, 0], [], []>, transpose_lhs_hint = false} : vector<384x384xf32>, vector<196x384xf32>, vector<384x196xf32> -> vector<384x196xf32>
    %add3A_1197 = arith.addf %add3A_1177, %dot_general3A_1196 : vector<384x196xf32>
    %get3A_1198 = arith.constant 6 : index
    %get3A_1199 = arith.constant 0 : index
    %get3A_1200 = arith.constant 2 : index
    %get3A_1201 = vector.load %arg2[%get3A_1198, %get3A_1199, %get3A_1200] : memref<8x200x128xi32, #tpu.memory_space<vmem>>, vector<1x196x1xi32>
    %get3A_1202 = vector.shape_cast %get3A_1201 : vector<1x196x1xi32> to vector<196xi32>
    %broadcast_in_dim3A_1203 = vector.shape_cast %get3A_1202 : vector<196xi32> to vector<196x1xi32>
    %eq3A_1204 = vector.broadcast %broadcast_in_dim3A_1203 : vector<196x1xi32> to vector<196x196xi32>
    %eq3A_1205 = arith.cmpi eq, %iota3A, %eq3A_1204 : vector<196x196xi32>
    %convert_element_type3A_1206 = arith.extui %eq3A_1205 : vector<196x196xi1> to vector<196x196xi32>
    %convert_element_type3A_1207 = arith.sitofp %convert_element_type3A_1206 : vector<196x196xi32> to vector<196x196xf32>
    %dot_general3A_1208 = arith.constant dense<0.000000e+00> : vector<196x384xf32>
    %dot_general3A_1209 = tpu.matmul %convert_element_type3A_1207, %get3A_1155, %dot_general3A_1208 {dimension_numbers = #tpu.dot_dimension_numbers<[1], [1], [0], [0], [0, 0, 1, 0], [], []>, transpose_lhs_hint = false} : vector<196x196xf32>, vector<384x196xf32>, vector<196x384xf32> -> vector<196x384xf32>
    %get3A_1210 = arith.constant 2 : index
    %get3A_1211 = arith.constant 0 : index
    %get3A_1212 = arith.constant 0 : index
    %get3A_1213 = vector.load %arg3[%get3A_1210, %get3A_1211, %get3A_1212] : memref<9x384x384xf32, #tpu.memory_space<vmem>>, vector<1x384x384xf32>
    %get3A_1214 = vector.shape_cast %get3A_1213 : vector<1x384x384xf32> to vector<384x384xf32>
    %dot_general3A_1215 = arith.constant dense<0.000000e+00> : vector<384x196xf32>
    %dot_general3A_1216 = tpu.matmul %get3A_1214, %dot_general3A_1209, %dot_general3A_1215 {dimension_numbers = #tpu.dot_dimension_numbers<[0], [1], [1], [0], [0, 1, 1, 0], [], []>, transpose_lhs_hint = false} : vector<384x384xf32>, vector<196x384xf32>, vector<384x196xf32> -> vector<384x196xf32>
    %add3A_1217 = arith.addf %add3A_1197, %dot_general3A_1216 : vector<384x196xf32>
    %get3A_1218 = arith.constant 6 : index
    %get3A_1219 = arith.constant 0 : index
    %get3A_1220 = arith.constant 3 : index
    %get3A_1221 = vector.load %arg2[%get3A_1218, %get3A_1219, %get3A_1220] : memref<8x200x128xi32, #tpu.memory_space<vmem>>, vector<1x196x1xi32>
    %get3A_1222 = vector.shape_cast %get3A_1221 : vector<1x196x1xi32> to vector<196xi32>
    %broadcast_in_dim3A_1223 = vector.shape_cast %get3A_1222 : vector<196xi32> to vector<196x1xi32>
    %eq3A_1224 = vector.broadcast %broadcast_in_dim3A_1223 : vector<196x1xi32> to vector<196x196xi32>
    %eq3A_1225 = arith.cmpi eq, %iota3A, %eq3A_1224 : vector<196x196xi32>
    %convert_element_type3A_1226 = arith.extui %eq3A_1225 : vector<196x196xi1> to vector<196x196xi32>
    %convert_element_type3A_1227 = arith.sitofp %convert_element_type3A_1226 : vector<196x196xi32> to vector<196x196xf32>
    %dot_general3A_1228 = arith.constant dense<0.000000e+00> : vector<196x384xf32>
    %dot_general3A_1229 = tpu.matmul %convert_element_type3A_1227, %get3A_1155, %dot_general3A_1228 {dimension_numbers = #tpu.dot_dimension_numbers<[1], [1], [0], [0], [0, 0, 1, 0], [], []>, transpose_lhs_hint = false} : vector<196x196xf32>, vector<384x196xf32>, vector<196x384xf32> -> vector<196x384xf32>
    %get3A_1230 = arith.constant 3 : index
    %get3A_1231 = arith.constant 0 : index
    %get3A_1232 = arith.constant 0 : index
    %get3A_1233 = vector.load %arg3[%get3A_1230, %get3A_1231, %get3A_1232] : memref<9x384x384xf32, #tpu.memory_space<vmem>>, vector<1x384x384xf32>
    %get3A_1234 = vector.shape_cast %get3A_1233 : vector<1x384x384xf32> to vector<384x384xf32>
    %dot_general3A_1235 = arith.constant dense<0.000000e+00> : vector<384x196xf32>
    %dot_general3A_1236 = tpu.matmul %get3A_1234, %dot_general3A_1229, %dot_general3A_1235 {dimension_numbers = #tpu.dot_dimension_numbers<[0], [1], [1], [0], [0, 1, 1, 0], [], []>, transpose_lhs_hint = false} : vector<384x384xf32>, vector<196x384xf32>, vector<384x196xf32> -> vector<384x196xf32>
    %add3A_1237 = arith.addf %add3A_1217, %dot_general3A_1236 : vector<384x196xf32>
    %get3A_1238 = arith.constant 6 : index
    %get3A_1239 = arith.constant 0 : index
    %get3A_1240 = arith.constant 4 : index
    %get3A_1241 = vector.load %arg2[%get3A_1238, %get3A_1239, %get3A_1240] : memref<8x200x128xi32, #tpu.memory_space<vmem>>, vector<1x196x1xi32>
    %get3A_1242 = vector.shape_cast %get3A_1241 : vector<1x196x1xi32> to vector<196xi32>
    %broadcast_in_dim3A_1243 = vector.shape_cast %get3A_1242 : vector<196xi32> to vector<196x1xi32>
    %eq3A_1244 = vector.broadcast %broadcast_in_dim3A_1243 : vector<196x1xi32> to vector<196x196xi32>
    %eq3A_1245 = arith.cmpi eq, %iota3A, %eq3A_1244 : vector<196x196xi32>
    %convert_element_type3A_1246 = arith.extui %eq3A_1245 : vector<196x196xi1> to vector<196x196xi32>
    %convert_element_type3A_1247 = arith.sitofp %convert_element_type3A_1246 : vector<196x196xi32> to vector<196x196xf32>
    %dot_general3A_1248 = arith.constant dense<0.000000e+00> : vector<196x384xf32>
    %dot_general3A_1249 = tpu.matmul %convert_element_type3A_1247, %get3A_1155, %dot_general3A_1248 {dimension_numbers = #tpu.dot_dimension_numbers<[1], [1], [0], [0], [0, 0, 1, 0], [], []>, transpose_lhs_hint = false} : vector<196x196xf32>, vector<384x196xf32>, vector<196x384xf32> -> vector<196x384xf32>
    %get3A_1250 = arith.constant 4 : index
    %get3A_1251 = arith.constant 0 : index
    %get3A_1252 = arith.constant 0 : index
    %get3A_1253 = vector.load %arg3[%get3A_1250, %get3A_1251, %get3A_1252] : memref<9x384x384xf32, #tpu.memory_space<vmem>>, vector<1x384x384xf32>
    %get3A_1254 = vector.shape_cast %get3A_1253 : vector<1x384x384xf32> to vector<384x384xf32>
    %dot_general3A_1255 = arith.constant dense<0.000000e+00> : vector<384x196xf32>
    %dot_general3A_1256 = tpu.matmul %get3A_1254, %dot_general3A_1249, %dot_general3A_1255 {dimension_numbers = #tpu.dot_dimension_numbers<[0], [1], [1], [0], [0, 1, 1, 0], [], []>, transpose_lhs_hint = false} : vector<384x384xf32>, vector<196x384xf32>, vector<384x196xf32> -> vector<384x196xf32>
    %add3A_1257 = arith.addf %add3A_1237, %dot_general3A_1256 : vector<384x196xf32>
    %get3A_1258 = arith.constant 6 : index
    %get3A_1259 = arith.constant 0 : index
    %get3A_1260 = arith.constant 5 : index
    %get3A_1261 = vector.load %arg2[%get3A_1258, %get3A_1259, %get3A_1260] : memref<8x200x128xi32, #tpu.memory_space<vmem>>, vector<1x196x1xi32>
    %get3A_1262 = vector.shape_cast %get3A_1261 : vector<1x196x1xi32> to vector<196xi32>
    %broadcast_in_dim3A_1263 = vector.shape_cast %get3A_1262 : vector<196xi32> to vector<196x1xi32>
    %eq3A_1264 = vector.broadcast %broadcast_in_dim3A_1263 : vector<196x1xi32> to vector<196x196xi32>
    %eq3A_1265 = arith.cmpi eq, %iota3A, %eq3A_1264 : vector<196x196xi32>
    %convert_element_type3A_1266 = arith.extui %eq3A_1265 : vector<196x196xi1> to vector<196x196xi32>
    %convert_element_type3A_1267 = arith.sitofp %convert_element_type3A_1266 : vector<196x196xi32> to vector<196x196xf32>
    %dot_general3A_1268 = arith.constant dense<0.000000e+00> : vector<196x384xf32>
    %dot_general3A_1269 = tpu.matmul %convert_element_type3A_1267, %get3A_1155, %dot_general3A_1268 {dimension_numbers = #tpu.dot_dimension_numbers<[1], [1], [0], [0], [0, 0, 1, 0], [], []>, transpose_lhs_hint = false} : vector<196x196xf32>, vector<384x196xf32>, vector<196x384xf32> -> vector<196x384xf32>
    %get3A_1270 = arith.constant 5 : index
    %get3A_1271 = arith.constant 0 : index
    %get3A_1272 = arith.constant 0 : index
    %get3A_1273 = vector.load %arg3[%get3A_1270, %get3A_1271, %get3A_1272] : memref<9x384x384xf32, #tpu.memory_space<vmem>>, vector<1x384x384xf32>
    %get3A_1274 = vector.shape_cast %get3A_1273 : vector<1x384x384xf32> to vector<384x384xf32>
    %dot_general3A_1275 = arith.constant dense<0.000000e+00> : vector<384x196xf32>
    %dot_general3A_1276 = tpu.matmul %get3A_1274, %dot_general3A_1269, %dot_general3A_1275 {dimension_numbers = #tpu.dot_dimension_numbers<[0], [1], [1], [0], [0, 1, 1, 0], [], []>, transpose_lhs_hint = false} : vector<384x384xf32>, vector<196x384xf32>, vector<384x196xf32> -> vector<384x196xf32>
    %add3A_1277 = arith.addf %add3A_1257, %dot_general3A_1276 : vector<384x196xf32>
    %get3A_1278 = arith.constant 6 : index
    %get3A_1279 = arith.constant 0 : index
    %get3A_1280 = arith.constant 6 : index
    %get3A_1281 = vector.load %arg2[%get3A_1278, %get3A_1279, %get3A_1280] : memref<8x200x128xi32, #tpu.memory_space<vmem>>, vector<1x196x1xi32>
    %get3A_1282 = vector.shape_cast %get3A_1281 : vector<1x196x1xi32> to vector<196xi32>
    %broadcast_in_dim3A_1283 = vector.shape_cast %get3A_1282 : vector<196xi32> to vector<196x1xi32>
    %eq3A_1284 = vector.broadcast %broadcast_in_dim3A_1283 : vector<196x1xi32> to vector<196x196xi32>
    %eq3A_1285 = arith.cmpi eq, %iota3A, %eq3A_1284 : vector<196x196xi32>
    %convert_element_type3A_1286 = arith.extui %eq3A_1285 : vector<196x196xi1> to vector<196x196xi32>
    %convert_element_type3A_1287 = arith.sitofp %convert_element_type3A_1286 : vector<196x196xi32> to vector<196x196xf32>
    %dot_general3A_1288 = arith.constant dense<0.000000e+00> : vector<196x384xf32>
    %dot_general3A_1289 = tpu.matmul %convert_element_type3A_1287, %get3A_1155, %dot_general3A_1288 {dimension_numbers = #tpu.dot_dimension_numbers<[1], [1], [0], [0], [0, 0, 1, 0], [], []>, transpose_lhs_hint = false} : vector<196x196xf32>, vector<384x196xf32>, vector<196x384xf32> -> vector<196x384xf32>
    %get3A_1290 = arith.constant 6 : index
    %get3A_1291 = arith.constant 0 : index
    %get3A_1292 = arith.constant 0 : index
    %get3A_1293 = vector.load %arg3[%get3A_1290, %get3A_1291, %get3A_1292] : memref<9x384x384xf32, #tpu.memory_space<vmem>>, vector<1x384x384xf32>
    %get3A_1294 = vector.shape_cast %get3A_1293 : vector<1x384x384xf32> to vector<384x384xf32>
    %dot_general3A_1295 = arith.constant dense<0.000000e+00> : vector<384x196xf32>
    %dot_general3A_1296 = tpu.matmul %get3A_1294, %dot_general3A_1289, %dot_general3A_1295 {dimension_numbers = #tpu.dot_dimension_numbers<[0], [1], [1], [0], [0, 1, 1, 0], [], []>, transpose_lhs_hint = false} : vector<384x384xf32>, vector<196x384xf32>, vector<384x196xf32> -> vector<384x196xf32>
    %add3A_1297 = arith.addf %add3A_1277, %dot_general3A_1296 : vector<384x196xf32>
    %get3A_1298 = arith.constant 6 : index
    %get3A_1299 = arith.constant 0 : index
    %get3A_1300 = arith.constant 7 : index
    %get3A_1301 = vector.load %arg2[%get3A_1298, %get3A_1299, %get3A_1300] : memref<8x200x128xi32, #tpu.memory_space<vmem>>, vector<1x196x1xi32>
    %get3A_1302 = vector.shape_cast %get3A_1301 : vector<1x196x1xi32> to vector<196xi32>
    %broadcast_in_dim3A_1303 = vector.shape_cast %get3A_1302 : vector<196xi32> to vector<196x1xi32>
    %eq3A_1304 = vector.broadcast %broadcast_in_dim3A_1303 : vector<196x1xi32> to vector<196x196xi32>
    %eq3A_1305 = arith.cmpi eq, %iota3A, %eq3A_1304 : vector<196x196xi32>
    %convert_element_type3A_1306 = arith.extui %eq3A_1305 : vector<196x196xi1> to vector<196x196xi32>
    %convert_element_type3A_1307 = arith.sitofp %convert_element_type3A_1306 : vector<196x196xi32> to vector<196x196xf32>
    %dot_general3A_1308 = arith.constant dense<0.000000e+00> : vector<196x384xf32>
    %dot_general3A_1309 = tpu.matmul %convert_element_type3A_1307, %get3A_1155, %dot_general3A_1308 {dimension_numbers = #tpu.dot_dimension_numbers<[1], [1], [0], [0], [0, 0, 1, 0], [], []>, transpose_lhs_hint = false} : vector<196x196xf32>, vector<384x196xf32>, vector<196x384xf32> -> vector<196x384xf32>
    %get3A_1310 = arith.constant 7 : index
    %get3A_1311 = arith.constant 0 : index
    %get3A_1312 = arith.constant 0 : index
    %get3A_1313 = vector.load %arg3[%get3A_1310, %get3A_1311, %get3A_1312] : memref<9x384x384xf32, #tpu.memory_space<vmem>>, vector<1x384x384xf32>
    %get3A_1314 = vector.shape_cast %get3A_1313 : vector<1x384x384xf32> to vector<384x384xf32>
    %dot_general3A_1315 = arith.constant dense<0.000000e+00> : vector<384x196xf32>
    %dot_general3A_1316 = tpu.matmul %get3A_1314, %dot_general3A_1309, %dot_general3A_1315 {dimension_numbers = #tpu.dot_dimension_numbers<[0], [1], [1], [0], [0, 1, 1, 0], [], []>, transpose_lhs_hint = false} : vector<384x384xf32>, vector<196x384xf32>, vector<384x196xf32> -> vector<384x196xf32>
    %add3A_1317 = arith.addf %add3A_1297, %dot_general3A_1316 : vector<384x196xf32>
    %get3A_1318 = arith.constant 6 : index
    %get3A_1319 = arith.constant 0 : index
    %get3A_1320 = arith.constant 8 : index
    %get3A_1321 = vector.load %arg2[%get3A_1318, %get3A_1319, %get3A_1320] : memref<8x200x128xi32, #tpu.memory_space<vmem>>, vector<1x196x1xi32>
    %get3A_1322 = vector.shape_cast %get3A_1321 : vector<1x196x1xi32> to vector<196xi32>
    %broadcast_in_dim3A_1323 = vector.shape_cast %get3A_1322 : vector<196xi32> to vector<196x1xi32>
    %eq3A_1324 = vector.broadcast %broadcast_in_dim3A_1323 : vector<196x1xi32> to vector<196x196xi32>
    %eq3A_1325 = arith.cmpi eq, %iota3A, %eq3A_1324 : vector<196x196xi32>
    %convert_element_type3A_1326 = arith.extui %eq3A_1325 : vector<196x196xi1> to vector<196x196xi32>
    %convert_element_type3A_1327 = arith.sitofp %convert_element_type3A_1326 : vector<196x196xi32> to vector<196x196xf32>
    %dot_general3A_1328 = arith.constant dense<0.000000e+00> : vector<196x384xf32>
    %dot_general3A_1329 = tpu.matmul %convert_element_type3A_1327, %get3A_1155, %dot_general3A_1328 {dimension_numbers = #tpu.dot_dimension_numbers<[1], [1], [0], [0], [0, 0, 1, 0], [], []>, transpose_lhs_hint = false} : vector<196x196xf32>, vector<384x196xf32>, vector<196x384xf32> -> vector<196x384xf32>
    %get3A_1330 = arith.constant 8 : index
    %get3A_1331 = arith.constant 0 : index
    %get3A_1332 = arith.constant 0 : index
    %get3A_1333 = vector.load %arg3[%get3A_1330, %get3A_1331, %get3A_1332] : memref<9x384x384xf32, #tpu.memory_space<vmem>>, vector<1x384x384xf32>
    %get3A_1334 = vector.shape_cast %get3A_1333 : vector<1x384x384xf32> to vector<384x384xf32>
    %dot_general3A_1335 = arith.constant dense<0.000000e+00> : vector<384x196xf32>
    %dot_general3A_1336 = tpu.matmul %get3A_1334, %dot_general3A_1329, %dot_general3A_1335 {dimension_numbers = #tpu.dot_dimension_numbers<[0], [1], [1], [0], [0, 1, 1, 0], [], []>, transpose_lhs_hint = false} : vector<384x384xf32>, vector<196x384xf32>, vector<384x196xf32> -> vector<384x196xf32>
    %add3A_1337 = arith.addf %add3A_1317, %dot_general3A_1336 : vector<384x196xf32>
    %swap3A_1338 = arith.constant 6 : index
    %swap3A_1339 = arith.constant 0 : index
    %swap3A_1340 = arith.constant 0 : index
    %swap3A_1341 = vector.load %arg4[%swap3A_1338, %swap3A_1339, %swap3A_1340] : memref<8x384x196xf32, #tpu.memory_space<vmem>>, vector<1x384x196xf32>
    %swap3A_1342 = vector.shape_cast %swap3A_1341 : vector<1x384x196xf32> to vector<384x196xf32>
    %swap3A_1343 = vector.shape_cast %add3A_1337 : vector<384x196xf32> to vector<1x384x196xf32>
    tpu.vector_store %arg4[%swap3A_1338, %swap3A_1339, %swap3A_1340], %swap3A_1343 {strides = array<i32>} : memref<8x384x196xf32, #tpu.memory_space<vmem>>, vector<1x384x196xf32>,
    %get3A_1344 = arith.constant 7 : index
    %get3A_1345 = arith.constant 0 : index
    %get3A_1346 = arith.constant 0 : index
    %get3A_1347 = vector.load %arg1[%get3A_1344, %get3A_1345, %get3A_1346] : memref<8x384x196xf32, #tpu.memory_space<vmem>>, vector<1x384x196xf32>
    %get3A_1348 = vector.shape_cast %get3A_1347 : vector<1x384x196xf32> to vector<384x196xf32>
    %broadcast_in_dim3A_1349 = arith.constant 0.000000e+00 : f32
    %broadcast_in_dim3A_1350 = vector.broadcast %broadcast_in_dim3A_1349 : f32 to vector<384x196xf32>
    %get3A_1351 = arith.constant 7 : index
    %get3A_1352 = arith.constant 0 : index
    %get3A_1353 = arith.constant 0 : index
    %get3A_1354 = vector.load %arg2[%get3A_1351, %get3A_1352, %get3A_1353] : memref<8x200x128xi32, #tpu.memory_space<vmem>>, vector<1x196x1xi32>
    %get3A_1355 = vector.shape_cast %get3A_1354 : vector<1x196x1xi32> to vector<196xi32>
    %broadcast_in_dim3A_1356 = vector.shape_cast %get3A_1355 : vector<196xi32> to vector<196x1xi32>
    %eq3A_1357 = vector.broadcast %broadcast_in_dim3A_1356 : vector<196x1xi32> to vector<196x196xi32>
    %eq3A_1358 = arith.cmpi eq, %iota3A, %eq3A_1357 : vector<196x196xi32>
    %convert_element_type3A_1359 = arith.extui %eq3A_1358 : vector<196x196xi1> to vector<196x196xi32>
    %convert_element_type3A_1360 = arith.sitofp %convert_element_type3A_1359 : vector<196x196xi32> to vector<196x196xf32>
    %dot_general3A_1361 = arith.constant dense<0.000000e+00> : vector<196x384xf32>
    %dot_general3A_1362 = tpu.matmul %convert_element_type3A_1360, %get3A_1348, %dot_general3A_1361 {dimension_numbers = #tpu.dot_dimension_numbers<[1], [1], [0], [0], [0, 0, 1, 0], [], []>, transpose_lhs_hint = false} : vector<196x196xf32>, vector<384x196xf32>, vector<196x384xf32> -> vector<196x384xf32>
    %get3A_1363 = arith.constant 0 : index
    %get3A_1364 = arith.constant 0 : index
    %get3A_1365 = arith.constant 0 : index
    %get3A_1366 = vector.load %arg3[%get3A_1363, %get3A_1364, %get3A_1365] : memref<9x384x384xf32, #tpu.memory_space<vmem>>, vector<1x384x384xf32>
    %get3A_1367 = vector.shape_cast %get3A_1366 : vector<1x384x384xf32> to vector<384x384xf32>
    %dot_general3A_1368 = arith.constant dense<0.000000e+00> : vector<384x196xf32>
    %dot_general3A_1369 = tpu.matmul %get3A_1367, %dot_general3A_1362, %dot_general3A_1368 {dimension_numbers = #tpu.dot_dimension_numbers<[0], [1], [1], [0], [0, 1, 1, 0], [], []>, transpose_lhs_hint = false} : vector<384x384xf32>, vector<196x384xf32>, vector<384x196xf32> -> vector<384x196xf32>
    %add3A_1370 = arith.addf %broadcast_in_dim3A_1350, %dot_general3A_1369 : vector<384x196xf32>
    %get3A_1371 = arith.constant 7 : index
    %get3A_1372 = arith.constant 0 : index
    %get3A_1373 = arith.constant 1 : index
    %get3A_1374 = vector.load %arg2[%get3A_1371, %get3A_1372, %get3A_1373] : memref<8x200x128xi32, #tpu.memory_space<vmem>>, vector<1x196x1xi32>
    %get3A_1375 = vector.shape_cast %get3A_1374 : vector<1x196x1xi32> to vector<196xi32>
    %broadcast_in_dim3A_1376 = vector.shape_cast %get3A_1375 : vector<196xi32> to vector<196x1xi32>
    %eq3A_1377 = vector.broadcast %broadcast_in_dim3A_1376 : vector<196x1xi32> to vector<196x196xi32>
    %eq3A_1378 = arith.cmpi eq, %iota3A, %eq3A_1377 : vector<196x196xi32>
    %convert_element_type3A_1379 = arith.extui %eq3A_1378 : vector<196x196xi1> to vector<196x196xi32>
    %convert_element_type3A_1380 = arith.sitofp %convert_element_type3A_1379 : vector<196x196xi32> to vector<196x196xf32>
    %dot_general3A_1381 = arith.constant dense<0.000000e+00> : vector<196x384xf32>
    %dot_general3A_1382 = tpu.matmul %convert_element_type3A_1380, %get3A_1348, %dot_general3A_1381 {dimension_numbers = #tpu.dot_dimension_numbers<[1], [1], [0], [0], [0, 0, 1, 0], [], []>, transpose_lhs_hint = false} : vector<196x196xf32>, vector<384x196xf32>, vector<196x384xf32> -> vector<196x384xf32>
    %get3A_1383 = arith.constant 1 : index
    %get3A_1384 = arith.constant 0 : index
    %get3A_1385 = arith.constant 0 : index
    %get3A_1386 = vector.load %arg3[%get3A_1383, %get3A_1384, %get3A_1385] : memref<9x384x384xf32, #tpu.memory_space<vmem>>, vector<1x384x384xf32>
    %get3A_1387 = vector.shape_cast %get3A_1386 : vector<1x384x384xf32> to vector<384x384xf32>
    %dot_general3A_1388 = arith.constant dense<0.000000e+00> : vector<384x196xf32>
    %dot_general3A_1389 = tpu.matmul %get3A_1387, %dot_general3A_1382, %dot_general3A_1388 {dimension_numbers = #tpu.dot_dimension_numbers<[0], [1], [1], [0], [0, 1, 1, 0], [], []>, transpose_lhs_hint = false} : vector<384x384xf32>, vector<196x384xf32>, vector<384x196xf32> -> vector<384x196xf32>
    %add3A_1390 = arith.addf %add3A_1370, %dot_general3A_1389 : vector<384x196xf32>
    %get3A_1391 = arith.constant 7 : index
    %get3A_1392 = arith.constant 0 : index
    %get3A_1393 = arith.constant 2 : index
    %get3A_1394 = vector.load %arg2[%get3A_1391, %get3A_1392, %get3A_1393] : memref<8x200x128xi32, #tpu.memory_space<vmem>>, vector<1x196x1xi32>
    %get3A_1395 = vector.shape_cast %get3A_1394 : vector<1x196x1xi32> to vector<196xi32>
    %broadcast_in_dim3A_1396 = vector.shape_cast %get3A_1395 : vector<196xi32> to vector<196x1xi32>
    %eq3A_1397 = vector.broadcast %broadcast_in_dim3A_1396 : vector<196x1xi32> to vector<196x196xi32>
    %eq3A_1398 = arith.cmpi eq, %iota3A, %eq3A_1397 : vector<196x196xi32>
    %convert_element_type3A_1399 = arith.extui %eq3A_1398 : vector<196x196xi1> to vector<196x196xi32>
    %convert_element_type3A_1400 = arith.sitofp %convert_element_type3A_1399 : vector<196x196xi32> to vector<196x196xf32>
    %dot_general3A_1401 = arith.constant dense<0.000000e+00> : vector<196x384xf32>
    %dot_general3A_1402 = tpu.matmul %convert_element_type3A_1400, %get3A_1348, %dot_general3A_1401 {dimension_numbers = #tpu.dot_dimension_numbers<[1], [1], [0], [0], [0, 0, 1, 0], [], []>, transpose_lhs_hint = false} : vector<196x196xf32>, vector<384x196xf32>, vector<196x384xf32> -> vector<196x384xf32>
    %get3A_1403 = arith.constant 2 : index
    %get3A_1404 = arith.constant 0 : index
    %get3A_1405 = arith.constant 0 : index
    %get3A_1406 = vector.load %arg3[%get3A_1403, %get3A_1404, %get3A_1405] : memref<9x384x384xf32, #tpu.memory_space<vmem>>, vector<1x384x384xf32>
    %get3A_1407 = vector.shape_cast %get3A_1406 : vector<1x384x384xf32> to vector<384x384xf32>
    %dot_general3A_1408 = arith.constant dense<0.000000e+00> : vector<384x196xf32>
    %dot_general3A_1409 = tpu.matmul %get3A_1407, %dot_general3A_1402, %dot_general3A_1408 {dimension_numbers = #tpu.dot_dimension_numbers<[0], [1], [1], [0], [0, 1, 1, 0], [], []>, transpose_lhs_hint = false} : vector<384x384xf32>, vector<196x384xf32>, vector<384x196xf32> -> vector<384x196xf32>
    %add3A_1410 = arith.addf %add3A_1390, %dot_general3A_1409 : vector<384x196xf32>
    %get3A_1411 = arith.constant 7 : index
    %get3A_1412 = arith.constant 0 : index
    %get3A_1413 = arith.constant 3 : index
    %get3A_1414 = vector.load %arg2[%get3A_1411, %get3A_1412, %get3A_1413] : memref<8x200x128xi32, #tpu.memory_space<vmem>>, vector<1x196x1xi32>
    %get3A_1415 = vector.shape_cast %get3A_1414 : vector<1x196x1xi32> to vector<196xi32>
    %broadcast_in_dim3A_1416 = vector.shape_cast %get3A_1415 : vector<196xi32> to vector<196x1xi32>
    %eq3A_1417 = vector.broadcast %broadcast_in_dim3A_1416 : vector<196x1xi32> to vector<196x196xi32>
    %eq3A_1418 = arith.cmpi eq, %iota3A, %eq3A_1417 : vector<196x196xi32>
    %convert_element_type3A_1419 = arith.extui %eq3A_1418 : vector<196x196xi1> to vector<196x196xi32>
    %convert_element_type3A_1420 = arith.sitofp %convert_element_type3A_1419 : vector<196x196xi32> to vector<196x196xf32>
    %dot_general3A_1421 = arith.constant dense<0.000000e+00> : vector<196x384xf32>
    %dot_general3A_1422 = tpu.matmul %convert_element_type3A_1420, %get3A_1348, %dot_general3A_1421 {dimension_numbers = #tpu.dot_dimension_numbers<[1], [1], [0], [0], [0, 0, 1, 0], [], []>, transpose_lhs_hint = false} : vector<196x196xf32>, vector<384x196xf32>, vector<196x384xf32> -> vector<196x384xf32>
    %get3A_1423 = arith.constant 3 : index
    %get3A_1424 = arith.constant 0 : index
    %get3A_1425 = arith.constant 0 : index
    %get3A_1426 = vector.load %arg3[%get3A_1423, %get3A_1424, %get3A_1425] : memref<9x384x384xf32, #tpu.memory_space<vmem>>, vector<1x384x384xf32>
    %get3A_1427 = vector.shape_cast %get3A_1426 : vector<1x384x384xf32> to vector<384x384xf32>
    %dot_general3A_1428 = arith.constant dense<0.000000e+00> : vector<384x196xf32>
    %dot_general3A_1429 = tpu.matmul %get3A_1427, %dot_general3A_1422, %dot_general3A_1428 {dimension_numbers = #tpu.dot_dimension_numbers<[0], [1], [1], [0], [0, 1, 1, 0], [], []>, transpose_lhs_hint = false} : vector<384x384xf32>, vector<196x384xf32>, vector<384x196xf32> -> vector<384x196xf32>
    %add3A_1430 = arith.addf %add3A_1410, %dot_general3A_1429 : vector<384x196xf32>
    %get3A_1431 = arith.constant 7 : index
    %get3A_1432 = arith.constant 0 : index
    %get3A_1433 = arith.constant 4 : index
    %get3A_1434 = vector.load %arg2[%get3A_1431, %get3A_1432, %get3A_1433] : memref<8x200x128xi32, #tpu.memory_space<vmem>>, vector<1x196x1xi32>
    %get3A_1435 = vector.shape_cast %get3A_1434 : vector<1x196x1xi32> to vector<196xi32>
    %broadcast_in_dim3A_1436 = vector.shape_cast %get3A_1435 : vector<196xi32> to vector<196x1xi32>
    %eq3A_1437 = vector.broadcast %broadcast_in_dim3A_1436 : vector<196x1xi32> to vector<196x196xi32>
    %eq3A_1438 = arith.cmpi eq, %iota3A, %eq3A_1437 : vector<196x196xi32>
    %convert_element_type3A_1439 = arith.extui %eq3A_1438 : vector<196x196xi1> to vector<196x196xi32>
    %convert_element_type3A_1440 = arith.sitofp %convert_element_type3A_1439 : vector<196x196xi32> to vector<196x196xf32>
    %dot_general3A_1441 = arith.constant dense<0.000000e+00> : vector<196x384xf32>
    %dot_general3A_1442 = tpu.matmul %convert_element_type3A_1440, %get3A_1348, %dot_general3A_1441 {dimension_numbers = #tpu.dot_dimension_numbers<[1], [1], [0], [0], [0, 0, 1, 0], [], []>, transpose_lhs_hint = false} : vector<196x196xf32>, vector<384x196xf32>, vector<196x384xf32> -> vector<196x384xf32>
    %get3A_1443 = arith.constant 4 : index
    %get3A_1444 = arith.constant 0 : index
    %get3A_1445 = arith.constant 0 : index
    %get3A_1446 = vector.load %arg3[%get3A_1443, %get3A_1444, %get3A_1445] : memref<9x384x384xf32, #tpu.memory_space<vmem>>, vector<1x384x384xf32>
    %get3A_1447 = vector.shape_cast %get3A_1446 : vector<1x384x384xf32> to vector<384x384xf32>
    %dot_general3A_1448 = arith.constant dense<0.000000e+00> : vector<384x196xf32>
    %dot_general3A_1449 = tpu.matmul %get3A_1447, %dot_general3A_1442, %dot_general3A_1448 {dimension_numbers = #tpu.dot_dimension_numbers<[0], [1], [1], [0], [0, 1, 1, 0], [], []>, transpose_lhs_hint = false} : vector<384x384xf32>, vector<196x384xf32>, vector<384x196xf32> -> vector<384x196xf32>
    %add3A_1450 = arith.addf %add3A_1430, %dot_general3A_1449 : vector<384x196xf32>
    %get3A_1451 = arith.constant 7 : index
    %get3A_1452 = arith.constant 0 : index
    %get3A_1453 = arith.constant 5 : index
    %get3A_1454 = vector.load %arg2[%get3A_1451, %get3A_1452, %get3A_1453] : memref<8x200x128xi32, #tpu.memory_space<vmem>>, vector<1x196x1xi32>
    %get3A_1455 = vector.shape_cast %get3A_1454 : vector<1x196x1xi32> to vector<196xi32>
    %broadcast_in_dim3A_1456 = vector.shape_cast %get3A_1455 : vector<196xi32> to vector<196x1xi32>
    %eq3A_1457 = vector.broadcast %broadcast_in_dim3A_1456 : vector<196x1xi32> to vector<196x196xi32>
    %eq3A_1458 = arith.cmpi eq, %iota3A, %eq3A_1457 : vector<196x196xi32>
    %convert_element_type3A_1459 = arith.extui %eq3A_1458 : vector<196x196xi1> to vector<196x196xi32>
    %convert_element_type3A_1460 = arith.sitofp %convert_element_type3A_1459 : vector<196x196xi32> to vector<196x196xf32>
    %dot_general3A_1461 = arith.constant dense<0.000000e+00> : vector<196x384xf32>
    %dot_general3A_1462 = tpu.matmul %convert_element_type3A_1460, %get3A_1348, %dot_general3A_1461 {dimension_numbers = #tpu.dot_dimension_numbers<[1], [1], [0], [0], [0, 0, 1, 0], [], []>, transpose_lhs_hint = false} : vector<196x196xf32>, vector<384x196xf32>, vector<196x384xf32> -> vector<196x384xf32>
    %get3A_1463 = arith.constant 5 : index
    %get3A_1464 = arith.constant 0 : index
    %get3A_1465 = arith.constant 0 : index
    %get3A_1466 = vector.load %arg3[%get3A_1463, %get3A_1464, %get3A_1465] : memref<9x384x384xf32, #tpu.memory_space<vmem>>, vector<1x384x384xf32>
    %get3A_1467 = vector.shape_cast %get3A_1466 : vector<1x384x384xf32> to vector<384x384xf32>
    %dot_general3A_1468 = arith.constant dense<0.000000e+00> : vector<384x196xf32>
    %dot_general3A_1469 = tpu.matmul %get3A_1467, %dot_general3A_1462, %dot_general3A_1468 {dimension_numbers = #tpu.dot_dimension_numbers<[0], [1], [1], [0], [0, 1, 1, 0], [], []>, transpose_lhs_hint = false} : vector<384x384xf32>, vector<196x384xf32>, vector<384x196xf32> -> vector<384x196xf32>
    %add3A_1470 = arith.addf %add3A_1450, %dot_general3A_1469 : vector<384x196xf32>
    %get3A_1471 = arith.constant 7 : index
    %get3A_1472 = arith.constant 0 : index
    %get3A_1473 = arith.constant 6 : index
    %get3A_1474 = vector.load %arg2[%get3A_1471, %get3A_1472, %get3A_1473] : memref<8x200x128xi32, #tpu.memory_space<vmem>>, vector<1x196x1xi32>
    %get3A_1475 = vector.shape_cast %get3A_1474 : vector<1x196x1xi32> to vector<196xi32>
    %broadcast_in_dim3A_1476 = vector.shape_cast %get3A_1475 : vector<196xi32> to vector<196x1xi32>
    %eq3A_1477 = vector.broadcast %broadcast_in_dim3A_1476 : vector<196x1xi32> to vector<196x196xi32>
    %eq3A_1478 = arith.cmpi eq, %iota3A, %eq3A_1477 : vector<196x196xi32>
    %convert_element_type3A_1479 = arith.extui %eq3A_1478 : vector<196x196xi1> to vector<196x196xi32>
    %convert_element_type3A_1480 = arith.sitofp %convert_element_type3A_1479 : vector<196x196xi32> to vector<196x196xf32>
    %dot_general3A_1481 = arith.constant dense<0.000000e+00> : vector<196x384xf32>
    %dot_general3A_1482 = tpu.matmul %convert_element_type3A_1480, %get3A_1348, %dot_general3A_1481 {dimension_numbers = #tpu.dot_dimension_numbers<[1], [1], [0], [0], [0, 0, 1, 0], [], []>, transpose_lhs_hint = false} : vector<196x196xf32>, vector<384x196xf32>, vector<196x384xf32> -> vector<196x384xf32>
    %get3A_1483 = arith.constant 6 : index
    %get3A_1484 = arith.constant 0 : index
    %get3A_1485 = arith.constant 0 : index
    %get3A_1486 = vector.load %arg3[%get3A_1483, %get3A_1484, %get3A_1485] : memref<9x384x384xf32, #tpu.memory_space<vmem>>, vector<1x384x384xf32>
    %get3A_1487 = vector.shape_cast %get3A_1486 : vector<1x384x384xf32> to vector<384x384xf32>
    %dot_general3A_1488 = arith.constant dense<0.000000e+00> : vector<384x196xf32>
    %dot_general3A_1489 = tpu.matmul %get3A_1487, %dot_general3A_1482, %dot_general3A_1488 {dimension_numbers = #tpu.dot_dimension_numbers<[0], [1], [1], [0], [0, 1, 1, 0], [], []>, transpose_lhs_hint = false} : vector<384x384xf32>, vector<196x384xf32>, vector<384x196xf32> -> vector<384x196xf32>
    %add3A_1490 = arith.addf %add3A_1470, %dot_general3A_1489 : vector<384x196xf32>
    %get3A_1491 = arith.constant 7 : index
    %get3A_1492 = arith.constant 0 : index
    %get3A_1493 = arith.constant 7 : index
    %get3A_1494 = vector.load %arg2[%get3A_1491, %get3A_1492, %get3A_1493] : memref<8x200x128xi32, #tpu.memory_space<vmem>>, vector<1x196x1xi32>
    %get3A_1495 = vector.shape_cast %get3A_1494 : vector<1x196x1xi32> to vector<196xi32>
    %broadcast_in_dim3A_1496 = vector.shape_cast %get3A_1495 : vector<196xi32> to vector<196x1xi32>
    %eq3A_1497 = vector.broadcast %broadcast_in_dim3A_1496 : vector<196x1xi32> to vector<196x196xi32>
    %eq3A_1498 = arith.cmpi eq, %iota3A, %eq3A_1497 : vector<196x196xi32>
    %convert_element_type3A_1499 = arith.extui %eq3A_1498 : vector<196x196xi1> to vector<196x196xi32>
    %convert_element_type3A_1500 = arith.sitofp %convert_element_type3A_1499 : vector<196x196xi32> to vector<196x196xf32>
    %dot_general3A_1501 = arith.constant dense<0.000000e+00> : vector<196x384xf32>
    %dot_general3A_1502 = tpu.matmul %convert_element_type3A_1500, %get3A_1348, %dot_general3A_1501 {dimension_numbers = #tpu.dot_dimension_numbers<[1], [1], [0], [0], [0, 0, 1, 0], [], []>, transpose_lhs_hint = false} : vector<196x196xf32>, vector<384x196xf32>, vector<196x384xf32> -> vector<196x384xf32>
    %get3A_1503 = arith.constant 7 : index
    %get3A_1504 = arith.constant 0 : index
    %get3A_1505 = arith.constant 0 : index
    %get3A_1506 = vector.load %arg3[%get3A_1503, %get3A_1504, %get3A_1505] : memref<9x384x384xf32, #tpu.memory_space<vmem>>, vector<1x384x384xf32>
    %get3A_1507 = vector.shape_cast %get3A_1506 : vector<1x384x384xf32> to vector<384x384xf32>
    %dot_general3A_1508 = arith.constant dense<0.000000e+00> : vector<384x196xf32>
    %dot_general3A_1509 = tpu.matmul %get3A_1507, %dot_general3A_1502, %dot_general3A_1508 {dimension_numbers = #tpu.dot_dimension_numbers<[0], [1], [1], [0], [0, 1, 1, 0], [], []>, transpose_lhs_hint = false} : vector<384x384xf32>, vector<196x384xf32>, vector<384x196xf32> -> vector<384x196xf32>
    %add3A_1510 = arith.addf %add3A_1490, %dot_general3A_1509 : vector<384x196xf32>
    %get3A_1511 = arith.constant 7 : index
    %get3A_1512 = arith.constant 0 : index
    %get3A_1513 = arith.constant 8 : index
    %get3A_1514 = vector.load %arg2[%get3A_1511, %get3A_1512, %get3A_1513] : memref<8x200x128xi32, #tpu.memory_space<vmem>>, vector<1x196x1xi32>
    %get3A_1515 = vector.shape_cast %get3A_1514 : vector<1x196x1xi32> to vector<196xi32>
    %broadcast_in_dim3A_1516 = vector.shape_cast %get3A_1515 : vector<196xi32> to vector<196x1xi32>
    %eq3A_1517 = vector.broadcast %broadcast_in_dim3A_1516 : vector<196x1xi32> to vector<196x196xi32>
    %eq3A_1518 = arith.cmpi eq, %iota3A, %eq3A_1517 : vector<196x196xi32>
    %convert_element_type3A_1519 = arith.extui %eq3A_1518 : vector<196x196xi1> to vector<196x196xi32>
    %convert_element_type3A_1520 = arith.sitofp %convert_element_type3A_1519 : vector<196x196xi32> to vector<196x196xf32>
    %dot_general3A_1521 = arith.constant dense<0.000000e+00> : vector<196x384xf32>
    %dot_general3A_1522 = tpu.matmul %convert_element_type3A_1520, %get3A_1348, %dot_general3A_1521 {dimension_numbers = #tpu.dot_dimension_numbers<[1], [1], [0], [0], [0, 0, 1, 0], [], []>, transpose_lhs_hint = false} : vector<196x196xf32>, vector<384x196xf32>, vector<196x384xf32> -> vector<196x384xf32>
    %get3A_1523 = arith.constant 8 : index
    %get3A_1524 = arith.constant 0 : index
    %get3A_1525 = arith.constant 0 : index
    %get3A_1526 = vector.load %arg3[%get3A_1523, %get3A_1524, %get3A_1525] : memref<9x384x384xf32, #tpu.memory_space<vmem>>, vector<1x384x384xf32>
    %get3A_1527 = vector.shape_cast %get3A_1526 : vector<1x384x384xf32> to vector<384x384xf32>
    %dot_general3A_1528 = arith.constant dense<0.000000e+00> : vector<384x196xf32>
    %dot_general3A_1529 = tpu.matmul %get3A_1527, %dot_general3A_1522, %dot_general3A_1528 {dimension_numbers = #tpu.dot_dimension_numbers<[0], [1], [1], [0], [0, 1, 1, 0], [], []>, transpose_lhs_hint = false} : vector<384x384xf32>, vector<196x384xf32>, vector<384x196xf32> -> vector<384x196xf32>
    %add3A_1530 = arith.addf %add3A_1510, %dot_general3A_1529 : vector<384x196xf32>
    %swap3A_1531 = arith.constant 7 : index
    %swap3A_1532 = arith.constant 0 : index
    %swap3A_1533 = arith.constant 0 : index
    %swap3A_1534 = vector.load %arg4[%swap3A_1531, %swap3A_1532, %swap3A_1533] : memref<8x384x196xf32, #tpu.memory_space<vmem>>, vector<1x384x196xf32>
    %swap3A_1535 = vector.shape_cast %swap3A_1534 : vector<1x384x196xf32> to vector<384x196xf32>
    %swap3A_1536 = vector.shape_cast %add3A_1530 : vector<384x196xf32> to vector<1x384x196xf32>
    tpu.vector_store %arg4[%swap3A_1531, %swap3A_1532, %swap3A_1533], %swap3A_1536 {strides = array<i32>} : memref<8x384x196xf32, #tpu.memory_space<vmem>>, vector<1x384x196xf32>,
    return
  }
  func.func @transform_0(%arg0: i32) -> (i32, i32, i32) {
    %c0_i32 = arith.constant 0 : i32
    %c0_i32_0 = arith.constant 0 : i32
    %c0_i32_1 = arith.constant 0 : i32
    return %arg0, %c0_i32, %c0_i32_0 : i32, i32, i32
  }
  func.func @transform_1(%arg0: i32) -> (i32, i32, i32) {
    %c0_i32 = arith.constant 0 : i32
    %c0_i32_0 = arith.constant 0 : i32
    %c0_i32_1 = arith.constant 0 : i32
    return %arg0, %c0_i32, %c0_i32_0 : i32, i32, i32
  }
  func.func @transform_2(%arg0: i32) -> (i32, i32, i32) {
    %c0_i32 = arith.constant 0 : i32
    %c0_i32_0 = arith.constant 0 : i32
    %c0_i32_1 = arith.constant 0 : i32
    %c0_i32_2 = arith.constant 0 : i32
    return %c0_i32, %c0_i32_0, %c0_i32_1 : i32, i32, i32
  }
  func.func @transform_3(%arg0: i32) -> (i32, i32, i32) {
    %c0_i32 = arith.constant 0 : i32
    %c0_i32_0 = arith.constant 0 : i32
    %c0_i32_1 = arith.constant 0 : i32
    return %arg0, %c0_i32, %c0_i32_0 : i32, i32, i32
  }
}

</mosaic_0001>

<sc_bundles>
// kernel: kernel.11.cloned.1.call-start
scs
__scs_entry_jumppad:
0x0: {  	(pc) =	sbr.rel $0x88, $3  }
0x1: {  	(tag) =	ssettag $0x0;
	lr =	simm.s32 $0x1  }
0x2: {  	[smem:$0x3F9F] =	sst lr;
	_ =	strace $0xD0000000  }
0x3: {  	_ = 	snop  }
0x4: {  	_ = 	snop  }
0x5: {  	_ = 	snop  }
0x6: {  	_ = 	snop  }
0x7: {  	_ = 	snop  }
__scs_overlays_trampoline_lowered:
0x8: {  	[smem:$0x3FAE] =	sst s0  }
0x9: {  	[smem:$0x3FAF] =	sst s1  }
0xa: {  	[smem:$0x3FB0] =	sst s2  }
0xb: {  	[smem:$0x3FB1] =	sst s3  }
0xc: {  	[smem:$0x3FB2] =	sst s4  }
0xd: {  	[smem:$0x3FB3] =	sst s5  }
0xe: {  	[smem:$0x3FB4] =	sst s6  }
0xf: {  	[smem:$0x3FB5] =	sst s7  }
0x10: {  	[smem:$0x3FB6] =	sst s8  }
0x11: {  	[smem:$0x3FB7] =	sst s9;
	s0 =	simm.s32 @!p0 $0x0  }
0x12: {  	s1 =	sld [smem:$0x3F9D];
	s0 =	simm.s32 @p0 $0x1  }
0x13: {  	[smem:$0x3FB8] =	sst s0;
	s0 =	simm.s32 @!p1 $0x0  }
0x14: {  	s2 =	sld [smem:$0x3F9C];
	s0 =	simm.s32 @p1 $0x1  }
0x15: {  	[smem:$0x3FB9] =	sst s0;
	s0 =	simm.s32 @!p2 $0x0  }
0x16: {  	s3 =	sld [smem:$0x3FDB];
	s0 =	simm.s32 @p2 $0x1  }
0x17: {  	s4 =	simm.s32 $0x1BF5;
	[smem:$0x3FBB] =	sst s0  }
0x18: {  	s0 =	sld [smem:$0x3F9E];
	_ =	swait.ge [sflag:s4], $0x0  }
0x19: {  	s7 =	sld [smem:$0x3F9F]  }
0x1a: {  	s8 =	sadd.s32 $0xFFFFE003, lr  }
0x1b: {  	s9 =	sadd.s32 $0xFFFFFEF7, lr;
	s5 =	simm.s32 $0xFFFFFFFF;
	p2 =	slt.u32 s8, $0xFFFFF086  }
0x1c: {  	p1 =	slt.u32 s9, $0xF7A;
	s5 =	simm.s32 @!p2 $0x0  }
0x1d: {  	s5 =	simm.s32 @p1 $0x1;
	p0 =	seq.s32 s7, s2  }
0x1e: {  	s7 =	smul.u32 @!p0 $0xF7A, s2;
	p2 =	seq.s32 @!p0 s5, $0x0  }
0x1f: {  	s9 =	smul.u32 $0xF7A, s1;
	s8 =	simm.s32 @!p0 $0x1BF5;
	p2 =	por !p2, p0  }
0x20: {  	[sflag:s8] =	ssyncset.s32 @!p0 $0xFFFFF086;
	s6 =	sadd.s32 @!p0 s3, s7;
	s7 =	simm.s32 @!p0 $0x108  }
0x21: {  	s3 =	sadd.s32 s3, s9;
	s6 =	sadd.s32 @!p0 $0x88, s6;
	s7 =	simm.s32 @p2 $0x1082  }
0x22: {  	[simem:s7], [sflag:s8] =	dma.local @!p0 [hbm:s6], $0xF7A  }
0x23: {  	s9 =	sor.u32 $0xD0000000, s2;
	s6 =	simm.s32 $0x108;
	_ =	swait.ge @!p0 [sflag:s8], $0x0  }
0x24: {  	s3 =	sadd.s32 $0x88, s3;
	s6 =	simm.s32 @!p1 $0x1082;
	[sflag:s4] =	ssyncset.s32 $0xFFFFF086  }
0x25: {  	[simem:s6], [sflag:s4] =	dma.local [hbm:s3], $0xF7A  }
0x26: {  	[smem:$0x3F9F] =	sst s1;
	(tag) =	ssettag s2;
	_ =	strace s9  }
0x27: {  	s1 =	sld [smem:$0x3FAF]  }
0x28: {  	s2 =	sld [smem:$0x3FB0]  }
0x29: {  	s4 =	sld [smem:$0x3FB2]  }
0x2a: {  	p0 =	seq.s32 s5, $0x0;
	s5 =	sld [smem:$0x3FB3]  }
0x2b: {  	s6 =	sld [smem:$0x3FB4]  }
0x2c: {  	s7 =	sld [smem:$0x3FB5]  }
0x2d: {  	s3 =	simm.s32 $0x108;
	s8 =	sld [smem:$0x3FB6]  }
0x2e: {  	s3 =	simm.s32 @!p0 $0x1082;
	s9 =	sld [smem:$0x3FB7]  }
0x2f: {  	lr =	sadd.s32 s0, s3;
	s0 =	sld [smem:$0x3FAE]  }
0x30: {  	s3 =	sld [smem:$0x3FB1]  }
0x31: {  	[smem:$0x3FBA] =	sst s10  }
0x32: {  	s10 =	sld [smem:$0x3FB8];
	_ =	sdelay $0x3  }
0x33: {  	p0 =	seq.s32 s10, $0x1;
	s10 =	sld [smem:$0x3FBA];
	_ =	sdelay $0x3  }
0x34: {  	[smem:$0x3FBA] =	sst s10  }
0x35: {  	s10 =	sld [smem:$0x3FB9];
	_ =	sdelay $0x3  }
0x36: {  	p1 =	seq.s32 s10, $0x1;
	s10 =	sld [smem:$0x3FBA];
	_ =	sdelay $0x3  }
0x37: {  	[smem:$0x3FBA] =	sst s10  }
0x38: {  	s10 =	sld [smem:$0x3FBB]  }
0x39: {  	_ = 	snop;
	(pc) =	sbr.ind lr, $3  }
0x3a: {  	_ = 	snop  }
0x3b: {  	_ = 	snop  }
0x3c: {  	p2 =	seq.s32 s10, $0x1;
	s10 =	sld [smem:$0x3FBA]  }
0x3d: {  	_ =	shalt  }
0x3e: {  	_ =	shalt  }
0x3f: {  	_ =	shalt  }
0x40: {  	_ =	shalt  }
0x41: {  	_ =	shalt  }
0x42: {  	_ =	shalt  }
0x43: {  	_ =	shalt  }
0x44: {  	_ =	shalt  }
0x45: {  	_ =	shalt  }
0x46: {  	_ =	shalt  }
0x47: {  	_ =	shalt  }
0x48: {  	_ =	shalt  }
0x49: {  	_ =	shalt  }
0x4a: {  	_ =	shalt  }
0x4b: {  	_ =	shalt  }
0x4c: {  	_ =	shalt  }
0x4d: {  	_ =	shalt  }
0x4e: {  	_ =	shalt  }
0x4f: {  	_ =	shalt  }
0x50: {  	_ =	shalt  }
0x51: {  	_ =	shalt  }
0x52: {  	_ =	shalt  }
0x53: {  	_ =	shalt  }
0x54: {  	_ =	shalt  }
0x55: {  	_ =	shalt  }
0x56: {  	_ =	shalt  }
0x57: {  	_ =	shalt  }
0x58: {  	_ =	shalt  }
0x59: {  	_ =	shalt  }
0x5a: {  	_ =	shalt  }
0x5b: {  	_ =	shalt  }
0x5c: {  	_ =	shalt  }
0x5d: {  	_ =	shalt  }
0x5e: {  	_ =	shalt  }
0x5f: {  	_ =	shalt  }
0x60: {  	_ =	shalt  }
0x61: {  	_ =	shalt  }
0x62: {  	_ =	shalt  }
0x63: {  	_ =	shalt  }
0x64: {  	_ =	shalt  }
0x65: {  	_ =	shalt  }
0x66: {  	_ =	shalt  }
0x67: {  	_ =	shalt  }
0x68: {  	_ =	shalt  }
0x69: {  	_ =	shalt  }
0x6a: {  	_ =	shalt  }
0x6b: {  	_ =	shalt  }
0x6c: {  	_ =	shalt  }
0x6d: {  	_ =	shalt  }
0x6e: {  	_ =	shalt  }
0x6f: {  	_ =	shalt  }
0x70: {  	_ =	shalt  }
0x71: {  	_ =	shalt  }
0x72: {  	_ =	shalt  }
0x73: {  	_ =	shalt  }
0x74: {  	_ =	shalt  }
0x75: {  	_ =	shalt  }
0x76: {  	_ =	shalt  }
0x77: {  	_ =	shalt  }
0x78: {  	_ =	shalt  }
0x79: {  	_ =	shalt  }
0x7a: {  	_ =	shalt  }
0x7b: {  	_ =	shalt  }
0x7c: {  	_ =	shalt  }
0x7d: {  	_ =	shalt  }
0x7e: {  	_ =	shalt  }
0x7f: {  	_ =	shalt  }
0x80: {  	_ =	shalt  }
0x81: {  	_ =	shalt  }
0x82: {  	_ =	shalt  }
0x83: {  	_ =	shalt  }
0x84: {  	_ =	shalt  }
0x85: {  	_ =	shalt  }
0x86: {  	_ =	shalt  }
0x87: {  	_ =	shalt  }
.Lfunc_end0:
.L_simem_size_0:
called_computation.1_lowered:
.L_overlay_start_0:
0x88: {  	s2 =	sld [smem:$0x3FD9]  }
0x89: {  	s3 =	sld [smem:$0x3FFE];
	_ =	sdelay $0x1  }
0x8a: {  	s1 =	srdreg.scid  }
0x8b: {  	s0 =	sand.u32 $0x1, s1  }
0x8c: {  	s17 =	sshll.u32 s0, $0xA;
	s2 =	sadd.s32 s3, s2  }
0x8d: {  	s2 =	sadd.s32 s2, s17  }
0x8e: {  	[smem:$0x3FC6] =	sst s2  }
0x8f: {  	_ = 	snop  }
0x90: {  	s18 =	sld [smem:$0x3FD0];
	(tm) =	ssettm $0x1  }
0x91: {  	s19 =	sld [smem:$0x3FFB];
	_ =	sdelay $0x3  }
0x92: {  	_ =	strace s19  }
0x93: {  	s2 =	sld [smem:$0x3FFC];
	_ =	sdelay $0x3  }
0x94: {  	_ =	strace s2  }
0x95: {  	s2 =	sld [smem:$0x3FFD];
	_ =	sdelay $0x3  }
0x96: {  	_ =	strace s2  }
0x97: {  	_ =	strace $0x8FFFFFFF  }
0x98: {  	s20 =	sld [smem:$0x3FDB];
	_ =	sdelay $0x1  }
0x99: {  	s4 =	simm.s32 $_scs_section_size  }
0x9a: {  	s5 =	simm.s32 $_size__tile_overlayer_lowered;
	s6 =	simm.s32 $_tile_overlayer_lowered  }
0x9b: {  	s7 =	simm.s32 $0x1BFF;
	s21 =	sshll.u32 s6, $0x1;
	s4 =	sadd.s32 s4, s20  }
0x9c: {  	s22 =	simm.s32 $0x0;
	s5 =	sshll.u32 s5, $0x1;
	s6 =	sadd.s32 s21, s4  }
0x9d: {  	[timem:s22], [sflag:s7] =	dma.local [hbm:s6], s5  }
0x9e: {  	_ =	swait.ge [sflag:s7], s5  }
0x9f: {  	s5 =	ssub.s32 $0x0, s5;
	[sflag:s7] =	ssyncset.done $0x0  }
0xa0: {  	[sflag:s7] =	ssyncadd.s32 s5;
	_ =	sdelay $0x1  }
0xa1: {  	s23 =	simm.s32 $0x1B8B  }
0xa2: {  	_ =	swait.ge [sflag:s23], $0x1  }
0xa3: {  	[sflag:s23] =	ssyncset.done $0x0  }
0xa4: {  	[sflag:s23] =	ssyncadd.s32 $0xFFFFFFFF  }
0xa5: {  	s5 =	sld [smem:$0x0]  }
0xa6: {  	s6 =	sand.u32 $0xFFFFFFFE, s1  }
0xa7: {  	p0 =	sne.s32 s1, s6  }
0xa8: {  	s6 =	sshll.u32 @p0 s6, $0xE  }
0xa9: {  	s6 =	sadd.s32 @p0 $0x11B8D, s6;
	s7 =	sshll.u32 @p0 s5, $0x11  }
0xaa: {  	s6 =	sor.u32 @p0 s7, s6  }
0xab: {  	[sflag:s6] =	ssyncadd.remote.s32 @p0 $0x1;
	_ =	sdelay $0x1  }
0xac: {  	s6 =	simm.s32 @p0 $0x1B8D  }
0xad: {  	_ =	swait.eq @p0 [sflag:s6], $0x1  }
0xae: {  	[sflag:s6] =	ssyncadd.s32 @p0 $0xFFFFFFFF  }
0xaf: {  	s7 =	sshll.u32 @!p0 s1, $0xE  }
0xb0: {  	s7 =	sor.u32 @!p0 $0x4000, s7;
	s6 =	simm.s32 @!p0 $0x1B8D  }
0xb1: {  	s5 =	sshll.u32 @!p0 s5, $0x11;
	s7 =	sadd.s32 @!p0 $0x11B8D, s7;
	_ =	swait.eq @!p0 [sflag:s6], $0x1  }
0xb2: {  	s5 =	sor.u32 @!p0 s5, s7;
	[sflag:s6] =	ssyncadd.s32 @!p0 $0xFFFFFFFF  }
0xb3: {  	s25 =	simm.s32 $0x1B8E;
	s24 =	sld [smem:$0x3FFE];
	[sflag:s5] =	ssyncadd.remote.s32 @!p0 $0x1  }
0xb4: {  	s26 =	simm.s32 $execute0_lowered;
	[smem:$0x3FD2] =	sst s25  }
0xb5: {  	s6 =	sshll.u32 s26, $0x1;
	_ =	strace $0x80000049;
	[dreg:$0x1] =	wrdreg $0xFFFFFFFF  }
0xb6: {  	s28 =	simm.s32 $_size_execute0_lowered;
	s4 =	sadd.s32 s4, s6;
	[dreg:$0x0] =	wrdreg $0x0  }
0xb7: {  	s6 =	sshll.u32 s28, $0x1;
	[dreg:$0x2] =	wrdreg s4  }
0xb8: {  	[dreg:$0x3] =	wrdreg s6  }
0xb9: {  	[dreg:$0x4] =	wrdreg $0xC0  }
0xba: {  	_ =	task [dreg:s22], $0x5FFFF  }
0xbb: {  	[dreg:$0x1] =	wrdreg $0xFFFFFFFF  }
0xbc: {  	[dreg:$0x0] =	wrdreg $0x60  }
0xbd: {  	[dreg:$0x2] =	wrdreg s18  }
0xbe: {  	[dreg:$0x3] =	wrdreg s24  }
0xbf: {  	[dreg:$0x4] =	wrdreg $0xA  }
0xc0: {  	_ =	task.clear_ibuf [dreg:s22], $0x5FFFF;
	_ =	strace $0x90000049  }
0xc1: {  	s29 =	simm.s32 $0xA;
	_ =	strace $0x8000004B  }
0xc2: {  	_ =	swait.ge [sflag:s29], $0x1  }
0xc3: {  	[sflag:s29] =	ssyncadd.s32 $0xFFFFFFFF  }
0xc4: {  	_ =	strace $0x9000004B  }
0xc5: {  	_ =	sfence  }
0xc6: {  	s30 =	sld [smem:$0x0];
	_ =	sdelay $0x2  }
0xc7: {  	s31 =	sshll.u32 s1, $0xD;
	s1 =	sshrl.u32 s1, $0x2  }
0xc8: {  	s4 =	sand.u32 $0x4000, s31;
	s1 =	sadd.s32 s1, s30  }
0xc9: {  	s0 =	sor.u32 s4, s0;
	s1 =	sshll.u32 s1, $0x11  }
0xca: {  	s0 =	sor.u32 s1, s0  }
0xcb: {  	s0 =	sadd.s32 $0x8F2B, s0  }
0xcc: {  	[sflag:s0] =	ssyncadd.remote.s32 $0x1  }
0xcd: {  	_ =	sfence.sel $0xFFFF  }
0xce: {  	[dreg:$0x0] =	wrdreg $0xFFFFFFFF;
	(pc) =	sbr.abs _section_cstart, $3  }
0xcf: {  	[dreg:$0x1] =	wrdreg $0xFFFFFFFF  }
0xd0: {  	_ =	task.clear_ibuf [dreg:s22], $0x2FFFF;
	_ =	strace $0x9FFFFFFF  }
0xd1: {  	(tm) =	ssettm $0x7FFFFFFF  }
tec
execute0_lowered:
.L_overlay_start_1:
0x0: {  	(tag) =	ssettag $0x1  }
0x1: {  	s1 =	srdreg.scid  }
0x2: {  	s0 =	stileid.u32;
	s5 =	rddreg [dreg:$0x0];
	s15 =	sand.u32 $0x1, s1  }
0x3: {  	s6 =	rddreg [dreg:$0x1];
	s2 =	simm.s32 $0x0;
	s1 =	sor.u32 s15, s0  }
0x4: {  	s14 =	simm.s32 $0x6800;
	p1 =	seq.s32 s15, $0x1;
	p0 =	seq.s32 s1, $0x0  }
0x5: {  	[smem:$0x7FF] =	sst s2;
	s3 =	smul.u32 $0x60, s15;
	p0 =	por !p0, !p1  }
0x6: {  	s10 =	ssub.s32 $0x2, s15;
	s1 =	simm.s32 $0x1;
	p0 =	por !p0, !p0  }
0x7: {  	s31 =	smul.u32 $0x6000, s15;
	s28 =	sshrl.u32 s10, $0x1;
	s1 =	simm.s32 @!p0 $0x0  }
0x8: {  	s13 =	smul.u32 $0x1800, s15;
	s10 =	ssub.s32 s10, s28;
	s7 =	ssub.s32 s0, s1  }
0x9: {  	s11 =	sadd.s32 $0x36200, s6;
	s10 =	smax.u32 s10, $0x1;
	s4 =	smul.u32 $0xC8, s7  }
0xa: {  	p0 =	seq.s32 s15, $0x0;
	s1 =	rddreg [dreg:$0x2];
	s12 =	smul.u32 $0x6400, s7  }
0xb: {  	_ =	strace $0x8000004A;
	s30 =	smul.u32 $0xC80, s7;
	s7 =	simm.s32 $0x60  }
0xc: {  	s7 =	simm.s32 @!p0 $0x64;
	p0 =	sne.s32 s15, $0x0;
	s15 =	simm.s32 $0x0  }
0xd: {  	s4 =	sadd.s32 s3, s4;
	s3 =	simm.s32 $0x1;
	s29 =	sadd.s32 $0x3000, s12  }
0xe: {  	v0 =	vlaneseq.u32;
	s12 =	sshrl.u32 s31, $0x2;
	s8 =	sshll.u32 s4, $0x4;
	s4 =	sadd.s32 $0x1CA00, s6  }
0xf: {  	v0 =	vmul.u32 $0xFFFFFFFF, v0;
	s9 =	sadd.s32 s8, s6;
	s5 =	sadd.s32 s5, s8;
	s8 =	sshrl.u32 s29, $0x3  }
0x10: {  	s12 =	sadd.s32 $0x6820, s12;
	s6 =	sadd.s32 $0x29A00, s9;
	s8 =	sadd.s32 s11, s8  }
0x11: {  	vm0 =	vmmov $0x1ff;
	v0 =	vadd.s32 $0xF, v0;
	s9 =	sadd.s32 s11, s30;
	s11 =	sor.u32 $0x40, s13;
	s13 =	simm.s32 $0x3400  }
.LBB2_1:
0x12: {  	[tilespmem:s2], [sflag:$0x1] =	stream.linear.gather [hbm4b:s5+s2], $0x3400, $0x38;
	[tilespmem:$0xCD00] =	vst v63  }
0x13: {  	_ =	swait.ge [sflag:s3], $0x3400  }
0x14: {  	[sflag:s3] =	ssyncset.done $0x0  }
0x15: {  	[sflag:s3] =	ssyncadd.s32 $0xFFFFCC00  }
0x16: {  	[tilespmem:s13], [sflag:$0x1] =	stream.linear.gather [hbm4b:s6+s2], $0x3400, $0x38;
	[tilespmem:$0xCD00] =	vst v63  }
0x17: {  	_ =	swait.ge [sflag:s3], $0x3400  }
0x18: {  	[sflag:s3] =	ssyncset.done $0x0  }
0x19: {  	[sflag:s3] =	ssyncadd.s32 $0xFFFFCC00  }
0x1a: {  	[tilespmem:s14], [sflag:$0x1] =	stream.linear.gather [hbm4b:s4+s2], $0x3100, $0x38;
	[tilespmem:$0xCD00] =	vst v63  }
0x1b: {  	_ =	swait.ge [sflag:s3], $0x3100  }
0x1c: {  	[sflag:s3] =	ssyncset.done $0x0  }
0x1d: {  	[sflag:s3] =	ssyncadd.s32 $0xFFFFCF00  }
0x1e: {  	v1 =	vld [tilespmem:s12+$0x0]  }
0x1f: {  	v2 =	vld [tilespmem:s12+$0xFFFFFFF0]  }
0x20: {  	v3 =	vld [tilespmem:s12+$0xFFFFFFE0];
	_ =	sdelay $0x3  }
0x21: {  	vm4 =	vgt.s32 v2, $0x0;
	vm2 =	vlt.s32 v2, $0x80  }
0x22: {  	vm3 =	vlt.s32 v1, $0x80;
	vm1 =	vlt.s32 v3, $0x80;
	vm5 =	vgt.s32 v3, $0x0  }
0x23: {  	vm15 =	vgt.s32 v1, $0x0;
	v4 =	vnsel vm4, $0x0, v2;
	v6 =	vnsel vm5, $0x0, v3  }
0x24: {  	v7 =	vnsel vm15, $0x0, v1;
	v5 =	vadd.s32 $0xFFFFFF80, v4;
	v4 =	vnsel vm2, $0x0, v4  }
0x25: {  	v10 =	vadd.s32 $0xFFFFFF80, v7;
	v7 =	vnsel vm3, $0x0, v7;
	v12 =	vadd.s32 $0xFFFFFF80, v6  }
0x26: {  	v6 =	vnsel vm1, $0x0, v6;
	v5 =	vsel vm2, $0x0, v5;
	v8 =	vand.u32 $0x7FFFFF80, v4  }
0x27: {  	v10 =	vsel vm3, $0x0, v10;
	v4 =	vand.u32 $0x7F, v4;
	v11 =	vand.u32 $0x7F, v7  }
0x28: {  	s16 =	simm.s32 $0x0;
	v7 =	vand.u32 $0x7FFFFF80, v7;
	v12 =	vsel vm1, $0x0, v12;
	v24 =	vand.u32 $0x7FFFFF80, v6  }
0x29: {  	v9 =	vand.u32 $0x7F, v5;
	v8 =	vadd.s32 s16, v8;
	v5 =	vand.u32 $0xFFFFFF80, v5  }
0x2a: {  	v13 =	vand.u32 $0xFFFFFF80, v10;
	v7 =	vadd.s32 s16, v7;
	v4 =	vor.u32 v4, v8  }
0x2b: {  	v19 =	vand.u32 $0x7F, v10;
	v20 =	vadd.s32 s16, v13;
	v7 =	vor.u32 v11, v7  }
0x2c: {  	v6 =	vand.u32 $0x7F, v6;
	v5 =	vadd.s32 s16, v5;
	v8 =	vor.u32 v19, v20  }
0x2d: {  	v25 =	vld [tilespmem:s12+$0x10];
	v21 =	vand.u32 $0xFFFFFF80, v12;
	v26 =	vadd.s32 s16, v24;
	v5 =	vor.u32 v9, v5  }
0x2e: {  	v22 =	vand.u32 $0x7F, v12;
	v23 =	vadd.s32 s16, v21;
	v6 =	vor.u32 v6, v26  }
0x2f: {  	v10 =	vor.u32 v22, v23;
	v4 =	vld.idx.msk [tilespmem:v4+s2+$0x0], $0xffff  }
0x30: {  	v7 =	vld.idx.msk [tilespmem:v7+s2+$0x0], $0xffff  }
0x31: {  	v8 =	vld.idx.msk [tilespmem:v8+s13+$0x0], $0xffff  }
0x32: {  	vm8 =	vgt.s32 v25, $0x0;
	v5 =	vld.idx.msk [tilespmem:v5+s13+$0x0], $0xffff  }
0x33: {  	vm9 =	vlt.s32 v25, $0x80;
	v27 =	vnsel vm8, $0x0, v25;
	v6 =	vld.idx.msk [tilespmem:v6+s2+$0x0], $0xffff  }
0x34: {  	vm10 =	vgt.s32 v2, $0xFFFFFFFF;
	vm6 =	vgt.s32 v1, $0xFFFFFFFF;
	v28 =	vnsel vm9, $0x0, v27;
	v10 =	vld.idx.msk [tilespmem:v10+s13+$0x0], $0xffff  }
0x35: {  	v29 =	vand.u32 $0x7FFFFF80, v28;
	v12 =	vand.u32 $0x7F, v28;
	v11 =	vadd.s32 $0xFFFFFF80, v27  }
0x36: {  	v13 =	vadd.s32 s16, v29;
	v11 =	vsel vm9, $0x0, v11;
	v7 =	vsel vm3, v7, v8  }
0x37: {  	v30 =	vand.u32 $0xFFFFFF80, v11;
	v4 =	vsel vm2, v4, v5;
	v31 =	vnsel vm6, $0xF149F2CA, v7  }
0x38: {  	v32 =	vand.u32 $0x7F, v11;
	v8 =	vadd.s32 s16, v30;
	v4 =	vnsel vm10, $0xF149F2CA, v4;
	(xrf1) =	vsort.dscd.msk.f32 $0xffff, v31, v1  }
0x39: {  	vm2 =	vgt.s32 v3, $0xFFFFFFFF;
	v33 =	vsel vm1, v6, v10;
	v1 =	vor.u32 v32, v8;
	(xrf1) =	vsort.dscd.msk.f32 $0xffff, v4, v2  }
0x3a: {  	v34 =	vnsel vm2, $0xF149F2CA, v33;
	v2 =	vor.u32 v12, v13  }
0x3b: {  	(xrf1) =	vsort.dscd.msk.f32 $0xffff, v34, v3;
	_ =	sdelay $0x2  }
0x3c: {  	v1 =	vld.idx.msk [tilespmem:v1+s13+$0x0], $0xffff  }
0x3d: {  	v2 =	vld.idx.msk [tilespmem:v2+s2+$0x0], $0xffff;
	_ =	sdelay $0x4  }
0x3e: {  	vm1 =	vgt.s32 v25, $0xFFFFFFFF;
	v1 =	vsel vm9, v2, v1  }
0x3f: {  	v1 =	vnsel vm1, $0xF149F2CA, v1  }
0x40: {  	v1 =	vperm.xlane v1, v0;
	v2, v3, _ =	vpop (xrf1)  }
0x41: {  	v35 =	vperm.xlane v25, v0;
	v36, v6, _ =	vpop (xrf1)  }
0x42: {  	vm1 =	vge.f32 v2, v1;
	v5 =	vperm.xlane v36, v0  }
0x43: {  	v1 =	vsel vm1, v2, v1;
	v2 =	vsel vm1, v3, v35;
	v3 =	vperm.xlane v6, v0;
	v37, v38, _ =	vpop (xrf1)  }
0x44: {  	(xrf1) =	vsort.dscd.msk.f32 $0xffff, v1, v2;
	vm1 =	vge.f32 v37, v5  }
0x45: {  	v1 =	vsel vm1, v37, v5;
	v2 =	vsel vm1, v38, v3  }
0x46: {  	(xrf1) =	vsort.dscd.msk.f32 $0xffff, v1, v2;
	_ =	sdelay $0xb  }
0x47: {  	v1, v2, _ =	vpop (xrf1)  }
0x48: {  	v1 =	vperm.xlane v1, v0  }
0x49: {  	v2 =	vperm.xlane v2, v0;
	v3, v39, _ =	vpop (xrf1)  }
0x4a: {  	vm1 =	vge.f32 v3, v1  }
0x4b: {  	v1 =	vsel vm1, v3, v1;
	v2 =	vsel vm1, v39, v2  }
0x4c: {  	(xrf1) =	vsort.dscd.msk.f32 $0xffff, v1, v2;
	_ =	sdelay $0xd  }
0x4d: {  	_, v1, _ =	vpop (xrf1)  }
0x4e: {  	v1 =	vnsel vm0, $0x40000000, v1  }
0x4f: {  	v2 =	vxor.u32 $0x80000000, v1  }
0x50: {  	(xrf1) =	vsort.ascd.msk.u32 $0xffff, v2, v1;
	_ =	sdelay $0xd  }
0x51: {  	v1, _, _ =	vpop (xrf1)  }
0x52: {  	s16 =	simm.s32 $0x9980;
	v1 =	vxor.u32 $0x80000000, v1  }
0x53: {  	s17 =	sor.u32 $0x50, s11;
	[tilespmem:s16+$0xFFFFFF80] =	vst v1  }
0x54: {  	s30 =	sor.u32 $0x60, s11;
	v1 =	vld [tilespmem:s17+$0x6800]  }
0x55: {  	v2 =	vld [tilespmem:s30+$0x6800]  }
0x56: {  	v41 =	vld [tilespmem:s12+$0x20];
	_ =	sdelay $0x3  }
0x57: {  	vm1 =	vgt.s32 v1, $0x0;
	vm2 =	vgt.s32 v2, $0x0  }
0x58: {  	vm11 =	vgt.s32 v41, $0x0;
	vm3 =	vlt.s32 v41, $0x80;
	v3 =	vnsel vm1, $0x0, v1  }
0x59: {  	vm1 =	vlt.s32 v1, $0x80;
	v40 =	vnsel vm2, $0x0, v2;
	vm2 =	vlt.s32 v2, $0x80  }
0x5a: {  	v48 =	vnsel vm11, $0x0, v41;
	v42 =	vadd.s32 $0xFFFFFF80, v3;
	v43 =	vadd.s32 $0xFFFFFF80, v40  }
0x5b: {  	v4 =	vnsel vm2, $0x0, v40;
	v3 =	vnsel vm1, $0x0, v3;
	v49 =	vadd.s32 $0xFFFFFF80, v48  }
0x5c: {  	v51 =	vnsel vm3, $0x0, v48;
	v6 =	vsel vm1, $0x0, v42;
	v7 =	vsel vm2, $0x0, v43  }
0x5d: {  	v45 =	vand.u32 $0x7FFFFF80, v4;
	v47 =	vand.u32 $0x7FFFFF80, v3;
	v3 =	vand.u32 $0x7F, v3  }
0x5e: {  	s31 =	simm.s32 $0x80;
	v4 =	vand.u32 $0x7F, v4;
	v44 =	vand.u32 $0xFFFFFF80, v6;
	v46 =	vand.u32 $0xFFFFFF80, v7  }
0x5f: {  	v7 =	vand.u32 $0x7F, v7;
	v9 =	vadd.s32 s31, v45;
	v6 =	vand.u32 $0x7F, v6  }
0x60: {  	v8 =	vadd.s32 s31, v44;
	v10 =	vadd.s32 s31, v46;
	v4 =	vor.u32 v4, v9  }
0x61: {  	v7 =	vor.u32 v7, v10;
	v10 =	vadd.s32 s31, v47;
	v6 =	vor.u32 v6, v8  }
0x62: {  	s18 =	sor.u32 $0x70, s11;
	v50 =	vsel vm3, $0x0, v49;
	v11 =	vand.u32 $0x7FFFFF80, v51;
	v3 =	vor.u32 v3, v10  }
0x63: {  	v53 =	vld [tilespmem:s18+$0x6800];
	v52 =	vand.u32 $0xFFFFFF80, v50;
	v11 =	vadd.s32 s31, v11;
	v8 =	vand.u32 $0x7F, v51  }
0x64: {  	v9 =	vadd.s32 s31, v52;
	v10 =	vand.u32 $0x7F, v50;
	v8 =	vor.u32 v8, v11  }
0x65: {  	v9 =	vor.u32 v10, v9;
	v4 =	vld.idx.msk [tilespmem:v4+s2+$0x0], $0xffff  }
0x66: {  	v6 =	vld.idx.msk [tilespmem:v6+s13+$0x0], $0xffff  }
0x67: {  	v3 =	vld.idx.msk [tilespmem:v3+s2+$0x0], $0xffff  }
0x68: {  	vm12 =	vgt.s32 v53, $0x0;
	v7 =	vld.idx.msk [tilespmem:v7+s13+$0x0], $0xffff  }
0x69: {  	vm13 =	vlt.s32 v53, $0x80;
	v54 =	vnsel vm12, $0x0, v53;
	v8 =	vld.idx.msk [tilespmem:v8+s2+$0x0], $0xffff  }
0x6a: {  	vm14 =	vgt.s32 v2, $0xFFFFFFFF;
	v55 =	vnsel vm13, $0x0, v54;
	v10 =	vadd.s32 $0xFFFFFF80, v54;
	v9 =	vld.idx.msk [tilespmem:v9+s13+$0x0], $0xffff  }
0x6b: {  	vm15 =	vgt.s32 v1, $0xFFFFFFFF;
	v56 =	vand.u32 $0x7FFFFF80, v55;
	v10 =	vsel vm13, $0x0, v10  }
0x6c: {  	v57 =	vand.u32 $0x7F, v55;
	v58 =	vand.u32 $0xFFFFFF80, v10;
	v3 =	vsel vm1, v3, v6  }
0x6d: {  	v59 =	vadd.s32 s31, v58;
	v4 =	vsel vm2, v4, v7;
	v3 =	vnsel vm15, $0xF149F2CA, v3  }
0x6e: {  	v4 =	vnsel vm14, $0xF149F2CA, v4;
	v6 =	vadd.s32 s31, v56;
	vm1 =	vgt.s32 v41, $0xFFFFFFFF;
	(xrf1) =	vsort.dscd.msk.f32 $0xffff, v3, v1  }
0x6f: {  	v1 =	vor.u32 v57, v6;
	v3 =	vand.u32 $0x7F, v10;
	(xrf1) =	vsort.dscd.msk.f32 $0xffff, v4, v2;
	v2 =	vsel vm3, v8, v9  }
0x70: {  	v3 =	vor.u32 v3, v59;
	v2 =	vnsel vm1, $0xF149F2CA, v2  }
0x71: {  	(xrf1) =	vsort.dscd.msk.f32 $0xffff, v2, v41;
	_ =	sdelay $0x2  }
0x72: {  	v1 =	vld.idx.msk [tilespmem:v1+s2+$0x0], $0xffff  }
0x73: {  	v2 =	vld.idx.msk [tilespmem:v3+s13+$0x0], $0xffff;
	_ =	sdelay $0x4  }
0x74: {  	vm1 =	vgt.s32 v53, $0xFFFFFFFF;
	v1 =	vsel vm13, v1, v2  }
0x75: {  	v1 =	vnsel vm1, $0xF149F2CA, v1  }
0x76: {  	v1 =	vperm.xlane v1, v0;
	v2, v3, _ =	vpop (xrf1)  }
0x77: {  	v61 =	vperm.xlane v53, v0;
	v4, v60, _ =	vpop (xrf1)  }
0x78: {  	v2 =	vperm.xlane v2, v0;
	vm1 =	vge.f32 v4, v1  }
0x79: {  	v3 =	vperm.xlane v3, v0;
	v1 =	vsel vm1, v4, v1;
	v62 =	vsel vm1, v60, v61;
	v5, v6, _ =	vpop (xrf1)  }
0x7a: {  	vm1 =	vge.f32 v5, v2;
	(xrf1) =	vsort.dscd.msk.f32 $0xffff, v1, v62  }
0x7b: {  	v1 =	vsel vm1, v5, v2;
	v2 =	vsel vm1, v6, v3  }
0x7c: {  	(xrf1) =	vsort.dscd.msk.f32 $0xffff, v1, v2;
	_ =	sdelay $0xb  }
0x7d: {  	v1, v2, _ =	vpop (xrf1)  }
0x7e: {  	v1 =	vperm.xlane v1, v0  }
0x7f: {  	v2 =	vperm.xlane v2, v0;
	v3, v63, _ =	vpop (xrf1)  }
0x80: {  	vm1 =	vge.f32 v3, v1  }
0x81: {  	v1 =	vsel vm1, v3, v1;
	v2 =	vsel vm1, v63, v2  }
0x82: {  	(xrf1) =	vsort.dscd.msk.f32 $0xffff, v1, v2;
	_ =	sdelay $0x9  }
0x83: {  	p1 =	sne.s32 s7, $0x2  }
.Ltmp0:
0x84: {  	_ = 	snop;
	(pc) =	sbr.rel @!p1 .LBB2_3-.Ltmp0, $3  }
0x85: {  	_ =	sdelay $0x1  }
0x86: {  	s19 =	simm.s32 $0x9980;
	_, v1, _ =	vpop (xrf1)  }
0x87: {  	s20 =	smov.u32 s11;
	s17 =	simm.s32 $0x2;
	s18 =	sadd.s32 $0x80, s12;
	v1 =	vnsel vm0, $0x40000000, v1  }
.LBB2_2:
0x88: {  	s19 =	sadd.s32 $0x100, s19  }
0x89: {  	v2 =	vxor.u32 $0x80000000, v1;
	s20 =	sadd.s32 $0x80, s20;
	s21 =	smov.u32 s17;
	s17 =	sadd.s32 $0x2, s17  }
0x8a: {  	p1 =	sne.s32 s7, s17;
	(xrf1) =	vsort.ascd.msk.u32 $0xffff, v2, v1;
	_ =	sdelay $0xd  }
0x8b: {  	v1, _, _ =	vpop (xrf1)  }
0x8c: {  	v1 =	vxor.u32 $0x80000000, v1  }
0x8d: {  	[tilespmem:s16+$0x0] =	vst v1;
	s16 =	smov.u32 s19  }
0x8e: {  	v1 =	vld [tilespmem:s18+$0x0]  }
0x8f: {  	v2 =	vld [tilespmem:s18+$0xFFFFFFF0]  }
0x90: {  	v3 =	vld [tilespmem:s18+$0xFFFFFFE0];
	_ =	sdelay $0x3  }
0x91: {  	vm3 =	vlt.s32 v1, $0x80;
	vm4 =	vgt.s32 v2, $0x0;
	vm2 =	vlt.s32 v2, $0x80  }
0x92: {  	vm1 =	vlt.s32 v3, $0x80;
	v4 =	vnsel vm4, $0x0, v2;
	vm4 =	vgt.s32 v1, $0x0  }
0x93: {  	vm5 =	vgt.s32 v3, $0x0;
	v5 =	vnsel vm2, $0x0, v4;
	v4 =	vadd.s32 $0xFFFFFF80, v4  }
0x94: {  	v6 =	vnsel vm5, $0x0, v3;
	v7 =	vnsel vm4, $0x0, v1;
	v4 =	vsel vm2, $0x0, v4  }
0x95: {  	s21 =	sshll.u32 s21, $0x7;
	v8 =	vand.u32 $0x7FFFFF80, v5;
	v10 =	vadd.s32 $0xFFFFFF80, v7;
	v9 =	vand.u32 $0x7F, v4  }
0x96: {  	v7 =	vnsel vm3, $0x0, v7;
	v8 =	vadd.s32 s21, v8;
	v10 =	vsel vm3, $0x0, v10  }
0x97: {  	v5 =	vand.u32 $0x7F, v5;
	v4 =	vand.u32 $0xFFFFFF80, v4;
	v11 =	vand.u32 $0x7F, v7  }
0x98: {  	v12 =	vadd.s32 $0xFFFFFF80, v6;
	v7 =	vand.u32 $0x7FFFFF80, v7;
	v13 =	vand.u32 $0xFFFFFF80, v10  }
0x99: {  	v12 =	vsel vm1, $0x0, v12;
	v5 =	vor.u32 v5, v8;
	v8 =	vand.u32 $0x7F, v10  }
0x9a: {  	v4 =	vadd.s32 s21, v4;
	v7 =	vadd.s32 s21, v7;
	v10 =	vadd.s32 s21, v13  }
0x9b: {  	v13 =	vand.u32 $0xFFFFFF80, v12;
	v7 =	vor.u32 v11, v7;
	v8 =	vor.u32 v8, v10  }
0x9c: {  	v6 =	vnsel vm1, $0x0, v6;
	v10 =	vand.u32 $0x7F, v12;
	v11 =	vadd.s32 s21, v13  }
0x9d: {  	v4 =	vor.u32 v9, v4;
	v12 =	vand.u32 $0x7FFFFF80, v6;
	v10 =	vor.u32 v10, v11;
	v9 =	vld [tilespmem:s18+$0x10]  }
0x9e: {  	v6 =	vand.u32 $0x7F, v6;
	v11 =	vadd.s32 s21, v12;
	v5 =	vld.idx.msk [tilespmem:v5+s2+$0x0], $0xffff  }
0x9f: {  	v6 =	vor.u32 v6, v11  }
0xa0: {  	v7 =	vld.idx.msk [tilespmem:v7+s2+$0x0], $0xffff  }
0xa1: {  	v8 =	vld.idx.msk [tilespmem:v8+s13+$0x0], $0xffff  }
0xa2: {  	v4 =	vld.idx.msk [tilespmem:v4+s13+$0x0], $0xffff;
	vm4 =	vgt.s32 v9, $0x0  }
0xa3: {  	v10 =	vld.idx.msk [tilespmem:v10+s13+$0x0], $0xffff;
	v11 =	vnsel vm4, $0x0, v9;
	vm4 =	vlt.s32 v9, $0x80  }
0xa4: {  	vm5 =	vgt.s32 v2, $0xFFFFFFFF;
	v6 =	vld.idx.msk [tilespmem:v6+s2+$0x0], $0xffff;
	v12 =	vnsel vm4, $0x0, v11;
	v11 =	vadd.s32 $0xFFFFFF80, v11  }
0xa5: {  	vm6 =	vgt.s32 v1, $0xFFFFFFFF;
	v13 =	vand.u32 $0x7FFFFF80, v12;
	v11 =	vsel vm4, $0x0, v11  }
0xa6: {  	v12 =	vand.u32 $0x7F, v12;
	v13 =	vadd.s32 s21, v13;
	v14 =	vand.u32 $0xFFFFFF80, v11  }
0xa7: {  	v7 =	vsel vm3, v7, v8;
	v8 =	vand.u32 $0x7F, v11;
	v11 =	vadd.s32 s21, v14  }
0xa8: {  	v4 =	vsel vm2, v5, v4;
	v5 =	vnsel vm6, $0xF149F2CA, v7;
	v7 =	vor.u32 v8, v11  }
0xa9: {  	v4 =	vnsel vm5, $0xF149F2CA, v4;
	v8 =	vor.u32 v12, v13;
	(xrf1) =	vsort.dscd.msk.f32 $0xffff, v5, v1  }
0xaa: {  	vm2 =	vgt.s32 v3, $0xFFFFFFFF;
	v1 =	vsel vm1, v6, v10;
	(xrf1) =	vsort.dscd.msk.f32 $0xffff, v4, v2  }
0xab: {  	v1 =	vnsel vm2, $0xF149F2CA, v1  }
0xac: {  	(xrf1) =	vsort.dscd.msk.f32 $0xffff, v1, v3  }
0xad: {  	v1 =	vld.idx.msk [tilespmem:v7+s13+$0x0], $0xffff  }
0xae: {  	v2 =	vld.idx.msk [tilespmem:v8+s2+$0x0], $0xffff;
	_ =	sdelay $0x5  }
0xaf: {  	vm1 =	vgt.s32 v9, $0xFFFFFFFF;
	v1 =	vsel vm4, v2, v1  }
0xb0: {  	v1 =	vnsel vm1, $0xF149F2CA, v1  }
0xb1: {  	v1 =	vperm.xlane v1, v0  }
0xb2: {  	v2 =	vperm.xlane v9, v0;
	v3, v4, _ =	vpop (xrf1)  }
0xb3: {  	vm1 =	vge.f32 v3, v1;
	v5, v6, _ =	vpop (xrf1)  }
0xb4: {  	v5 =	vperm.xlane v5, v0;
	v1 =	vsel vm1, v3, v1;
	v2 =	vsel vm1, v4, v2  }
0xb5: {  	v3 =	vperm.xlane v6, v0;
	v4, v6, _ =	vpop (xrf1);
	(xrf1) =	vsort.dscd.msk.f32 $0xffff, v1, v2  }
0xb6: {  	vm1 =	vge.f32 v4, v5  }
0xb7: {  	v1 =	vsel vm1, v4, v5;
	v2 =	vsel vm1, v6, v3  }
0xb8: {  	(xrf1) =	vsort.dscd.msk.f32 $0xffff, v1, v2;
	_ =	sdelay $0xa  }
0xb9: {  	v1, v2, _ =	vpop (xrf1);
	_ =	sdelay $0x1  }
0xba: {  	v1 =	vperm.xlane v1, v0  }
0xbb: {  	v2 =	vperm.xlane v2, v0;
	v3, v4, _ =	vpop (xrf1)  }
0xbc: {  	vm1 =	vge.f32 v3, v1  }
0xbd: {  	v1 =	vsel vm1, v3, v1;
	v2 =	vsel vm1, v4, v2  }
0xbe: {  	(xrf1) =	vsort.dscd.msk.f32 $0xffff, v1, v2;
	_ =	sdelay $0xd  }
0xbf: {  	_, v1, _ =	vpop (xrf1)  }
0xc0: {  	v1 =	vnsel vm0, $0x40000000, v1  }
0xc1: {  	v2 =	vxor.u32 $0x80000000, v1  }
0xc2: {  	(xrf1) =	vsort.ascd.msk.u32 $0xffff, v2, v1;
	_ =	sdelay $0xd  }
0xc3: {  	v1, _, _ =	vpop (xrf1)  }
0xc4: {  	v1 =	vxor.u32 $0x80000000, v1  }
0xc5: {  	s22 =	sor.u32 $0x50, s20;
	[tilespmem:s19+$0xFFFFFF80] =	vst v1  }
0xc6: {  	v1 =	vld [tilespmem:s22+$0x6800];
	s22 =	sor.u32 $0x60, s20  }
0xc7: {  	v2 =	vld [tilespmem:s22+$0x6800];
	_ =	sdelay $0x3  }
0xc8: {  	vm1 =	vgt.s32 v1, $0x0  }
0xc9: {  	v3 =	vnsel vm1, $0x0, v1;
	vm1 =	vlt.s32 v1, $0x80;
	vm2 =	vgt.s32 v2, $0x0  }
0xca: {  	v4 =	vld [tilespmem:s18+$0x20];
	v5 =	vadd.s32 $0xFFFFFF80, v3;
	v6 =	vnsel vm2, $0x0, v2;
	vm2 =	vlt.s32 v2, $0x80  }
0xcb: {  	v5 =	vsel vm1, $0x0, v5;
	v7 =	vnsel vm2, $0x0, v6;
	v6 =	vadd.s32 $0xFFFFFF80, v6  }
0xcc: {  	s21 =	sadd.s32 $0x80, s21;
	v8 =	vand.u32 $0xFFFFFF80, v5;
	v9 =	vand.u32 $0x7FFFFF80, v7;
	v6 =	vsel vm2, $0x0, v6  }
0xcd: {  	v8 =	vadd.s32 s21, v8;
	v9 =	vadd.s32 s21, v9;
	v10 =	vand.u32 $0xFFFFFF80, v6  }
0xce: {  	v7 =	vand.u32 $0x7F, v7;
	v6 =	vand.u32 $0x7F, v6;
	v10 =	vadd.s32 s21, v10  }
0xcf: {  	v3 =	vnsel vm1, $0x0, v3;
	v7 =	vor.u32 v7, v9;
	v6 =	vor.u32 v6, v10  }
0xd0: {  	v9 =	vand.u32 $0x7FFFFF80, v3;
	vm4 =	vgt.s32 v4, $0x0;
	vm3 =	vlt.s32 v4, $0x80  }
0xd1: {  	v3 =	vand.u32 $0x7F, v3;
	v9 =	vadd.s32 s21, v9;
	v10 =	vnsel vm4, $0x0, v4  }
0xd2: {  	v5 =	vand.u32 $0x7F, v5;
	v3 =	vor.u32 v3, v9;
	v11 =	vadd.s32 $0xFFFFFF80, v10  }
0xd3: {  	v5 =	vor.u32 v5, v8;
	v9 =	vnsel vm3, $0x0, v10;
	v10 =	vsel vm3, $0x0, v11  }
0xd4: {  	v8 =	vand.u32 $0x7FFFFF80, v9;
	v9 =	vand.u32 $0x7F, v9;
	v11 =	vand.u32 $0xFFFFFF80, v10;
	v6 =	vld.idx.msk [tilespmem:v6+s13+$0x0], $0xffff  }
0xd5: {  	s22 =	sor.u32 $0x70, s20;
	v8 =	vadd.s32 s21, v8;
	v10 =	vand.u32 $0x7F, v10;
	v11 =	vadd.s32 s21, v11  }
0xd6: {  	v8 =	vor.u32 v9, v8;
	v9 =	vor.u32 v10, v11;
	v10 =	vld [tilespmem:s22+$0x6800]  }
0xd7: {  	v3 =	vld.idx.msk [tilespmem:v3+s2+$0x0], $0xffff  }
0xd8: {  	v5 =	vld.idx.msk [tilespmem:v5+s13+$0x0], $0xffff  }
0xd9: {  	v7 =	vld.idx.msk [tilespmem:v7+s2+$0x0], $0xffff;
	_ =	sdelay $0x1  }
0xda: {  	v9 =	vld.idx.msk [tilespmem:v9+s13+$0x0], $0xffff;
	vm4 =	vgt.s32 v10, $0x0  }
0xdb: {  	vm5 =	vgt.s32 v2, $0xFFFFFFFF;
	v8 =	vld.idx.msk [tilespmem:v8+s2+$0x0], $0xffff;
	v11 =	vnsel vm4, $0x0, v10;
	vm4 =	vlt.s32 v10, $0x80  }
0xdc: {  	vm6 =	vgt.s32 v1, $0xFFFFFFFF;
	v12 =	vnsel vm4, $0x0, v11;
	v11 =	vadd.s32 $0xFFFFFF80, v11  }
0xdd: {  	v3 =	vsel vm1, v3, v5;
	v5 =	vand.u32 $0x7FFFFF80, v12;
	v11 =	vsel vm4, $0x0, v11  }
0xde: {  	v3 =	vnsel vm6, $0xF149F2CA, v3;
	v6 =	vsel vm2, v7, v6;
	v7 =	vand.u32 $0x7F, v12  }
0xdf: {  	v6 =	vnsel vm5, $0xF149F2CA, v6;
	v5 =	vadd.s32 s21, v5;
	v12 =	vand.u32 $0xFFFFFF80, v11;
	(xrf1) =	vsort.dscd.msk.f32 $0xffff, v3, v1  }
0xe0: {  	v1 =	vor.u32 v7, v5;
	v3 =	vand.u32 $0x7F, v11;
	v5 =	vadd.s32 s21, v12;
	(xrf1) =	vsort.dscd.msk.f32 $0xffff, v6, v2  }
0xe1: {  	vm1 =	vgt.s32 v4, $0xFFFFFFFF;
	v2 =	vsel vm3, v8, v9;
	v3 =	vor.u32 v3, v5  }
0xe2: {  	v2 =	vnsel vm1, $0xF149F2CA, v2  }
0xe3: {  	(xrf1) =	vsort.dscd.msk.f32 $0xffff, v2, v4;
	_ =	sdelay $0x1  }
0xe4: {  	v1 =	vld.idx.msk [tilespmem:v1+s2+$0x0], $0xffff  }
0xe5: {  	v2 =	vld.idx.msk [tilespmem:v3+s13+$0x0], $0xffff;
	_ =	sdelay $0x5  }
0xe6: {  	vm1 =	vgt.s32 v10, $0xFFFFFFFF;
	v1 =	vsel vm4, v1, v2  }
0xe7: {  	v1 =	vnsel vm1, $0xF149F2CA, v1;
	v2, v3, _ =	vpop (xrf1)  }
0xe8: {  	v1 =	vperm.xlane v1, v0;
	v4, v5, _ =	vpop (xrf1)  }
0xe9: {  	v7 =	vperm.xlane v10, v0  }
0xea: {  	v2 =	vperm.xlane v2, v0;
	vm1 =	vge.f32 v4, v1  }
0xeb: {  	v3 =	vperm.xlane v3, v0;
	v1 =	vsel vm1, v4, v1;
	v4 =	vsel vm1, v5, v7;
	v5, v6, _ =	vpop (xrf1)  }
0xec: {  	vm1 =	vge.f32 v5, v2;
	(xrf1) =	vsort.dscd.msk.f32 $0xffff, v1, v4  }
0xed: {  	v1 =	vsel vm1, v5, v2;
	v2 =	vsel vm1, v6, v3  }
0xee: {  	(xrf1) =	vsort.dscd.msk.f32 $0xffff, v1, v2;
	_ =	sdelay $0xb  }
0xef: {  	v1, v2, _ =	vpop (xrf1)  }
0xf0: {  	v1 =	vperm.xlane v1, v0  }
0xf1: {  	v2 =	vperm.xlane v2, v0;
	v3, v4, _ =	vpop (xrf1)  }
0xf2: {  	vm1 =	vge.f32 v3, v1  }
0xf3: {  	v1 =	vsel vm1, v3, v1;
	v2 =	vsel vm1, v4, v2  }
0xf4: {  	(xrf1) =	vsort.dscd.msk.f32 $0xffff, v1, v2;
	_ =	sdelay $0xa  }
.Ltmp1:
0xf5: {  	(pc) =	sbr.rel @p1 .LBB2_2-.Ltmp1, $3  }
0xf6: {  	_ =	sdelay $0x1  }
0xf7: {  	_, v1, _ =	vpop (xrf1)  }
0xf8: {  	s18 =	sadd.s32 $0x80, s18;
	v1 =	vnsel vm0, $0x40000000, v1  }
.LBB2_3:
0xf9: {  	v2 =	vxor.u32 $0x80000000, v1  }
0xfa: {  	(xrf1) =	vsort.ascd.msk.u32 $0xffff, v2, v1;
	_ =	sdelay $0xd  }
0xfb: {  	v1, _, _ =	vpop (xrf1)  }
0xfc: {  	v1 =	vxor.u32 $0x80000000, v1  }
0xfd: {  	s17 =	simm.s32 @p0 $0x9900;
	[tilespmem:s16+$0x0] =	vst v1;
	s16 =	simm.s32 @p0 $0x0  }
0xfe: {  	[hbm4b:s8+s16] =	stream.linear.scatter @p0 [tilespmem:s17], [sflag:$0x1], $0x3200, $0x38;
	[tilespmem:$0xCD00] =	vst v63  }
0xff: {  	s16 =	simm.s32 @p0 $0x1  }
0x100: {  	s15 =	sadd.s32 $0x1, s15;
	_ =	swait.ge @p0 [sflag:s16], $0x3200  }
0x101: {  	p1 =	sne.s32 s15, s10;
	[sflag:s16] =	ssyncset.done @p0 $0x0  }
0x102: {  	s17 =	simm.s32 @!p0 $0x9900;
	[sflag:s16] =	ssyncadd.s32 @p0 $0xFFFFCE00;
	s16 =	simm.s32 @!p0 $0x0  }
0x103: {  	[hbm4b:s9+s16] =	stream.linear.scatter @!p0 [tilespmem:s17], [sflag:$0x1], $0x3000, $0x38;
	[tilespmem:$0xCD00] =	vst v63  }
.Ltmp2:
0x104: {  	_ = 	snop;
	(pc) =	sbr.rel @p1 .LBB2_1-.Ltmp2, $4  }
0x105: {  	s16 =	simm.s32 @!p0 $0x1  }
0x106: {  	_ =	swait.ge @!p0 [sflag:s16], $0x3000  }
0x107: {  	[sflag:s16] =	ssyncset.done @!p0 $0x0  }
0x108: {  	[sflag:s16] =	ssyncadd.s32 @!p0 $0xFFFFD000  }
0x109: {  	_ =	sfence.sel $0x180000  }
0x10a: {  	[bflag:$0x0] =	sbarrier.arrive $0xFFFF  }
0x10b: {  	p0 =	sne.s32 s0, $0x0;
	_ =	strace $0x9000004A  }
0x10c: {  	s0 =	sadd.s32 @!p0 $0x100000, s1;
	[bflag:$0x2] =	sbarrier.arrive $0xFFFF  }
0x10d: {  	[sflag:s0] =	ssyncadd.tile.s32 @!p0 $0x1;
	_ =	shalt  }
.Lfunc_end2:
_tile_overlayer_lowered:
.L_overlay_start_2:
0x10e: {  	(tag) =	ssettag $0x2  }
0x10f: {  	s0 =	rddreg [dreg:$0x0];
	s2 =	stileid.u32  }
0x110: {  	s1 =	rddreg [dreg:$0x1];
	p0 =	sne.s32 s2, $0x0  }
0x111: {  	s3 =	rddreg [dreg:$0x2];
	[bflag:$0x3] =	sbarrier.arrive $0xFFFF;
	s2 =	simm.s32 @!p0 $0x1C01  }
0x112: {  	[timem:s3], [sflag:s2] =	dma.local @!p0 [hbm:s0], s1  }
0x113: {  	s0 =	simm.s32 @!p0 $0x1  }
0x114: {  	_ =	swait.ge @!p0 [sflag:s0], s1  }
0x115: {  	s1 =	ssub.s32 @!p0 $0x0, s1;
	[sflag:s0] =	ssyncset.done @!p0 $0x0  }
0x116: {  	[sflag:s0] =	ssyncadd.s32 @!p0 s1  }
0x117: {  	[bflag:$0x3] =	sbarrier.arrive $0xFFFF  }
0x118: {  	_ =	shalt  }

// kernel: kernel.8.cloned.1.call-start
scs
__scs_entry_jumppad:
0x0: {  	(pc) =	sbr.rel $0x88, $3  }
0x1: {  	(tag) =	ssettag $0x0;
	lr =	simm.s32 $0x1  }
0x2: {  	[smem:$0x3F9F] =	sst lr;
	_ =	strace $0xD0000000  }
0x3: {  	_ = 	snop  }
0x4: {  	_ = 	snop  }
0x5: {  	_ = 	snop  }
0x6: {  	_ = 	snop  }
0x7: {  	_ = 	snop  }
__scs_overlays_trampoline_lowered:
0x8: {  	[smem:$0x3FAE] =	sst s0  }
0x9: {  	[smem:$0x3FAF] =	sst s1  }
0xa: {  	[smem:$0x3FB0] =	sst s2  }
0xb: {  	[smem:$0x3FB1] =	sst s3  }
0xc: {  	[smem:$0x3FB2] =	sst s4  }
0xd: {  	[smem:$0x3FB3] =	sst s5  }
0xe: {  	[smem:$0x3FB4] =	sst s6  }
0xf: {  	[smem:$0x3FB5] =	sst s7  }
0x10: {  	[smem:$0x3FB6] =	sst s8  }
0x11: {  	[smem:$0x3FB7] =	sst s9;
	s0 =	simm.s32 @!p0 $0x0  }
0x12: {  	s1 =	sld [smem:$0x3F9D];
	s0 =	simm.s32 @p0 $0x1  }
0x13: {  	[smem:$0x3FB8] =	sst s0;
	s0 =	simm.s32 @!p1 $0x0  }
0x14: {  	s2 =	sld [smem:$0x3F9C];
	s0 =	simm.s32 @p1 $0x1  }
0x15: {  	[smem:$0x3FB9] =	sst s0;
	s0 =	simm.s32 @!p2 $0x0  }
0x16: {  	s3 =	sld [smem:$0x3FDB];
	s0 =	simm.s32 @p2 $0x1  }
0x17: {  	s4 =	simm.s32 $0x1BF5;
	[smem:$0x3FBB] =	sst s0  }
0x18: {  	s0 =	sld [smem:$0x3F9E];
	_ =	swait.ge [sflag:s4], $0x0  }
0x19: {  	s7 =	sld [smem:$0x3F9F]  }
0x1a: {  	s8 =	sadd.s32 $0xFFFFE003, lr  }
0x1b: {  	s9 =	sadd.s32 $0xFFFFFEF7, lr;
	s5 =	simm.s32 $0xFFFFFFFF;
	p2 =	slt.u32 s8, $0xFFFFF086  }
0x1c: {  	p1 =	slt.u32 s9, $0xF7A;
	s5 =	simm.s32 @!p2 $0x0  }
0x1d: {  	s5 =	simm.s32 @p1 $0x1;
	p0 =	seq.s32 s7, s2  }
0x1e: {  	s7 =	smul.u32 @!p0 $0xF7A, s2;
	p2 =	seq.s32 @!p0 s5, $0x0  }
0x1f: {  	s9 =	smul.u32 $0xF7A, s1;
	s8 =	simm.s32 @!p0 $0x1BF5;
	p2 =	por !p2, p0  }
0x20: {  	[sflag:s8] =	ssyncset.s32 @!p0 $0xFFFFF086;
	s6 =	sadd.s32 @!p0 s3, s7;
	s7 =	simm.s32 @!p0 $0x108  }
0x21: {  	s3 =	sadd.s32 s3, s9;
	s6 =	sadd.s32 @!p0 $0x88, s6;
	s7 =	simm.s32 @p2 $0x1082  }
0x22: {  	[simem:s7], [sflag:s8] =	dma.local @!p0 [hbm:s6], $0xF7A  }
0x23: {  	s9 =	sor.u32 $0xD0000000, s2;
	s6 =	simm.s32 $0x108;
	_ =	swait.ge @!p0 [sflag:s8], $0x0  }
0x24: {  	s3 =	sadd.s32 $0x88, s3;
	s6 =	simm.s32 @!p1 $0x1082;
	[sflag:s4] =	ssyncset.s32 $0xFFFFF086  }
0x25: {  	[simem:s6], [sflag:s4] =	dma.local [hbm:s3], $0xF7A  }
0x26: {  	[smem:$0x3F9F] =	sst s1;
	(tag) =	ssettag s2;
	_ =	strace s9  }
0x27: {  	s1 =	sld [smem:$0x3FAF]  }
0x28: {  	s2 =	sld [smem:$0x3FB0]  }
0x29: {  	s4 =	sld [smem:$0x3FB2]  }
0x2a: {  	p0 =	seq.s32 s5, $0x0;
	s5 =	sld [smem:$0x3FB3]  }
0x2b: {  	s6 =	sld [smem:$0x3FB4]  }
0x2c: {  	s7 =	sld [smem:$0x3FB5]  }
0x2d: {  	s3 =	simm.s32 $0x108;
	s8 =	sld [smem:$0x3FB6]  }
0x2e: {  	s3 =	simm.s32 @!p0 $0x1082;
	s9 =	sld [smem:$0x3FB7]  }
0x2f: {  	lr =	sadd.s32 s0, s3;
	s0 =	sld [smem:$0x3FAE]  }
0x30: {  	s3 =	sld [smem:$0x3FB1]  }
0x31: {  	[smem:$0x3FBA] =	sst s10  }
0x32: {  	s10 =	sld [smem:$0x3FB8];
	_ =	sdelay $0x3  }
0x33: {  	p0 =	seq.s32 s10, $0x1;
	s10 =	sld [smem:$0x3FBA];
	_ =	sdelay $0x3  }
0x34: {  	[smem:$0x3FBA] =	sst s10  }
0x35: {  	s10 =	sld [smem:$0x3FB9];
	_ =	sdelay $0x3  }
0x36: {  	p1 =	seq.s32 s10, $0x1;
	s10 =	sld [smem:$0x3FBA];
	_ =	sdelay $0x3  }
0x37: {  	[smem:$0x3FBA] =	sst s10  }
0x38: {  	s10 =	sld [smem:$0x3FBB]  }
0x39: {  	_ = 	snop;
	(pc) =	sbr.ind lr, $3  }
0x3a: {  	_ = 	snop  }
0x3b: {  	_ = 	snop  }
0x3c: {  	p2 =	seq.s32 s10, $0x1;
	s10 =	sld [smem:$0x3FBA]  }
0x3d: {  	_ =	shalt  }
0x3e: {  	_ =	shalt  }
0x3f: {  	_ =	shalt  }
0x40: {  	_ =	shalt  }
0x41: {  	_ =	shalt  }
0x42: {  	_ =	shalt  }
0x43: {  	_ =	shalt  }
0x44: {  	_ =	shalt  }
0x45: {  	_ =	shalt  }
0x46: {  	_ =	shalt  }
0x47: {  	_ =	shalt  }
0x48: {  	_ =	shalt  }
0x49: {  	_ =	shalt  }
0x4a: {  	_ =	shalt  }
0x4b: {  	_ =	shalt  }
0x4c: {  	_ =	shalt  }
0x4d: {  	_ =	shalt  }
0x4e: {  	_ =	shalt  }
0x4f: {  	_ =	shalt  }
0x50: {  	_ =	shalt  }
0x51: {  	_ =	shalt  }
0x52: {  	_ =	shalt  }
0x53: {  	_ =	shalt  }
0x54: {  	_ =	shalt  }
0x55: {  	_ =	shalt  }
0x56: {  	_ =	shalt  }
0x57: {  	_ =	shalt  }
0x58: {  	_ =	shalt  }
0x59: {  	_ =	shalt  }
0x5a: {  	_ =	shalt  }
0x5b: {  	_ =	shalt  }
0x5c: {  	_ =	shalt  }
0x5d: {  	_ =	shalt  }
0x5e: {  	_ =	shalt  }
0x5f: {  	_ =	shalt  }
0x60: {  	_ =	shalt  }
0x61: {  	_ =	shalt  }
0x62: {  	_ =	shalt  }
0x63: {  	_ =	shalt  }
0x64: {  	_ =	shalt  }
0x65: {  	_ =	shalt  }
0x66: {  	_ =	shalt  }
0x67: {  	_ =	shalt  }
0x68: {  	_ =	shalt  }
0x69: {  	_ =	shalt  }
0x6a: {  	_ =	shalt  }
0x6b: {  	_ =	shalt  }
0x6c: {  	_ =	shalt  }
0x6d: {  	_ =	shalt  }
0x6e: {  	_ =	shalt  }
0x6f: {  	_ =	shalt  }
0x70: {  	_ =	shalt  }
0x71: {  	_ =	shalt  }
0x72: {  	_ =	shalt  }
0x73: {  	_ =	shalt  }
0x74: {  	_ =	shalt  }
0x75: {  	_ =	shalt  }
0x76: {  	_ =	shalt  }
0x77: {  	_ =	shalt  }
0x78: {  	_ =	shalt  }
0x79: {  	_ =	shalt  }
0x7a: {  	_ =	shalt  }
0x7b: {  	_ =	shalt  }
0x7c: {  	_ =	shalt  }
0x7d: {  	_ =	shalt  }
0x7e: {  	_ =	shalt  }
0x7f: {  	_ =	shalt  }
0x80: {  	_ =	shalt  }
0x81: {  	_ =	shalt  }
0x82: {  	_ =	shalt  }
0x83: {  	_ =	shalt  }
0x84: {  	_ =	shalt  }
0x85: {  	_ =	shalt  }
0x86: {  	_ =	shalt  }
0x87: {  	_ =	shalt  }
.Lfunc_end0:
.L_simem_size_0:
called_computation_lowered:
.L_overlay_start_0:
0x88: {  	s2 =	sld [smem:$0x3FD9]  }
0x89: {  	s3 =	sld [smem:$0x3FFE];
	_ =	sdelay $0x1  }
0x8a: {  	s1 =	srdreg.scid  }
0x8b: {  	s0 =	sand.u32 $0x1, s1  }
0x8c: {  	s16 =	sshll.u32 s0, $0xA;
	s2 =	sadd.s32 s3, s2  }
0x8d: {  	s2 =	sadd.s32 s2, s16  }
0x8e: {  	[smem:$0x3FC6] =	sst s2  }
0x8f: {  	_ = 	snop  }
0x90: {  	(tm) =	ssettm $0x1  }
0x91: {  	s17 =	sld [smem:$0x3FFB];
	_ =	sdelay $0x3  }
0x92: {  	_ =	strace s17  }
0x93: {  	s2 =	sld [smem:$0x3FFC];
	_ =	sdelay $0x3  }
0x94: {  	_ =	strace s2  }
0x95: {  	s2 =	sld [smem:$0x3FFD];
	_ =	sdelay $0x3  }
0x96: {  	_ =	strace s2  }
0x97: {  	_ =	strace $0x8FFFFFFF  }
0x98: {  	s18 =	sld [smem:$0x3FDB];
	_ =	sdelay $0x1  }
0x99: {  	s19 =	simm.s32 $_scs_section_size  }
0x9a: {  	s4 =	simm.s32 $_size__tile_overlayer_lowered;
	s5 =	simm.s32 $_tile_overlayer_lowered  }
0x9b: {  	s22 =	simm.s32 $0x1BFF;
	s21 =	sshll.u32 s5, $0x1;
	s2 =	sadd.s32 s19, s18  }
0x9c: {  	s6 =	simm.s32 $0x0;
	s20 =	sshll.u32 s4, $0x1;
	s4 =	sadd.s32 s21, s2  }
0x9d: {  	[timem:s6], [sflag:s22] =	dma.local [hbm:s4], s20  }
0x9e: {  	_ =	swait.ge [sflag:s22], s20  }
0x9f: {  	s3 =	ssub.s32 $0x0, s20;
	[sflag:s22] =	ssyncset.done $0x0  }
0xa0: {  	[sflag:s22] =	ssyncadd.s32 s3;
	_ =	sdelay $0x1  }
0xa1: {  	s23 =	simm.s32 $0x1B8B  }
0xa2: {  	_ =	swait.ge [sflag:s23], $0x1  }
0xa3: {  	[sflag:s23] =	ssyncset.done $0x0  }
0xa4: {  	s25 =	simm.s32 $0x1B8E;
	s24 =	sld [smem:$0x3FFE];
	[sflag:s23] =	ssyncadd.s32 $0xFFFFFFFF  }
0xa5: {  	s26 =	simm.s32 $execute0_lowered;
	[smem:$0x3FD2] =	sst s25  }
0xa6: {  	s4 =	sshll.u32 s26, $0x1;
	_ =	strace $0x80000046;
	[dreg:$0x1] =	wrdreg $0xFFFFFFFF  }
0xa7: {  	s28 =	simm.s32 $_size_execute0_lowered;
	s2 =	sadd.s32 s2, s4;
	[dreg:$0x0] =	wrdreg $0x0  }
0xa8: {  	s4 =	sshll.u32 s28, $0x1;
	[dreg:$0x2] =	wrdreg s2  }
0xa9: {  	[dreg:$0x3] =	wrdreg s4  }
0xaa: {  	[dreg:$0x4] =	wrdreg $0xC0  }
0xab: {  	_ =	task [dreg:s6], $0x5FFFF  }
0xac: {  	[dreg:$0x1] =	wrdreg $0xFFFFFFFF  }
0xad: {  	[dreg:$0x0] =	wrdreg $0x60  }
0xae: {  	[dreg:$0x2] =	wrdreg s24  }
0xaf: {  	[dreg:$0x3] =	wrdreg $0x9  }
0xb0: {  	_ =	task.clear_ibuf [dreg:s6], $0x4FFFF;
	_ =	strace $0x90000046  }
0xb1: {  	s29 =	simm.s32 $0x9;
	_ =	strace $0x80000048  }
0xb2: {  	_ =	swait.ge [sflag:s29], $0x1  }
0xb3: {  	[sflag:s29] =	ssyncadd.s32 $0xFFFFFFFF  }
0xb4: {  	_ =	strace $0x90000048  }
0xb5: {  	_ =	sfence  }
0xb6: {  	s30 =	sld [smem:$0x0];
	_ =	sdelay $0x2  }
0xb7: {  	s31 =	sshll.u32 s1, $0xD;
	s1 =	sshrl.u32 s1, $0x2  }
0xb8: {  	s3 =	sand.u32 $0x4000, s31;
	s1 =	sadd.s32 s1, s30  }
0xb9: {  	s0 =	sor.u32 s3, s0;
	s1 =	sshll.u32 s1, $0x11  }
0xba: {  	s0 =	sor.u32 s1, s0  }
0xbb: {  	s0 =	sadd.s32 $0x8F2B, s0  }
0xbc: {  	[sflag:s0] =	ssyncadd.remote.s32 $0x1  }
0xbd: {  	_ =	sfence.sel $0xFFFF  }
0xbe: {  	[dreg:$0x0] =	wrdreg $0xFFFFFFFF;
	(pc) =	sbr.abs _section_cstart, $3  }
0xbf: {  	[dreg:$0x1] =	wrdreg $0xFFFFFFFF  }
0xc0: {  	_ =	task.clear_ibuf [dreg:s6], $0x2FFFF;
	_ =	strace $0x9FFFFFFF  }
0xc1: {  	(tm) =	ssettm $0x7FFFFFFF  }
tec
execute0_lowered:
.L_overlay_start_1:
0x0: {  	(tag) =	ssettag $0x1  }
0x1: {  	s1 =	srdreg.scid  }
0x2: {  	s0 =	stileid.u32;
	s15 =	sand.u32 $0x1, s1  }
0x3: {  	s5 =	rddreg [dreg:$0x0];
	s2 =	simm.s32 $0x0;
	s1 =	sor.u32 s15, s0  }
0x4: {  	s14 =	simm.s32 $0x6800;
	p1 =	seq.s32 s15, $0x1;
	p0 =	seq.s32 s1, $0x0  }
0x5: {  	[smem:$0x7FF] =	sst s2;
	s9 =	sadd.s32 $0x1D200, s5;
	p0 =	por !p0, !p1  }
0x6: {  	s3 =	smul.u32 $0x60, s15;
	s1 =	simm.s32 $0x1;
	p0 =	por !p0, !p0  }
0x7: {  	s8 =	ssub.s32 $0x2, s15;
	s12 =	smul.u32 $0x6000, s15;
	s1 =	simm.s32 @!p0 $0x0  }
0x8: {  	s13 =	smul.u32 $0x1800, s15;
	s29 =	sshrl.u32 s8, $0x1;
	s7 =	ssub.s32 s0, s1  }
0x9: {  	s11 =	ssub.s32 s8, s29;
	s12 =	sshrl.u32 s12, $0x2;
	s4 =	smul.u32 $0xC8, s7  }
0xa: {  	s12 =	sadd.s32 $0x6820, s12;
	p0 =	seq.s32 s15, $0x0;
	s10 =	smul.u32 $0x6400, s7  }
0xb: {  	s1 =	rddreg [dreg:$0x1];
	s31 =	smul.u32 $0xC80, s7;
	s7 =	simm.s32 $0x60  }
0xc: {  	_ =	strace $0x80000047;
	s7 =	simm.s32 @!p0 $0x64;
	p0 =	sne.s32 s15, $0x0  }
0xd: {  	s15 =	simm.s32 $0x0;
	s4 =	sadd.s32 s3, s4;
	s3 =	simm.s32 $0x1  }
0xe: {  	v0 =	vlaneseq.u32;
	s30 =	sadd.s32 $0x3000, s10;
	s10 =	smax.u32 s11, $0x1;
	s11 =	sor.u32 $0x40, s13  }
0xf: {  	v0 =	vmul.u32 $0xFFFFFFFF, v0;
	s13 =	simm.s32 $0x3400;
	s4 =	sshll.u32 s4, $0x4;
	s8 =	sshrl.u32 s30, $0x3  }
0x10: {  	s6 =	sadd.s32 s4, s5;
	s4 =	sadd.s32 $0x1C200, s5;
	s8 =	sadd.s32 s9, s8  }
0x11: {  	vm0 =	vmmov $0x1ff;
	v0 =	vadd.s32 $0xF, v0;
	s9 =	sadd.s32 s9, s31;
	s5 =	sadd.s32 $0x3200, s6;
	s6 =	sadd.s32 $0xFA00, s6  }
.LBB2_1:
0x12: {  	[tilespmem:s2], [sflag:$0x1] =	stream.linear.gather [hbm4b:s5+s2], $0x3400, $0x38;
	[tilespmem:$0xCD00] =	vst v63  }
0x13: {  	_ =	swait.ge [sflag:s3], $0x3400  }
0x14: {  	[sflag:s3] =	ssyncset.done $0x0  }
0x15: {  	[sflag:s3] =	ssyncadd.s32 $0xFFFFCC00  }
0x16: {  	[tilespmem:s13], [sflag:$0x1] =	stream.linear.gather [hbm4b:s6+s2], $0x3400, $0x38;
	[tilespmem:$0xCD00] =	vst v63  }
0x17: {  	_ =	swait.ge [sflag:s3], $0x3400  }
0x18: {  	[sflag:s3] =	ssyncset.done $0x0  }
0x19: {  	[sflag:s3] =	ssyncadd.s32 $0xFFFFCC00  }
0x1a: {  	[tilespmem:s14], [sflag:$0x1] =	stream.linear.gather [hbm4b:s4+s2], $0x3100, $0x38;
	[tilespmem:$0xCD00] =	vst v63  }
0x1b: {  	_ =	swait.ge [sflag:s3], $0x3100  }
0x1c: {  	[sflag:s3] =	ssyncset.done $0x0  }
0x1d: {  	[sflag:s3] =	ssyncadd.s32 $0xFFFFCF00  }
0x1e: {  	v1 =	vld [tilespmem:s12+$0x0]  }
0x1f: {  	v2 =	vld [tilespmem:s12+$0xFFFFFFF0]  }
0x20: {  	v3 =	vld [tilespmem:s12+$0xFFFFFFE0];
	_ =	sdelay $0x3  }
0x21: {  	vm4 =	vgt.s32 v2, $0x0;
	vm2 =	vlt.s32 v2, $0x80  }
0x22: {  	vm3 =	vlt.s32 v1, $0x80;
	vm1 =	vlt.s32 v3, $0x80;
	vm5 =	vgt.s32 v3, $0x0  }
0x23: {  	vm15 =	vgt.s32 v1, $0x0;
	v4 =	vnsel vm4, $0x0, v2;
	v6 =	vnsel vm5, $0x0, v3  }
0x24: {  	v7 =	vnsel vm15, $0x0, v1;
	v5 =	vadd.s32 $0xFFFFFF80, v4;
	v4 =	vnsel vm2, $0x0, v4  }
0x25: {  	v10 =	vadd.s32 $0xFFFFFF80, v7;
	v7 =	vnsel vm3, $0x0, v7;
	v12 =	vadd.s32 $0xFFFFFF80, v6  }
0x26: {  	v6 =	vnsel vm1, $0x0, v6;
	v5 =	vsel vm2, $0x0, v5;
	v8 =	vand.u32 $0x7FFFFF80, v4  }
0x27: {  	v10 =	vsel vm3, $0x0, v10;
	v4 =	vand.u32 $0x7F, v4;
	v11 =	vand.u32 $0x7F, v7  }
0x28: {  	s16 =	simm.s32 $0x0;
	v7 =	vand.u32 $0x7FFFFF80, v7;
	v12 =	vsel vm1, $0x0, v12;
	v24 =	vand.u32 $0x7FFFFF80, v6  }
0x29: {  	v9 =	vand.u32 $0x7F, v5;
	v8 =	vadd.s32 s16, v8;
	v5 =	vand.u32 $0xFFFFFF80, v5  }
0x2a: {  	v13 =	vand.u32 $0xFFFFFF80, v10;
	v7 =	vadd.s32 s16, v7;
	v4 =	vor.u32 v4, v8  }
0x2b: {  	v19 =	vand.u32 $0x7F, v10;
	v20 =	vadd.s32 s16, v13;
	v7 =	vor.u32 v11, v7  }
0x2c: {  	v6 =	vand.u32 $0x7F, v6;
	v5 =	vadd.s32 s16, v5;
	v8 =	vor.u32 v19, v20  }
0x2d: {  	v25 =	vld [tilespmem:s12+$0x10];
	v21 =	vand.u32 $0xFFFFFF80, v12;
	v26 =	vadd.s32 s16, v24;
	v5 =	vor.u32 v9, v5  }
0x2e: {  	v22 =	vand.u32 $0x7F, v12;
	v23 =	vadd.s32 s16, v21;
	v6 =	vor.u32 v6, v26  }
0x2f: {  	v10 =	vor.u32 v22, v23;
	v4 =	vld.idx.msk [tilespmem:v4+s2+$0x0], $0xffff  }
0x30: {  	v7 =	vld.idx.msk [tilespmem:v7+s2+$0x0], $0xffff  }
0x31: {  	v8 =	vld.idx.msk [tilespmem:v8+s13+$0x0], $0xffff  }
0x32: {  	vm8 =	vgt.s32 v25, $0x0;
	v5 =	vld.idx.msk [tilespmem:v5+s13+$0x0], $0xffff  }
0x33: {  	vm9 =	vlt.s32 v25, $0x80;
	v27 =	vnsel vm8, $0x0, v25;
	v6 =	vld.idx.msk [tilespmem:v6+s2+$0x0], $0xffff  }
0x34: {  	vm10 =	vgt.s32 v2, $0xFFFFFFFF;
	vm6 =	vgt.s32 v1, $0xFFFFFFFF;
	v28 =	vnsel vm9, $0x0, v27;
	v10 =	vld.idx.msk [tilespmem:v10+s13+$0x0], $0xffff  }
0x35: {  	v29 =	vand.u32 $0x7FFFFF80, v28;
	v12 =	vand.u32 $0x7F, v28;
	v11 =	vadd.s32 $0xFFFFFF80, v27  }
0x36: {  	v13 =	vadd.s32 s16, v29;
	v11 =	vsel vm9, $0x0, v11;
	v7 =	vsel vm3, v7, v8  }
0x37: {  	v30 =	vand.u32 $0xFFFFFF80, v11;
	v4 =	vsel vm2, v4, v5;
	v31 =	vnsel vm6, $0xF149F2CA, v7  }
0x38: {  	v32 =	vand.u32 $0x7F, v11;
	v8 =	vadd.s32 s16, v30;
	v4 =	vnsel vm10, $0xF149F2CA, v4;
	(xrf1) =	vsort.dscd.msk.f32 $0xffff, v31, v1  }
0x39: {  	vm2 =	vgt.s32 v3, $0xFFFFFFFF;
	v33 =	vsel vm1, v6, v10;
	v1 =	vor.u32 v32, v8;
	(xrf1) =	vsort.dscd.msk.f32 $0xffff, v4, v2  }
0x3a: {  	v34 =	vnsel vm2, $0xF149F2CA, v33;
	v2 =	vor.u32 v12, v13  }
0x3b: {  	(xrf1) =	vsort.dscd.msk.f32 $0xffff, v34, v3;
	_ =	sdelay $0x2  }
0x3c: {  	v1 =	vld.idx.msk [tilespmem:v1+s13+$0x0], $0xffff  }
0x3d: {  	v2 =	vld.idx.msk [tilespmem:v2+s2+$0x0], $0xffff;
	_ =	sdelay $0x4  }
0x3e: {  	vm1 =	vgt.s32 v25, $0xFFFFFFFF;
	v1 =	vsel vm9, v2, v1  }
0x3f: {  	v1 =	vnsel vm1, $0xF149F2CA, v1  }
0x40: {  	v1 =	vperm.xlane v1, v0;
	v2, v3, _ =	vpop (xrf1)  }
0x41: {  	v35 =	vperm.xlane v25, v0;
	v36, v6, _ =	vpop (xrf1)  }
0x42: {  	vm1 =	vge.f32 v2, v1;
	v5 =	vperm.xlane v36, v0  }
0x43: {  	v1 =	vsel vm1, v2, v1;
	v2 =	vsel vm1, v3, v35;
	v3 =	vperm.xlane v6, v0;
	v37, v38, _ =	vpop (xrf1)  }
0x44: {  	(xrf1) =	vsort.dscd.msk.f32 $0xffff, v1, v2;
	vm1 =	vge.f32 v37, v5  }
0x45: {  	v1 =	vsel vm1, v37, v5;
	v2 =	vsel vm1, v38, v3  }
0x46: {  	(xrf1) =	vsort.dscd.msk.f32 $0xffff, v1, v2;
	_ =	sdelay $0xb  }
0x47: {  	v1, v2, _ =	vpop (xrf1)  }
0x48: {  	v1 =	vperm.xlane v1, v0  }
0x49: {  	v2 =	vperm.xlane v2, v0;
	v3, v39, _ =	vpop (xrf1)  }
0x4a: {  	vm1 =	vge.f32 v3, v1  }
0x4b: {  	v1 =	vsel vm1, v3, v1;
	v2 =	vsel vm1, v39, v2  }
0x4c: {  	(xrf1) =	vsort.dscd.msk.f32 $0xffff, v1, v2;
	_ =	sdelay $0xd  }
0x4d: {  	_, v1, _ =	vpop (xrf1)  }
0x4e: {  	v1 =	vnsel vm0, $0x40000000, v1  }
0x4f: {  	v2 =	vxor.u32 $0x80000000, v1  }
0x50: {  	(xrf1) =	vsort.ascd.msk.u32 $0xffff, v2, v1;
	_ =	sdelay $0xd  }
0x51: {  	v1, _, _ =	vpop (xrf1)  }
0x52: {  	s16 =	simm.s32 $0x9980;
	v1 =	vxor.u32 $0x80000000, v1  }
0x53: {  	s17 =	sor.u32 $0x50, s11;
	[tilespmem:s16+$0xFFFFFF80] =	vst v1  }
0x54: {  	s30 =	sor.u32 $0x60, s11;
	v1 =	vld [tilespmem:s17+$0x6800]  }
0x55: {  	v2 =	vld [tilespmem:s30+$0x6800]  }
0x56: {  	v41 =	vld [tilespmem:s12+$0x20];
	_ =	sdelay $0x3  }
0x57: {  	vm1 =	vgt.s32 v1, $0x0;
	vm2 =	vgt.s32 v2, $0x0  }
0x58: {  	vm11 =	vgt.s32 v41, $0x0;
	vm3 =	vlt.s32 v41, $0x80;
	v3 =	vnsel vm1, $0x0, v1  }
0x59: {  	vm1 =	vlt.s32 v1, $0x80;
	v40 =	vnsel vm2, $0x0, v2;
	vm2 =	vlt.s32 v2, $0x80  }
0x5a: {  	v48 =	vnsel vm11, $0x0, v41;
	v42 =	vadd.s32 $0xFFFFFF80, v3;
	v43 =	vadd.s32 $0xFFFFFF80, v40  }
0x5b: {  	v4 =	vnsel vm2, $0x0, v40;
	v3 =	vnsel vm1, $0x0, v3;
	v49 =	vadd.s32 $0xFFFFFF80, v48  }
0x5c: {  	v51 =	vnsel vm3, $0x0, v48;
	v6 =	vsel vm1, $0x0, v42;
	v7 =	vsel vm2, $0x0, v43  }
0x5d: {  	v45 =	vand.u32 $0x7FFFFF80, v4;
	v47 =	vand.u32 $0x7FFFFF80, v3;
	v3 =	vand.u32 $0x7F, v3  }
0x5e: {  	s31 =	simm.s32 $0x80;
	v4 =	vand.u32 $0x7F, v4;
	v44 =	vand.u32 $0xFFFFFF80, v6;
	v46 =	vand.u32 $0xFFFFFF80, v7  }
0x5f: {  	v7 =	vand.u32 $0x7F, v7;
	v9 =	vadd.s32 s31, v45;
	v6 =	vand.u32 $0x7F, v6  }
0x60: {  	v8 =	vadd.s32 s31, v44;
	v10 =	vadd.s32 s31, v46;
	v4 =	vor.u32 v4, v9  }
0x61: {  	v7 =	vor.u32 v7, v10;
	v10 =	vadd.s32 s31, v47;
	v6 =	vor.u32 v6, v8  }
0x62: {  	s18 =	sor.u32 $0x70, s11;
	v50 =	vsel vm3, $0x0, v49;
	v11 =	vand.u32 $0x7FFFFF80, v51;
	v3 =	vor.u32 v3, v10  }
0x63: {  	v53 =	vld [tilespmem:s18+$0x6800];
	v52 =	vand.u32 $0xFFFFFF80, v50;
	v11 =	vadd.s32 s31, v11;
	v8 =	vand.u32 $0x7F, v51  }
0x64: {  	v9 =	vadd.s32 s31, v52;
	v10 =	vand.u32 $0x7F, v50;
	v8 =	vor.u32 v8, v11  }
0x65: {  	v9 =	vor.u32 v10, v9;
	v4 =	vld.idx.msk [tilespmem:v4+s2+$0x0], $0xffff  }
0x66: {  	v6 =	vld.idx.msk [tilespmem:v6+s13+$0x0], $0xffff  }
0x67: {  	v3 =	vld.idx.msk [tilespmem:v3+s2+$0x0], $0xffff  }
0x68: {  	vm12 =	vgt.s32 v53, $0x0;
	v7 =	vld.idx.msk [tilespmem:v7+s13+$0x0], $0xffff  }
0x69: {  	vm13 =	vlt.s32 v53, $0x80;
	v54 =	vnsel vm12, $0x0, v53;
	v8 =	vld.idx.msk [tilespmem:v8+s2+$0x0], $0xffff  }
0x6a: {  	vm14 =	vgt.s32 v2, $0xFFFFFFFF;
	v55 =	vnsel vm13, $0x0, v54;
	v10 =	vadd.s32 $0xFFFFFF80, v54;
	v9 =	vld.idx.msk [tilespmem:v9+s13+$0x0], $0xffff  }
0x6b: {  	vm15 =	vgt.s32 v1, $0xFFFFFFFF;
	v56 =	vand.u32 $0x7FFFFF80, v55;
	v10 =	vsel vm13, $0x0, v10  }
0x6c: {  	v57 =	vand.u32 $0x7F, v55;
	v58 =	vand.u32 $0xFFFFFF80, v10;
	v3 =	vsel vm1, v3, v6  }
0x6d: {  	v59 =	vadd.s32 s31, v58;
	v4 =	vsel vm2, v4, v7;
	v3 =	vnsel vm15, $0xF149F2CA, v3  }
0x6e: {  	v4 =	vnsel vm14, $0xF149F2CA, v4;
	v6 =	vadd.s32 s31, v56;
	vm1 =	vgt.s32 v41, $0xFFFFFFFF;
	(xrf1) =	vsort.dscd.msk.f32 $0xffff, v3, v1  }
0x6f: {  	v1 =	vor.u32 v57, v6;
	v3 =	vand.u32 $0x7F, v10;
	(xrf1) =	vsort.dscd.msk.f32 $0xffff, v4, v2;
	v2 =	vsel vm3, v8, v9  }
0x70: {  	v3 =	vor.u32 v3, v59;
	v2 =	vnsel vm1, $0xF149F2CA, v2  }
0x71: {  	(xrf1) =	vsort.dscd.msk.f32 $0xffff, v2, v41;
	_ =	sdelay $0x2  }
0x72: {  	v1 =	vld.idx.msk [tilespmem:v1+s2+$0x0], $0xffff  }
0x73: {  	v2 =	vld.idx.msk [tilespmem:v3+s13+$0x0], $0xffff;
	_ =	sdelay $0x4  }
0x74: {  	vm1 =	vgt.s32 v53, $0xFFFFFFFF;
	v1 =	vsel vm13, v1, v2  }
0x75: {  	v1 =	vnsel vm1, $0xF149F2CA, v1  }
0x76: {  	v1 =	vperm.xlane v1, v0;
	v2, v3, _ =	vpop (xrf1)  }
0x77: {  	v61 =	vperm.xlane v53, v0;
	v4, v60, _ =	vpop (xrf1)  }
0x78: {  	v2 =	vperm.xlane v2, v0;
	vm1 =	vge.f32 v4, v1  }
0x79: {  	v3 =	vperm.xlane v3, v0;
	v1 =	vsel vm1, v4, v1;
	v62 =	vsel vm1, v60, v61;
	v5, v6, _ =	vpop (xrf1)  }
0x7a: {  	vm1 =	vge.f32 v5, v2;
	(xrf1) =	vsort.dscd.msk.f32 $0xffff, v1, v62  }
0x7b: {  	v1 =	vsel vm1, v5, v2;
	v2 =	vsel vm1, v6, v3  }
0x7c: {  	(xrf1) =	vsort.dscd.msk.f32 $0xffff, v1, v2;
	_ =	sdelay $0xb  }
0x7d: {  	v1, v2, _ =	vpop (xrf1)  }
0x7e: {  	v1 =	vperm.xlane v1, v0  }
0x7f: {  	v2 =	vperm.xlane v2, v0;
	v3, v63, _ =	vpop (xrf1)  }
0x80: {  	vm1 =	vge.f32 v3, v1  }
0x81: {  	v1 =	vsel vm1, v3, v1;
	v2 =	vsel vm1, v63, v2  }
0x82: {  	(xrf1) =	vsort.dscd.msk.f32 $0xffff, v1, v2;
	_ =	sdelay $0x9  }
0x83: {  	p1 =	sne.s32 s7, $0x2  }
.Ltmp0:
0x84: {  	_ = 	snop;
	(pc) =	sbr.rel @!p1 .LBB2_3-.Ltmp0, $3  }
0x85: {  	_ =	sdelay $0x1  }
0x86: {  	s19 =	simm.s32 $0x9980;
	_, v1, _ =	vpop (xrf1)  }
0x87: {  	s20 =	smov.u32 s11;
	s17 =	simm.s32 $0x2;
	s18 =	sadd.s32 $0x80, s12;
	v1 =	vnsel vm0, $0x40000000, v1  }
.LBB2_2:
0x88: {  	s19 =	sadd.s32 $0x100, s19  }
0x89: {  	v2 =	vxor.u32 $0x80000000, v1;
	s20 =	sadd.s32 $0x80, s20;
	s21 =	smov.u32 s17;
	s17 =	sadd.s32 $0x2, s17  }
0x8a: {  	p1 =	sne.s32 s7, s17;
	(xrf1) =	vsort.ascd.msk.u32 $0xffff, v2, v1;
	_ =	sdelay $0xd  }
0x8b: {  	v1, _, _ =	vpop (xrf1)  }
0x8c: {  	v1 =	vxor.u32 $0x80000000, v1  }
0x8d: {  	[tilespmem:s16+$0x0] =	vst v1;
	s16 =	smov.u32 s19  }
0x8e: {  	v1 =	vld [tilespmem:s18+$0x0]  }
0x8f: {  	v2 =	vld [tilespmem:s18+$0xFFFFFFF0]  }
0x90: {  	v3 =	vld [tilespmem:s18+$0xFFFFFFE0];
	_ =	sdelay $0x3  }
0x91: {  	vm3 =	vlt.s32 v1, $0x80;
	vm4 =	vgt.s32 v2, $0x0;
	vm2 =	vlt.s32 v2, $0x80  }
0x92: {  	vm1 =	vlt.s32 v3, $0x80;
	v4 =	vnsel vm4, $0x0, v2;
	vm4 =	vgt.s32 v1, $0x0  }
0x93: {  	vm5 =	vgt.s32 v3, $0x0;
	v5 =	vnsel vm2, $0x0, v4;
	v4 =	vadd.s32 $0xFFFFFF80, v4  }
0x94: {  	v6 =	vnsel vm5, $0x0, v3;
	v7 =	vnsel vm4, $0x0, v1;
	v4 =	vsel vm2, $0x0, v4  }
0x95: {  	s21 =	sshll.u32 s21, $0x7;
	v8 =	vand.u32 $0x7FFFFF80, v5;
	v10 =	vadd.s32 $0xFFFFFF80, v7;
	v9 =	vand.u32 $0x7F, v4  }
0x96: {  	v7 =	vnsel vm3, $0x0, v7;
	v8 =	vadd.s32 s21, v8;
	v10 =	vsel vm3, $0x0, v10  }
0x97: {  	v5 =	vand.u32 $0x7F, v5;
	v4 =	vand.u32 $0xFFFFFF80, v4;
	v11 =	vand.u32 $0x7F, v7  }
0x98: {  	v12 =	vadd.s32 $0xFFFFFF80, v6;
	v7 =	vand.u32 $0x7FFFFF80, v7;
	v13 =	vand.u32 $0xFFFFFF80, v10  }
0x99: {  	v12 =	vsel vm1, $0x0, v12;
	v5 =	vor.u32 v5, v8;
	v8 =	vand.u32 $0x7F, v10  }
0x9a: {  	v4 =	vadd.s32 s21, v4;
	v7 =	vadd.s32 s21, v7;
	v10 =	vadd.s32 s21, v13  }
0x9b: {  	v13 =	vand.u32 $0xFFFFFF80, v12;
	v7 =	vor.u32 v11, v7;
	v8 =	vor.u32 v8, v10  }
0x9c: {  	v6 =	vnsel vm1, $0x0, v6;
	v10 =	vand.u32 $0x7F, v12;
	v11 =	vadd.s32 s21, v13  }
0x9d: {  	v4 =	vor.u32 v9, v4;
	v12 =	vand.u32 $0x7FFFFF80, v6;
	v10 =	vor.u32 v10, v11;
	v9 =	vld [tilespmem:s18+$0x10]  }
0x9e: {  	v6 =	vand.u32 $0x7F, v6;
	v11 =	vadd.s32 s21, v12;
	v5 =	vld.idx.msk [tilespmem:v5+s2+$0x0], $0xffff  }
0x9f: {  	v6 =	vor.u32 v6, v11  }
0xa0: {  	v7 =	vld.idx.msk [tilespmem:v7+s2+$0x0], $0xffff  }
0xa1: {  	v8 =	vld.idx.msk [tilespmem:v8+s13+$0x0], $0xffff  }
0xa2: {  	v4 =	vld.idx.msk [tilespmem:v4+s13+$0x0], $0xffff;
	vm4 =	vgt.s32 v9, $0x0  }
0xa3: {  	v10 =	vld.idx.msk [tilespmem:v10+s13+$0x0], $0xffff;
	v11 =	vnsel vm4, $0x0, v9;
	vm4 =	vlt.s32 v9, $0x80  }
0xa4: {  	vm5 =	vgt.s32 v2, $0xFFFFFFFF;
	v6 =	vld.idx.msk [tilespmem:v6+s2+$0x0], $0xffff;
	v12 =	vnsel vm4, $0x0, v11;
	v11 =	vadd.s32 $0xFFFFFF80, v11  }
0xa5: {  	vm6 =	vgt.s32 v1, $0xFFFFFFFF;
	v13 =	vand.u32 $0x7FFFFF80, v12;
	v11 =	vsel vm4, $0x0, v11  }
0xa6: {  	v12 =	vand.u32 $0x7F, v12;
	v13 =	vadd.s32 s21, v13;
	v14 =	vand.u32 $0xFFFFFF80, v11  }
0xa7: {  	v7 =	vsel vm3, v7, v8;
	v8 =	vand.u32 $0x7F, v11;
	v11 =	vadd.s32 s21, v14  }
0xa8: {  	v4 =	vsel vm2, v5, v4;
	v5 =	vnsel vm6, $0xF149F2CA, v7;
	v7 =	vor.u32 v8, v11  }
0xa9: {  	v4 =	vnsel vm5, $0xF149F2CA, v4;
	v8 =	vor.u32 v12, v13;
	(xrf1) =	vsort.dscd.msk.f32 $0xffff, v5, v1  }
0xaa: {  	vm2 =	vgt.s32 v3, $0xFFFFFFFF;
	v1 =	vsel vm1, v6, v10;
	(xrf1) =	vsort.dscd.msk.f32 $0xffff, v4, v2  }
0xab: {  	v1 =	vnsel vm2, $0xF149F2CA, v1  }
0xac: {  	(xrf1) =	vsort.dscd.msk.f32 $0xffff, v1, v3  }
0xad: {  	v1 =	vld.idx.msk [tilespmem:v7+s13+$0x0], $0xffff  }
0xae: {  	v2 =	vld.idx.msk [tilespmem:v8+s2+$0x0], $0xffff;
	_ =	sdelay $0x5  }
0xaf: {  	vm1 =	vgt.s32 v9, $0xFFFFFFFF;
	v1 =	vsel vm4, v2, v1  }
0xb0: {  	v1 =	vnsel vm1, $0xF149F2CA, v1  }
0xb1: {  	v1 =	vperm.xlane v1, v0  }
0xb2: {  	v2 =	vperm.xlane v9, v0;
	v3, v4, _ =	vpop (xrf1)  }
0xb3: {  	vm1 =	vge.f32 v3, v1;
	v5, v6, _ =	vpop (xrf1)  }
0xb4: {  	v5 =	vperm.xlane v5, v0;
	v1 =	vsel vm1, v3, v1;
	v2 =	vsel vm1, v4, v2  }
0xb5: {  	v3 =	vperm.xlane v6, v0;
	v4, v6, _ =	vpop (xrf1);
	(xrf1) =	vsort.dscd.msk.f32 $0xffff, v1, v2  }
0xb6: {  	vm1 =	vge.f32 v4, v5  }
0xb7: {  	v1 =	vsel vm1, v4, v5;
	v2 =	vsel vm1, v6, v3  }
0xb8: {  	(xrf1) =	vsort.dscd.msk.f32 $0xffff, v1, v2;
	_ =	sdelay $0xa  }
0xb9: {  	v1, v2, _ =	vpop (xrf1);
	_ =	sdelay $0x1  }
0xba: {  	v1 =	vperm.xlane v1, v0  }
0xbb: {  	v2 =	vperm.xlane v2, v0;
	v3, v4, _ =	vpop (xrf1)  }
0xbc: {  	vm1 =	vge.f32 v3, v1  }
0xbd: {  	v1 =	vsel vm1, v3, v1;
	v2 =	vsel vm1, v4, v2  }
0xbe: {  	(xrf1) =	vsort.dscd.msk.f32 $0xffff, v1, v2;
	_ =	sdelay $0xd  }
0xbf: {  	_, v1, _ =	vpop (xrf1)  }
0xc0: {  	v1 =	vnsel vm0, $0x40000000, v1  }
0xc1: {  	v2 =	vxor.u32 $0x80000000, v1  }
0xc2: {  	(xrf1) =	vsort.ascd.msk.u32 $0xffff, v2, v1;
	_ =	sdelay $0xd  }
0xc3: {  	v1, _, _ =	vpop (xrf1)  }
0xc4: {  	v1 =	vxor.u32 $0x80000000, v1  }
0xc5: {  	s22 =	sor.u32 $0x50, s20;
	[tilespmem:s19+$0xFFFFFF80] =	vst v1  }
0xc6: {  	v1 =	vld [tilespmem:s22+$0x6800];
	s22 =	sor.u32 $0x60, s20  }
0xc7: {  	v2 =	vld [tilespmem:s22+$0x6800];
	_ =	sdelay $0x3  }
0xc8: {  	vm1 =	vgt.s32 v1, $0x0  }
0xc9: {  	v3 =	vnsel vm1, $0x0, v1;
	vm1 =	vlt.s32 v1, $0x80;
	vm2 =	vgt.s32 v2, $0x0  }
0xca: {  	v4 =	vld [tilespmem:s18+$0x20];
	v5 =	vadd.s32 $0xFFFFFF80, v3;
	v6 =	vnsel vm2, $0x0, v2;
	vm2 =	vlt.s32 v2, $0x80  }
0xcb: {  	v5 =	vsel vm1, $0x0, v5;
	v7 =	vnsel vm2, $0x0, v6;
	v6 =	vadd.s32 $0xFFFFFF80, v6  }
0xcc: {  	s21 =	sadd.s32 $0x80, s21;
	v8 =	vand.u32 $0xFFFFFF80, v5;
	v9 =	vand.u32 $0x7FFFFF80, v7;
	v6 =	vsel vm2, $0x0, v6  }
0xcd: {  	v8 =	vadd.s32 s21, v8;
	v9 =	vadd.s32 s21, v9;
	v10 =	vand.u32 $0xFFFFFF80, v6  }
0xce: {  	v7 =	vand.u32 $0x7F, v7;
	v6 =	vand.u32 $0x7F, v6;
	v10 =	vadd.s32 s21, v10  }
0xcf: {  	v3 =	vnsel vm1, $0x0, v3;
	v7 =	vor.u32 v7, v9;
	v6 =	vor.u32 v6, v10  }
0xd0: {  	v9 =	vand.u32 $0x7FFFFF80, v3;
	vm4 =	vgt.s32 v4, $0x0;
	vm3 =	vlt.s32 v4, $0x80  }
0xd1: {  	v3 =	vand.u32 $0x7F, v3;
	v9 =	vadd.s32 s21, v9;
	v10 =	vnsel vm4, $0x0, v4  }
0xd2: {  	v5 =	vand.u32 $0x7F, v5;
	v3 =	vor.u32 v3, v9;
	v11 =	vadd.s32 $0xFFFFFF80, v10  }
0xd3: {  	v5 =	vor.u32 v5, v8;
	v9 =	vnsel vm3, $0x0, v10;
	v10 =	vsel vm3, $0x0, v11  }
0xd4: {  	v8 =	vand.u32 $0x7FFFFF80, v9;
	v9 =	vand.u32 $0x7F, v9;
	v11 =	vand.u32 $0xFFFFFF80, v10;
	v6 =	vld.idx.msk [tilespmem:v6+s13+$0x0], $0xffff  }
0xd5: {  	s22 =	sor.u32 $0x70, s20;
	v8 =	vadd.s32 s21, v8;
	v10 =	vand.u32 $0x7F, v10;
	v11 =	vadd.s32 s21, v11  }
0xd6: {  	v8 =	vor.u32 v9, v8;
	v9 =	vor.u32 v10, v11;
	v10 =	vld [tilespmem:s22+$0x6800]  }
0xd7: {  	v3 =	vld.idx.msk [tilespmem:v3+s2+$0x0], $0xffff  }
0xd8: {  	v5 =	vld.idx.msk [tilespmem:v5+s13+$0x0], $0xffff  }
0xd9: {  	v7 =	vld.idx.msk [tilespmem:v7+s2+$0x0], $0xffff;
	_ =	sdelay $0x1  }
0xda: {  	v9 =	vld.idx.msk [tilespmem:v9+s13+$0x0], $0xffff;
	vm4 =	vgt.s32 v10, $0x0  }
0xdb: {  	vm5 =	vgt.s32 v2, $0xFFFFFFFF;
	v8 =	vld.idx.msk [tilespmem:v8+s2+$0x0], $0xffff;
	v11 =	vnsel vm4, $0x0, v10;
	vm4 =	vlt.s32 v10, $0x80  }
0xdc: {  	vm6 =	vgt.s32 v1, $0xFFFFFFFF;
	v12 =	vnsel vm4, $0x0, v11;
	v11 =	vadd.s32 $0xFFFFFF80, v11  }
0xdd: {  	v3 =	vsel vm1, v3, v5;
	v5 =	vand.u32 $0x7FFFFF80, v12;
	v11 =	vsel vm4, $0x0, v11  }
0xde: {  	v3 =	vnsel vm6, $0xF149F2CA, v3;
	v6 =	vsel vm2, v7, v6;
	v7 =	vand.u32 $0x7F, v12  }
0xdf: {  	v6 =	vnsel vm5, $0xF149F2CA, v6;
	v5 =	vadd.s32 s21, v5;
	v12 =	vand.u32 $0xFFFFFF80, v11;
	(xrf1) =	vsort.dscd.msk.f32 $0xffff, v3, v1  }
0xe0: {  	v1 =	vor.u32 v7, v5;
	v3 =	vand.u32 $0x7F, v11;
	v5 =	vadd.s32 s21, v12;
	(xrf1) =	vsort.dscd.msk.f32 $0xffff, v6, v2  }
0xe1: {  	vm1 =	vgt.s32 v4, $0xFFFFFFFF;
	v2 =	vsel vm3, v8, v9;
	v3 =	vor.u32 v3, v5  }
0xe2: {  	v2 =	vnsel vm1, $0xF149F2CA, v2  }
0xe3: {  	(xrf1) =	vsort.dscd.msk.f32 $0xffff, v2, v4;
	_ =	sdelay $0x1  }
0xe4: {  	v1 =	vld.idx.msk [tilespmem:v1+s2+$0x0], $0xffff  }
0xe5: {  	v2 =	vld.idx.msk [tilespmem:v3+s13+$0x0], $0xffff;
	_ =	sdelay $0x5  }
0xe6: {  	vm1 =	vgt.s32 v10, $0xFFFFFFFF;
	v1 =	vsel vm4, v1, v2  }
0xe7: {  	v1 =	vnsel vm1, $0xF149F2CA, v1;
	v2, v3, _ =	vpop (xrf1)  }
0xe8: {  	v1 =	vperm.xlane v1, v0;
	v4, v5, _ =	vpop (xrf1)  }
0xe9: {  	v7 =	vperm.xlane v10, v0  }
0xea: {  	v2 =	vperm.xlane v2, v0;
	vm1 =	vge.f32 v4, v1  }
0xeb: {  	v3 =	vperm.xlane v3, v0;
	v1 =	vsel vm1, v4, v1;
	v4 =	vsel vm1, v5, v7;
	v5, v6, _ =	vpop (xrf1)  }
0xec: {  	vm1 =	vge.f32 v5, v2;
	(xrf1) =	vsort.dscd.msk.f32 $0xffff, v1, v4  }
0xed: {  	v1 =	vsel vm1, v5, v2;
	v2 =	vsel vm1, v6, v3  }
0xee: {  	(xrf1) =	vsort.dscd.msk.f32 $0xffff, v1, v2;
	_ =	sdelay $0xb  }
0xef: {  	v1, v2, _ =	vpop (xrf1)  }
0xf0: {  	v1 =	vperm.xlane v1, v0  }
0xf1: {  	v2 =	vperm.xlane v2, v0;
	v3, v4, _ =	vpop (xrf1)  }
0xf2: {  	vm1 =	vge.f32 v3, v1  }
0xf3: {  	v1 =	vsel vm1, v3, v1;
	v2 =	vsel vm1, v4, v2  }
0xf4: {  	(xrf1) =	vsort.dscd.msk.f32 $0xffff, v1, v2;
	_ =	sdelay $0xa  }
.Ltmp1:
0xf5: {  	(pc) =	sbr.rel @p1 .LBB2_2-.Ltmp1, $3  }
0xf6: {  	_ =	sdelay $0x1  }
0xf7: {  	_, v1, _ =	vpop (xrf1)  }
0xf8: {  	s18 =	sadd.s32 $0x80, s18;
	v1 =	vnsel vm0, $0x40000000, v1  }
.LBB2_3:
0xf9: {  	v2 =	vxor.u32 $0x80000000, v1  }
0xfa: {  	(xrf1) =	vsort.ascd.msk.u32 $0xffff, v2, v1;
	_ =	sdelay $0xd  }
0xfb: {  	v1, _, _ =	vpop (xrf1)  }
0xfc: {  	v1 =	vxor.u32 $0x80000000, v1  }
0xfd: {  	s17 =	simm.s32 @p0 $0x9900;
	[tilespmem:s16+$0x0] =	vst v1;
	s16 =	simm.s32 @p0 $0x0  }
0xfe: {  	[hbm4b:s8+s16] =	stream.linear.scatter @p0 [tilespmem:s17], [sflag:$0x1], $0x3200, $0x38;
	[tilespmem:$0xCD00] =	vst v63  }
0xff: {  	s16 =	simm.s32 @p0 $0x1  }
0x100: {  	s15 =	sadd.s32 $0x1, s15;
	_ =	swait.ge @p0 [sflag:s16], $0x3200  }
0x101: {  	p1 =	sne.s32 s15, s10;
	[sflag:s16] =	ssyncset.done @p0 $0x0  }
0x102: {  	s17 =	simm.s32 @!p0 $0x9900;
	[sflag:s16] =	ssyncadd.s32 @p0 $0xFFFFCE00;
	s16 =	simm.s32 @!p0 $0x0  }
0x103: {  	[hbm4b:s9+s16] =	stream.linear.scatter @!p0 [tilespmem:s17], [sflag:$0x1], $0x3000, $0x38;
	[tilespmem:$0xCD00] =	vst v63  }
.Ltmp2:
0x104: {  	_ = 	snop;
	(pc) =	sbr.rel @p1 .LBB2_1-.Ltmp2, $4  }
0x105: {  	s16 =	simm.s32 @!p0 $0x1  }
0x106: {  	_ =	swait.ge @!p0 [sflag:s16], $0x3000  }
0x107: {  	[sflag:s16] =	ssyncset.done @!p0 $0x0  }
0x108: {  	[sflag:s16] =	ssyncadd.s32 @!p0 $0xFFFFD000  }
0x109: {  	_ =	sfence.sel $0x180000  }
0x10a: {  	[bflag:$0x0] =	sbarrier.arrive $0xFFFF  }
0x10b: {  	p0 =	sne.s32 s0, $0x0;
	_ =	strace $0x90000047  }
0x10c: {  	s0 =	sadd.s32 @!p0 $0x100000, s1;
	[bflag:$0x2] =	sbarrier.arrive $0xFFFF  }
0x10d: {  	[sflag:s0] =	ssyncadd.tile.s32 @!p0 $0x1;
	_ =	shalt  }
.Lfunc_end2:
_tile_overlayer_lowered:
.L_overlay_start_2:
0x10e: {  	(tag) =	ssettag $0x2  }
0x10f: {  	s0 =	rddreg [dreg:$0x0];
	s2 =	stileid.u32  }
0x110: {  	s1 =	rddreg [dreg:$0x1];
	p0 =	sne.s32 s2, $0x0  }
0x111: {  	s3 =	rddreg [dreg:$0x2];
	[bflag:$0x3] =	sbarrier.arrive $0xFFFF;
	s2 =	simm.s32 @!p0 $0x1C01  }
0x112: {  	[timem:s3], [sflag:s2] =	dma.local @!p0 [hbm:s0], s1  }
0x113: {  	s0 =	simm.s32 @!p0 $0x1  }
0x114: {  	_ =	swait.ge @!p0 [sflag:s0], s1  }
0x115: {  	s1 =	ssub.s32 @!p0 $0x0, s1;
	[sflag:s0] =	ssyncset.done @!p0 $0x0  }
0x116: {  	[sflag:s0] =	ssyncadd.s32 @!p0 s1  }
0x117: {  	[bflag:$0x3] =	sbarrier.arrive $0xFFFF  }
0x118: {  	_ =	shalt  }

</sc_bundles>
